<compile_context>
chip_gen: v7x
topology: tpu7x:2x2x1
jax: 0.10.2.dev20260603
libtpu: 0.0.44.dev20260713+nightly
codegen_flags: <defaults>
</compile_context>

<pallas_src>
import functools

import jax
import jax.numpy as jnp
from jax import lax
from jax.experimental import pallas as pl
from jax.experimental.pallas import tpu as pltpu
from jax.experimental.pallas import tpu_sc as plsc

NC = 2
NS = 16
NW = NC * NS
LN = 16


def _dense_body(f_ref, w_ref, W1_ref, b1_ref, W2_ref, b2_ref, g_ref, gb_ref,
                d_ref):
    f = f_ref[...]
    gv = lax.dot_general(f, w_ref[...], (((1,), (1,)), ((), ())),
                         preferred_element_type=jnp.float32)
    g_ref[...] = gv
    gb_ref[...] = gv.astype(jnp.bfloat16)
    R = W1_ref.shape[0]
    for r in range(R):
        h = jnp.maximum(f @ W1_ref[r] + b1_ref[r][None, :], 0.0)
        logits = h @ W2_ref[r] + b2_ref[r][None, :]
        d_ref[r, :] = 1.0 / (1.0 + jnp.exp(-logits[:, 1]))


def _scan_body(ept, epad, npad, nrel, e_real, cap,
               d_hbm, epk_hbm, pick_hbm, zi32_hbm,
               out_hbm, cpk_hbm, cdf_hbm, cnt_hbm,
               d_v, member_v, pick1_v, pk_v, o_v,
               cp0_v, cp1_v, cd0_v, cd1_v, cnt_v, sem, semo):
    c = lax.axis_index("c")
    s = lax.axis_index("s")
    wid = s * NC + c
    base = wid * ept
    half = npad // 2
    bsz = pick1_v.shape[1]
    lane = lax.iota(jnp.int32, LN)
    creal = jnp.clip(e_real - base, 0, ept)
    pltpu.sync_copy(zi32_hbm.at[pl.ds(0, npad)], member_v)

    def issue_in(r, b):
        return [
            pltpu.async_copy(d_hbm.at[pl.ds(r * npad, npad)], d_v.at[b], sem),
            pltpu.async_copy(epk_hbm.at[pl.ds(r * epad + base, ept)],
                             pk_v.at[b], sem),
            pltpu.async_copy(pick_hbm.at[pl.ds(r * bsz, bsz)],
                             pick1_v.at[b], sem),
        ]

    pend = issue_in(0, 0)
    outstanding = []
    for r in range(nrel):
        b = r & 1
        for dm in pend:
            dm.wait()
        if r + 1 < nrel:
            pend = issue_in(r + 1, 1 - b)

        def fp(j, _):
            idx = pick1_v[b, pl.ds(j * LN, LN)]
            plsc.store_scatter(member_v, [idx],
                               jnp.full((LN,), r + 1, jnp.int32))
            return 0
        lax.fori_loop(0, bsz // LN, fp, 0)

        def body(i4, offs):
            off0, off1 = offs
            for u in range(4):
                i = i4 * 4 + u
                pv = pk_v[b, pl.ds(i * LN, LN)]
                sv = pv & 16383
                tv = lax.shift_right_logical(pv, 14)
                dsrc = plsc.load_gather(d_v.at[b], [sv])
                ddst = plsc.load_gather(d_v.at[b], [tv])
                df = jnp.abs(ddst - dsrc)
                o_v[b, pl.ds(i * LN, LN)] = df
                mem = plsc.load_gather(member_v, [tv])
                isme = (mem == r + 1) & (i * LN + lane < creal)
                hi1 = tv >= half
                f0 = isme & (~hi1)
                f1 = isme & hi1
                plsc.store_compressed(cp0_v.at[b, pl.ds(off0, LN)], pv,
                                      mask=f0)
                plsc.store_compressed(cd0_v.at[b, pl.ds(off0, LN)], df,
                                      mask=f0)
                off0 = off0 + plsc.all_reduce_population_count(f0)[0]
                plsc.store_compressed(cp1_v.at[b, pl.ds(off1, LN)], pv,
                                      mask=f1)
                plsc.store_compressed(cd1_v.at[b, pl.ds(off1, LN)], df,
                                      mask=f1)
                off1 = off1 + plsc.all_reduce_population_count(f1)[0]
            return (off0, off1)

        off0, off1 = lax.fori_loop(0, ept // (4 * LN), body,
                                   (jnp.int32(0), jnp.int32(0)))
        cnt_v[b, pl.ds(0, LN)] = jnp.zeros((LN,), jnp.int32) + off0
        cnt_v[b, pl.ds(LN, LN)] = jnp.zeros((LN,), jnp.int32) + off1
        rb = ((r * NW + wid) * 2) * cap
        outstanding += [
            pltpu.async_copy(o_v.at[b],
                             out_hbm.at[pl.ds(r * epad + base, ept)], semo),
            pltpu.async_copy(cp0_v.at[b, pl.ds(0, cap)],
                             cpk_hbm.at[pl.ds(rb, cap)], semo),
            pltpu.async_copy(cd0_v.at[b, pl.ds(0, cap)],
                             cdf_hbm.at[pl.ds(rb, cap)], semo),
            pltpu.async_copy(cp1_v.at[b, pl.ds(0, cap)],
                             cpk_hbm.at[pl.ds(rb + cap, cap)], semo),
            pltpu.async_copy(cd1_v.at[b, pl.ds(0, cap)],
                             cdf_hbm.at[pl.ds(rb + cap, cap)], semo),
            pltpu.async_copy(cnt_v.at[b],
                             cnt_hbm.at[pl.ds(((r * NW + wid) * 2) * LN,
                                              2 * LN)], semo),
        ]
    for dm in outstanding:
        dm.wait()


def _select_body(e_real, diffs_ref, rho_ref):
    R, nrow, ncol = diffs_ref.shape
    k = e_real // 2
    rho_ref[...] = jnp.zeros((8, 128), jnp.float32)
    for r in range(R):
        x = diffs_ref[r]
        bits = lax.bitcast_convert_type(x, jnp.int32)
        rows = lax.broadcasted_iota(jnp.int32, (nrow, ncol), 0)
        cols = lax.broadcasted_iota(jnp.int32, (nrow, ncol), 1)
        valid = rows * ncol + cols < e_real
        bitsm = jnp.where(valid, bits, -1)

        def step(_, carry):
            lo, hi = carry
            mid = lo + (hi - lo) // 2
            cnt = jnp.sum((bitsm >= mid).astype(jnp.int32))
            take = cnt >= k
            return (jnp.where(take, mid, lo), jnp.where(take, hi, mid))

        lo, hi = lax.fori_loop(0, 31, step, (jnp.int32(0), jnp.int32(0x7F800000)))
        gt = bitsm > lo
        cgt = jnp.sum(gt.astype(jnp.int32))
        sgt = jnp.sum(jnp.where(gt, x, 0.0))
        tval = lax.bitcast_convert_type(lo, jnp.float32)
        rho = (sgt + (k - cgt).astype(jnp.float32) * tval) / jnp.float32(k)
        rho_ref[r, :] = jnp.full((128,), rho)


def _agg_body(cap, npad, gchunk, nrel,
              g_hbm, gb_hbm, cpk_hbm, cdf_hbm, cnt_hbm, rho_hbm, pick_hbm,
              zi32_hbm, dr0_hbm,
              agg_hbm, cent_hbm,
              pick1_v, pick_v, pick2_v, cpa_v, cpb_v, cda_v, cdb_v, cnt2_v,
              csrc_v, cdst_v, cdst2_v, rows_v, rows32_v, zrows_v, rho_v,
              acc_sh, sem, sema, semb):
    c = lax.axis_index("c")
    s = lax.axis_index("s")
    wid = s * NC + c
    half = npad // 2
    dr1 = half + 1
    clo = c * half
    bsz = pick1_v.shape[0]
    lane = lax.iota(jnp.int32, LN)
    nflat = csrc_v.shape[0]
    gl = gchunk // LN

    def fz(i, _):
        zrows_v[i // 4, pl.ds((i % 4) * 2 * LN, 2 * LN)] = (
            jnp.zeros((2 * LN,), jnp.bfloat16))
        return 0
    lax.fori_loop(0, 64 * 4, fz, 0)

    for r in range(nrel):
        ra = ((r * NW + 2 * s) * 2 + c) * cap
        rb = ((r * NW + 2 * s + 1) * 2 + c) * cap
        dms = [
            pltpu.async_copy(rho_hbm.at[pl.ds(r * 128, LN)], rho_v, sem),
            pltpu.async_copy(pick_hbm.at[pl.ds(r * bsz, bsz)], pick1_v, sem),
            pltpu.async_copy(zi32_hbm.at[pl.ds(0, nflat)], csrc_v, sem),
            pltpu.async_copy(dr0_hbm.at[pl.ds(0, nflat)], cdst_v, sem),
            pltpu.async_copy(cpk_hbm.at[pl.ds(ra, cap)], cpa_v, sem),
            pltpu.async_copy(cdf_hbm.at[pl.ds(ra, cap)], cda_v, sem),
            pltpu.async_copy(cpk_hbm.at[pl.ds(rb, cap)], cpb_v, sem),
            pltpu.async_copy(cdf_hbm.at[pl.ds(rb, cap)], cdb_v, sem),
            pltpu.async_copy(
                cnt_hbm.at[pl.ds(((r * NW + 2 * s) * 2 + c) * LN, LN)],
                cnt2_v.at[pl.ds(0, LN)], sem),
            pltpu.async_copy(
                cnt_hbm.at[pl.ds(((r * NW + 2 * s + 1) * 2 + c) * LN, LN)],
                cnt2_v.at[pl.ds(LN, LN)], sem),
        ]
        for dm in dms:
            dm.wait()
        rho = rho_v[...]

        def fp(j, _):
            idx = pick1_v[pl.ds(j * LN, LN)]
            loc = idx - clo
            inr = (loc >= 0) & (loc < half)
            pick_v[j // 4, pl.ds((j % 4) * LN, LN)] = jnp.where(inr, loc, dr1)
            pick2_v[j // 2, pl.ds((j % 2) * LN, LN)] = idx
            return 0
        lax.fori_loop(0, bsz // LN, fp, 0)

        plsc.subcore_barrier()
        pltpu.sync_copy(zrows_v, acc_sh.at[pick_v.at[s]])
        plsc.subcore_barrier()

        def mk_flt(cp_v, cd_v, cnt):
            def flt(j, off):
                pk = cp_v[pl.ds(j * LN, LN)]
                dv = cd_v[pl.ds(j * LN, LN)]
                flag = (dv < rho) & (j * LN + lane < cnt)
                sv = pk & 16383
                loc = lax.shift_right_logical(pk, 14) - clo
                plsc.store_compressed(csrc_v.at[pl.ds(off, LN)], sv, mask=flag)
                plsc.store_compressed(cdst_v.at[pl.ds(off, LN)], loc, mask=flag)
                return off + plsc.all_reduce_population_count(flag)[0]
            return flt

        cnta = cnt2_v[pl.ds(0, LN)][0]
        cntb = cnt2_v[pl.ds(LN, LN)][0]
        cnt = lax.fori_loop(0, (cnta + LN - 1) // LN, mk_flt(cpa_v, cda_v, cnta),
                            jnp.int32(0))
        cnt = lax.fori_loop(0, (cntb + LN - 1) // LN, mk_flt(cpb_v, cdb_v, cntb),
                            cnt)
        nch = (cnt + gchunk - 1) // gchunk

        def rp(j, _):
            cdst2_v[j // gl, pl.ds((j % gl) * LN, LN)] = cdst_v[pl.ds(j * LN, LN)]
            return 0
        lax.fori_loop(0, nch * gl, rp, 0)

        def gstart(j, buf, gsem):
            pltpu.async_copy(gb_hbm.at[csrc_v.at[pl.ds(j * gchunk, gchunk)]],
                             rows_v.at[buf], gsem)

        def gwait(j, buf, gsem):
            pltpu.make_async_copy(
                gb_hbm.at[csrc_v.at[pl.ds(j * gchunk, gchunk)]],
                rows_v.at[buf], gsem).wait()

        @pl.when(nch > 0)
        def _():
            gstart(0, 0, sema)

        def gb2(jj, _):
            j0 = jj * 2
            gwait(j0, 0, sema)

            @pl.when(j0 + 1 < nch)
            def _():
                gstart(j0 + 1, 1, semb)
            pltpu.sync_copy(rows_v.at[0], acc_sh.at[cdst2_v.at[j0]], add=True)

            @pl.when(j0 + 1 < nch)
            def _():
                gwait(j0 + 1, 1, semb)

                @pl.when(j0 + 2 < nch)
                def _():
                    gstart(j0 + 2, 0, sema)
                pltpu.sync_copy(rows_v.at[1], acc_sh.at[cdst2_v.at[j0 + 1]],
                                add=True)
            return 0

        lax.fori_loop(0, (nch + 1) // 2, gb2, 0)
        plsc.subcore_barrier()

        pltpu.sync_copy(acc_sh.at[pick_v.at[s]], rows_v.at[0])
        dmo = [
            pltpu.async_copy(rows_v.at[0], agg_hbm.at[c, r, pl.ds(s * 64, 64)],
                             sem),
            pltpu.async_copy(g_hbm.at[pick2_v.at[wid]], rows32_v, sem),
        ]
        dmo[0].wait()
        dmo[1].wait()
        pltpu.sync_copy(rows32_v, cent_hbm.at[r, pl.ds(wid * 32, 32)])
        plsc.subcore_barrier()


def _combine_body(inv_r, agg_ref, cent_ref, out_ref):
    cacc = cent_ref[0]
    for r in range(1, cent_ref.shape[0]):
        cacc = cacc + cent_ref[r]
    acc = cacc * inv_r
    for c in range(agg_ref.shape[0]):
        for r in range(agg_ref.shape[1]):
            acc = acc + agg_ref[c, r].astype(jnp.float32)
    out_ref[...] = jnp.maximum(acc, 0.0)


def kernel(features, weight, W1, b1, W2, b2, picked_nodes, edge_index):
    N, D = features.shape
    R, B = picked_nodes.shape
    E = edge_index.shape[2]
    NPAD = ((N + 15) // 16) * 16
    ECH = 2048
    EPAD = ((E + NS * ECH - 1) // (NS * ECH)) * NS * ECH
    EPT = EPAD // NW
    GCH = 64

    f_pad = (features if NPAD == N else
             jnp.zeros((NPAD, D), features.dtype).at[:N].set(features))
    e_pad = jnp.zeros((R, 2, EPAD), edge_index.dtype).at[:, :, :E].set(edge_index)
    e_flat = e_pad.reshape(-1)
    pick_flat = picked_nodes.reshape(-1)

    g, gb16, dall = pl.pallas_call(
        _dense_body,
        out_shape=(jax.ShapeDtypeStruct((NPAD, D), jnp.float32),
                   jax.ShapeDtypeStruct((NPAD, D), jnp.bfloat16),
                   jax.ShapeDtypeStruct((R, NPAD), jnp.float32)),
    )(f_pad, weight, W1, b1, W2, b2)

    mesh = plsc.VectorSubcoreMesh(core_axis_name="c", subcore_axis_name="s",
                                  num_cores=NC, num_subcores=NS)

    CAP = EPT
    zi32 = jnp.zeros((max(NPAD, EPAD // NS + 64),), jnp.int32)
    e_pack = (e_pad[:, 0, :] + e_pad[:, 1, :] * 16384).reshape(-1)
    diffs, cpk, cdf, ccnt = pl.kernel(
        functools.partial(_scan_body, EPT, EPAD, NPAD, R, E, CAP),
        out_type=(jax.ShapeDtypeStruct((R * EPAD,), jnp.float32),
                  jax.ShapeDtypeStruct((R * NW * 2 * CAP,), jnp.int32),
                  jax.ShapeDtypeStruct((R * NW * 2 * CAP,), jnp.float32),
                  jax.ShapeDtypeStruct((R * NW * 2 * LN,), jnp.int32)),
        mesh=mesh,
        compiler_params=pltpu.CompilerParams(needs_layout_passes=False, use_tc_tiling_on_sc=False),
        scratch_types=[
            pltpu.VMEM((2, NPAD), jnp.float32),
            pltpu.VMEM((NPAD,), jnp.int32),
            pltpu.VMEM((2, B), jnp.int32),
            pltpu.VMEM((2, EPT), jnp.int32),
            pltpu.VMEM((2, EPT), jnp.float32),
            pltpu.VMEM((2, CAP + LN), jnp.int32),
            pltpu.VMEM((2, CAP + LN), jnp.int32),
            pltpu.VMEM((2, CAP + LN), jnp.float32),
            pltpu.VMEM((2, CAP + LN), jnp.float32),
            pltpu.VMEM((2, 2 * LN), jnp.int32),
            pltpu.SemaphoreType.DMA,
            pltpu.SemaphoreType.DMA,
        ],
    )(dall.reshape(-1), e_pack, pick_flat, zi32)

    rho = pl.pallas_call(
        functools.partial(_select_body, E),
        out_shape=jax.ShapeDtypeStruct((8, 128), jnp.float32),
    )(diffs.reshape(R, EPAD // 128, 128))

    EPT4 = EPAD // NS
    NB4 = EPT4 // GCH
    NFLAT = EPT4 + 64
    dr0c = jnp.full((NFLAT,), NPAD // 2, jnp.int32)
    agg, cent = pl.kernel(
        functools.partial(_agg_body, CAP, NPAD, GCH, R),
        out_type=(jax.ShapeDtypeStruct((NC, R, B, D), jnp.bfloat16),
                  jax.ShapeDtypeStruct((R, B, D), jnp.float32)),
        mesh=mesh,
        compiler_params=pltpu.CompilerParams(needs_layout_passes=False, use_tc_tiling_on_sc=False),
        scratch_types=[
            pltpu.VMEM((B,), jnp.int32),
            pltpu.VMEM((NS, B // NS), jnp.int32),
            pltpu.VMEM((NW, B // NW), jnp.int32),
            pltpu.VMEM((CAP,), jnp.int32),
            pltpu.VMEM((CAP,), jnp.int32),
            pltpu.VMEM((CAP,), jnp.float32),
            pltpu.VMEM((CAP,), jnp.float32),
            pltpu.VMEM((2 * LN,), jnp.int32),
            pltpu.VMEM((NFLAT,), jnp.int32),
            pltpu.VMEM((NFLAT,), jnp.int32),
            pltpu.VMEM((NB4, GCH), jnp.int32),
            pltpu.VMEM((2, GCH, D), jnp.bfloat16),
            pltpu.VMEM((B // NW, D), jnp.float32),
            pltpu.VMEM((B // NS, D), jnp.bfloat16),
            pltpu.VMEM((LN,), jnp.float32),
            pltpu.VMEM_SHARED((NPAD // 2 + 8, D), jnp.bfloat16),
            pltpu.SemaphoreType.DMA,
            pltpu.SemaphoreType.DMA,
            pltpu.SemaphoreType.DMA,
        ],
    )(g, gb16, cpk, cdf, ccnt, rho.reshape(-1), pick_flat, zi32, dr0c)

    out = pl.pallas_call(
        functools.partial(_combine_body, 1.0 / R),
        out_shape=jax.ShapeDtypeStruct((B, D), jnp.float32),
    )(agg, cent)
    return out

# --- scband reference (transcript-rebuilt; emitter-appended) ---
"""Pipeline reference for scband-inter-aggregator-17025250361956 (READ-ONLY COPY).

The authoritative reference and input builder live on the scoring server;
editing this copy changes nothing except your own understanding.
"""

import jax, jax.numpy as jnp
import numpy as np

N = 10000
D_FEAT = 128
D_EMB = 128
R = 2
B = 1024
E = 160000


def setup_inputs(seed: int = 0) -> dict:
    key = jax.random.key(seed)
    ks = jax.random.split(key, 8)
    features = jax.random.normal(ks[0], (N, D_FEAT), dtype=jnp.float32)
    picked_nodes = jax.random.randint(ks[1], (R, B), 0, N)
    edge_index = jax.random.randint(ks[2], (R, 2, E), 0, N)
    # nn.Parameter(embedding_dimension, features_dimension) with xavier_uniform_
    limit = float(np.sqrt(6.0 / (D_EMB + D_FEAT)))
    weight = jax.random.uniform(ks[3], (D_EMB, D_FEAT), minval=-limit, maxval=limit, dtype=jnp.float32)
    # per-relation distance nets: Linear(d_feat,16) -> ReLU -> Linear(16,2) -> Sigmoid
    W1 = jax.random.normal(ks[4], (R, D_FEAT, 16), dtype=jnp.float32) * 0.05
    b1 = jnp.zeros((R, 16), dtype=jnp.float32)
    W2 = jax.random.normal(ks[5], (R, 16, 2), dtype=jnp.float32) * 0.05
    b2 = jnp.zeros((R, 2), dtype=jnp.float32)
    return {"features": features, "weight": weight, "W1": W1, "b1": b1,
            "W2": W2, "b2": b2, "picked_nodes": picked_nodes, "edge_index": edge_index}


def _distance(x, W1, b1, W2, b2):
    h = jax.nn.relu(x @ W1 + b1)
    return jax.nn.sigmoid(h @ W2 + b2)[:, 1]


def reference(features, weight, W1, b1, W2, b2, picked_nodes, edge_index):
    Rr, Bn = picked_nodes.shape
    center_h = jnp.zeros((Bn, weight.shape[0]), dtype=features.dtype)
    aggregated = jnp.zeros((Bn, weight.shape[0]), dtype=features.dtype)
    for r in range(Rr):
        cfeat = jnp.take(features, picked_nodes[r], axis=0)          # gather center feats
        center_h = center_h + cfeat @ weight.T                       # weight.mm(center.t())
        src = edge_index[r, 0]
        dst = edge_index[r, 1]
        d_all = _distance(features, W1[r], b1[r], W2[r], b2[r])      # distance net scores
        d_src = jnp.take(d_all, src)
        d_dst = jnp.take(d_all, dst)
        diffs = jnp.abs(d_dst - d_src)
        k = diffs.shape[0] // 2
        # rho_minus: mean of top-half descending-sorted distance diffs
        top_diffs, _ = jax.lax.top_k(diffs, k)
        rho_minus = jnp.sum(top_diffs) / k
        mask = (diffs < rho_minus).astype(features.dtype)            # keep close neighbors
        msg = jnp.take(features, src, axis=0) * mask[:, None]        # gather neighbor feats
        agg_nodes = jax.ops.segment_sum(msg, dst, num_segments=features.shape[0])
        neigh = jnp.take(agg_nodes, picked_nodes[r], axis=0)
        aggregated = aggregated + neigh @ weight.T                   # weight.mm(neigh.t())
    combined = jax.nn.relu(center_h / Rr + aggregated)
    return combined

if __name__ == "__main__":
    import jax
    _d = setup_inputs()
    print(jax.jit(kernel)(*tuple(_d.values())))

</pallas_src>

<mosaic_0001>
#map = affine_map<(d0, d1) -> (0)>
module attributes {stable_mosaic.version = 14 : i64} {
  func.func @_scan_body(%arg0: i32, %arg1: i32, %arg2: memref<20000xf32, #tpu.memory_space<hbm>>, %arg3: memref<327680xi32, #tpu.memory_space<hbm>>, %arg4: memref<2048xi32, #tpu.memory_space<hbm>>, %arg5: memref<10304xi32, #tpu.memory_space<hbm>>, %arg6: memref<327680xf32, #tpu.memory_space<hbm>>, %arg7: memref<655360xi32, #tpu.memory_space<hbm>>, %arg8: memref<655360xf32, #tpu.memory_space<hbm>>, %arg9: memref<2048xi32, #tpu.memory_space<hbm>>, %arg10: memref<2x10000xf32, #tpu.memory_space<vmem>>, %arg11: memref<10000xi32, #tpu.memory_space<vmem>>, %arg12: memref<2x1024xi32, #tpu.memory_space<vmem>>, %arg13: memref<2x5120xi32, #tpu.memory_space<vmem>>, %arg14: memref<2x5120xf32, #tpu.memory_space<vmem>>, %arg15: memref<2x5136xi32, #tpu.memory_space<vmem>>, %arg16: memref<2x5136xi32, #tpu.memory_space<vmem>>, %arg17: memref<2x5136xf32, #tpu.memory_space<vmem>>, %arg18: memref<2x5136xf32, #tpu.memory_space<vmem>>, %arg19: memref<2x32xi32, #tpu.memory_space<vmem>>, %arg20: memref<!tpu.dma_semaphore, #tpu.memory_space<semaphore_mem>>, %arg21: memref<!tpu.dma_semaphore, #tpu.memory_space<semaphore_mem>>) attributes {dimension_semantics = [#tpu.dimension_semantics<core_parallel>, #tpu.dimension_semantics<subcore_parallel>], iteration_bounds = array<i64: 2, 16>, scalar_prefetch = 0 : i64, scratch_operands = 12 : i64, tpu.core_type = #tpu.core_type<sc_vector_subcore>, window_params = [{transform_indices = #map}, {transform_indices = #map}, {transform_indices = #map}, {transform_indices = #map}, {transform_indices = #map}, {transform_indices = #map}, {transform_indices = #map}, {transform_indices = #map}]} {
    %mul3A = arith.constant 2 : i32
    %mul3A_0 = arith.muli %arg1, %mul3A : i32
    %add3A = arith.addi %mul3A_0, %arg0 : i32
    %mul3A_1 = arith.constant 5120 : i32
    %mul3A_2 = arith.muli %add3A, %mul3A_1 : i32
    %iota3A = tpu.iota {dimensions = array<i32: 0>} : vector<16xi32>
    %sub3A = arith.constant 160000 : i32
    %sub3A_3 = arith.subi %sub3A, %mul3A_2 : i32
    %jit3A = arith.constant 0 : i32
    %jit3A_4 = arith.constant 5120 : i32
    %max3A = arith.maxsi %jit3A, %sub3A_3 : i32
    %min3A = arith.minsi %jit3A_4, %max3A : i32
    "tpu.region"() ({
      %run_scoped3A = tpu.sem_alloc : memref<!tpu.dma_semaphore, #tpu.memory_space<semaphore_mem>>
      %dma_start3A_442 = arith.constant 0 : i32
      %dma_start3A_443 = tpu.memref_slice %arg5[%dma_start3A_442] : memref<10304xi32, #tpu.memory_space<hbm>> -> memref<10000xi32, #tpu.memory_space<hbm>>
      %dma_start3A_444 = arith.constant 0 : i32
      %dma_start3A_445 = tpu.memref_slice %arg5[%dma_start3A_444] : memref<10304xi32, #tpu.memory_space<hbm>> -> memref<10000xi32, #tpu.memory_space<hbm>>
      tpu.enqueue_dma source(%dma_start3A_445 : memref<10000xi32, #tpu.memory_space<hbm>>) target(%arg11 : memref<10000xi32, #tpu.memory_space<vmem>>) target_semaphore(%run_scoped3A : memref<!tpu.dma_semaphore, #tpu.memory_space<semaphore_mem>>)
      %dma_wait3A_446 = arith.constant 0 : i32
      %dma_wait3A_447 = tpu.memref_slice %arg5[%dma_wait3A_446] : memref<10304xi32, #tpu.memory_space<hbm>> -> memref<10000xi32, #tpu.memory_space<hbm>>
      %dma_wait3A_448 = arith.constant 0 : i32
      %dma_wait3A_449 = tpu.memref_slice %arg5[%dma_wait3A_448] : memref<10304xi32, #tpu.memory_space<hbm>> -> memref<10000xi32, #tpu.memory_space<hbm>>
      tpu.wait_dma2 semaphore(%run_scoped3A : memref<!tpu.dma_semaphore, #tpu.memory_space<semaphore_mem>>) src(%dma_wait3A_449 : memref<10000xi32, #tpu.memory_space<hbm>>) dst(%arg11 : memref<10000xi32, #tpu.memory_space<vmem>>)
      tpu.yield
    }) : () -> ()
    %dma_start3A = arith.constant 0 : i32
    %dma_start3A_5 = arith.constant 0 : i32
    %dma_start3A_6 = tpu.memref_slice %arg10[%dma_start3A, %dma_start3A_5] : memref<2x10000xf32, #tpu.memory_space<vmem>> -> memref<1x10000xf32, #tpu.memory_space<vmem>>
    %dma_start3A_7 = tpu.memref_squeeze %dma_start3A_6 : memref<1x10000xf32, #tpu.memory_space<vmem>> -> memref<10000xf32, #tpu.memory_space<vmem>>
    %dma_start3A_8 = arith.constant 0 : i32
    %dma_start3A_9 = tpu.memref_slice %arg2[%dma_start3A_8] : memref<20000xf32, #tpu.memory_space<hbm>> -> memref<10000xf32, #tpu.memory_space<hbm>>
    %dma_start3A_10 = arith.constant 0 : i32
    %dma_start3A_11 = tpu.memref_slice %arg10[%dma_start3A, %dma_start3A_10] : memref<2x10000xf32, #tpu.memory_space<vmem>> -> memref<1x10000xf32, #tpu.memory_space<vmem>>
    %dma_start3A_12 = tpu.memref_squeeze %dma_start3A_11 : memref<1x10000xf32, #tpu.memory_space<vmem>> -> memref<10000xf32, #tpu.memory_space<vmem>>
    %dma_start3A_13 = arith.constant 0 : i32
    %dma_start3A_14 = tpu.memref_slice %arg2[%dma_start3A_13] : memref<20000xf32, #tpu.memory_space<hbm>> -> memref<10000xf32, #tpu.memory_space<hbm>>
    tpu.enqueue_dma source(%dma_start3A_14 : memref<10000xf32, #tpu.memory_space<hbm>>) target(%dma_start3A_12 : memref<10000xf32, #tpu.memory_space<vmem>>) target_semaphore(%arg20 : memref<!tpu.dma_semaphore, #tpu.memory_space<semaphore_mem>>)
    %add3A_15 = arith.constant 0 : i32
    %add3A_16 = arith.addi %add3A_15, %mul3A_2 : i32
    %dma_start3A_17 = arith.constant 0 : i32
    %dma_start3A_18 = arith.constant 0 : i32
    %dma_start3A_19 = tpu.memref_slice %arg13[%dma_start3A_17, %dma_start3A_18] : memref<2x5120xi32, #tpu.memory_space<vmem>> -> memref<1x5120xi32, #tpu.memory_space<vmem>>
    %dma_start3A_20 = tpu.memref_squeeze %dma_start3A_19 : memref<1x5120xi32, #tpu.memory_space<vmem>> -> memref<5120xi32, #tpu.memory_space<vmem>>
    %dma_start3A_21 = tpu.memref_slice %arg3[%add3A_16] : memref<327680xi32, #tpu.memory_space<hbm>> -> memref<5120xi32, #tpu.memory_space<hbm>>
    %dma_start3A_22 = arith.constant 0 : i32
    %dma_start3A_23 = tpu.memref_slice %arg13[%dma_start3A_17, %dma_start3A_22] : memref<2x5120xi32, #tpu.memory_space<vmem>> -> memref<1x5120xi32, #tpu.memory_space<vmem>>
    %dma_start3A_24 = tpu.memref_squeeze %dma_start3A_23 : memref<1x5120xi32, #tpu.memory_space<vmem>> -> memref<5120xi32, #tpu.memory_space<vmem>>
    %dma_start3A_25 = tpu.memref_slice %arg3[%add3A_16] : memref<327680xi32, #tpu.memory_space<hbm>> -> memref<5120xi32, #tpu.memory_space<hbm>>
    tpu.enqueue_dma source(%dma_start3A_25 : memref<5120xi32, #tpu.memory_space<hbm>>) target(%dma_start3A_24 : memref<5120xi32, #tpu.memory_space<vmem>>) target_semaphore(%arg20 : memref<!tpu.dma_semaphore, #tpu.memory_space<semaphore_mem>>)
    %dma_start3A_26 = arith.constant 0 : i32
    %dma_start3A_27 = arith.constant 0 : i32
    %dma_start3A_28 = tpu.memref_slice %arg12[%dma_start3A_26, %dma_start3A_27] : memref<2x1024xi32, #tpu.memory_space<vmem>> -> memref<1x1024xi32, #tpu.memory_space<vmem>>
    %dma_start3A_29 = tpu.memref_squeeze %dma_start3A_28 : memref<1x1024xi32, #tpu.memory_space<vmem>> -> memref<1024xi32, #tpu.memory_space<vmem>>
    %dma_start3A_30 = arith.constant 0 : i32
    %dma_start3A_31 = tpu.memref_slice %arg4[%dma_start3A_30] : memref<2048xi32, #tpu.memory_space<hbm>> -> memref<1024xi32, #tpu.memory_space<hbm>>
    %dma_start3A_32 = arith.constant 0 : i32
    %dma_start3A_33 = tpu.memref_slice %arg12[%dma_start3A_26, %dma_start3A_32] : memref<2x1024xi32, #tpu.memory_space<vmem>> -> memref<1x1024xi32, #tpu.memory_space<vmem>>
    %dma_start3A_34 = tpu.memref_squeeze %dma_start3A_33 : memref<1x1024xi32, #tpu.memory_space<vmem>> -> memref<1024xi32, #tpu.memory_space<vmem>>
    %dma_start3A_35 = arith.constant 0 : i32
    %dma_start3A_36 = tpu.memref_slice %arg4[%dma_start3A_35] : memref<2048xi32, #tpu.memory_space<hbm>> -> memref<1024xi32, #tpu.memory_space<hbm>>
    tpu.enqueue_dma source(%dma_start3A_36 : memref<1024xi32, #tpu.memory_space<hbm>>) target(%dma_start3A_34 : memref<1024xi32, #tpu.memory_space<vmem>>) target_semaphore(%arg20 : memref<!tpu.dma_semaphore, #tpu.memory_space<semaphore_mem>>)
    %dma_wait3A = arith.constant 0 : i32
    %dma_wait3A_37 = arith.constant 0 : i32
    %dma_wait3A_38 = tpu.memref_slice %arg10[%dma_wait3A, %dma_wait3A_37] : memref<2x10000xf32, #tpu.memory_space<vmem>> -> memref<1x10000xf32, #tpu.memory_space<vmem>>
    %dma_wait3A_39 = tpu.memref_squeeze %dma_wait3A_38 : memref<1x10000xf32, #tpu.memory_space<vmem>> -> memref<10000xf32, #tpu.memory_space<vmem>>
    %dma_wait3A_40 = arith.constant 0 : i32
    %dma_wait3A_41 = tpu.memref_slice %arg2[%dma_wait3A_40] : memref<20000xf32, #tpu.memory_space<hbm>> -> memref<10000xf32, #tpu.memory_space<hbm>>
    %dma_wait3A_42 = arith.constant 0 : i32
    %dma_wait3A_43 = tpu.memref_slice %arg10[%dma_wait3A, %dma_wait3A_42] : memref<2x10000xf32, #tpu.memory_space<vmem>> -> memref<1x10000xf32, #tpu.memory_space<vmem>>
    %dma_wait3A_44 = tpu.memref_squeeze %dma_wait3A_43 : memref<1x10000xf32, #tpu.memory_space<vmem>> -> memref<10000xf32, #tpu.memory_space<vmem>>
    %dma_wait3A_45 = arith.constant 0 : i32
    %dma_wait3A_46 = tpu.memref_slice %arg2[%dma_wait3A_45] : memref<20000xf32, #tpu.memory_space<hbm>> -> memref<10000xf32, #tpu.memory_space<hbm>>
    tpu.wait_dma2 semaphore(%arg20 : memref<!tpu.dma_semaphore, #tpu.memory_space<semaphore_mem>>) src(%dma_wait3A_46 : memref<10000xf32, #tpu.memory_space<hbm>>) dst(%dma_wait3A_44 : memref<10000xf32, #tpu.memory_space<vmem>>)
    %dma_wait3A_47 = arith.constant 0 : i32
    %dma_wait3A_48 = arith.constant 0 : i32
    %dma_wait3A_49 = tpu.memref_slice %arg13[%dma_wait3A_47, %dma_wait3A_48] : memref<2x5120xi32, #tpu.memory_space<vmem>> -> memref<1x5120xi32, #tpu.memory_space<vmem>>
    %dma_wait3A_50 = tpu.memref_squeeze %dma_wait3A_49 : memref<1x5120xi32, #tpu.memory_space<vmem>> -> memref<5120xi32, #tpu.memory_space<vmem>>
    %dma_wait3A_51 = tpu.memref_slice %arg3[%add3A_16] : memref<327680xi32, #tpu.memory_space<hbm>> -> memref<5120xi32, #tpu.memory_space<hbm>>
    %dma_wait3A_52 = arith.constant 0 : i32
    %dma_wait3A_53 = tpu.memref_slice %arg13[%dma_wait3A_47, %dma_wait3A_52] : memref<2x5120xi32, #tpu.memory_space<vmem>> -> memref<1x5120xi32, #tpu.memory_space<vmem>>
    %dma_wait3A_54 = tpu.memref_squeeze %dma_wait3A_53 : memref<1x5120xi32, #tpu.memory_space<vmem>> -> memref<5120xi32, #tpu.memory_space<vmem>>
    %dma_wait3A_55 = tpu.memref_slice %arg3[%add3A_16] : memref<327680xi32, #tpu.memory_space<hbm>> -> memref<5120xi32, #tpu.memory_space<hbm>>
    tpu.wait_dma2 semaphore(%arg20 : memref<!tpu.dma_semaphore, #tpu.memory_space<semaphore_mem>>) src(%dma_wait3A_55 : memref<5120xi32, #tpu.memory_space<hbm>>) dst(%dma_wait3A_54 : memref<5120xi32, #tpu.memory_space<vmem>>)
    %dma_wait3A_56 = arith.constant 0 : i32
    %dma_wait3A_57 = arith.constant 0 : i32
    %dma_wait3A_58 = tpu.memref_slice %arg12[%dma_wait3A_56, %dma_wait3A_57] : memref<2x1024xi32, #tpu.memory_space<vmem>> -> memref<1x1024xi32, #tpu.memory_space<vmem>>
    %dma_wait3A_59 = tpu.memref_squeeze %dma_wait3A_58 : memref<1x1024xi32, #tpu.memory_space<vmem>> -> memref<1024xi32, #tpu.memory_space<vmem>>
    %dma_wait3A_60 = arith.constant 0 : i32
    %dma_wait3A_61 = tpu.memref_slice %arg4[%dma_wait3A_60] : memref<2048xi32, #tpu.memory_space<hbm>> -> memref<1024xi32, #tpu.memory_space<hbm>>
    %dma_wait3A_62 = arith.constant 0 : i32
    %dma_wait3A_63 = tpu.memref_slice %arg12[%dma_wait3A_56, %dma_wait3A_62] : memref<2x1024xi32, #tpu.memory_space<vmem>> -> memref<1x1024xi32, #tpu.memory_space<vmem>>
    %dma_wait3A_64 = tpu.memref_squeeze %dma_wait3A_63 : memref<1x1024xi32, #tpu.memory_space<vmem>> -> memref<1024xi32, #tpu.memory_space<vmem>>
    %dma_wait3A_65 = arith.constant 0 : i32
    %dma_wait3A_66 = tpu.memref_slice %arg4[%dma_wait3A_65] : memref<2048xi32, #tpu.memory_space<hbm>> -> memref<1024xi32, #tpu.memory_space<hbm>>
    tpu.wait_dma2 semaphore(%arg20 : memref<!tpu.dma_semaphore, #tpu.memory_space<semaphore_mem>>) src(%dma_wait3A_66 : memref<1024xi32, #tpu.memory_space<hbm>>) dst(%dma_wait3A_64 : memref<1024xi32, #tpu.memory_space<vmem>>)
    %dma_start3A_67 = arith.constant 1 : i32
    %dma_start3A_68 = arith.constant 0 : i32
    %dma_start3A_69 = tpu.memref_slice %arg10[%dma_start3A_67, %dma_start3A_68] : memref<2x10000xf32, #tpu.memory_space<vmem>> -> memref<1x10000xf32, #tpu.memory_space<vmem>>
    %dma_start3A_70 = tpu.memref_squeeze %dma_start3A_69 : memref<1x10000xf32, #tpu.memory_space<vmem>> -> memref<10000xf32, #tpu.memory_space<vmem>>
    %dma_start3A_71 = arith.constant 10000 : i32
    %dma_start3A_72 = tpu.memref_slice %arg2[%dma_start3A_71] : memref<20000xf32, #tpu.memory_space<hbm>> -> memref<10000xf32, #tpu.memory_space<hbm>>
    %dma_start3A_73 = arith.constant 0 : i32
    %dma_start3A_74 = tpu.memref_slice %arg10[%dma_start3A_67, %dma_start3A_73] : memref<2x10000xf32, #tpu.memory_space<vmem>> -> memref<1x10000xf32, #tpu.memory_space<vmem>>
    %dma_start3A_75 = tpu.memref_squeeze %dma_start3A_74 : memref<1x10000xf32, #tpu.memory_space<vmem>> -> memref<10000xf32, #tpu.memory_space<vmem>>
    %dma_start3A_76 = arith.constant 10000 : i32
    %dma_start3A_77 = tpu.memref_slice %arg2[%dma_start3A_76] : memref<20000xf32, #tpu.memory_space<hbm>> -> memref<10000xf32, #tpu.memory_space<hbm>>
    tpu.enqueue_dma source(%dma_start3A_77 : memref<10000xf32, #tpu.memory_space<hbm>>) target(%dma_start3A_75 : memref<10000xf32, #tpu.memory_space<vmem>>) target_semaphore(%arg20 : memref<!tpu.dma_semaphore, #tpu.memory_space<semaphore_mem>>)
    %add3A_78 = arith.constant 163840 : i32
    %add3A_79 = arith.addi %add3A_78, %mul3A_2 : i32
    %dma_start3A_80 = arith.constant 1 : i32
    %dma_start3A_81 = arith.constant 0 : i32
    %dma_start3A_82 = tpu.memref_slice %arg13[%dma_start3A_80, %dma_start3A_81] : memref<2x5120xi32, #tpu.memory_space<vmem>> -> memref<1x5120xi32, #tpu.memory_space<vmem>>
    %dma_start3A_83 = tpu.memref_squeeze %dma_start3A_82 : memref<1x5120xi32, #tpu.memory_space<vmem>> -> memref<5120xi32, #tpu.memory_space<vmem>>
    %dma_start3A_84 = tpu.memref_slice %arg3[%add3A_79] : memref<327680xi32, #tpu.memory_space<hbm>> -> memref<5120xi32, #tpu.memory_space<hbm>>
    %dma_start3A_85 = arith.constant 0 : i32
    %dma_start3A_86 = tpu.memref_slice %arg13[%dma_start3A_80, %dma_start3A_85] : memref<2x5120xi32, #tpu.memory_space<vmem>> -> memref<1x5120xi32, #tpu.memory_space<vmem>>
    %dma_start3A_87 = tpu.memref_squeeze %dma_start3A_86 : memref<1x5120xi32, #tpu.memory_space<vmem>> -> memref<5120xi32, #tpu.memory_space<vmem>>
    %dma_start3A_88 = tpu.memref_slice %arg3[%add3A_79] : memref<327680xi32, #tpu.memory_space<hbm>> -> memref<5120xi32, #tpu.memory_space<hbm>>
    tpu.enqueue_dma source(%dma_start3A_88 : memref<5120xi32, #tpu.memory_space<hbm>>) target(%dma_start3A_87 : memref<5120xi32, #tpu.memory_space<vmem>>) target_semaphore(%arg20 : memref<!tpu.dma_semaphore, #tpu.memory_space<semaphore_mem>>)
    %dma_start3A_89 = arith.constant 1 : i32
    %dma_start3A_90 = arith.constant 0 : i32
    %dma_start3A_91 = tpu.memref_slice %arg12[%dma_start3A_89, %dma_start3A_90] : memref<2x1024xi32, #tpu.memory_space<vmem>> -> memref<1x1024xi32, #tpu.memory_space<vmem>>
    %dma_start3A_92 = tpu.memref_squeeze %dma_start3A_91 : memref<1x1024xi32, #tpu.memory_space<vmem>> -> memref<1024xi32, #tpu.memory_space<vmem>>
    %dma_start3A_93 = arith.constant 1024 : i32
    %dma_start3A_94 = tpu.memref_slice %arg4[%dma_start3A_93] : memref<2048xi32, #tpu.memory_space<hbm>> -> memref<1024xi32, #tpu.memory_space<hbm>>
    %dma_start3A_95 = arith.constant 0 : i32
    %dma_start3A_96 = tpu.memref_slice %arg12[%dma_start3A_89, %dma_start3A_95] : memref<2x1024xi32, #tpu.memory_space<vmem>> -> memref<1x1024xi32, #tpu.memory_space<vmem>>
    %dma_start3A_97 = tpu.memref_squeeze %dma_start3A_96 : memref<1x1024xi32, #tpu.memory_space<vmem>> -> memref<1024xi32, #tpu.memory_space<vmem>>
    %dma_start3A_98 = arith.constant 1024 : i32
    %dma_start3A_99 = tpu.memref_slice %arg4[%dma_start3A_98] : memref<2048xi32, #tpu.memory_space<hbm>> -> memref<1024xi32, #tpu.memory_space<hbm>>
    tpu.enqueue_dma source(%dma_start3A_99 : memref<1024xi32, #tpu.memory_space<hbm>>) target(%dma_start3A_97 : memref<1024xi32, #tpu.memory_space<vmem>>) target_semaphore(%arg20 : memref<!tpu.dma_semaphore, #tpu.memory_space<semaphore_mem>>)
    %scan3A = arith.constant 0 : i32
    %scan3A_100 = arith.constant 0 : i32
    %scan3A_101 = arith.constant 64 : i32
    %scan3A_102 = arith.addi %scan3A_100, %scan3A_101 : i32
    %scan3A_103 = arith.constant 1 : i32
    %scan3A_104 = scf.for %scan3A_442 = %scan3A_100 to %scan3A_102 step %scan3A_103 iter_args(%scan3A_443 = %scan3A) -> (i32)  : i32 {
      %mul3A_444 = arith.constant 16 : i32
      %mul3A_445 = arith.muli %scan3A_442, %mul3A_444 : i32
      %get3A = arith.constant 0 : i32
      %get3A_446 = arith.index_cast %get3A : i32 to index
      %get3A_447 = arith.index_cast %mul3A_445 : i32 to index
      %get3A_448 = tpu.vector_load %arg12[%get3A_446, %get3A_447] {strides = array<i32>} : memref<2x1024xi32, #tpu.memory_space<vmem>>, vector<16xi32>,
      %broadcast_in_dim3A_449 = arith.constant 1 : i32
      %broadcast_in_dim3A_450 = vector.broadcast %broadcast_in_dim3A_449 : i32 to vector<16xi32>
      tpu.vector_store_idx %arg11[%get3A_448], %broadcast_in_dim3A_450 : memref<10000xi32, #tpu.memory_space<vmem>>[vector<16xi32>], vector<16xi32>,
      %scan3A_451 = arith.constant 0 : i32
      scf.yield %scan3A_451 : i32
    }
    %scan3A_105 = arith.constant 64 : i32
    %scan3A_106 = arith.constant 0 : i32
    %scan3A_107 = arith.constant 0 : i32
    %scan3A_108 = arith.constant 0 : i32
    %scan3A_109 = arith.constant 80 : i32
    %scan3A_110 = arith.addi %scan3A_108, %scan3A_109 : i32
    %scan3A_111 = arith.constant 1 : i32
    %scan3A_112:2 = scf.for %scan3A_442 = %scan3A_108 to %scan3A_110 step %scan3A_111 iter_args(%scan3A_443 = %scan3A_106, %scan3A_444 = %scan3A_107) -> (i32, i32)  : i32 {
      %mul3A_445 = arith.constant 4 : i32
      %mul3A_446 = arith.muli %scan3A_442, %mul3A_445 : i32
      %add3A_447 = arith.constant 0 : i32
      %add3A_448 = arith.addi %mul3A_446, %add3A_447 : i32
      %mul3A_449 = arith.constant 16 : i32
      %mul3A_450 = arith.muli %add3A_448, %mul3A_449 : i32
      %get3A = arith.constant 0 : i32
      %get3A_451 = arith.index_cast %get3A : i32 to index
      %get3A_452 = arith.index_cast %mul3A_450 : i32 to index
      %get3A_453 = tpu.vector_load %arg13[%get3A_451, %get3A_452] {strides = array<i32>} : memref<2x5120xi32, #tpu.memory_space<vmem>>, vector<16xi32>,
      %and3A = arith.constant 16383 : i32
      %and3A_454 = vector.broadcast %and3A : i32 to vector<16xi32>
      %and3A_455 = arith.andi %get3A_453, %and3A_454 : vector<16xi32>
      %shift_right_logical3A = arith.constant 14 : i32
      %shift_right_logical3A_456 = vector.broadcast %shift_right_logical3A : i32 to vector<16xi32>
      %shift_right_logical3A_457 = arith.shrui %get3A_453, %shift_right_logical3A_456 : vector<16xi32>
      %gather3A = arith.constant 0 : i32
      %gather3A_458 = arith.constant 0 : i32
      %gather3A_459 = tpu.memref_slice %arg10[%gather3A, %gather3A_458] : memref<2x10000xf32, #tpu.memory_space<vmem>> -> memref<1x10000xf32, #tpu.memory_space<vmem>>
      %gather3A_460 = tpu.memref_squeeze %gather3A_459 : memref<1x10000xf32, #tpu.memory_space<vmem>> -> memref<10000xf32, #tpu.memory_space<vmem>>
      %gather3A_461 = tpu.vector_load_idx %gather3A_460[%and3A_455] : memref<10000xf32, #tpu.memory_space<vmem>>[vector<16xi32>], vector<16xf32>,
      %gather3A_462 = arith.constant 0 : i32
      %gather3A_463 = arith.constant 0 : i32
      %gather3A_464 = tpu.memref_slice %arg10[%gather3A_462, %gather3A_463] : memref<2x10000xf32, #tpu.memory_space<vmem>> -> memref<1x10000xf32, #tpu.memory_space<vmem>>
      %gather3A_465 = tpu.memref_squeeze %gather3A_464 : memref<1x10000xf32, #tpu.memory_space<vmem>> -> memref<10000xf32, #tpu.memory_space<vmem>>
      %gather3A_466 = tpu.vector_load_idx %gather3A_465[%shift_right_logical3A_457] : memref<10000xf32, #tpu.memory_space<vmem>>[vector<16xi32>], vector<16xf32>,
      %sub3A_467 = arith.subf %gather3A_466, %gather3A_461 : vector<16xf32>
      %abs3A = math.absf %sub3A_467 : vector<16xf32>
      %mul3A_468 = arith.constant 16 : i32
      %mul3A_469 = arith.muli %add3A_448, %mul3A_468 : i32
      %swap3A_470 = arith.constant 0 : i32
      %swap3A_471 = arith.index_cast %swap3A_470 : i32 to index
      %swap3A_472 = arith.index_cast %mul3A_469 : i32 to index
      %swap3A_473 = tpu.vector_load %arg14[%swap3A_471, %swap3A_472] {strides = array<i32>} : memref<2x5120xf32, #tpu.memory_space<vmem>>, vector<16xf32>,
      tpu.vector_store %arg14[%swap3A_471, %swap3A_472], %abs3A {strides = array<i32>} : memref<2x5120xf32, #tpu.memory_space<vmem>>, vector<16xf32>,
      %gather3A_474 = tpu.vector_load_idx %arg11[%shift_right_logical3A_457] : memref<10000xi32, #tpu.memory_space<vmem>>[vector<16xi32>], vector<16xi32>,
      %eq3A = arith.constant 1 : i32
      %eq3A_475 = vector.broadcast %eq3A : i32 to vector<16xi32>
      %eq3A_476 = arith.cmpi eq, %gather3A_474, %eq3A_475 : vector<16xi32>
      %mul3A_477 = arith.constant 16 : i32
      %mul3A_478 = arith.muli %add3A_448, %mul3A_477 : i32
      %add3A_479 = vector.broadcast %mul3A_478 : i32 to vector<16xi32>
      %add3A_480 = arith.addi %add3A_479, %iota3A : vector<16xi32>
      %lt3A = vector.broadcast %min3A : i32 to vector<16xi32>
      %lt3A_481 = arith.cmpi slt, %add3A_480, %lt3A : vector<16xi32>
      %and3A_482 = arith.andi %eq3A_476, %lt3A_481 : vector<16xi1>
      %ge3A = arith.constant 5000 : i32
      %ge3A_483 = vector.broadcast %ge3A : i32 to vector<16xi32>
      %ge3A_484 = arith.cmpi sge, %shift_right_logical3A_457, %ge3A_483 : vector<16xi32>
      %not3A = arith.constant dense<true> : vector<16xi1>
      %not3A_485 = arith.xori %ge3A_484, %not3A : vector<16xi1>
      %and3A_486 = arith.andi %and3A_482, %not3A_485 : vector<16xi1>
      %and3A_487 = arith.andi %and3A_482, %ge3A_484 : vector<16xi1>
      %swap3A_488 = arith.constant 0 : i32
      %swap3A_489 = arith.index_cast %swap3A_488 : i32 to index
      %swap3A_490 = arith.index_cast %scan3A_443 : i32 to index
      %swap3A_491 = tpu.vector_load %arg15[%swap3A_489, %swap3A_490] masked %and3A_486 {strides = array<i32>} : memref<2x5136xi32, #tpu.memory_space<vmem>>, vector<16xi32>, vector<16xi1>
      tpu.vector_store %arg15[%swap3A_489, %swap3A_490], %get3A_453 masked %and3A_486 {strides = array<i32>} : memref<2x5136xi32, #tpu.memory_space<vmem>>, vector<16xi32>, vector<16xi1>
      %swap3A_492 = arith.constant 0 : i32
      %swap3A_493 = arith.index_cast %swap3A_492 : i32 to index
      %swap3A_494 = arith.index_cast %scan3A_443 : i32 to index
      %swap3A_495 = tpu.vector_load %arg17[%swap3A_493, %swap3A_494] masked %and3A_486 {strides = array<i32>} : memref<2x5136xf32, #tpu.memory_space<vmem>>, vector<16xf32>, vector<16xi1>
      tpu.vector_store %arg17[%swap3A_493, %swap3A_494], %abs3A masked %and3A_486 {strides = array<i32>} : memref<2x5136xf32, #tpu.memory_space<vmem>>, vector<16xf32>, vector<16xi1>
      %all_reduce_population_count3A = tpu.all_reduce %and3A_486 {dim = 0 : i64, kind = #tpu.reduction_kind<sum>} : vector<16xi1> -> vector<16xi32>
      %slice3A = vector.extract_strided_slice %all_reduce_population_count3A {offsets = [0], sizes = [1], strides = [1]} : vector<16xi32> to vector<1xi32>
      %squeeze3A = vector.extract %slice3A[0] : i32 from vector<1xi32>
      %add3A_496 = arith.addi %scan3A_443, %squeeze3A : i32
      %swap3A_497 = arith.constant 0 : i32
      %swap3A_498 = arith.index_cast %swap3A_497 : i32 to index
      %swap3A_499 = arith.index_cast %scan3A_444 : i32 to index
      %swap3A_500 = tpu.vector_load %arg16[%swap3A_498, %swap3A_499] masked %and3A_487 {strides = array<i32>} : memref<2x5136xi32, #tpu.memory_space<vmem>>, vector<16xi32>, vector<16xi1>
      tpu.vector_store %arg16[%swap3A_498, %swap3A_499], %get3A_453 masked %and3A_487 {strides = array<i32>} : memref<2x5136xi32, #tpu.memory_space<vmem>>, vector<16xi32>, vector<16xi1>
      %swap3A_501 = arith.constant 0 : i32
      %swap3A_502 = arith.index_cast %swap3A_501 : i32 to index
      %swap3A_503 = arith.index_cast %scan3A_444 : i32 to index
      %swap3A_504 = tpu.vector_load %arg18[%swap3A_502, %swap3A_503] masked %and3A_487 {strides = array<i32>} : memref<2x5136xf32, #tpu.memory_space<vmem>>, vector<16xf32>, vector<16xi1>
      tpu.vector_store %arg18[%swap3A_502, %swap3A_503], %abs3A masked %and3A_487 {strides = array<i32>} : memref<2x5136xf32, #tpu.memory_space<vmem>>, vector<16xf32>, vector<16xi1>
      %all_reduce_population_count3A_505 = tpu.all_reduce %and3A_487 {dim = 0 : i64, kind = #tpu.reduction_kind<sum>} : vector<16xi1> -> vector<16xi32>
      %slice3A_506 = vector.extract_strided_slice %all_reduce_population_count3A_505 {offsets = [0], sizes = [1], strides = [1]} : vector<16xi32> to vector<1xi32>
      %squeeze3A_507 = vector.extract %slice3A_506[0] : i32 from vector<1xi32>
      %add3A_508 = arith.addi %scan3A_444, %squeeze3A_507 : i32
      %mul3A_509 = arith.constant 4 : i32
      %mul3A_510 = arith.muli %scan3A_442, %mul3A_509 : i32
      %add3A_511 = arith.constant 1 : i32
      %add3A_512 = arith.addi %mul3A_510, %add3A_511 : i32
      %mul3A_513 = arith.constant 16 : i32
      %mul3A_514 = arith.muli %add3A_512, %mul3A_513 : i32
      %get3A_515 = arith.constant 0 : i32
      %get3A_516 = arith.index_cast %get3A_515 : i32 to index
      %get3A_517 = arith.index_cast %mul3A_514 : i32 to index
      %get3A_518 = tpu.vector_load %arg13[%get3A_516, %get3A_517] {strides = array<i32>} : memref<2x5120xi32, #tpu.memory_space<vmem>>, vector<16xi32>,
      %and3A_519 = arith.constant 16383 : i32
      %and3A_520 = vector.broadcast %and3A_519 : i32 to vector<16xi32>
      %and3A_521 = arith.andi %get3A_518, %and3A_520 : vector<16xi32>
      %shift_right_logical3A_522 = arith.constant 14 : i32
      %shift_right_logical3A_523 = vector.broadcast %shift_right_logical3A_522 : i32 to vector<16xi32>
      %shift_right_logical3A_524 = arith.shrui %get3A_518, %shift_right_logical3A_523 : vector<16xi32>
      %gather3A_525 = arith.constant 0 : i32
      %gather3A_526 = arith.constant 0 : i32
      %gather3A_527 = tpu.memref_slice %arg10[%gather3A_525, %gather3A_526] : memref<2x10000xf32, #tpu.memory_space<vmem>> -> memref<1x10000xf32, #tpu.memory_space<vmem>>
      %gather3A_528 = tpu.memref_squeeze %gather3A_527 : memref<1x10000xf32, #tpu.memory_space<vmem>> -> memref<10000xf32, #tpu.memory_space<vmem>>
      %gather3A_529 = tpu.vector_load_idx %gather3A_528[%and3A_521] : memref<10000xf32, #tpu.memory_space<vmem>>[vector<16xi32>], vector<16xf32>,
      %gather3A_530 = arith.constant 0 : i32
      %gather3A_531 = arith.constant 0 : i32
      %gather3A_532 = tpu.memref_slice %arg10[%gather3A_530, %gather3A_531] : memref<2x10000xf32, #tpu.memory_space<vmem>> -> memref<1x10000xf32, #tpu.memory_space<vmem>>
      %gather3A_533 = tpu.memref_squeeze %gather3A_532 : memref<1x10000xf32, #tpu.memory_space<vmem>> -> memref<10000xf32, #tpu.memory_space<vmem>>
      %gather3A_534 = tpu.vector_load_idx %gather3A_533[%shift_right_logical3A_524] : memref<10000xf32, #tpu.memory_space<vmem>>[vector<16xi32>], vector<16xf32>,
      %sub3A_535 = arith.subf %gather3A_534, %gather3A_529 : vector<16xf32>
      %abs3A_536 = math.absf %sub3A_535 : vector<16xf32>
      %mul3A_537 = arith.constant 16 : i32
      %mul3A_538 = arith.muli %add3A_512, %mul3A_537 : i32
      %swap3A_539 = arith.constant 0 : i32
      %swap3A_540 = arith.index_cast %swap3A_539 : i32 to index
      %swap3A_541 = arith.index_cast %mul3A_538 : i32 to index
      %swap3A_542 = tpu.vector_load %arg14[%swap3A_540, %swap3A_541] {strides = array<i32>} : memref<2x5120xf32, #tpu.memory_space<vmem>>, vector<16xf32>,
      tpu.vector_store %arg14[%swap3A_540, %swap3A_541], %abs3A_536 {strides = array<i32>} : memref<2x5120xf32, #tpu.memory_space<vmem>>, vector<16xf32>,
      %gather3A_543 = tpu.vector_load_idx %arg11[%shift_right_logical3A_524] : memref<10000xi32, #tpu.memory_space<vmem>>[vector<16xi32>], vector<16xi32>,
      %eq3A_544 = arith.constant 1 : i32
      %eq3A_545 = vector.broadcast %eq3A_544 : i32 to vector<16xi32>
      %eq3A_546 = arith.cmpi eq, %gather3A_543, %eq3A_545 : vector<16xi32>
      %mul3A_547 = arith.constant 16 : i32
      %mul3A_548 = arith.muli %add3A_512, %mul3A_547 : i32
      %add3A_549 = vector.broadcast %mul3A_548 : i32 to vector<16xi32>
      %add3A_550 = arith.addi %add3A_549, %iota3A : vector<16xi32>
      %lt3A_551 = vector.broadcast %min3A : i32 to vector<16xi32>
      %lt3A_552 = arith.cmpi slt, %add3A_550, %lt3A_551 : vector<16xi32>
      %and3A_553 = arith.andi %eq3A_546, %lt3A_552 : vector<16xi1>
      %ge3A_554 = arith.constant 5000 : i32
      %ge3A_555 = vector.broadcast %ge3A_554 : i32 to vector<16xi32>
      %ge3A_556 = arith.cmpi sge, %shift_right_logical3A_524, %ge3A_555 : vector<16xi32>
      %not3A_557 = arith.constant dense<true> : vector<16xi1>
      %not3A_558 = arith.xori %ge3A_556, %not3A_557 : vector<16xi1>
      %and3A_559 = arith.andi %and3A_553, %not3A_558 : vector<16xi1>
      %and3A_560 = arith.andi %and3A_553, %ge3A_556 : vector<16xi1>
      %swap3A_561 = arith.constant 0 : i32
      %swap3A_562 = arith.index_cast %swap3A_561 : i32 to index
      %swap3A_563 = arith.index_cast %add3A_496 : i32 to index
      %swap3A_564 = tpu.vector_load %arg15[%swap3A_562, %swap3A_563] masked %and3A_559 {strides = array<i32>} : memref<2x5136xi32, #tpu.memory_space<vmem>>, vector<16xi32>, vector<16xi1>
      tpu.vector_store %arg15[%swap3A_562, %swap3A_563], %get3A_518 masked %and3A_559 {strides = array<i32>} : memref<2x5136xi32, #tpu.memory_space<vmem>>, vector<16xi32>, vector<16xi1>
      %swap3A_565 = arith.constant 0 : i32
      %swap3A_566 = arith.index_cast %swap3A_565 : i32 to index
      %swap3A_567 = arith.index_cast %add3A_496 : i32 to index
      %swap3A_568 = tpu.vector_load %arg17[%swap3A_566, %swap3A_567] masked %and3A_559 {strides = array<i32>} : memref<2x5136xf32, #tpu.memory_space<vmem>>, vector<16xf32>, vector<16xi1>
      tpu.vector_store %arg17[%swap3A_566, %swap3A_567], %abs3A_536 masked %and3A_559 {strides = array<i32>} : memref<2x5136xf32, #tpu.memory_space<vmem>>, vector<16xf32>, vector<16xi1>
      %all_reduce_population_count3A_569 = tpu.all_reduce %and3A_559 {dim = 0 : i64, kind = #tpu.reduction_kind<sum>} : vector<16xi1> -> vector<16xi32>
      %slice3A_570 = vector.extract_strided_slice %all_reduce_population_count3A_569 {offsets = [0], sizes = [1], strides = [1]} : vector<16xi32> to vector<1xi32>
      %squeeze3A_571 = vector.extract %slice3A_570[0] : i32 from vector<1xi32>
      %add3A_572 = arith.addi %add3A_496, %squeeze3A_571 : i32
      %swap3A_573 = arith.constant 0 : i32
      %swap3A_574 = arith.index_cast %swap3A_573 : i32 to index
      %swap3A_575 = arith.index_cast %add3A_508 : i32 to index
      %swap3A_576 = tpu.vector_load %arg16[%swap3A_574, %swap3A_575] masked %and3A_560 {strides = array<i32>} : memref<2x5136xi32, #tpu.memory_space<vmem>>, vector<16xi32>, vector<16xi1>
      tpu.vector_store %arg16[%swap3A_574, %swap3A_575], %get3A_518 masked %and3A_560 {strides = array<i32>} : memref<2x5136xi32, #tpu.memory_space<vmem>>, vector<16xi32>, vector<16xi1>
      %swap3A_577 = arith.constant 0 : i32
      %swap3A_578 = arith.index_cast %swap3A_577 : i32 to index
      %swap3A_579 = arith.index_cast %add3A_508 : i32 to index
      %swap3A_580 = tpu.vector_load %arg18[%swap3A_578, %swap3A_579] masked %and3A_560 {strides = array<i32>} : memref<2x5136xf32, #tpu.memory_space<vmem>>, vector<16xf32>, vector<16xi1>
      tpu.vector_store %arg18[%swap3A_578, %swap3A_579], %abs3A_536 masked %and3A_560 {strides = array<i32>} : memref<2x5136xf32, #tpu.memory_space<vmem>>, vector<16xf32>, vector<16xi1>
      %all_reduce_population_count3A_581 = tpu.all_reduce %and3A_560 {dim = 0 : i64, kind = #tpu.reduction_kind<sum>} : vector<16xi1> -> vector<16xi32>
      %slice3A_582 = vector.extract_strided_slice %all_reduce_population_count3A_581 {offsets = [0], sizes = [1], strides = [1]} : vector<16xi32> to vector<1xi32>
      %squeeze3A_583 = vector.extract %slice3A_582[0] : i32 from vector<1xi32>
      %add3A_584 = arith.addi %add3A_508, %squeeze3A_583 : i32
      %mul3A_585 = arith.constant 4 : i32
      %mul3A_586 = arith.muli %scan3A_442, %mul3A_585 : i32
      %add3A_587 = arith.constant 2 : i32
      %add3A_588 = arith.addi %mul3A_586, %add3A_587 : i32
      %mul3A_589 = arith.constant 16 : i32
      %mul3A_590 = arith.muli %add3A_588, %mul3A_589 : i32
      %get3A_591 = arith.constant 0 : i32
      %get3A_592 = arith.index_cast %get3A_591 : i32 to index
      %get3A_593 = arith.index_cast %mul3A_590 : i32 to index
      %get3A_594 = tpu.vector_load %arg13[%get3A_592, %get3A_593] {strides = array<i32>} : memref<2x5120xi32, #tpu.memory_space<vmem>>, vector<16xi32>,
      %and3A_595 = arith.constant 16383 : i32
      %and3A_596 = vector.broadcast %and3A_595 : i32 to vector<16xi32>
      %and3A_597 = arith.andi %get3A_594, %and3A_596 : vector<16xi32>
      %shift_right_logical3A_598 = arith.constant 14 : i32
      %shift_right_logical3A_599 = vector.broadcast %shift_right_logical3A_598 : i32 to vector<16xi32>
      %shift_right_logical3A_600 = arith.shrui %get3A_594, %shift_right_logical3A_599 : vector<16xi32>
      %gather3A_601 = arith.constant 0 : i32
      %gather3A_602 = arith.constant 0 : i32
      %gather3A_603 = tpu.memref_slice %arg10[%gather3A_601, %gather3A_602] : memref<2x10000xf32, #tpu.memory_space<vmem>> -> memref<1x10000xf32, #tpu.memory_space<vmem>>
      %gather3A_604 = tpu.memref_squeeze %gather3A_603 : memref<1x10000xf32, #tpu.memory_space<vmem>> -> memref<10000xf32, #tpu.memory_space<vmem>>
      %gather3A_605 = tpu.vector_load_idx %gather3A_604[%and3A_597] : memref<10000xf32, #tpu.memory_space<vmem>>[vector<16xi32>], vector<16xf32>,
      %gather3A_606 = arith.constant 0 : i32
      %gather3A_607 = arith.constant 0 : i32
      %gather3A_608 = tpu.memref_slice %arg10[%gather3A_606, %gather3A_607] : memref<2x10000xf32, #tpu.memory_space<vmem>> -> memref<1x10000xf32, #tpu.memory_space<vmem>>
      %gather3A_609 = tpu.memref_squeeze %gather3A_608 : memref<1x10000xf32, #tpu.memory_space<vmem>> -> memref<10000xf32, #tpu.memory_space<vmem>>
      %gather3A_610 = tpu.vector_load_idx %gather3A_609[%shift_right_logical3A_600] : memref<10000xf32, #tpu.memory_space<vmem>>[vector<16xi32>], vector<16xf32>,
      %sub3A_611 = arith.subf %gather3A_610, %gather3A_605 : vector<16xf32>
      %abs3A_612 = math.absf %sub3A_611 : vector<16xf32>
      %mul3A_613 = arith.constant 16 : i32
      %mul3A_614 = arith.muli %add3A_588, %mul3A_613 : i32
      %swap3A_615 = arith.constant 0 : i32
      %swap3A_616 = arith.index_cast %swap3A_615 : i32 to index
      %swap3A_617 = arith.index_cast %mul3A_614 : i32 to index
      %swap3A_618 = tpu.vector_load %arg14[%swap3A_616, %swap3A_617] {strides = array<i32>} : memref<2x5120xf32, #tpu.memory_space<vmem>>, vector<16xf32>,
      tpu.vector_store %arg14[%swap3A_616, %swap3A_617], %abs3A_612 {strides = array<i32>} : memref<2x5120xf32, #tpu.memory_space<vmem>>, vector<16xf32>,
      %gather3A_619 = tpu.vector_load_idx %arg11[%shift_right_logical3A_600] : memref<10000xi32, #tpu.memory_space<vmem>>[vector<16xi32>], vector<16xi32>,
      %eq3A_620 = arith.constant 1 : i32
      %eq3A_621 = vector.broadcast %eq3A_620 : i32 to vector<16xi32>
      %eq3A_622 = arith.cmpi eq, %gather3A_619, %eq3A_621 : vector<16xi32>
      %mul3A_623 = arith.constant 16 : i32
      %mul3A_624 = arith.muli %add3A_588, %mul3A_623 : i32
      %add3A_625 = vector.broadcast %mul3A_624 : i32 to vector<16xi32>
      %add3A_626 = arith.addi %add3A_625, %iota3A : vector<16xi32>
      %lt3A_627 = vector.broadcast %min3A : i32 to vector<16xi32>
      %lt3A_628 = arith.cmpi slt, %add3A_626, %lt3A_627 : vector<16xi32>
      %and3A_629 = arith.andi %eq3A_622, %lt3A_628 : vector<16xi1>
      %ge3A_630 = arith.constant 5000 : i32
      %ge3A_631 = vector.broadcast %ge3A_630 : i32 to vector<16xi32>
      %ge3A_632 = arith.cmpi sge, %shift_right_logical3A_600, %ge3A_631 : vector<16xi32>
      %not3A_633 = arith.constant dense<true> : vector<16xi1>
      %not3A_634 = arith.xori %ge3A_632, %not3A_633 : vector<16xi1>
      %and3A_635 = arith.andi %and3A_629, %not3A_634 : vector<16xi1>
      %and3A_636 = arith.andi %and3A_629, %ge3A_632 : vector<16xi1>
      %swap3A_637 = arith.constant 0 : i32
      %swap3A_638 = arith.index_cast %swap3A_637 : i32 to index
      %swap3A_639 = arith.index_cast %add3A_572 : i32 to index
      %swap3A_640 = tpu.vector_load %arg15[%swap3A_638, %swap3A_639] masked %and3A_635 {strides = array<i32>} : memref<2x5136xi32, #tpu.memory_space<vmem>>, vector<16xi32>, vector<16xi1>
      tpu.vector_store %arg15[%swap3A_638, %swap3A_639], %get3A_594 masked %and3A_635 {strides = array<i32>} : memref<2x5136xi32, #tpu.memory_space<vmem>>, vector<16xi32>, vector<16xi1>
      %swap3A_641 = arith.constant 0 : i32
      %swap3A_642 = arith.index_cast %swap3A_641 : i32 to index
      %swap3A_643 = arith.index_cast %add3A_572 : i32 to index
      %swap3A_644 = tpu.vector_load %arg17[%swap3A_642, %swap3A_643] masked %and3A_635 {strides = array<i32>} : memref<2x5136xf32, #tpu.memory_space<vmem>>, vector<16xf32>, vector<16xi1>
      tpu.vector_store %arg17[%swap3A_642, %swap3A_643], %abs3A_612 masked %and3A_635 {strides = array<i32>} : memref<2x5136xf32, #tpu.memory_space<vmem>>, vector<16xf32>, vector<16xi1>
      %all_reduce_population_count3A_645 = tpu.all_reduce %and3A_635 {dim = 0 : i64, kind = #tpu.reduction_kind<sum>} : vector<16xi1> -> vector<16xi32>
      %slice3A_646 = vector.extract_strided_slice %all_reduce_population_count3A_645 {offsets = [0], sizes = [1], strides = [1]} : vector<16xi32> to vector<1xi32>
      %squeeze3A_647 = vector.extract %slice3A_646[0] : i32 from vector<1xi32>
      %add3A_648 = arith.addi %add3A_572, %squeeze3A_647 : i32
      %swap3A_649 = arith.constant 0 : i32
      %swap3A_650 = arith.index_cast %swap3A_649 : i32 to index
      %swap3A_651 = arith.index_cast %add3A_584 : i32 to index
      %swap3A_652 = tpu.vector_load %arg16[%swap3A_650, %swap3A_651] masked %and3A_636 {strides = array<i32>} : memref<2x5136xi32, #tpu.memory_space<vmem>>, vector<16xi32>, vector<16xi1>
      tpu.vector_store %arg16[%swap3A_650, %swap3A_651], %get3A_594 masked %and3A_636 {strides = array<i32>} : memref<2x5136xi32, #tpu.memory_space<vmem>>, vector<16xi32>, vector<16xi1>
      %swap3A_653 = arith.constant 0 : i32
      %swap3A_654 = arith.index_cast %swap3A_653 : i32 to index
      %swap3A_655 = arith.index_cast %add3A_584 : i32 to index
      %swap3A_656 = tpu.vector_load %arg18[%swap3A_654, %swap3A_655] masked %and3A_636 {strides = array<i32>} : memref<2x5136xf32, #tpu.memory_space<vmem>>, vector<16xf32>, vector<16xi1>
      tpu.vector_store %arg18[%swap3A_654, %swap3A_655], %abs3A_612 masked %and3A_636 {strides = array<i32>} : memref<2x5136xf32, #tpu.memory_space<vmem>>, vector<16xf32>, vector<16xi1>
      %all_reduce_population_count3A_657 = tpu.all_reduce %and3A_636 {dim = 0 : i64, kind = #tpu.reduction_kind<sum>} : vector<16xi1> -> vector<16xi32>
      %slice3A_658 = vector.extract_strided_slice %all_reduce_population_count3A_657 {offsets = [0], sizes = [1], strides = [1]} : vector<16xi32> to vector<1xi32>
      %squeeze3A_659 = vector.extract %slice3A_658[0] : i32 from vector<1xi32>
      %add3A_660 = arith.addi %add3A_584, %squeeze3A_659 : i32
      %mul3A_661 = arith.constant 4 : i32
      %mul3A_662 = arith.muli %scan3A_442, %mul3A_661 : i32
      %add3A_663 = arith.constant 3 : i32
      %add3A_664 = arith.addi %mul3A_662, %add3A_663 : i32
      %mul3A_665 = arith.constant 16 : i32
      %mul3A_666 = arith.muli %add3A_664, %mul3A_665 : i32
      %get3A_667 = arith.constant 0 : i32
      %get3A_668 = arith.index_cast %get3A_667 : i32 to index
      %get3A_669 = arith.index_cast %mul3A_666 : i32 to index
      %get3A_670 = tpu.vector_load %arg13[%get3A_668, %get3A_669] {strides = array<i32>} : memref<2x5120xi32, #tpu.memory_space<vmem>>, vector<16xi32>,
      %and3A_671 = arith.constant 16383 : i32
      %and3A_672 = vector.broadcast %and3A_671 : i32 to vector<16xi32>
      %and3A_673 = arith.andi %get3A_670, %and3A_672 : vector<16xi32>
      %shift_right_logical3A_674 = arith.constant 14 : i32
      %shift_right_logical3A_675 = vector.broadcast %shift_right_logical3A_674 : i32 to vector<16xi32>
      %shift_right_logical3A_676 = arith.shrui %get3A_670, %shift_right_logical3A_675 : vector<16xi32>
      %gather3A_677 = arith.constant 0 : i32
      %gather3A_678 = arith.constant 0 : i32
      %gather3A_679 = tpu.memref_slice %arg10[%gather3A_677, %gather3A_678] : memref<2x10000xf32, #tpu.memory_space<vmem>> -> memref<1x10000xf32, #tpu.memory_space<vmem>>
      %gather3A_680 = tpu.memref_squeeze %gather3A_679 : memref<1x10000xf32, #tpu.memory_space<vmem>> -> memref<10000xf32, #tpu.memory_space<vmem>>
      %gather3A_681 = tpu.vector_load_idx %gather3A_680[%and3A_673] : memref<10000xf32, #tpu.memory_space<vmem>>[vector<16xi32>], vector<16xf32>,
      %gather3A_682 = arith.constant 0 : i32
      %gather3A_683 = arith.constant 0 : i32
      %gather3A_684 = tpu.memref_slice %arg10[%gather3A_682, %gather3A_683] : memref<2x10000xf32, #tpu.memory_space<vmem>> -> memref<1x10000xf32, #tpu.memory_space<vmem>>
      %gather3A_685 = tpu.memref_squeeze %gather3A_684 : memref<1x10000xf32, #tpu.memory_space<vmem>> -> memref<10000xf32, #tpu.memory_space<vmem>>
      %gather3A_686 = tpu.vector_load_idx %gather3A_685[%shift_right_logical3A_676] : memref<10000xf32, #tpu.memory_space<vmem>>[vector<16xi32>], vector<16xf32>,
      %sub3A_687 = arith.subf %gather3A_686, %gather3A_681 : vector<16xf32>
      %abs3A_688 = math.absf %sub3A_687 : vector<16xf32>
      %mul3A_689 = arith.constant 16 : i32
      %mul3A_690 = arith.muli %add3A_664, %mul3A_689 : i32
      %swap3A_691 = arith.constant 0 : i32
      %swap3A_692 = arith.index_cast %swap3A_691 : i32 to index
      %swap3A_693 = arith.index_cast %mul3A_690 : i32 to index
      %swap3A_694 = tpu.vector_load %arg14[%swap3A_692, %swap3A_693] {strides = array<i32>} : memref<2x5120xf32, #tpu.memory_space<vmem>>, vector<16xf32>,
      tpu.vector_store %arg14[%swap3A_692, %swap3A_693], %abs3A_688 {strides = array<i32>} : memref<2x5120xf32, #tpu.memory_space<vmem>>, vector<16xf32>,
      %gather3A_695 = tpu.vector_load_idx %arg11[%shift_right_logical3A_676] : memref<10000xi32, #tpu.memory_space<vmem>>[vector<16xi32>], vector<16xi32>,
      %eq3A_696 = arith.constant 1 : i32
      %eq3A_697 = vector.broadcast %eq3A_696 : i32 to vector<16xi32>
      %eq3A_698 = arith.cmpi eq, %gather3A_695, %eq3A_697 : vector<16xi32>
      %mul3A_699 = arith.constant 16 : i32
      %mul3A_700 = arith.muli %add3A_664, %mul3A_699 : i32
      %add3A_701 = vector.broadcast %mul3A_700 : i32 to vector<16xi32>
      %add3A_702 = arith.addi %add3A_701, %iota3A : vector<16xi32>
      %lt3A_703 = vector.broadcast %min3A : i32 to vector<16xi32>
      %lt3A_704 = arith.cmpi slt, %add3A_702, %lt3A_703 : vector<16xi32>
      %and3A_705 = arith.andi %eq3A_698, %lt3A_704 : vector<16xi1>
      %ge3A_706 = arith.constant 5000 : i32
      %ge3A_707 = vector.broadcast %ge3A_706 : i32 to vector<16xi32>
      %ge3A_708 = arith.cmpi sge, %shift_right_logical3A_676, %ge3A_707 : vector<16xi32>
      %not3A_709 = arith.constant dense<true> : vector<16xi1>
      %not3A_710 = arith.xori %ge3A_708, %not3A_709 : vector<16xi1>
      %and3A_711 = arith.andi %and3A_705, %not3A_710 : vector<16xi1>
      %and3A_712 = arith.andi %and3A_705, %ge3A_708 : vector<16xi1>
      %swap3A_713 = arith.constant 0 : i32
      %swap3A_714 = arith.index_cast %swap3A_713 : i32 to index
      %swap3A_715 = arith.index_cast %add3A_648 : i32 to index
      %swap3A_716 = tpu.vector_load %arg15[%swap3A_714, %swap3A_715] masked %and3A_711 {strides = array<i32>} : memref<2x5136xi32, #tpu.memory_space<vmem>>, vector<16xi32>, vector<16xi1>
      tpu.vector_store %arg15[%swap3A_714, %swap3A_715], %get3A_670 masked %and3A_711 {strides = array<i32>} : memref<2x5136xi32, #tpu.memory_space<vmem>>, vector<16xi32>, vector<16xi1>
      %swap3A_717 = arith.constant 0 : i32
      %swap3A_718 = arith.index_cast %swap3A_717 : i32 to index
      %swap3A_719 = arith.index_cast %add3A_648 : i32 to index
      %swap3A_720 = tpu.vector_load %arg17[%swap3A_718, %swap3A_719] masked %and3A_711 {strides = array<i32>} : memref<2x5136xf32, #tpu.memory_space<vmem>>, vector<16xf32>, vector<16xi1>
      tpu.vector_store %arg17[%swap3A_718, %swap3A_719], %abs3A_688 masked %and3A_711 {strides = array<i32>} : memref<2x5136xf32, #tpu.memory_space<vmem>>, vector<16xf32>, vector<16xi1>
      %all_reduce_population_count3A_721 = tpu.all_reduce %and3A_711 {dim = 0 : i64, kind = #tpu.reduction_kind<sum>} : vector<16xi1> -> vector<16xi32>
      %slice3A_722 = vector.extract_strided_slice %all_reduce_population_count3A_721 {offsets = [0], sizes = [1], strides = [1]} : vector<16xi32> to vector<1xi32>
      %squeeze3A_723 = vector.extract %slice3A_722[0] : i32 from vector<1xi32>
      %add3A_724 = arith.addi %add3A_648, %squeeze3A_723 : i32
      %swap3A_725 = arith.constant 0 : i32
      %swap3A_726 = arith.index_cast %swap3A_725 : i32 to index
      %swap3A_727 = arith.index_cast %add3A_660 : i32 to index
      %swap3A_728 = tpu.vector_load %arg16[%swap3A_726, %swap3A_727] masked %and3A_712 {strides = array<i32>} : memref<2x5136xi32, #tpu.memory_space<vmem>>, vector<16xi32>, vector<16xi1>
      tpu.vector_store %arg16[%swap3A_726, %swap3A_727], %get3A_670 masked %and3A_712 {strides = array<i32>} : memref<2x5136xi32, #tpu.memory_space<vmem>>, vector<16xi32>, vector<16xi1>
      %swap3A_729 = arith.constant 0 : i32
      %swap3A_730 = arith.index_cast %swap3A_729 : i32 to index
      %swap3A_731 = arith.index_cast %add3A_660 : i32 to index
      %swap3A_732 = tpu.vector_load %arg18[%swap3A_730, %swap3A_731] masked %and3A_712 {strides = array<i32>} : memref<2x5136xf32, #tpu.memory_space<vmem>>, vector<16xf32>, vector<16xi1>
      tpu.vector_store %arg18[%swap3A_730, %swap3A_731], %abs3A_688 masked %and3A_712 {strides = array<i32>} : memref<2x5136xf32, #tpu.memory_space<vmem>>, vector<16xf32>, vector<16xi1>
      %all_reduce_population_count3A_733 = tpu.all_reduce %and3A_712 {dim = 0 : i64, kind = #tpu.reduction_kind<sum>} : vector<16xi1> -> vector<16xi32>
      %slice3A_734 = vector.extract_strided_slice %all_reduce_population_count3A_733 {offsets = [0], sizes = [1], strides = [1]} : vector<16xi32> to vector<1xi32>
      %squeeze3A_735 = vector.extract %slice3A_734[0] : i32 from vector<1xi32>
      %add3A_736 = arith.addi %add3A_660, %squeeze3A_735 : i32
      scf.yield %add3A_724, %add3A_736 : i32, i32
    }
    %scan3A_113 = arith.constant 80 : i32
    %broadcast_in_dim3A = arith.constant 0 : i32
    %broadcast_in_dim3A_114 = vector.broadcast %broadcast_in_dim3A : i32 to vector<16xi32>
    %add3A_115 = vector.broadcast %scan3A_112#0 : i32 to vector<16xi32>
    %add3A_116 = arith.addi %broadcast_in_dim3A_114, %add3A_115 : vector<16xi32>
    %swap3A = arith.constant 0 : i32
    %swap3A_117 = arith.index_cast %swap3A : i32 to index
    %swap3A_118 = arith.constant 0 : index
    %swap3A_119 = tpu.vector_load %arg19[%swap3A_117, %swap3A_118] {strides = array<i32>} : memref<2x32xi32, #tpu.memory_space<vmem>>, vector<16xi32>,
    tpu.vector_store %arg19[%swap3A_117, %swap3A_118], %add3A_116 {strides = array<i32>} : memref<2x32xi32, #tpu.memory_space<vmem>>, vector<16xi32>,
    %broadcast_in_dim3A_120 = arith.constant 0 : i32
    %broadcast_in_dim3A_121 = vector.broadcast %broadcast_in_dim3A_120 : i32 to vector<16xi32>
    %add3A_122 = vector.broadcast %scan3A_112#1 : i32 to vector<16xi32>
    %add3A_123 = arith.addi %broadcast_in_dim3A_121, %add3A_122 : vector<16xi32>
    %swap3A_124 = arith.constant 0 : i32
    %swap3A_125 = arith.index_cast %swap3A_124 : i32 to index
    %swap3A_126 = arith.constant 16 : index
    %swap3A_127 = tpu.vector_load %arg19[%swap3A_125, %swap3A_126] {strides = array<i32>} : memref<2x32xi32, #tpu.memory_space<vmem>>, vector<16xi32>,
    tpu.vector_store %arg19[%swap3A_125, %swap3A_126], %add3A_123 {strides = array<i32>} : memref<2x32xi32, #tpu.memory_space<vmem>>, vector<16xi32>,
    %add3A_128 = arith.constant 0 : i32
    %add3A_129 = arith.addi %add3A_128, %add3A : i32
    %mul3A_130 = arith.constant 2 : i32
    %mul3A_131 = arith.muli %add3A_129, %mul3A_130 : i32
    %mul3A_132 = arith.constant 5120 : i32
    %mul3A_133 = arith.muli %mul3A_131, %mul3A_132 : i32
    %add3A_134 = arith.constant 0 : i32
    %add3A_135 = arith.addi %add3A_134, %mul3A_2 : i32
    %dma_start3A_136 = arith.constant 0 : i32
    %dma_start3A_137 = arith.constant 0 : i32
    %dma_start3A_138 = tpu.memref_slice %arg14[%dma_start3A_136, %dma_start3A_137] : memref<2x5120xf32, #tpu.memory_space<vmem>> -> memref<1x5120xf32, #tpu.memory_space<vmem>>
    %dma_start3A_139 = tpu.memref_squeeze %dma_start3A_138 : memref<1x5120xf32, #tpu.memory_space<vmem>> -> memref<5120xf32, #tpu.memory_space<vmem>>
    %dma_start3A_140 = tpu.memref_slice %arg6[%add3A_135] : memref<327680xf32, #tpu.memory_space<hbm>> -> memref<5120xf32, #tpu.memory_space<hbm>>
    %dma_start3A_141 = tpu.memref_slice %arg6[%add3A_135] : memref<327680xf32, #tpu.memory_space<hbm>> -> memref<5120xf32, #tpu.memory_space<hbm>>
    %dma_start3A_142 = arith.constant 0 : i32
    %dma_start3A_143 = tpu.memref_slice %arg14[%dma_start3A_136, %dma_start3A_142] : memref<2x5120xf32, #tpu.memory_space<vmem>> -> memref<1x5120xf32, #tpu.memory_space<vmem>>
    %dma_start3A_144 = tpu.memref_squeeze %dma_start3A_143 : memref<1x5120xf32, #tpu.memory_space<vmem>> -> memref<5120xf32, #tpu.memory_space<vmem>>
    tpu.enqueue_dma source(%dma_start3A_144 : memref<5120xf32, #tpu.memory_space<vmem>>) target(%dma_start3A_141 : memref<5120xf32, #tpu.memory_space<hbm>>) target_semaphore(%arg21 : memref<!tpu.dma_semaphore, #tpu.memory_space<semaphore_mem>>)
    %dma_start3A_145 = arith.constant 0 : i32
    %dma_start3A_146 = arith.constant 0 : i32
    %dma_start3A_147 = tpu.memref_slice %arg15[%dma_start3A_145, %dma_start3A_146] : memref<2x5136xi32, #tpu.memory_space<vmem>> -> memref<1x5120xi32, #tpu.memory_space<vmem>>
    %dma_start3A_148 = tpu.memref_squeeze %dma_start3A_147 : memref<1x5120xi32, #tpu.memory_space<vmem>> -> memref<5120xi32, #tpu.memory_space<vmem>>
    %dma_start3A_149 = tpu.memref_slice %arg7[%mul3A_133] : memref<655360xi32, #tpu.memory_space<hbm>> -> memref<5120xi32, #tpu.memory_space<hbm>>
    %dma_start3A_150 = tpu.memref_slice %arg7[%mul3A_133] : memref<655360xi32, #tpu.memory_space<hbm>> -> memref<5120xi32, #tpu.memory_space<hbm>>
    %dma_start3A_151 = arith.constant 0 : i32
    %dma_start3A_152 = tpu.memref_slice %arg15[%dma_start3A_145, %dma_start3A_151] : memref<2x5136xi32, #tpu.memory_space<vmem>> -> memref<1x5120xi32, #tpu.memory_space<vmem>>
    %dma_start3A_153 = tpu.memref_squeeze %dma_start3A_152 : memref<1x5120xi32, #tpu.memory_space<vmem>> -> memref<5120xi32, #tpu.memory_space<vmem>>
    tpu.enqueue_dma source(%dma_start3A_153 : memref<5120xi32, #tpu.memory_space<vmem>>) target(%dma_start3A_150 : memref<5120xi32, #tpu.memory_space<hbm>>) target_semaphore(%arg21 : memref<!tpu.dma_semaphore, #tpu.memory_space<semaphore_mem>>)
    %dma_start3A_154 = arith.constant 0 : i32
    %dma_start3A_155 = arith.constant 0 : i32
    %dma_start3A_156 = tpu.memref_slice %arg17[%dma_start3A_154, %dma_start3A_155] : memref<2x5136xf32, #tpu.memory_space<vmem>> -> memref<1x5120xf32, #tpu.memory_space<vmem>>
    %dma_start3A_157 = tpu.memref_squeeze %dma_start3A_156 : memref<1x5120xf32, #tpu.memory_space<vmem>> -> memref<5120xf32, #tpu.memory_space<vmem>>
    %dma_start3A_158 = tpu.memref_slice %arg8[%mul3A_133] : memref<655360xf32, #tpu.memory_space<hbm>> -> memref<5120xf32, #tpu.memory_space<hbm>>
    %dma_start3A_159 = tpu.memref_slice %arg8[%mul3A_133] : memref<655360xf32, #tpu.memory_space<hbm>> -> memref<5120xf32, #tpu.memory_space<hbm>>
    %dma_start3A_160 = arith.constant 0 : i32
    %dma_start3A_161 = tpu.memref_slice %arg17[%dma_start3A_154, %dma_start3A_160] : memref<2x5136xf32, #tpu.memory_space<vmem>> -> memref<1x5120xf32, #tpu.memory_space<vmem>>
    %dma_start3A_162 = tpu.memref_squeeze %dma_start3A_161 : memref<1x5120xf32, #tpu.memory_space<vmem>> -> memref<5120xf32, #tpu.memory_space<vmem>>
    tpu.enqueue_dma source(%dma_start3A_162 : memref<5120xf32, #tpu.memory_space<vmem>>) target(%dma_start3A_159 : memref<5120xf32, #tpu.memory_space<hbm>>) target_semaphore(%arg21 : memref<!tpu.dma_semaphore, #tpu.memory_space<semaphore_mem>>)
    %add3A_163 = arith.constant 5120 : i32
    %add3A_164 = arith.addi %mul3A_133, %add3A_163 : i32
    %dma_start3A_165 = arith.constant 0 : i32
    %dma_start3A_166 = arith.constant 0 : i32
    %dma_start3A_167 = tpu.memref_slice %arg16[%dma_start3A_165, %dma_start3A_166] : memref<2x5136xi32, #tpu.memory_space<vmem>> -> memref<1x5120xi32, #tpu.memory_space<vmem>>
    %dma_start3A_168 = tpu.memref_squeeze %dma_start3A_167 : memref<1x5120xi32, #tpu.memory_space<vmem>> -> memref<5120xi32, #tpu.memory_space<vmem>>
    %dma_start3A_169 = tpu.memref_slice %arg7[%add3A_164] : memref<655360xi32, #tpu.memory_space<hbm>> -> memref<5120xi32, #tpu.memory_space<hbm>>
    %dma_start3A_170 = tpu.memref_slice %arg7[%add3A_164] : memref<655360xi32, #tpu.memory_space<hbm>> -> memref<5120xi32, #tpu.memory_space<hbm>>
    %dma_start3A_171 = arith.constant 0 : i32
    %dma_start3A_172 = tpu.memref_slice %arg16[%dma_start3A_165, %dma_start3A_171] : memref<2x5136xi32, #tpu.memory_space<vmem>> -> memref<1x5120xi32, #tpu.memory_space<vmem>>
    %dma_start3A_173 = tpu.memref_squeeze %dma_start3A_172 : memref<1x5120xi32, #tpu.memory_space<vmem>> -> memref<5120xi32, #tpu.memory_space<vmem>>
    tpu.enqueue_dma source(%dma_start3A_173 : memref<5120xi32, #tpu.memory_space<vmem>>) target(%dma_start3A_170 : memref<5120xi32, #tpu.memory_space<hbm>>) target_semaphore(%arg21 : memref<!tpu.dma_semaphore, #tpu.memory_space<semaphore_mem>>)
    %add3A_174 = arith.constant 5120 : i32
    %add3A_175 = arith.addi %mul3A_133, %add3A_174 : i32
    %dma_start3A_176 = arith.constant 0 : i32
    %dma_start3A_177 = arith.constant 0 : i32
    %dma_start3A_178 = tpu.memref_slice %arg18[%dma_start3A_176, %dma_start3A_177] : memref<2x5136xf32, #tpu.memory_space<vmem>> -> memref<1x5120xf32, #tpu.memory_space<vmem>>
    %dma_start3A_179 = tpu.memref_squeeze %dma_start3A_178 : memref<1x5120xf32, #tpu.memory_space<vmem>> -> memref<5120xf32, #tpu.memory_space<vmem>>
    %dma_start3A_180 = tpu.memref_slice %arg8[%add3A_175] : memref<655360xf32, #tpu.memory_space<hbm>> -> memref<5120xf32, #tpu.memory_space<hbm>>
    %dma_start3A_181 = tpu.memref_slice %arg8[%add3A_175] : memref<655360xf32, #tpu.memory_space<hbm>> -> memref<5120xf32, #tpu.memory_space<hbm>>
    %dma_start3A_182 = arith.constant 0 : i32
    %dma_start3A_183 = tpu.memref_slice %arg18[%dma_start3A_176, %dma_start3A_182] : memref<2x5136xf32, #tpu.memory_space<vmem>> -> memref<1x5120xf32, #tpu.memory_space<vmem>>
    %dma_start3A_184 = tpu.memref_squeeze %dma_start3A_183 : memref<1x5120xf32, #tpu.memory_space<vmem>> -> memref<5120xf32, #tpu.memory_space<vmem>>
    tpu.enqueue_dma source(%dma_start3A_184 : memref<5120xf32, #tpu.memory_space<vmem>>) target(%dma_start3A_181 : memref<5120xf32, #tpu.memory_space<hbm>>) target_semaphore(%arg21 : memref<!tpu.dma_semaphore, #tpu.memory_space<semaphore_mem>>)
    %add3A_185 = arith.constant 0 : i32
    %add3A_186 = arith.addi %add3A_185, %add3A : i32
    %mul3A_187 = arith.constant 2 : i32
    %mul3A_188 = arith.muli %add3A_186, %mul3A_187 : i32
    %mul3A_189 = arith.constant 16 : i32
    %mul3A_190 = arith.muli %mul3A_188, %mul3A_189 : i32
    %dma_start3A_191 = arith.constant 0 : i32
    %dma_start3A_192 = arith.constant 0 : i32
    %dma_start3A_193 = tpu.memref_slice %arg19[%dma_start3A_191, %dma_start3A_192] : memref<2x32xi32, #tpu.memory_space<vmem>> -> memref<1x32xi32, #tpu.memory_space<vmem>>
    %dma_start3A_194 = tpu.memref_squeeze %dma_start3A_193 : memref<1x32xi32, #tpu.memory_space<vmem>> -> memref<32xi32, #tpu.memory_space<vmem>>
    %dma_start3A_195 = tpu.memref_slice %arg9[%mul3A_190] : memref<2048xi32, #tpu.memory_space<hbm>> -> memref<32xi32, #tpu.memory_space<hbm>>
    %dma_start3A_196 = tpu.memref_slice %arg9[%mul3A_190] : memref<2048xi32, #tpu.memory_space<hbm>> -> memref<32xi32, #tpu.memory_space<hbm>>
    %dma_start3A_197 = arith.constant 0 : i32
    %dma_start3A_198 = tpu.memref_slice %arg19[%dma_start3A_191, %dma_start3A_197] : memref<2x32xi32, #tpu.memory_space<vmem>> -> memref<1x32xi32, #tpu.memory_space<vmem>>
    %dma_start3A_199 = tpu.memref_squeeze %dma_start3A_198 : memref<1x32xi32, #tpu.memory_space<vmem>> -> memref<32xi32, #tpu.memory_space<vmem>>
    tpu.enqueue_dma source(%dma_start3A_199 : memref<32xi32, #tpu.memory_space<vmem>>) target(%dma_start3A_196 : memref<32xi32, #tpu.memory_space<hbm>>) target_semaphore(%arg21 : memref<!tpu.dma_semaphore, #tpu.memory_space<semaphore_mem>>)
    %dma_wait3A_200 = arith.constant 1 : i32
    %dma_wait3A_201 = arith.constant 0 : i32
    %dma_wait3A_202 = tpu.memref_slice %arg10[%dma_wait3A_200, %dma_wait3A_201] : memref<2x10000xf32, #tpu.memory_space<vmem>> -> memref<1x10000xf32, #tpu.memory_space<vmem>>
    %dma_wait3A_203 = tpu.memref_squeeze %dma_wait3A_202 : memref<1x10000xf32, #tpu.memory_space<vmem>> -> memref<10000xf32, #tpu.memory_space<vmem>>
    %dma_wait3A_204 = arith.constant 10000 : i32
    %dma_wait3A_205 = tpu.memref_slice %arg2[%dma_wait3A_204] : memref<20000xf32, #tpu.memory_space<hbm>> -> memref<10000xf32, #tpu.memory_space<hbm>>
    %dma_wait3A_206 = arith.constant 0 : i32
    %dma_wait3A_207 = tpu.memref_slice %arg10[%dma_wait3A_200, %dma_wait3A_206] : memref<2x10000xf32, #tpu.memory_space<vmem>> -> memref<1x10000xf32, #tpu.memory_space<vmem>>
    %dma_wait3A_208 = tpu.memref_squeeze %dma_wait3A_207 : memref<1x10000xf32, #tpu.memory_space<vmem>> -> memref<10000xf32, #tpu.memory_space<vmem>>
    %dma_wait3A_209 = arith.constant 10000 : i32
    %dma_wait3A_210 = tpu.memref_slice %arg2[%dma_wait3A_209] : memref<20000xf32, #tpu.memory_space<hbm>> -> memref<10000xf32, #tpu.memory_space<hbm>>
    tpu.wait_dma2 semaphore(%arg20 : memref<!tpu.dma_semaphore, #tpu.memory_space<semaphore_mem>>) src(%dma_wait3A_210 : memref<10000xf32, #tpu.memory_space<hbm>>) dst(%dma_wait3A_208 : memref<10000xf32, #tpu.memory_space<vmem>>)
    %dma_wait3A_211 = arith.constant 1 : i32
    %dma_wait3A_212 = arith.constant 0 : i32
    %dma_wait3A_213 = tpu.memref_slice %arg13[%dma_wait3A_211, %dma_wait3A_212] : memref<2x5120xi32, #tpu.memory_space<vmem>> -> memref<1x5120xi32, #tpu.memory_space<vmem>>
    %dma_wait3A_214 = tpu.memref_squeeze %dma_wait3A_213 : memref<1x5120xi32, #tpu.memory_space<vmem>> -> memref<5120xi32, #tpu.memory_space<vmem>>
    %dma_wait3A_215 = tpu.memref_slice %arg3[%add3A_79] : memref<327680xi32, #tpu.memory_space<hbm>> -> memref<5120xi32, #tpu.memory_space<hbm>>
    %dma_wait3A_216 = arith.constant 0 : i32
    %dma_wait3A_217 = tpu.memref_slice %arg13[%dma_wait3A_211, %dma_wait3A_216] : memref<2x5120xi32, #tpu.memory_space<vmem>> -> memref<1x5120xi32, #tpu.memory_space<vmem>>
    %dma_wait3A_218 = tpu.memref_squeeze %dma_wait3A_217 : memref<1x5120xi32, #tpu.memory_space<vmem>> -> memref<5120xi32, #tpu.memory_space<vmem>>
    %dma_wait3A_219 = tpu.memref_slice %arg3[%add3A_79] : memref<327680xi32, #tpu.memory_space<hbm>> -> memref<5120xi32, #tpu.memory_space<hbm>>
    tpu.wait_dma2 semaphore(%arg20 : memref<!tpu.dma_semaphore, #tpu.memory_space<semaphore_mem>>) src(%dma_wait3A_219 : memref<5120xi32, #tpu.memory_space<hbm>>) dst(%dma_wait3A_218 : memref<5120xi32, #tpu.memory_space<vmem>>)
    %dma_wait3A_220 = arith.constant 1 : i32
    %dma_wait3A_221 = arith.constant 0 : i32
    %dma_wait3A_222 = tpu.memref_slice %arg12[%dma_wait3A_220, %dma_wait3A_221] : memref<2x1024xi32, #tpu.memory_space<vmem>> -> memref<1x1024xi32, #tpu.memory_space<vmem>>
    %dma_wait3A_223 = tpu.memref_squeeze %dma_wait3A_222 : memref<1x1024xi32, #tpu.memory_space<vmem>> -> memref<1024xi32, #tpu.memory_space<vmem>>
    %dma_wait3A_224 = arith.constant 1024 : i32
    %dma_wait3A_225 = tpu.memref_slice %arg4[%dma_wait3A_224] : memref<2048xi32, #tpu.memory_space<hbm>> -> memref<1024xi32, #tpu.memory_space<hbm>>
    %dma_wait3A_226 = arith.constant 0 : i32
    %dma_wait3A_227 = tpu.memref_slice %arg12[%dma_wait3A_220, %dma_wait3A_226] : memref<2x1024xi32, #tpu.memory_space<vmem>> -> memref<1x1024xi32, #tpu.memory_space<vmem>>
    %dma_wait3A_228 = tpu.memref_squeeze %dma_wait3A_227 : memref<1x1024xi32, #tpu.memory_space<vmem>> -> memref<1024xi32, #tpu.memory_space<vmem>>
    %dma_wait3A_229 = arith.constant 1024 : i32
    %dma_wait3A_230 = tpu.memref_slice %arg4[%dma_wait3A_229] : memref<2048xi32, #tpu.memory_space<hbm>> -> memref<1024xi32, #tpu.memory_space<hbm>>
    tpu.wait_dma2 semaphore(%arg20 : memref<!tpu.dma_semaphore, #tpu.memory_space<semaphore_mem>>) src(%dma_wait3A_230 : memref<1024xi32, #tpu.memory_space<hbm>>) dst(%dma_wait3A_228 : memref<1024xi32, #tpu.memory_space<vmem>>)
    %scan3A_231 = arith.constant 0 : i32
    %scan3A_232 = arith.constant 0 : i32
    %scan3A_233 = arith.constant 64 : i32
    %scan3A_234 = arith.addi %scan3A_232, %scan3A_233 : i32
    %scan3A_235 = arith.constant 1 : i32
    %scan3A_236 = scf.for %scan3A_442 = %scan3A_232 to %scan3A_234 step %scan3A_235 iter_args(%scan3A_443 = %scan3A_231) -> (i32)  : i32 {
      %mul3A_444 = arith.constant 16 : i32
      %mul3A_445 = arith.muli %scan3A_442, %mul3A_444 : i32
      %get3A = arith.constant 1 : i32
      %get3A_446 = arith.index_cast %get3A : i32 to index
      %get3A_447 = arith.index_cast %mul3A_445 : i32 to index
      %get3A_448 = tpu.vector_load %arg12[%get3A_446, %get3A_447] {strides = array<i32>} : memref<2x1024xi32, #tpu.memory_space<vmem>>, vector<16xi32>,
      %broadcast_in_dim3A_449 = arith.constant 2 : i32
      %broadcast_in_dim3A_450 = vector.broadcast %broadcast_in_dim3A_449 : i32 to vector<16xi32>
      tpu.vector_store_idx %arg11[%get3A_448], %broadcast_in_dim3A_450 : memref<10000xi32, #tpu.memory_space<vmem>>[vector<16xi32>], vector<16xi32>,
      %scan3A_451 = arith.constant 0 : i32
      scf.yield %scan3A_451 : i32
    }
    %scan3A_237 = arith.constant 64 : i32
    %scan3A_238 = arith.constant 0 : i32
    %scan3A_239 = arith.constant 0 : i32
    %scan3A_240 = arith.constant 0 : i32
    %scan3A_241 = arith.constant 80 : i32
    %scan3A_242 = arith.addi %scan3A_240, %scan3A_241 : i32
    %scan3A_243 = arith.constant 1 : i32
    %scan3A_244:2 = scf.for %scan3A_442 = %scan3A_240 to %scan3A_242 step %scan3A_243 iter_args(%scan3A_443 = %scan3A_238, %scan3A_444 = %scan3A_239) -> (i32, i32)  : i32 {
      %mul3A_445 = arith.constant 4 : i32
      %mul3A_446 = arith.muli %scan3A_442, %mul3A_445 : i32
      %add3A_447 = arith.constant 0 : i32
      %add3A_448 = arith.addi %mul3A_446, %add3A_447 : i32
      %mul3A_449 = arith.constant 16 : i32
      %mul3A_450 = arith.muli %add3A_448, %mul3A_449 : i32
      %get3A = arith.constant 1 : i32
      %get3A_451 = arith.index_cast %get3A : i32 to index
      %get3A_452 = arith.index_cast %mul3A_450 : i32 to index
      %get3A_453 = tpu.vector_load %arg13[%get3A_451, %get3A_452] {strides = array<i32>} : memref<2x5120xi32, #tpu.memory_space<vmem>>, vector<16xi32>,
      %and3A = arith.constant 16383 : i32
      %and3A_454 = vector.broadcast %and3A : i32 to vector<16xi32>
      %and3A_455 = arith.andi %get3A_453, %and3A_454 : vector<16xi32>
      %shift_right_logical3A = arith.constant 14 : i32
      %shift_right_logical3A_456 = vector.broadcast %shift_right_logical3A : i32 to vector<16xi32>
      %shift_right_logical3A_457 = arith.shrui %get3A_453, %shift_right_logical3A_456 : vector<16xi32>
      %gather3A = arith.constant 1 : i32
      %gather3A_458 = arith.constant 0 : i32
      %gather3A_459 = tpu.memref_slice %arg10[%gather3A, %gather3A_458] : memref<2x10000xf32, #tpu.memory_space<vmem>> -> memref<1x10000xf32, #tpu.memory_space<vmem>>
      %gather3A_460 = tpu.memref_squeeze %gather3A_459 : memref<1x10000xf32, #tpu.memory_space<vmem>> -> memref<10000xf32, #tpu.memory_space<vmem>>
      %gather3A_461 = tpu.vector_load_idx %gather3A_460[%and3A_455] : memref<10000xf32, #tpu.memory_space<vmem>>[vector<16xi32>], vector<16xf32>,
      %gather3A_462 = arith.constant 1 : i32
      %gather3A_463 = arith.constant 0 : i32
      %gather3A_464 = tpu.memref_slice %arg10[%gather3A_462, %gather3A_463] : memref<2x10000xf32, #tpu.memory_space<vmem>> -> memref<1x10000xf32, #tpu.memory_space<vmem>>
      %gather3A_465 = tpu.memref_squeeze %gather3A_464 : memref<1x10000xf32, #tpu.memory_space<vmem>> -> memref<10000xf32, #tpu.memory_space<vmem>>
      %gather3A_466 = tpu.vector_load_idx %gather3A_465[%shift_right_logical3A_457] : memref<10000xf32, #tpu.memory_space<vmem>>[vector<16xi32>], vector<16xf32>,
      %sub3A_467 = arith.subf %gather3A_466, %gather3A_461 : vector<16xf32>
      %abs3A = math.absf %sub3A_467 : vector<16xf32>
      %mul3A_468 = arith.constant 16 : i32
      %mul3A_469 = arith.muli %add3A_448, %mul3A_468 : i32
      %swap3A_470 = arith.constant 1 : i32
      %swap3A_471 = arith.index_cast %swap3A_470 : i32 to index
      %swap3A_472 = arith.index_cast %mul3A_469 : i32 to index
      %swap3A_473 = tpu.vector_load %arg14[%swap3A_471, %swap3A_472] {strides = array<i32>} : memref<2x5120xf32, #tpu.memory_space<vmem>>, vector<16xf32>,
      tpu.vector_store %arg14[%swap3A_471, %swap3A_472], %abs3A {strides = array<i32>} : memref<2x5120xf32, #tpu.memory_space<vmem>>, vector<16xf32>,
      %gather3A_474 = tpu.vector_load_idx %arg11[%shift_right_logical3A_457] : memref<10000xi32, #tpu.memory_space<vmem>>[vector<16xi32>], vector<16xi32>,
      %eq3A = arith.constant 2 : i32
      %eq3A_475 = vector.broadcast %eq3A : i32 to vector<16xi32>
      %eq3A_476 = arith.cmpi eq, %gather3A_474, %eq3A_475 : vector<16xi32>
      %mul3A_477 = arith.constant 16 : i32
      %mul3A_478 = arith.muli %add3A_448, %mul3A_477 : i32
      %add3A_479 = vector.broadcast %mul3A_478 : i32 to vector<16xi32>
      %add3A_480 = arith.addi %add3A_479, %iota3A : vector<16xi32>
      %lt3A = vector.broadcast %min3A : i32 to vector<16xi32>
      %lt3A_481 = arith.cmpi slt, %add3A_480, %lt3A : vector<16xi32>
      %and3A_482 = arith.andi %eq3A_476, %lt3A_481 : vector<16xi1>
      %ge3A = arith.constant 5000 : i32
      %ge3A_483 = vector.broadcast %ge3A : i32 to vector<16xi32>
      %ge3A_484 = arith.cmpi sge, %shift_right_logical3A_457, %ge3A_483 : vector<16xi32>
      %not3A = arith.constant dense<true> : vector<16xi1>
      %not3A_485 = arith.xori %ge3A_484, %not3A : vector<16xi1>
      %and3A_486 = arith.andi %and3A_482, %not3A_485 : vector<16xi1>
      %and3A_487 = arith.andi %and3A_482, %ge3A_484 : vector<16xi1>
      %swap3A_488 = arith.constant 1 : i32
      %swap3A_489 = arith.index_cast %swap3A_488 : i32 to index
      %swap3A_490 = arith.index_cast %scan3A_443 : i32 to index
      %swap3A_491 = tpu.vector_load %arg15[%swap3A_489, %swap3A_490] masked %and3A_486 {strides = array<i32>} : memref<2x5136xi32, #tpu.memory_space<vmem>>, vector<16xi32>, vector<16xi1>
      tpu.vector_store %arg15[%swap3A_489, %swap3A_490], %get3A_453 masked %and3A_486 {strides = array<i32>} : memref<2x5136xi32, #tpu.memory_space<vmem>>, vector<16xi32>, vector<16xi1>
      %swap3A_492 = arith.constant 1 : i32
      %swap3A_493 = arith.index_cast %swap3A_492 : i32 to index
      %swap3A_494 = arith.index_cast %scan3A_443 : i32 to index
      %swap3A_495 = tpu.vector_load %arg17[%swap3A_493, %swap3A_494] masked %and3A_486 {strides = array<i32>} : memref<2x5136xf32, #tpu.memory_space<vmem>>, vector<16xf32>, vector<16xi1>
      tpu.vector_store %arg17[%swap3A_493, %swap3A_494], %abs3A masked %and3A_486 {strides = array<i32>} : memref<2x5136xf32, #tpu.memory_space<vmem>>, vector<16xf32>, vector<16xi1>
      %all_reduce_population_count3A = tpu.all_reduce %and3A_486 {dim = 0 : i64, kind = #tpu.reduction_kind<sum>} : vector<16xi1> -> vector<16xi32>
      %slice3A = vector.extract_strided_slice %all_reduce_population_count3A {offsets = [0], sizes = [1], strides = [1]} : vector<16xi32> to vector<1xi32>
      %squeeze3A = vector.extract %slice3A[0] : i32 from vector<1xi32>
      %add3A_496 = arith.addi %scan3A_443, %squeeze3A : i32
      %swap3A_497 = arith.constant 1 : i32
      %swap3A_498 = arith.index_cast %swap3A_497 : i32 to index
      %swap3A_499 = arith.index_cast %scan3A_444 : i32 to index
      %swap3A_500 = tpu.vector_load %arg16[%swap3A_498, %swap3A_499] masked %and3A_487 {strides = array<i32>} : memref<2x5136xi32, #tpu.memory_space<vmem>>, vector<16xi32>, vector<16xi1>
      tpu.vector_store %arg16[%swap3A_498, %swap3A_499], %get3A_453 masked %and3A_487 {strides = array<i32>} : memref<2x5136xi32, #tpu.memory_space<vmem>>, vector<16xi32>, vector<16xi1>
      %swap3A_501 = arith.constant 1 : i32
      %swap3A_502 = arith.index_cast %swap3A_501 : i32 to index
      %swap3A_503 = arith.index_cast %scan3A_444 : i32 to index
      %swap3A_504 = tpu.vector_load %arg18[%swap3A_502, %swap3A_503] masked %and3A_487 {strides = array<i32>} : memref<2x5136xf32, #tpu.memory_space<vmem>>, vector<16xf32>, vector<16xi1>
      tpu.vector_store %arg18[%swap3A_502, %swap3A_503], %abs3A masked %and3A_487 {strides = array<i32>} : memref<2x5136xf32, #tpu.memory_space<vmem>>, vector<16xf32>, vector<16xi1>
      %all_reduce_population_count3A_505 = tpu.all_reduce %and3A_487 {dim = 0 : i64, kind = #tpu.reduction_kind<sum>} : vector<16xi1> -> vector<16xi32>
      %slice3A_506 = vector.extract_strided_slice %all_reduce_population_count3A_505 {offsets = [0], sizes = [1], strides = [1]} : vector<16xi32> to vector<1xi32>
      %squeeze3A_507 = vector.extract %slice3A_506[0] : i32 from vector<1xi32>
      %add3A_508 = arith.addi %scan3A_444, %squeeze3A_507 : i32
      %mul3A_509 = arith.constant 4 : i32
      %mul3A_510 = arith.muli %scan3A_442, %mul3A_509 : i32
      %add3A_511 = arith.constant 1 : i32
      %add3A_512 = arith.addi %mul3A_510, %add3A_511 : i32
      %mul3A_513 = arith.constant 16 : i32
      %mul3A_514 = arith.muli %add3A_512, %mul3A_513 : i32
      %get3A_515 = arith.constant 1 : i32
      %get3A_516 = arith.index_cast %get3A_515 : i32 to index
      %get3A_517 = arith.index_cast %mul3A_514 : i32 to index
      %get3A_518 = tpu.vector_load %arg13[%get3A_516, %get3A_517] {strides = array<i32>} : memref<2x5120xi32, #tpu.memory_space<vmem>>, vector<16xi32>,
      %and3A_519 = arith.constant 16383 : i32
      %and3A_520 = vector.broadcast %and3A_519 : i32 to vector<16xi32>
      %and3A_521 = arith.andi %get3A_518, %and3A_520 : vector<16xi32>
      %shift_right_logical3A_522 = arith.constant 14 : i32
      %shift_right_logical3A_523 = vector.broadcast %shift_right_logical3A_522 : i32 to vector<16xi32>
      %shift_right_logical3A_524 = arith.shrui %get3A_518, %shift_right_logical3A_523 : vector<16xi32>
      %gather3A_525 = arith.constant 1 : i32
      %gather3A_526 = arith.constant 0 : i32
      %gather3A_527 = tpu.memref_slice %arg10[%gather3A_525, %gather3A_526] : memref<2x10000xf32, #tpu.memory_space<vmem>> -> memref<1x10000xf32, #tpu.memory_space<vmem>>
      %gather3A_528 = tpu.memref_squeeze %gather3A_527 : memref<1x10000xf32, #tpu.memory_space<vmem>> -> memref<10000xf32, #tpu.memory_space<vmem>>
      %gather3A_529 = tpu.vector_load_idx %gather3A_528[%and3A_521] : memref<10000xf32, #tpu.memory_space<vmem>>[vector<16xi32>], vector<16xf32>,
      %gather3A_530 = arith.constant 1 : i32
      %gather3A_531 = arith.constant 0 : i32
      %gather3A_532 = tpu.memref_slice %arg10[%gather3A_530, %gather3A_531] : memref<2x10000xf32, #tpu.memory_space<vmem>> -> memref<1x10000xf32, #tpu.memory_space<vmem>>
      %gather3A_533 = tpu.memref_squeeze %gather3A_532 : memref<1x10000xf32, #tpu.memory_space<vmem>> -> memref<10000xf32, #tpu.memory_space<vmem>>
      %gather3A_534 = tpu.vector_load_idx %gather3A_533[%shift_right_logical3A_524] : memref<10000xf32, #tpu.memory_space<vmem>>[vector<16xi32>], vector<16xf32>,
      %sub3A_535 = arith.subf %gather3A_534, %gather3A_529 : vector<16xf32>
      %abs3A_536 = math.absf %sub3A_535 : vector<16xf32>
      %mul3A_537 = arith.constant 16 : i32
      %mul3A_538 = arith.muli %add3A_512, %mul3A_537 : i32
      %swap3A_539 = arith.constant 1 : i32
      %swap3A_540 = arith.index_cast %swap3A_539 : i32 to index
      %swap3A_541 = arith.index_cast %mul3A_538 : i32 to index
      %swap3A_542 = tpu.vector_load %arg14[%swap3A_540, %swap3A_541] {strides = array<i32>} : memref<2x5120xf32, #tpu.memory_space<vmem>>, vector<16xf32>,
      tpu.vector_store %arg14[%swap3A_540, %swap3A_541], %abs3A_536 {strides = array<i32>} : memref<2x5120xf32, #tpu.memory_space<vmem>>, vector<16xf32>,
      %gather3A_543 = tpu.vector_load_idx %arg11[%shift_right_logical3A_524] : memref<10000xi32, #tpu.memory_space<vmem>>[vector<16xi32>], vector<16xi32>,
      %eq3A_544 = arith.constant 2 : i32
      %eq3A_545 = vector.broadcast %eq3A_544 : i32 to vector<16xi32>
      %eq3A_546 = arith.cmpi eq, %gather3A_543, %eq3A_545 : vector<16xi32>
      %mul3A_547 = arith.constant 16 : i32
      %mul3A_548 = arith.muli %add3A_512, %mul3A_547 : i32
      %add3A_549 = vector.broadcast %mul3A_548 : i32 to vector<16xi32>
      %add3A_550 = arith.addi %add3A_549, %iota3A : vector<16xi32>
      %lt3A_551 = vector.broadcast %min3A : i32 to vector<16xi32>
      %lt3A_552 = arith.cmpi slt, %add3A_550, %lt3A_551 : vector<16xi32>
      %and3A_553 = arith.andi %eq3A_546, %lt3A_552 : vector<16xi1>
      %ge3A_554 = arith.constant 5000 : i32
      %ge3A_555 = vector.broadcast %ge3A_554 : i32 to vector<16xi32>
      %ge3A_556 = arith.cmpi sge, %shift_right_logical3A_524, %ge3A_555 : vector<16xi32>
      %not3A_557 = arith.constant dense<true> : vector<16xi1>
      %not3A_558 = arith.xori %ge3A_556, %not3A_557 : vector<16xi1>
      %and3A_559 = arith.andi %and3A_553, %not3A_558 : vector<16xi1>
      %and3A_560 = arith.andi %and3A_553, %ge3A_556 : vector<16xi1>
      %swap3A_561 = arith.constant 1 : i32
      %swap3A_562 = arith.index_cast %swap3A_561 : i32 to index
      %swap3A_563 = arith.index_cast %add3A_496 : i32 to index
      %swap3A_564 = tpu.vector_load %arg15[%swap3A_562, %swap3A_563] masked %and3A_559 {strides = array<i32>} : memref<2x5136xi32, #tpu.memory_space<vmem>>, vector<16xi32>, vector<16xi1>
      tpu.vector_store %arg15[%swap3A_562, %swap3A_563], %get3A_518 masked %and3A_559 {strides = array<i32>} : memref<2x5136xi32, #tpu.memory_space<vmem>>, vector<16xi32>, vector<16xi1>
      %swap3A_565 = arith.constant 1 : i32
      %swap3A_566 = arith.index_cast %swap3A_565 : i32 to index
      %swap3A_567 = arith.index_cast %add3A_496 : i32 to index
      %swap3A_568 = tpu.vector_load %arg17[%swap3A_566, %swap3A_567] masked %and3A_559 {strides = array<i32>} : memref<2x5136xf32, #tpu.memory_space<vmem>>, vector<16xf32>, vector<16xi1>
      tpu.vector_store %arg17[%swap3A_566, %swap3A_567], %abs3A_536 masked %and3A_559 {strides = array<i32>} : memref<2x5136xf32, #tpu.memory_space<vmem>>, vector<16xf32>, vector<16xi1>
      %all_reduce_population_count3A_569 = tpu.all_reduce %and3A_559 {dim = 0 : i64, kind = #tpu.reduction_kind<sum>} : vector<16xi1> -> vector<16xi32>
      %slice3A_570 = vector.extract_strided_slice %all_reduce_population_count3A_569 {offsets = [0], sizes = [1], strides = [1]} : vector<16xi32> to vector<1xi32>
      %squeeze3A_571 = vector.extract %slice3A_570[0] : i32 from vector<1xi32>
      %add3A_572 = arith.addi %add3A_496, %squeeze3A_571 : i32
      %swap3A_573 = arith.constant 1 : i32
      %swap3A_574 = arith.index_cast %swap3A_573 : i32 to index
      %swap3A_575 = arith.index_cast %add3A_508 : i32 to index
      %swap3A_576 = tpu.vector_load %arg16[%swap3A_574, %swap3A_575] masked %and3A_560 {strides = array<i32>} : memref<2x5136xi32, #tpu.memory_space<vmem>>, vector<16xi32>, vector<16xi1>
      tpu.vector_store %arg16[%swap3A_574, %swap3A_575], %get3A_518 masked %and3A_560 {strides = array<i32>} : memref<2x5136xi32, #tpu.memory_space<vmem>>, vector<16xi32>, vector<16xi1>
      %swap3A_577 = arith.constant 1 : i32
      %swap3A_578 = arith.index_cast %swap3A_577 : i32 to index
      %swap3A_579 = arith.index_cast %add3A_508 : i32 to index
      %swap3A_580 = tpu.vector_load %arg18[%swap3A_578, %swap3A_579] masked %and3A_560 {strides = array<i32>} : memref<2x5136xf32, #tpu.memory_space<vmem>>, vector<16xf32>, vector<16xi1>
      tpu.vector_store %arg18[%swap3A_578, %swap3A_579], %abs3A_536 masked %and3A_560 {strides = array<i32>} : memref<2x5136xf32, #tpu.memory_space<vmem>>, vector<16xf32>, vector<16xi1>
      %all_reduce_population_count3A_581 = tpu.all_reduce %and3A_560 {dim = 0 : i64, kind = #tpu.reduction_kind<sum>} : vector<16xi1> -> vector<16xi32>
      %slice3A_582 = vector.extract_strided_slice %all_reduce_population_count3A_581 {offsets = [0], sizes = [1], strides = [1]} : vector<16xi32> to vector<1xi32>
      %squeeze3A_583 = vector.extract %slice3A_582[0] : i32 from vector<1xi32>
      %add3A_584 = arith.addi %add3A_508, %squeeze3A_583 : i32
      %mul3A_585 = arith.constant 4 : i32
      %mul3A_586 = arith.muli %scan3A_442, %mul3A_585 : i32
      %add3A_587 = arith.constant 2 : i32
      %add3A_588 = arith.addi %mul3A_586, %add3A_587 : i32
      %mul3A_589 = arith.constant 16 : i32
      %mul3A_590 = arith.muli %add3A_588, %mul3A_589 : i32
      %get3A_591 = arith.constant 1 : i32
      %get3A_592 = arith.index_cast %get3A_591 : i32 to index
      %get3A_593 = arith.index_cast %mul3A_590 : i32 to index
      %get3A_594 = tpu.vector_load %arg13[%get3A_592, %get3A_593] {strides = array<i32>} : memref<2x5120xi32, #tpu.memory_space<vmem>>, vector<16xi32>,
      %and3A_595 = arith.constant 16383 : i32
      %and3A_596 = vector.broadcast %and3A_595 : i32 to vector<16xi32>
      %and3A_597 = arith.andi %get3A_594, %and3A_596 : vector<16xi32>
      %shift_right_logical3A_598 = arith.constant 14 : i32
      %shift_right_logical3A_599 = vector.broadcast %shift_right_logical3A_598 : i32 to vector<16xi32>
      %shift_right_logical3A_600 = arith.shrui %get3A_594, %shift_right_logical3A_599 : vector<16xi32>
      %gather3A_601 = arith.constant 1 : i32
      %gather3A_602 = arith.constant 0 : i32
      %gather3A_603 = tpu.memref_slice %arg10[%gather3A_601, %gather3A_602] : memref<2x10000xf32, #tpu.memory_space<vmem>> -> memref<1x10000xf32, #tpu.memory_space<vmem>>
      %gather3A_604 = tpu.memref_squeeze %gather3A_603 : memref<1x10000xf32, #tpu.memory_space<vmem>> -> memref<10000xf32, #tpu.memory_space<vmem>>
      %gather3A_605 = tpu.vector_load_idx %gather3A_604[%and3A_597] : memref<10000xf32, #tpu.memory_space<vmem>>[vector<16xi32>], vector<16xf32>,
      %gather3A_606 = arith.constant 1 : i32
      %gather3A_607 = arith.constant 0 : i32
      %gather3A_608 = tpu.memref_slice %arg10[%gather3A_606, %gather3A_607] : memref<2x10000xf32, #tpu.memory_space<vmem>> -> memref<1x10000xf32, #tpu.memory_space<vmem>>
      %gather3A_609 = tpu.memref_squeeze %gather3A_608 : memref<1x10000xf32, #tpu.memory_space<vmem>> -> memref<10000xf32, #tpu.memory_space<vmem>>
      %gather3A_610 = tpu.vector_load_idx %gather3A_609[%shift_right_logical3A_600] : memref<10000xf32, #tpu.memory_space<vmem>>[vector<16xi32>], vector<16xf32>,
      %sub3A_611 = arith.subf %gather3A_610, %gather3A_605 : vector<16xf32>
      %abs3A_612 = math.absf %sub3A_611 : vector<16xf32>
      %mul3A_613 = arith.constant 16 : i32
      %mul3A_614 = arith.muli %add3A_588, %mul3A_613 : i32
      %swap3A_615 = arith.constant 1 : i32
      %swap3A_616 = arith.index_cast %swap3A_615 : i32 to index
      %swap3A_617 = arith.index_cast %mul3A_614 : i32 to index
      %swap3A_618 = tpu.vector_load %arg14[%swap3A_616, %swap3A_617] {strides = array<i32>} : memref<2x5120xf32, #tpu.memory_space<vmem>>, vector<16xf32>,
      tpu.vector_store %arg14[%swap3A_616, %swap3A_617], %abs3A_612 {strides = array<i32>} : memref<2x5120xf32, #tpu.memory_space<vmem>>, vector<16xf32>,
      %gather3A_619 = tpu.vector_load_idx %arg11[%shift_right_logical3A_600] : memref<10000xi32, #tpu.memory_space<vmem>>[vector<16xi32>], vector<16xi32>,
      %eq3A_620 = arith.constant 2 : i32
      %eq3A_621 = vector.broadcast %eq3A_620 : i32 to vector<16xi32>
      %eq3A_622 = arith.cmpi eq, %gather3A_619, %eq3A_621 : vector<16xi32>
      %mul3A_623 = arith.constant 16 : i32
      %mul3A_624 = arith.muli %add3A_588, %mul3A_623 : i32
      %add3A_625 = vector.broadcast %mul3A_624 : i32 to vector<16xi32>
      %add3A_626 = arith.addi %add3A_625, %iota3A : vector<16xi32>
      %lt3A_627 = vector.broadcast %min3A : i32 to vector<16xi32>
      %lt3A_628 = arith.cmpi slt, %add3A_626, %lt3A_627 : vector<16xi32>
      %and3A_629 = arith.andi %eq3A_622, %lt3A_628 : vector<16xi1>
      %ge3A_630 = arith.constant 5000 : i32
      %ge3A_631 = vector.broadcast %ge3A_630 : i32 to vector<16xi32>
      %ge3A_632 = arith.cmpi sge, %shift_right_logical3A_600, %ge3A_631 : vector<16xi32>
      %not3A_633 = arith.constant dense<true> : vector<16xi1>
      %not3A_634 = arith.xori %ge3A_632, %not3A_633 : vector<16xi1>
      %and3A_635 = arith.andi %and3A_629, %not3A_634 : vector<16xi1>
      %and3A_636 = arith.andi %and3A_629, %ge3A_632 : vector<16xi1>
      %swap3A_637 = arith.constant 1 : i32
      %swap3A_638 = arith.index_cast %swap3A_637 : i32 to index
      %swap3A_639 = arith.index_cast %add3A_572 : i32 to index
      %swap3A_640 = tpu.vector_load %arg15[%swap3A_638, %swap3A_639] masked %and3A_635 {strides = array<i32>} : memref<2x5136xi32, #tpu.memory_space<vmem>>, vector<16xi32>, vector<16xi1>
      tpu.vector_store %arg15[%swap3A_638, %swap3A_639], %get3A_594 masked %and3A_635 {strides = array<i32>} : memref<2x5136xi32, #tpu.memory_space<vmem>>, vector<16xi32>, vector<16xi1>
      %swap3A_641 = arith.constant 1 : i32
      %swap3A_642 = arith.index_cast %swap3A_641 : i32 to index
      %swap3A_643 = arith.index_cast %add3A_572 : i32 to index
      %swap3A_644 = tpu.vector_load %arg17[%swap3A_642, %swap3A_643] masked %and3A_635 {strides = array<i32>} : memref<2x5136xf32, #tpu.memory_space<vmem>>, vector<16xf32>, vector<16xi1>
      tpu.vector_store %arg17[%swap3A_642, %swap3A_643], %abs3A_612 masked %and3A_635 {strides = array<i32>} : memref<2x5136xf32, #tpu.memory_space<vmem>>, vector<16xf32>, vector<16xi1>
      %all_reduce_population_count3A_645 = tpu.all_reduce %and3A_635 {dim = 0 : i64, kind = #tpu.reduction_kind<sum>} : vector<16xi1> -> vector<16xi32>
      %slice3A_646 = vector.extract_strided_slice %all_reduce_population_count3A_645 {offsets = [0], sizes = [1], strides = [1]} : vector<16xi32> to vector<1xi32>
      %squeeze3A_647 = vector.extract %slice3A_646[0] : i32 from vector<1xi32>
      %add3A_648 = arith.addi %add3A_572, %squeeze3A_647 : i32
      %swap3A_649 = arith.constant 1 : i32
      %swap3A_650 = arith.index_cast %swap3A_649 : i32 to index
      %swap3A_651 = arith.index_cast %add3A_584 : i32 to index
      %swap3A_652 = tpu.vector_load %arg16[%swap3A_650, %swap3A_651] masked %and3A_636 {strides = array<i32>} : memref<2x5136xi32, #tpu.memory_space<vmem>>, vector<16xi32>, vector<16xi1>
      tpu.vector_store %arg16[%swap3A_650, %swap3A_651], %get3A_594 masked %and3A_636 {strides = array<i32>} : memref<2x5136xi32, #tpu.memory_space<vmem>>, vector<16xi32>, vector<16xi1>
      %swap3A_653 = arith.constant 1 : i32
      %swap3A_654 = arith.index_cast %swap3A_653 : i32 to index
      %swap3A_655 = arith.index_cast %add3A_584 : i32 to index
      %swap3A_656 = tpu.vector_load %arg18[%swap3A_654, %swap3A_655] masked %and3A_636 {strides = array<i32>} : memref<2x5136xf32, #tpu.memory_space<vmem>>, vector<16xf32>, vector<16xi1>
      tpu.vector_store %arg18[%swap3A_654, %swap3A_655], %abs3A_612 masked %and3A_636 {strides = array<i32>} : memref<2x5136xf32, #tpu.memory_space<vmem>>, vector<16xf32>, vector<16xi1>
      %all_reduce_population_count3A_657 = tpu.all_reduce %and3A_636 {dim = 0 : i64, kind = #tpu.reduction_kind<sum>} : vector<16xi1> -> vector<16xi32>
      %slice3A_658 = vector.extract_strided_slice %all_reduce_population_count3A_657 {offsets = [0], sizes = [1], strides = [1]} : vector<16xi32> to vector<1xi32>
      %squeeze3A_659 = vector.extract %slice3A_658[0] : i32 from vector<1xi32>
      %add3A_660 = arith.addi %add3A_584, %squeeze3A_659 : i32
      %mul3A_661 = arith.constant 4 : i32
      %mul3A_662 = arith.muli %scan3A_442, %mul3A_661 : i32
      %add3A_663 = arith.constant 3 : i32
      %add3A_664 = arith.addi %mul3A_662, %add3A_663 : i32
      %mul3A_665 = arith.constant 16 : i32
      %mul3A_666 = arith.muli %add3A_664, %mul3A_665 : i32
      %get3A_667 = arith.constant 1 : i32
      %get3A_668 = arith.index_cast %get3A_667 : i32 to index
      %get3A_669 = arith.index_cast %mul3A_666 : i32 to index
      %get3A_670 = tpu.vector_load %arg13[%get3A_668, %get3A_669] {strides = array<i32>} : memref<2x5120xi32, #tpu.memory_space<vmem>>, vector<16xi32>,
      %and3A_671 = arith.constant 16383 : i32
      %and3A_672 = vector.broadcast %and3A_671 : i32 to vector<16xi32>
      %and3A_673 = arith.andi %get3A_670, %and3A_672 : vector<16xi32>
      %shift_right_logical3A_674 = arith.constant 14 : i32
      %shift_right_logical3A_675 = vector.broadcast %shift_right_logical3A_674 : i32 to vector<16xi32>
      %shift_right_logical3A_676 = arith.shrui %get3A_670, %shift_right_logical3A_675 : vector<16xi32>
      %gather3A_677 = arith.constant 1 : i32
      %gather3A_678 = arith.constant 0 : i32
      %gather3A_679 = tpu.memref_slice %arg10[%gather3A_677, %gather3A_678] : memref<2x10000xf32, #tpu.memory_space<vmem>> -> memref<1x10000xf32, #tpu.memory_space<vmem>>
      %gather3A_680 = tpu.memref_squeeze %gather3A_679 : memref<1x10000xf32, #tpu.memory_space<vmem>> -> memref<10000xf32, #tpu.memory_space<vmem>>
      %gather3A_681 = tpu.vector_load_idx %gather3A_680[%and3A_673] : memref<10000xf32, #tpu.memory_space<vmem>>[vector<16xi32>], vector<16xf32>,
      %gather3A_682 = arith.constant 1 : i32
      %gather3A_683 = arith.constant 0 : i32
      %gather3A_684 = tpu.memref_slice %arg10[%gather3A_682, %gather3A_683] : memref<2x10000xf32, #tpu.memory_space<vmem>> -> memref<1x10000xf32, #tpu.memory_space<vmem>>
      %gather3A_685 = tpu.memref_squeeze %gather3A_684 : memref<1x10000xf32, #tpu.memory_space<vmem>> -> memref<10000xf32, #tpu.memory_space<vmem>>
      %gather3A_686 = tpu.vector_load_idx %gather3A_685[%shift_right_logical3A_676] : memref<10000xf32, #tpu.memory_space<vmem>>[vector<16xi32>], vector<16xf32>,
      %sub3A_687 = arith.subf %gather3A_686, %gather3A_681 : vector<16xf32>
      %abs3A_688 = math.absf %sub3A_687 : vector<16xf32>
      %mul3A_689 = arith.constant 16 : i32
      %mul3A_690 = arith.muli %add3A_664, %mul3A_689 : i32
      %swap3A_691 = arith.constant 1 : i32
      %swap3A_692 = arith.index_cast %swap3A_691 : i32 to index
      %swap3A_693 = arith.index_cast %mul3A_690 : i32 to index
      %swap3A_694 = tpu.vector_load %arg14[%swap3A_692, %swap3A_693] {strides = array<i32>} : memref<2x5120xf32, #tpu.memory_space<vmem>>, vector<16xf32>,
      tpu.vector_store %arg14[%swap3A_692, %swap3A_693], %abs3A_688 {strides = array<i32>} : memref<2x5120xf32, #tpu.memory_space<vmem>>, vector<16xf32>,
      %gather3A_695 = tpu.vector_load_idx %arg11[%shift_right_logical3A_676] : memref<10000xi32, #tpu.memory_space<vmem>>[vector<16xi32>], vector<16xi32>,
      %eq3A_696 = arith.constant 2 : i32
      %eq3A_697 = vector.broadcast %eq3A_696 : i32 to vector<16xi32>
      %eq3A_698 = arith.cmpi eq, %gather3A_695, %eq3A_697 : vector<16xi32>
      %mul3A_699 = arith.constant 16 : i32
      %mul3A_700 = arith.muli %add3A_664, %mul3A_699 : i32
      %add3A_701 = vector.broadcast %mul3A_700 : i32 to vector<16xi32>
      %add3A_702 = arith.addi %add3A_701, %iota3A : vector<16xi32>
      %lt3A_703 = vector.broadcast %min3A : i32 to vector<16xi32>
      %lt3A_704 = arith.cmpi slt, %add3A_702, %lt3A_703 : vector<16xi32>
      %and3A_705 = arith.andi %eq3A_698, %lt3A_704 : vector<16xi1>
      %ge3A_706 = arith.constant 5000 : i32
      %ge3A_707 = vector.broadcast %ge3A_706 : i32 to vector<16xi32>
      %ge3A_708 = arith.cmpi sge, %shift_right_logical3A_676, %ge3A_707 : vector<16xi32>
      %not3A_709 = arith.constant dense<true> : vector<16xi1>
      %not3A_710 = arith.xori %ge3A_708, %not3A_709 : vector<16xi1>
      %and3A_711 = arith.andi %and3A_705, %not3A_710 : vector<16xi1>
      %and3A_712 = arith.andi %and3A_705, %ge3A_708 : vector<16xi1>
      %swap3A_713 = arith.constant 1 : i32
      %swap3A_714 = arith.index_cast %swap3A_713 : i32 to index
      %swap3A_715 = arith.index_cast %add3A_648 : i32 to index
      %swap3A_716 = tpu.vector_load %arg15[%swap3A_714, %swap3A_715] masked %and3A_711 {strides = array<i32>} : memref<2x5136xi32, #tpu.memory_space<vmem>>, vector<16xi32>, vector<16xi1>
      tpu.vector_store %arg15[%swap3A_714, %swap3A_715], %get3A_670 masked %and3A_711 {strides = array<i32>} : memref<2x5136xi32, #tpu.memory_space<vmem>>, vector<16xi32>, vector<16xi1>
      %swap3A_717 = arith.constant 1 : i32
      %swap3A_718 = arith.index_cast %swap3A_717 : i32 to index
      %swap3A_719 = arith.index_cast %add3A_648 : i32 to index
      %swap3A_720 = tpu.vector_load %arg17[%swap3A_718, %swap3A_719] masked %and3A_711 {strides = array<i32>} : memref<2x5136xf32, #tpu.memory_space<vmem>>, vector<16xf32>, vector<16xi1>
      tpu.vector_store %arg17[%swap3A_718, %swap3A_719], %abs3A_688 masked %and3A_711 {strides = array<i32>} : memref<2x5136xf32, #tpu.memory_space<vmem>>, vector<16xf32>, vector<16xi1>
      %all_reduce_population_count3A_721 = tpu.all_reduce %and3A_711 {dim = 0 : i64, kind = #tpu.reduction_kind<sum>} : vector<16xi1> -> vector<16xi32>
      %slice3A_722 = vector.extract_strided_slice %all_reduce_population_count3A_721 {offsets = [0], sizes = [1], strides = [1]} : vector<16xi32> to vector<1xi32>
      %squeeze3A_723 = vector.extract %slice3A_722[0] : i32 from vector<1xi32>
      %add3A_724 = arith.addi %add3A_648, %squeeze3A_723 : i32
      %swap3A_725 = arith.constant 1 : i32
      %swap3A_726 = arith.index_cast %swap3A_725 : i32 to index
      %swap3A_727 = arith.index_cast %add3A_660 : i32 to index
      %swap3A_728 = tpu.vector_load %arg16[%swap3A_726, %swap3A_727] masked %and3A_712 {strides = array<i32>} : memref<2x5136xi32, #tpu.memory_space<vmem>>, vector<16xi32>, vector<16xi1>
      tpu.vector_store %arg16[%swap3A_726, %swap3A_727], %get3A_670 masked %and3A_712 {strides = array<i32>} : memref<2x5136xi32, #tpu.memory_space<vmem>>, vector<16xi32>, vector<16xi1>
      %swap3A_729 = arith.constant 1 : i32
      %swap3A_730 = arith.index_cast %swap3A_729 : i32 to index
      %swap3A_731 = arith.index_cast %add3A_660 : i32 to index
      %swap3A_732 = tpu.vector_load %arg18[%swap3A_730, %swap3A_731] masked %and3A_712 {strides = array<i32>} : memref<2x5136xf32, #tpu.memory_space<vmem>>, vector<16xf32>, vector<16xi1>
      tpu.vector_store %arg18[%swap3A_730, %swap3A_731], %abs3A_688 masked %and3A_712 {strides = array<i32>} : memref<2x5136xf32, #tpu.memory_space<vmem>>, vector<16xf32>, vector<16xi1>
      %all_reduce_population_count3A_733 = tpu.all_reduce %and3A_712 {dim = 0 : i64, kind = #tpu.reduction_kind<sum>} : vector<16xi1> -> vector<16xi32>
      %slice3A_734 = vector.extract_strided_slice %all_reduce_population_count3A_733 {offsets = [0], sizes = [1], strides = [1]} : vector<16xi32> to vector<1xi32>
      %squeeze3A_735 = vector.extract %slice3A_734[0] : i32 from vector<1xi32>
      %add3A_736 = arith.addi %add3A_660, %squeeze3A_735 : i32
      scf.yield %add3A_724, %add3A_736 : i32, i32
    }
    %scan3A_245 = arith.constant 80 : i32
    %broadcast_in_dim3A_246 = arith.constant 0 : i32
    %broadcast_in_dim3A_247 = vector.broadcast %broadcast_in_dim3A_246 : i32 to vector<16xi32>
    %add3A_248 = vector.broadcast %scan3A_244#0 : i32 to vector<16xi32>
    %add3A_249 = arith.addi %broadcast_in_dim3A_247, %add3A_248 : vector<16xi32>
    %swap3A_250 = arith.constant 1 : i32
    %swap3A_251 = arith.index_cast %swap3A_250 : i32 to index
    %swap3A_252 = arith.constant 0 : index
    %swap3A_253 = tpu.vector_load %arg19[%swap3A_251, %swap3A_252] {strides = array<i32>} : memref<2x32xi32, #tpu.memory_space<vmem>>, vector<16xi32>,
    tpu.vector_store %arg19[%swap3A_251, %swap3A_252], %add3A_249 {strides = array<i32>} : memref<2x32xi32, #tpu.memory_space<vmem>>, vector<16xi32>,
    %broadcast_in_dim3A_254 = arith.constant 0 : i32
    %broadcast_in_dim3A_255 = vector.broadcast %broadcast_in_dim3A_254 : i32 to vector<16xi32>
    %add3A_256 = vector.broadcast %scan3A_244#1 : i32 to vector<16xi32>
    %add3A_257 = arith.addi %broadcast_in_dim3A_255, %add3A_256 : vector<16xi32>
    %swap3A_258 = arith.constant 1 : i32
    %swap3A_259 = arith.index_cast %swap3A_258 : i32 to index
    %swap3A_260 = arith.constant 16 : index
    %swap3A_261 = tpu.vector_load %arg19[%swap3A_259, %swap3A_260] {strides = array<i32>} : memref<2x32xi32, #tpu.memory_space<vmem>>, vector<16xi32>,
    tpu.vector_store %arg19[%swap3A_259, %swap3A_260], %add3A_257 {strides = array<i32>} : memref<2x32xi32, #tpu.memory_space<vmem>>, vector<16xi32>,
    %add3A_262 = arith.constant 32 : i32
    %add3A_263 = arith.addi %add3A_262, %add3A : i32
    %mul3A_264 = arith.constant 2 : i32
    %mul3A_265 = arith.muli %add3A_263, %mul3A_264 : i32
    %mul3A_266 = arith.constant 5120 : i32
    %mul3A_267 = arith.muli %mul3A_265, %mul3A_266 : i32
    %add3A_268 = arith.constant 163840 : i32
    %add3A_269 = arith.addi %add3A_268, %mul3A_2 : i32
    %dma_start3A_270 = arith.constant 1 : i32
    %dma_start3A_271 = arith.constant 0 : i32
    %dma_start3A_272 = tpu.memref_slice %arg14[%dma_start3A_270, %dma_start3A_271] : memref<2x5120xf32, #tpu.memory_space<vmem>> -> memref<1x5120xf32, #tpu.memory_space<vmem>>
    %dma_start3A_273 = tpu.memref_squeeze %dma_start3A_272 : memref<1x5120xf32, #tpu.memory_space<vmem>> -> memref<5120xf32, #tpu.memory_space<vmem>>
    %dma_start3A_274 = tpu.memref_slice %arg6[%add3A_269] : memref<327680xf32, #tpu.memory_space<hbm>> -> memref<5120xf32, #tpu.memory_space<hbm>>
    %dma_start3A_275 = tpu.memref_slice %arg6[%add3A_269] : memref<327680xf32, #tpu.memory_space<hbm>> -> memref<5120xf32, #tpu.memory_space<hbm>>
    %dma_start3A_276 = arith.constant 0 : i32
    %dma_start3A_277 = tpu.memref_slice %arg14[%dma_start3A_270, %dma_start3A_276] : memref<2x5120xf32, #tpu.memory_space<vmem>> -> memref<1x5120xf32, #tpu.memory_space<vmem>>
    %dma_start3A_278 = tpu.memref_squeeze %dma_start3A_277 : memref<1x5120xf32, #tpu.memory_space<vmem>> -> memref<5120xf32, #tpu.memory_space<vmem>>
    tpu.enqueue_dma source(%dma_start3A_278 : memref<5120xf32, #tpu.memory_space<vmem>>) target(%dma_start3A_275 : memref<5120xf32, #tpu.memory_space<hbm>>) target_semaphore(%arg21 : memref<!tpu.dma_semaphore, #tpu.memory_space<semaphore_mem>>)
    %dma_start3A_279 = arith.constant 1 : i32
    %dma_start3A_280 = arith.constant 0 : i32
    %dma_start3A_281 = tpu.memref_slice %arg15[%dma_start3A_279, %dma_start3A_280] : memref<2x5136xi32, #tpu.memory_space<vmem>> -> memref<1x5120xi32, #tpu.memory_space<vmem>>
    %dma_start3A_282 = tpu.memref_squeeze %dma_start3A_281 : memref<1x5120xi32, #tpu.memory_space<vmem>> -> memref<5120xi32, #tpu.memory_space<vmem>>
    %dma_start3A_283 = tpu.memref_slice %arg7[%mul3A_267] : memref<655360xi32, #tpu.memory_space<hbm>> -> memref<5120xi32, #tpu.memory_space<hbm>>
    %dma_start3A_284 = tpu.memref_slice %arg7[%mul3A_267] : memref<655360xi32, #tpu.memory_space<hbm>> -> memref<5120xi32, #tpu.memory_space<hbm>>
    %dma_start3A_285 = arith.constant 0 : i32
    %dma_start3A_286 = tpu.memref_slice %arg15[%dma_start3A_279, %dma_start3A_285] : memref<2x5136xi32, #tpu.memory_space<vmem>> -> memref<1x5120xi32, #tpu.memory_space<vmem>>
    %dma_start3A_287 = tpu.memref_squeeze %dma_start3A_286 : memref<1x5120xi32, #tpu.memory_space<vmem>> -> memref<5120xi32, #tpu.memory_space<vmem>>
    tpu.enqueue_dma source(%dma_start3A_287 : memref<5120xi32, #tpu.memory_space<vmem>>) target(%dma_start3A_284 : memref<5120xi32, #tpu.memory_space<hbm>>) target_semaphore(%arg21 : memref<!tpu.dma_semaphore, #tpu.memory_space<semaphore_mem>>)
    %dma_start3A_288 = arith.constant 1 : i32
    %dma_start3A_289 = arith.constant 0 : i32
    %dma_start3A_290 = tpu.memref_slice %arg17[%dma_start3A_288, %dma_start3A_289] : memref<2x5136xf32, #tpu.memory_space<vmem>> -> memref<1x5120xf32, #tpu.memory_space<vmem>>
    %dma_start3A_291 = tpu.memref_squeeze %dma_start3A_290 : memref<1x5120xf32, #tpu.memory_space<vmem>> -> memref<5120xf32, #tpu.memory_space<vmem>>
    %dma_start3A_292 = tpu.memref_slice %arg8[%mul3A_267] : memref<655360xf32, #tpu.memory_space<hbm>> -> memref<5120xf32, #tpu.memory_space<hbm>>
    %dma_start3A_293 = tpu.memref_slice %arg8[%mul3A_267] : memref<655360xf32, #tpu.memory_space<hbm>> -> memref<5120xf32, #tpu.memory_space<hbm>>
    %dma_start3A_294 = arith.constant 0 : i32
    %dma_start3A_295 = tpu.memref_slice %arg17[%dma_start3A_288, %dma_start3A_294] : memref<2x5136xf32, #tpu.memory_space<vmem>> -> memref<1x5120xf32, #tpu.memory_space<vmem>>
    %dma_start3A_296 = tpu.memref_squeeze %dma_start3A_295 : memref<1x5120xf32, #tpu.memory_space<vmem>> -> memref<5120xf32, #tpu.memory_space<vmem>>
    tpu.enqueue_dma source(%dma_start3A_296 : memref<5120xf32, #tpu.memory_space<vmem>>) target(%dma_start3A_293 : memref<5120xf32, #tpu.memory_space<hbm>>) target_semaphore(%arg21 : memref<!tpu.dma_semaphore, #tpu.memory_space<semaphore_mem>>)
    %add3A_297 = arith.constant 5120 : i32
    %add3A_298 = arith.addi %mul3A_267, %add3A_297 : i32
    %dma_start3A_299 = arith.constant 1 : i32
    %dma_start3A_300 = arith.constant 0 : i32
    %dma_start3A_301 = tpu.memref_slice %arg16[%dma_start3A_299, %dma_start3A_300] : memref<2x5136xi32, #tpu.memory_space<vmem>> -> memref<1x5120xi32, #tpu.memory_space<vmem>>
    %dma_start3A_302 = tpu.memref_squeeze %dma_start3A_301 : memref<1x5120xi32, #tpu.memory_space<vmem>> -> memref<5120xi32, #tpu.memory_space<vmem>>
    %dma_start3A_303 = tpu.memref_slice %arg7[%add3A_298] : memref<655360xi32, #tpu.memory_space<hbm>> -> memref<5120xi32, #tpu.memory_space<hbm>>
    %dma_start3A_304 = tpu.memref_slice %arg7[%add3A_298] : memref<655360xi32, #tpu.memory_space<hbm>> -> memref<5120xi32, #tpu.memory_space<hbm>>
    %dma_start3A_305 = arith.constant 0 : i32
    %dma_start3A_306 = tpu.memref_slice %arg16[%dma_start3A_299, %dma_start3A_305] : memref<2x5136xi32, #tpu.memory_space<vmem>> -> memref<1x5120xi32, #tpu.memory_space<vmem>>
    %dma_start3A_307 = tpu.memref_squeeze %dma_start3A_306 : memref<1x5120xi32, #tpu.memory_space<vmem>> -> memref<5120xi32, #tpu.memory_space<vmem>>
    tpu.enqueue_dma source(%dma_start3A_307 : memref<5120xi32, #tpu.memory_space<vmem>>) target(%dma_start3A_304 : memref<5120xi32, #tpu.memory_space<hbm>>) target_semaphore(%arg21 : memref<!tpu.dma_semaphore, #tpu.memory_space<semaphore_mem>>)
    %add3A_308 = arith.constant 5120 : i32
    %add3A_309 = arith.addi %mul3A_267, %add3A_308 : i32
    %dma_start3A_310 = arith.constant 1 : i32
    %dma_start3A_311 = arith.constant 0 : i32
    %dma_start3A_312 = tpu.memref_slice %arg18[%dma_start3A_310, %dma_start3A_311] : memref<2x5136xf32, #tpu.memory_space<vmem>> -> memref<1x5120xf32, #tpu.memory_space<vmem>>
    %dma_start3A_313 = tpu.memref_squeeze %dma_start3A_312 : memref<1x5120xf32, #tpu.memory_space<vmem>> -> memref<5120xf32, #tpu.memory_space<vmem>>
    %dma_start3A_314 = tpu.memref_slice %arg8[%add3A_309] : memref<655360xf32, #tpu.memory_space<hbm>> -> memref<5120xf32, #tpu.memory_space<hbm>>
    %dma_start3A_315 = tpu.memref_slice %arg8[%add3A_309] : memref<655360xf32, #tpu.memory_space<hbm>> -> memref<5120xf32, #tpu.memory_space<hbm>>
    %dma_start3A_316 = arith.constant 0 : i32
    %dma_start3A_317 = tpu.memref_slice %arg18[%dma_start3A_310, %dma_start3A_316] : memref<2x5136xf32, #tpu.memory_space<vmem>> -> memref<1x5120xf32, #tpu.memory_space<vmem>>
    %dma_start3A_318 = tpu.memref_squeeze %dma_start3A_317 : memref<1x5120xf32, #tpu.memory_space<vmem>> -> memref<5120xf32, #tpu.memory_space<vmem>>
    tpu.enqueue_dma source(%dma_start3A_318 : memref<5120xf32, #tpu.memory_space<vmem>>) target(%dma_start3A_315 : memref<5120xf32, #tpu.memory_space<hbm>>) target_semaphore(%arg21 : memref<!tpu.dma_semaphore, #tpu.memory_space<semaphore_mem>>)
    %add3A_319 = arith.constant 32 : i32
    %add3A_320 = arith.addi %add3A_319, %add3A : i32
    %mul3A_321 = arith.constant 2 : i32
    %mul3A_322 = arith.muli %add3A_320, %mul3A_321 : i32
    %mul3A_323 = arith.constant 16 : i32
    %mul3A_324 = arith.muli %mul3A_322, %mul3A_323 : i32
    %dma_start3A_325 = arith.constant 1 : i32
    %dma_start3A_326 = arith.constant 0 : i32
    %dma_start3A_327 = tpu.memref_slice %arg19[%dma_start3A_325, %dma_start3A_326] : memref<2x32xi32, #tpu.memory_space<vmem>> -> memref<1x32xi32, #tpu.memory_space<vmem>>
    %dma_start3A_328 = tpu.memref_squeeze %dma_start3A_327 : memref<1x32xi32, #tpu.memory_space<vmem>> -> memref<32xi32, #tpu.memory_space<vmem>>
    %dma_start3A_329 = tpu.memref_slice %arg9[%mul3A_324] : memref<2048xi32, #tpu.memory_space<hbm>> -> memref<32xi32, #tpu.memory_space<hbm>>
    %dma_start3A_330 = tpu.memref_slice %arg9[%mul3A_324] : memref<2048xi32, #tpu.memory_space<hbm>> -> memref<32xi32, #tpu.memory_space<hbm>>
    %dma_start3A_331 = arith.constant 0 : i32
    %dma_start3A_332 = tpu.memref_slice %arg19[%dma_start3A_325, %dma_start3A_331] : memref<2x32xi32, #tpu.memory_space<vmem>> -> memref<1x32xi32, #tpu.memory_space<vmem>>
    %dma_start3A_333 = tpu.memref_squeeze %dma_start3A_332 : memref<1x32xi32, #tpu.memory_space<vmem>> -> memref<32xi32, #tpu.memory_space<vmem>>
    tpu.enqueue_dma source(%dma_start3A_333 : memref<32xi32, #tpu.memory_space<vmem>>) target(%dma_start3A_330 : memref<32xi32, #tpu.memory_space<hbm>>) target_semaphore(%arg21 : memref<!tpu.dma_semaphore, #tpu.memory_space<semaphore_mem>>)
    %dma_wait3A_334 = arith.constant 0 : i32
    %dma_wait3A_335 = arith.constant 0 : i32
    %dma_wait3A_336 = tpu.memref_slice %arg14[%dma_wait3A_334, %dma_wait3A_335] : memref<2x5120xf32, #tpu.memory_space<vmem>> -> memref<1x5120xf32, #tpu.memory_space<vmem>>
    %dma_wait3A_337 = tpu.memref_squeeze %dma_wait3A_336 : memref<1x5120xf32, #tpu.memory_space<vmem>> -> memref<5120xf32, #tpu.memory_space<vmem>>
    %dma_wait3A_338 = tpu.memref_slice %arg6[%add3A_135] : memref<327680xf32, #tpu.memory_space<hbm>> -> memref<5120xf32, #tpu.memory_space<hbm>>
    %dma_wait3A_339 = tpu.memref_slice %arg6[%add3A_135] : memref<327680xf32, #tpu.memory_space<hbm>> -> memref<5120xf32, #tpu.memory_space<hbm>>
    %dma_wait3A_340 = arith.constant 0 : i32
    %dma_wait3A_341 = tpu.memref_slice %arg14[%dma_wait3A_334, %dma_wait3A_340] : memref<2x5120xf32, #tpu.memory_space<vmem>> -> memref<1x5120xf32, #tpu.memory_space<vmem>>
    %dma_wait3A_342 = tpu.memref_squeeze %dma_wait3A_341 : memref<1x5120xf32, #tpu.memory_space<vmem>> -> memref<5120xf32, #tpu.memory_space<vmem>>
    tpu.wait_dma2 semaphore(%arg21 : memref<!tpu.dma_semaphore, #tpu.memory_space<semaphore_mem>>) src(%dma_wait3A_342 : memref<5120xf32, #tpu.memory_space<vmem>>) dst(%dma_wait3A_339 : memref<5120xf32, #tpu.memory_space<hbm>>)
    %dma_wait3A_343 = arith.constant 0 : i32
    %dma_wait3A_344 = arith.constant 0 : i32
    %dma_wait3A_345 = tpu.memref_slice %arg15[%dma_wait3A_343, %dma_wait3A_344] : memref<2x5136xi32, #tpu.memory_space<vmem>> -> memref<1x5120xi32, #tpu.memory_space<vmem>>
    %dma_wait3A_346 = tpu.memref_squeeze %dma_wait3A_345 : memref<1x5120xi32, #tpu.memory_space<vmem>> -> memref<5120xi32, #tpu.memory_space<vmem>>
    %dma_wait3A_347 = tpu.memref_slice %arg7[%mul3A_133] : memref<655360xi32, #tpu.memory_space<hbm>> -> memref<5120xi32, #tpu.memory_space<hbm>>
    %dma_wait3A_348 = tpu.memref_slice %arg7[%mul3A_133] : memref<655360xi32, #tpu.memory_space<hbm>> -> memref<5120xi32, #tpu.memory_space<hbm>>
    %dma_wait3A_349 = arith.constant 0 : i32
    %dma_wait3A_350 = tpu.memref_slice %arg15[%dma_wait3A_343, %dma_wait3A_349] : memref<2x5136xi32, #tpu.memory_space<vmem>> -> memref<1x5120xi32, #tpu.memory_space<vmem>>
    %dma_wait3A_351 = tpu.memref_squeeze %dma_wait3A_350 : memref<1x5120xi32, #tpu.memory_space<vmem>> -> memref<5120xi32, #tpu.memory_space<vmem>>
    tpu.wait_dma2 semaphore(%arg21 : memref<!tpu.dma_semaphore, #tpu.memory_space<semaphore_mem>>) src(%dma_wait3A_351 : memref<5120xi32, #tpu.memory_space<vmem>>) dst(%dma_wait3A_348 : memref<5120xi32, #tpu.memory_space<hbm>>)
    %dma_wait3A_352 = arith.constant 0 : i32
    %dma_wait3A_353 = arith.constant 0 : i32
    %dma_wait3A_354 = tpu.memref_slice %arg17[%dma_wait3A_352, %dma_wait3A_353] : memref<2x5136xf32, #tpu.memory_space<vmem>> -> memref<1x5120xf32, #tpu.memory_space<vmem>>
    %dma_wait3A_355 = tpu.memref_squeeze %dma_wait3A_354 : memref<1x5120xf32, #tpu.memory_space<vmem>> -> memref<5120xf32, #tpu.memory_space<vmem>>
    %dma_wait3A_356 = tpu.memref_slice %arg8[%mul3A_133] : memref<655360xf32, #tpu.memory_space<hbm>> -> memref<5120xf32, #tpu.memory_space<hbm>>
    %dma_wait3A_357 = tpu.memref_slice %arg8[%mul3A_133] : memref<655360xf32, #tpu.memory_space<hbm>> -> memref<5120xf32, #tpu.memory_space<hbm>>
    %dma_wait3A_358 = arith.constant 0 : i32
    %dma_wait3A_359 = tpu.memref_slice %arg17[%dma_wait3A_352, %dma_wait3A_358] : memref<2x5136xf32, #tpu.memory_space<vmem>> -> memref<1x5120xf32, #tpu.memory_space<vmem>>
    %dma_wait3A_360 = tpu.memref_squeeze %dma_wait3A_359 : memref<1x5120xf32, #tpu.memory_space<vmem>> -> memref<5120xf32, #tpu.memory_space<vmem>>
    tpu.wait_dma2 semaphore(%arg21 : memref<!tpu.dma_semaphore, #tpu.memory_space<semaphore_mem>>) src(%dma_wait3A_360 : memref<5120xf32, #tpu.memory_space<vmem>>) dst(%dma_wait3A_357 : memref<5120xf32, #tpu.memory_space<hbm>>)
    %dma_wait3A_361 = arith.constant 0 : i32
    %dma_wait3A_362 = arith.constant 0 : i32
    %dma_wait3A_363 = tpu.memref_slice %arg16[%dma_wait3A_361, %dma_wait3A_362] : memref<2x5136xi32, #tpu.memory_space<vmem>> -> memref<1x5120xi32, #tpu.memory_space<vmem>>
    %dma_wait3A_364 = tpu.memref_squeeze %dma_wait3A_363 : memref<1x5120xi32, #tpu.memory_space<vmem>> -> memref<5120xi32, #tpu.memory_space<vmem>>
    %dma_wait3A_365 = tpu.memref_slice %arg7[%add3A_164] : memref<655360xi32, #tpu.memory_space<hbm>> -> memref<5120xi32, #tpu.memory_space<hbm>>
    %dma_wait3A_366 = tpu.memref_slice %arg7[%add3A_164] : memref<655360xi32, #tpu.memory_space<hbm>> -> memref<5120xi32, #tpu.memory_space<hbm>>
    %dma_wait3A_367 = arith.constant 0 : i32
    %dma_wait3A_368 = tpu.memref_slice %arg16[%dma_wait3A_361, %dma_wait3A_367] : memref<2x5136xi32, #tpu.memory_space<vmem>> -> memref<1x5120xi32, #tpu.memory_space<vmem>>
    %dma_wait3A_369 = tpu.memref_squeeze %dma_wait3A_368 : memref<1x5120xi32, #tpu.memory_space<vmem>> -> memref<5120xi32, #tpu.memory_space<vmem>>
    tpu.wait_dma2 semaphore(%arg21 : memref<!tpu.dma_semaphore, #tpu.memory_space<semaphore_mem>>) src(%dma_wait3A_369 : memref<5120xi32, #tpu.memory_space<vmem>>) dst(%dma_wait3A_366 : memref<5120xi32, #tpu.memory_space<hbm>>)
    %dma_wait3A_370 = arith.constant 0 : i32
    %dma_wait3A_371 = arith.constant 0 : i32
    %dma_wait3A_372 = tpu.memref_slice %arg18[%dma_wait3A_370, %dma_wait3A_371] : memref<2x5136xf32, #tpu.memory_space<vmem>> -> memref<1x5120xf32, #tpu.memory_space<vmem>>
    %dma_wait3A_373 = tpu.memref_squeeze %dma_wait3A_372 : memref<1x5120xf32, #tpu.memory_space<vmem>> -> memref<5120xf32, #tpu.memory_space<vmem>>
    %dma_wait3A_374 = tpu.memref_slice %arg8[%add3A_175] : memref<655360xf32, #tpu.memory_space<hbm>> -> memref<5120xf32, #tpu.memory_space<hbm>>
    %dma_wait3A_375 = tpu.memref_slice %arg8[%add3A_175] : memref<655360xf32, #tpu.memory_space<hbm>> -> memref<5120xf32, #tpu.memory_space<hbm>>
    %dma_wait3A_376 = arith.constant 0 : i32
    %dma_wait3A_377 = tpu.memref_slice %arg18[%dma_wait3A_370, %dma_wait3A_376] : memref<2x5136xf32, #tpu.memory_space<vmem>> -> memref<1x5120xf32, #tpu.memory_space<vmem>>
    %dma_wait3A_378 = tpu.memref_squeeze %dma_wait3A_377 : memref<1x5120xf32, #tpu.memory_space<vmem>> -> memref<5120xf32, #tpu.memory_space<vmem>>
    tpu.wait_dma2 semaphore(%arg21 : memref<!tpu.dma_semaphore, #tpu.memory_space<semaphore_mem>>) src(%dma_wait3A_378 : memref<5120xf32, #tpu.memory_space<vmem>>) dst(%dma_wait3A_375 : memref<5120xf32, #tpu.memory_space<hbm>>)
    %dma_wait3A_379 = arith.constant 0 : i32
    %dma_wait3A_380 = arith.constant 0 : i32
    %dma_wait3A_381 = tpu.memref_slice %arg19[%dma_wait3A_379, %dma_wait3A_380] : memref<2x32xi32, #tpu.memory_space<vmem>> -> memref<1x32xi32, #tpu.memory_space<vmem>>
    %dma_wait3A_382 = tpu.memref_squeeze %dma_wait3A_381 : memref<1x32xi32, #tpu.memory_space<vmem>> -> memref<32xi32, #tpu.memory_space<vmem>>
    %dma_wait3A_383 = tpu.memref_slice %arg9[%mul3A_190] : memref<2048xi32, #tpu.memory_space<hbm>> -> memref<32xi32, #tpu.memory_space<hbm>>
    %dma_wait3A_384 = tpu.memref_slice %arg9[%mul3A_190] : memref<2048xi32, #tpu.memory_space<hbm>> -> memref<32xi32, #tpu.memory_space<hbm>>
    %dma_wait3A_385 = arith.constant 0 : i32
    %dma_wait3A_386 = tpu.memref_slice %arg19[%dma_wait3A_379, %dma_wait3A_385] : memref<2x32xi32, #tpu.memory_space<vmem>> -> memref<1x32xi32, #tpu.memory_space<vmem>>
    %dma_wait3A_387 = tpu.memref_squeeze %dma_wait3A_386 : memref<1x32xi32, #tpu.memory_space<vmem>> -> memref<32xi32, #tpu.memory_space<vmem>>
    tpu.wait_dma2 semaphore(%arg21 : memref<!tpu.dma_semaphore, #tpu.memory_space<semaphore_mem>>) src(%dma_wait3A_387 : memref<32xi32, #tpu.memory_space<vmem>>) dst(%dma_wait3A_384 : memref<32xi32, #tpu.memory_space<hbm>>)
    %dma_wait3A_388 = arith.constant 1 : i32
    %dma_wait3A_389 = arith.constant 0 : i32
    %dma_wait3A_390 = tpu.memref_slice %arg14[%dma_wait3A_388, %dma_wait3A_389] : memref<2x5120xf32, #tpu.memory_space<vmem>> -> memref<1x5120xf32, #tpu.memory_space<vmem>>
    %dma_wait3A_391 = tpu.memref_squeeze %dma_wait3A_390 : memref<1x5120xf32, #tpu.memory_space<vmem>> -> memref<5120xf32, #tpu.memory_space<vmem>>
    %dma_wait3A_392 = tpu.memref_slice %arg6[%add3A_269] : memref<327680xf32, #tpu.memory_space<hbm>> -> memref<5120xf32, #tpu.memory_space<hbm>>
    %dma_wait3A_393 = tpu.memref_slice %arg6[%add3A_269] : memref<327680xf32, #tpu.memory_space<hbm>> -> memref<5120xf32, #tpu.memory_space<hbm>>
    %dma_wait3A_394 = arith.constant 0 : i32
    %dma_wait3A_395 = tpu.memref_slice %arg14[%dma_wait3A_388, %dma_wait3A_394] : memref<2x5120xf32, #tpu.memory_space<vmem>> -> memref<1x5120xf32, #tpu.memory_space<vmem>>
    %dma_wait3A_396 = tpu.memref_squeeze %dma_wait3A_395 : memref<1x5120xf32, #tpu.memory_space<vmem>> -> memref<5120xf32, #tpu.memory_space<vmem>>
    tpu.wait_dma2 semaphore(%arg21 : memref<!tpu.dma_semaphore, #tpu.memory_space<semaphore_mem>>) src(%dma_wait3A_396 : memref<5120xf32, #tpu.memory_space<vmem>>) dst(%dma_wait3A_393 : memref<5120xf32, #tpu.memory_space<hbm>>)
    %dma_wait3A_397 = arith.constant 1 : i32
    %dma_wait3A_398 = arith.constant 0 : i32
    %dma_wait3A_399 = tpu.memref_slice %arg15[%dma_wait3A_397, %dma_wait3A_398] : memref<2x5136xi32, #tpu.memory_space<vmem>> -> memref<1x5120xi32, #tpu.memory_space<vmem>>
    %dma_wait3A_400 = tpu.memref_squeeze %dma_wait3A_399 : memref<1x5120xi32, #tpu.memory_space<vmem>> -> memref<5120xi32, #tpu.memory_space<vmem>>
    %dma_wait3A_401 = tpu.memref_slice %arg7[%mul3A_267] : memref<655360xi32, #tpu.memory_space<hbm>> -> memref<5120xi32, #tpu.memory_space<hbm>>
    %dma_wait3A_402 = tpu.memref_slice %arg7[%mul3A_267] : memref<655360xi32, #tpu.memory_space<hbm>> -> memref<5120xi32, #tpu.memory_space<hbm>>
    %dma_wait3A_403 = arith.constant 0 : i32
    %dma_wait3A_404 = tpu.memref_slice %arg15[%dma_wait3A_397, %dma_wait3A_403] : memref<2x5136xi32, #tpu.memory_space<vmem>> -> memref<1x5120xi32, #tpu.memory_space<vmem>>
    %dma_wait3A_405 = tpu.memref_squeeze %dma_wait3A_404 : memref<1x5120xi32, #tpu.memory_space<vmem>> -> memref<5120xi32, #tpu.memory_space<vmem>>
    tpu.wait_dma2 semaphore(%arg21 : memref<!tpu.dma_semaphore, #tpu.memory_space<semaphore_mem>>) src(%dma_wait3A_405 : memref<5120xi32, #tpu.memory_space<vmem>>) dst(%dma_wait3A_402 : memref<5120xi32, #tpu.memory_space<hbm>>)
    %dma_wait3A_406 = arith.constant 1 : i32
    %dma_wait3A_407 = arith.constant 0 : i32
    %dma_wait3A_408 = tpu.memref_slice %arg17[%dma_wait3A_406, %dma_wait3A_407] : memref<2x5136xf32, #tpu.memory_space<vmem>> -> memref<1x5120xf32, #tpu.memory_space<vmem>>
    %dma_wait3A_409 = tpu.memref_squeeze %dma_wait3A_408 : memref<1x5120xf32, #tpu.memory_space<vmem>> -> memref<5120xf32, #tpu.memory_space<vmem>>
    %dma_wait3A_410 = tpu.memref_slice %arg8[%mul3A_267] : memref<655360xf32, #tpu.memory_space<hbm>> -> memref<5120xf32, #tpu.memory_space<hbm>>
    %dma_wait3A_411 = tpu.memref_slice %arg8[%mul3A_267] : memref<655360xf32, #tpu.memory_space<hbm>> -> memref<5120xf32, #tpu.memory_space<hbm>>
    %dma_wait3A_412 = arith.constant 0 : i32
    %dma_wait3A_413 = tpu.memref_slice %arg17[%dma_wait3A_406, %dma_wait3A_412] : memref<2x5136xf32, #tpu.memory_space<vmem>> -> memref<1x5120xf32, #tpu.memory_space<vmem>>
    %dma_wait3A_414 = tpu.memref_squeeze %dma_wait3A_413 : memref<1x5120xf32, #tpu.memory_space<vmem>> -> memref<5120xf32, #tpu.memory_space<vmem>>
    tpu.wait_dma2 semaphore(%arg21 : memref<!tpu.dma_semaphore, #tpu.memory_space<semaphore_mem>>) src(%dma_wait3A_414 : memref<5120xf32, #tpu.memory_space<vmem>>) dst(%dma_wait3A_411 : memref<5120xf32, #tpu.memory_space<hbm>>)
    %dma_wait3A_415 = arith.constant 1 : i32
    %dma_wait3A_416 = arith.constant 0 : i32
    %dma_wait3A_417 = tpu.memref_slice %arg16[%dma_wait3A_415, %dma_wait3A_416] : memref<2x5136xi32, #tpu.memory_space<vmem>> -> memref<1x5120xi32, #tpu.memory_space<vmem>>
    %dma_wait3A_418 = tpu.memref_squeeze %dma_wait3A_417 : memref<1x5120xi32, #tpu.memory_space<vmem>> -> memref<5120xi32, #tpu.memory_space<vmem>>
    %dma_wait3A_419 = tpu.memref_slice %arg7[%add3A_298] : memref<655360xi32, #tpu.memory_space<hbm>> -> memref<5120xi32, #tpu.memory_space<hbm>>
    %dma_wait3A_420 = tpu.memref_slice %arg7[%add3A_298] : memref<655360xi32, #tpu.memory_space<hbm>> -> memref<5120xi32, #tpu.memory_space<hbm>>
    %dma_wait3A_421 = arith.constant 0 : i32
    %dma_wait3A_422 = tpu.memref_slice %arg16[%dma_wait3A_415, %dma_wait3A_421] : memref<2x5136xi32, #tpu.memory_space<vmem>> -> memref<1x5120xi32, #tpu.memory_space<vmem>>
    %dma_wait3A_423 = tpu.memref_squeeze %dma_wait3A_422 : memref<1x5120xi32, #tpu.memory_space<vmem>> -> memref<5120xi32, #tpu.memory_space<vmem>>
    tpu.wait_dma2 semaphore(%arg21 : memref<!tpu.dma_semaphore, #tpu.memory_space<semaphore_mem>>) src(%dma_wait3A_423 : memref<5120xi32, #tpu.memory_space<vmem>>) dst(%dma_wait3A_420 : memref<5120xi32, #tpu.memory_space<hbm>>)
    %dma_wait3A_424 = arith.constant 1 : i32
    %dma_wait3A_425 = arith.constant 0 : i32
    %dma_wait3A_426 = tpu.memref_slice %arg18[%dma_wait3A_424, %dma_wait3A_425] : memref<2x5136xf32, #tpu.memory_space<vmem>> -> memref<1x5120xf32, #tpu.memory_space<vmem>>
    %dma_wait3A_427 = tpu.memref_squeeze %dma_wait3A_426 : memref<1x5120xf32, #tpu.memory_space<vmem>> -> memref<5120xf32, #tpu.memory_space<vmem>>
    %dma_wait3A_428 = tpu.memref_slice %arg8[%add3A_309] : memref<655360xf32, #tpu.memory_space<hbm>> -> memref<5120xf32, #tpu.memory_space<hbm>>
    %dma_wait3A_429 = tpu.memref_slice %arg8[%add3A_309] : memref<655360xf32, #tpu.memory_space<hbm>> -> memref<5120xf32, #tpu.memory_space<hbm>>
    %dma_wait3A_430 = arith.constant 0 : i32
    %dma_wait3A_431 = tpu.memref_slice %arg18[%dma_wait3A_424, %dma_wait3A_430] : memref<2x5136xf32, #tpu.memory_space<vmem>> -> memref<1x5120xf32, #tpu.memory_space<vmem>>
    %dma_wait3A_432 = tpu.memref_squeeze %dma_wait3A_431 : memref<1x5120xf32, #tpu.memory_space<vmem>> -> memref<5120xf32, #tpu.memory_space<vmem>>
    tpu.wait_dma2 semaphore(%arg21 : memref<!tpu.dma_semaphore, #tpu.memory_space<semaphore_mem>>) src(%dma_wait3A_432 : memref<5120xf32, #tpu.memory_space<vmem>>) dst(%dma_wait3A_429 : memref<5120xf32, #tpu.memory_space<hbm>>)
    %dma_wait3A_433 = arith.constant 1 : i32
    %dma_wait3A_434 = arith.constant 0 : i32
    %dma_wait3A_435 = tpu.memref_slice %arg19[%dma_wait3A_433, %dma_wait3A_434] : memref<2x32xi32, #tpu.memory_space<vmem>> -> memref<1x32xi32, #tpu.memory_space<vmem>>
    %dma_wait3A_436 = tpu.memref_squeeze %dma_wait3A_435 : memref<1x32xi32, #tpu.memory_space<vmem>> -> memref<32xi32, #tpu.memory_space<vmem>>
    %dma_wait3A_437 = tpu.memref_slice %arg9[%mul3A_324] : memref<2048xi32, #tpu.memory_space<hbm>> -> memref<32xi32, #tpu.memory_space<hbm>>
    %dma_wait3A_438 = tpu.memref_slice %arg9[%mul3A_324] : memref<2048xi32, #tpu.memory_space<hbm>> -> memref<32xi32, #tpu.memory_space<hbm>>
    %dma_wait3A_439 = arith.constant 0 : i32
    %dma_wait3A_440 = tpu.memref_slice %arg19[%dma_wait3A_433, %dma_wait3A_439] : memref<2x32xi32, #tpu.memory_space<vmem>> -> memref<1x32xi32, #tpu.memory_space<vmem>>
    %dma_wait3A_441 = tpu.memref_squeeze %dma_wait3A_440 : memref<1x32xi32, #tpu.memory_space<vmem>> -> memref<32xi32, #tpu.memory_space<vmem>>
    tpu.wait_dma2 semaphore(%arg21 : memref<!tpu.dma_semaphore, #tpu.memory_space<semaphore_mem>>) src(%dma_wait3A_441 : memref<32xi32, #tpu.memory_space<vmem>>) dst(%dma_wait3A_438 : memref<32xi32, #tpu.memory_space<hbm>>)
    return
  }
}

#map = affine_map<(d0, d1) -> (0, 0)>
#map1 = affine_map<(d0, d1) -> (0)>
#map2 = affine_map<(d0, d1) -> (0, 0, 0, 0)>
#map3 = affine_map<(d0, d1) -> (0, 0, 0)>
module attributes {stable_mosaic.version = 14 : i64} {
  func.func @_agg_body(%arg0: i32, %arg1: i32, %arg2: memref<10000x128xf32, #tpu.memory_space<hbm>>, %arg3: memref<10000x128xbf16, #tpu.memory_space<hbm>>, %arg4: memref<655360xi32, #tpu.memory_space<hbm>>, %arg5: memref<655360xf32, #tpu.memory_space<hbm>>, %arg6: memref<2048xi32, #tpu.memory_space<hbm>>, %arg7: memref<1024xf32, #tpu.memory_space<hbm>>, %arg8: memref<2048xi32, #tpu.memory_space<hbm>>, %arg9: memref<10304xi32, #tpu.memory_space<hbm>>, %arg10: memref<10304xi32, #tpu.memory_space<hbm>>, %arg11: memref<2x2x1024x128xbf16, #tpu.memory_space<hbm>>, %arg12: memref<2x1024x128xf32, #tpu.memory_space<hbm>>, %arg13: memref<1024xi32, #tpu.memory_space<vmem>>, %arg14: memref<16x64xi32, #tpu.memory_space<vmem>>, %arg15: memref<32x32xi32, #tpu.memory_space<vmem>>, %arg16: memref<5120xi32, #tpu.memory_space<vmem>>, %arg17: memref<5120xi32, #tpu.memory_space<vmem>>, %arg18: memref<5120xf32, #tpu.memory_space<vmem>>, %arg19: memref<5120xf32, #tpu.memory_space<vmem>>, %arg20: memref<32xi32, #tpu.memory_space<vmem>>, %arg21: memref<10304xi32, #tpu.memory_space<vmem>>, %arg22: memref<10304xi32, #tpu.memory_space<vmem>>, %arg23: memref<160x64xi32, #tpu.memory_space<vmem>>, %arg24: memref<2x64x128xbf16, #tpu.memory_space<vmem>>, %arg25: memref<32x128xf32, #tpu.memory_space<vmem>>, %arg26: memref<64x128xbf16, #tpu.memory_space<vmem>>, %arg27: memref<16xf32, #tpu.memory_space<vmem>>, %arg28: memref<5008x128xbf16, #tpu.memory_space<vmem_shared>>, %arg29: memref<!tpu.dma_semaphore, #tpu.memory_space<semaphore_mem>>, %arg30: memref<!tpu.dma_semaphore, #tpu.memory_space<semaphore_mem>>, %arg31: memref<!tpu.dma_semaphore, #tpu.memory_space<semaphore_mem>>) attributes {dimension_semantics = [#tpu.dimension_semantics<core_parallel>, #tpu.dimension_semantics<subcore_parallel>], iteration_bounds = array<i64: 2, 16>, scalar_prefetch = 0 : i64, scratch_operands = 19 : i64, tpu.core_type = #tpu.core_type<sc_vector_subcore>, window_params = [{transform_indices = #map}, {transform_indices = #map}, {transform_indices = #map1}, {transform_indices = #map1}, {transform_indices = #map1}, {transform_indices = #map1}, {transform_indices = #map1}, {transform_indices = #map1}, {transform_indices = #map1}, {transform_indices = #map2}, {transform_indices = #map3}]} {
    %mul3A = arith.constant 2 : i32
    %mul3A_0 = arith.muli %arg1, %mul3A : i32
    %add3A = arith.addi %mul3A_0, %arg0 : i32
    %mul3A_1 = arith.constant 5000 : i32
    %mul3A_2 = arith.muli %arg0, %mul3A_1 : i32
    %iota3A = tpu.iota {dimensions = array<i32: 0>} : vector<16xi32>
    %scan3A = arith.constant 0 : i32
    %scan3A_3 = arith.constant 0 : i32
    %scan3A_4 = arith.constant 256 : i32
    %scan3A_5 = arith.addi %scan3A_3, %scan3A_4 : i32
    %scan3A_6 = arith.constant 1 : i32
    %scan3A_7 = scf.for %scan3A_684 = %scan3A_3 to %scan3A_5 step %scan3A_6 iter_args(%scan3A_685 = %scan3A) -> (i32)  : i32 {
      %broadcast_in_dim3A = arith.constant 0.000000e+00 : bf16
      %broadcast_in_dim3A_686 = vector.broadcast %broadcast_in_dim3A : bf16 to vector<32xbf16>
      %jit3A_687 = arith.constant 4 : i32
      %div3A_688 = arith.divsi %scan3A_684, %jit3A_687 : i32
      %sign3A_689 = arith.constant 0 : i32
      %sign3A_690 = arith.cmpi sgt, %scan3A_684, %sign3A_689 : i32
      %sign3A_691 = arith.extui %sign3A_690 : i1 to i32
      %sign3A_692 = arith.constant 0 : i32
      %sign3A_693 = arith.cmpi slt, %scan3A_684, %sign3A_692 : i32
      %sign3A_694 = arith.extui %sign3A_693 : i1 to i32
      %sign3A_695 = arith.subi %sign3A_691, %sign3A_694 : i32
      %sign3A_696 = arith.constant 0 : i32
      %sign3A_697 = arith.cmpi sgt, %jit3A_687, %sign3A_696 : i32
      %sign3A_698 = arith.extui %sign3A_697 : i1 to i32
      %sign3A_699 = arith.constant 0 : i32
      %sign3A_700 = arith.cmpi slt, %jit3A_687, %sign3A_699 : i32
      %sign3A_701 = arith.extui %sign3A_700 : i1 to i32
      %sign3A_702 = arith.subi %sign3A_698, %sign3A_701 : i32
      %ne3A_703 = arith.cmpi ne, %sign3A_695, %sign3A_702 : i32
      %rem3A_704 = arith.remsi %scan3A_684, %jit3A_687 : i32
      %ne3A_705 = arith.constant 0 : i32
      %ne3A_706 = arith.cmpi ne, %rem3A_704, %ne3A_705 : i32
      %and3A_707 = arith.andi %ne3A_703, %ne3A_706 : i1
      %sub3A_708 = arith.constant 1 : i32
      %sub3A_709 = arith.subi %div3A_688, %sub3A_708 : i32
      %select_n3A_710 = arith.select %and3A_707, %sub3A_709, %div3A_688 : i32
      %jit3A_711 = arith.constant 4 : i32
      %eq3A = arith.constant 0 : i32
      %eq3A_712 = arith.cmpi eq, %jit3A_711, %eq3A : i32
      %jit3A_713 = arith.constant 1 : i32
      %select_n3A_714 = arith.select %eq3A_712, %jit3A_713, %jit3A_711 : i32
      %rem3A_715 = arith.remsi %scan3A_684, %select_n3A_714 : i32
      %ne3A_716 = arith.constant 0 : i32
      %ne3A_717 = arith.cmpi ne, %rem3A_715, %ne3A_716 : i32
      %lt3A = arith.constant 0 : i32
      %lt3A_718 = arith.cmpi slt, %rem3A_715, %lt3A : i32
      %lt3A_719 = arith.constant 0 : i32
      %lt3A_720 = arith.cmpi slt, %select_n3A_714, %lt3A_719 : i32
      %ne3A_721 = arith.xori %lt3A_718, %lt3A_720 : i1
      %and3A_722 = arith.andi %ne3A_721, %ne3A_717 : i1
      %add3A_723 = arith.addi %rem3A_715, %select_n3A_714 : i32
      %select_n3A_724 = arith.select %and3A_722, %add3A_723, %rem3A_715 : i32
      %mul3A_725 = arith.constant 2 : i32
      %mul3A_726 = arith.muli %select_n3A_724, %mul3A_725 : i32
      %mul3A_727 = arith.constant 16 : i32
      %mul3A_728 = arith.muli %mul3A_726, %mul3A_727 : i32
      %swap3A = arith.index_cast %select_n3A_710 : i32 to index
      %swap3A_729 = arith.index_cast %mul3A_728 : i32 to index
      %swap3A_730 = tpu.vector_load %arg26[%swap3A, %swap3A_729] {strides = array<i32>} : memref<64x128xbf16, #tpu.memory_space<vmem>>, vector<32xbf16>,
      tpu.vector_store %arg26[%swap3A, %swap3A_729], %broadcast_in_dim3A_686 {strides = array<i32>} : memref<64x128xbf16, #tpu.memory_space<vmem>>, vector<32xbf16>,
      %scan3A_731 = arith.constant 0 : i32
      scf.yield %scan3A_731 : i32
    }
    %scan3A_8 = arith.constant 256 : i32
    %mul3A_9 = arith.constant 2 : i32
    %mul3A_10 = arith.muli %mul3A_9, %arg1 : i32
    %add3A_11 = arith.constant 0 : i32
    %add3A_12 = arith.addi %add3A_11, %mul3A_10 : i32
    %mul3A_13 = arith.constant 2 : i32
    %mul3A_14 = arith.muli %add3A_12, %mul3A_13 : i32
    %add3A_15 = arith.addi %mul3A_14, %arg0 : i32
    %mul3A_16 = arith.constant 5120 : i32
    %mul3A_17 = arith.muli %add3A_15, %mul3A_16 : i32
    %mul3A_18 = arith.constant 2 : i32
    %mul3A_19 = arith.muli %mul3A_18, %arg1 : i32
    %add3A_20 = arith.constant 0 : i32
    %add3A_21 = arith.addi %add3A_20, %mul3A_19 : i32
    %add3A_22 = arith.constant 1 : i32
    %add3A_23 = arith.addi %add3A_21, %add3A_22 : i32
    %mul3A_24 = arith.constant 2 : i32
    %mul3A_25 = arith.muli %add3A_23, %mul3A_24 : i32
    %add3A_26 = arith.addi %mul3A_25, %arg0 : i32
    %mul3A_27 = arith.constant 5120 : i32
    %mul3A_28 = arith.muli %add3A_26, %mul3A_27 : i32
    %dma_start3A = arith.constant 0 : i32
    %dma_start3A_29 = tpu.memref_slice %arg7[%dma_start3A] : memref<1024xf32, #tpu.memory_space<hbm>> -> memref<16xf32, #tpu.memory_space<hbm>>
    %dma_start3A_30 = arith.constant 0 : i32
    %dma_start3A_31 = tpu.memref_slice %arg7[%dma_start3A_30] : memref<1024xf32, #tpu.memory_space<hbm>> -> memref<16xf32, #tpu.memory_space<hbm>>
    tpu.enqueue_dma source(%dma_start3A_31 : memref<16xf32, #tpu.memory_space<hbm>>) target(%arg27 : memref<16xf32, #tpu.memory_space<vmem>>) target_semaphore(%arg29 : memref<!tpu.dma_semaphore, #tpu.memory_space<semaphore_mem>>)
    %dma_start3A_32 = arith.constant 0 : i32
    %dma_start3A_33 = tpu.memref_slice %arg8[%dma_start3A_32] : memref<2048xi32, #tpu.memory_space<hbm>> -> memref<1024xi32, #tpu.memory_space<hbm>>
    %dma_start3A_34 = arith.constant 0 : i32
    %dma_start3A_35 = tpu.memref_slice %arg8[%dma_start3A_34] : memref<2048xi32, #tpu.memory_space<hbm>> -> memref<1024xi32, #tpu.memory_space<hbm>>
    tpu.enqueue_dma source(%dma_start3A_35 : memref<1024xi32, #tpu.memory_space<hbm>>) target(%arg13 : memref<1024xi32, #tpu.memory_space<vmem>>) target_semaphore(%arg29 : memref<!tpu.dma_semaphore, #tpu.memory_space<semaphore_mem>>)
    %dma_start3A_36 = arith.constant 0 : i32
    %dma_start3A_37 = tpu.memref_slice %arg9[%dma_start3A_36] : memref<10304xi32, #tpu.memory_space<hbm>> -> memref<10304xi32, #tpu.memory_space<hbm>>
    %dma_start3A_38 = arith.constant 0 : i32
    %dma_start3A_39 = tpu.memref_slice %arg9[%dma_start3A_38] : memref<10304xi32, #tpu.memory_space<hbm>> -> memref<10304xi32, #tpu.memory_space<hbm>>
    tpu.enqueue_dma source(%dma_start3A_39 : memref<10304xi32, #tpu.memory_space<hbm>>) target(%arg21 : memref<10304xi32, #tpu.memory_space<vmem>>) target_semaphore(%arg29 : memref<!tpu.dma_semaphore, #tpu.memory_space<semaphore_mem>>)
    %dma_start3A_40 = arith.constant 0 : i32
    %dma_start3A_41 = tpu.memref_slice %arg10[%dma_start3A_40] : memref<10304xi32, #tpu.memory_space<hbm>> -> memref<10304xi32, #tpu.memory_space<hbm>>
    %dma_start3A_42 = arith.constant 0 : i32
    %dma_start3A_43 = tpu.memref_slice %arg10[%dma_start3A_42] : memref<10304xi32, #tpu.memory_space<hbm>> -> memref<10304xi32, #tpu.memory_space<hbm>>
    tpu.enqueue_dma source(%dma_start3A_43 : memref<10304xi32, #tpu.memory_space<hbm>>) target(%arg22 : memref<10304xi32, #tpu.memory_space<vmem>>) target_semaphore(%arg29 : memref<!tpu.dma_semaphore, #tpu.memory_space<semaphore_mem>>)
    %dma_start3A_44 = tpu.memref_slice %arg4[%mul3A_17] : memref<655360xi32, #tpu.memory_space<hbm>> -> memref<5120xi32, #tpu.memory_space<hbm>>
    %dma_start3A_45 = tpu.memref_slice %arg4[%mul3A_17] : memref<655360xi32, #tpu.memory_space<hbm>> -> memref<5120xi32, #tpu.memory_space<hbm>>
    tpu.enqueue_dma source(%dma_start3A_45 : memref<5120xi32, #tpu.memory_space<hbm>>) target(%arg16 : memref<5120xi32, #tpu.memory_space<vmem>>) target_semaphore(%arg29 : memref<!tpu.dma_semaphore, #tpu.memory_space<semaphore_mem>>)
    %dma_start3A_46 = tpu.memref_slice %arg5[%mul3A_17] : memref<655360xf32, #tpu.memory_space<hbm>> -> memref<5120xf32, #tpu.memory_space<hbm>>
    %dma_start3A_47 = tpu.memref_slice %arg5[%mul3A_17] : memref<655360xf32, #tpu.memory_space<hbm>> -> memref<5120xf32, #tpu.memory_space<hbm>>
    tpu.enqueue_dma source(%dma_start3A_47 : memref<5120xf32, #tpu.memory_space<hbm>>) target(%arg18 : memref<5120xf32, #tpu.memory_space<vmem>>) target_semaphore(%arg29 : memref<!tpu.dma_semaphore, #tpu.memory_space<semaphore_mem>>)
    %dma_start3A_48 = tpu.memref_slice %arg4[%mul3A_28] : memref<655360xi32, #tpu.memory_space<hbm>> -> memref<5120xi32, #tpu.memory_space<hbm>>
    %dma_start3A_49 = tpu.memref_slice %arg4[%mul3A_28] : memref<655360xi32, #tpu.memory_space<hbm>> -> memref<5120xi32, #tpu.memory_space<hbm>>
    tpu.enqueue_dma source(%dma_start3A_49 : memref<5120xi32, #tpu.memory_space<hbm>>) target(%arg17 : memref<5120xi32, #tpu.memory_space<vmem>>) target_semaphore(%arg29 : memref<!tpu.dma_semaphore, #tpu.memory_space<semaphore_mem>>)
    %dma_start3A_50 = tpu.memref_slice %arg5[%mul3A_28] : memref<655360xf32, #tpu.memory_space<hbm>> -> memref<5120xf32, #tpu.memory_space<hbm>>
    %dma_start3A_51 = tpu.memref_slice %arg5[%mul3A_28] : memref<655360xf32, #tpu.memory_space<hbm>> -> memref<5120xf32, #tpu.memory_space<hbm>>
    tpu.enqueue_dma source(%dma_start3A_51 : memref<5120xf32, #tpu.memory_space<hbm>>) target(%arg19 : memref<5120xf32, #tpu.memory_space<vmem>>) target_semaphore(%arg29 : memref<!tpu.dma_semaphore, #tpu.memory_space<semaphore_mem>>)
    %mul3A_52 = arith.constant 2 : i32
    %mul3A_53 = arith.muli %mul3A_52, %arg1 : i32
    %add3A_54 = arith.constant 0 : i32
    %add3A_55 = arith.addi %add3A_54, %mul3A_53 : i32
    %mul3A_56 = arith.constant 2 : i32
    %mul3A_57 = arith.muli %add3A_55, %mul3A_56 : i32
    %add3A_58 = arith.addi %mul3A_57, %arg0 : i32
    %mul3A_59 = arith.constant 16 : i32
    %mul3A_60 = arith.muli %add3A_58, %mul3A_59 : i32
    %dma_start3A_61 = arith.constant 0 : i32
    %dma_start3A_62 = tpu.memref_slice %arg20[%dma_start3A_61] : memref<32xi32, #tpu.memory_space<vmem>> -> memref<16xi32, #tpu.memory_space<vmem>>
    %dma_start3A_63 = tpu.memref_slice %arg6[%mul3A_60] : memref<2048xi32, #tpu.memory_space<hbm>> -> memref<16xi32, #tpu.memory_space<hbm>>
    %dma_start3A_64 = arith.constant 0 : i32
    %dma_start3A_65 = tpu.memref_slice %arg20[%dma_start3A_64] : memref<32xi32, #tpu.memory_space<vmem>> -> memref<16xi32, #tpu.memory_space<vmem>>
    %dma_start3A_66 = tpu.memref_slice %arg6[%mul3A_60] : memref<2048xi32, #tpu.memory_space<hbm>> -> memref<16xi32, #tpu.memory_space<hbm>>
    tpu.enqueue_dma source(%dma_start3A_66 : memref<16xi32, #tpu.memory_space<hbm>>) target(%dma_start3A_65 : memref<16xi32, #tpu.memory_space<vmem>>) target_semaphore(%arg29 : memref<!tpu.dma_semaphore, #tpu.memory_space<semaphore_mem>>)
    %mul3A_67 = arith.constant 2 : i32
    %mul3A_68 = arith.muli %mul3A_67, %arg1 : i32
    %add3A_69 = arith.constant 0 : i32
    %add3A_70 = arith.addi %add3A_69, %mul3A_68 : i32
    %add3A_71 = arith.constant 1 : i32
    %add3A_72 = arith.addi %add3A_70, %add3A_71 : i32
    %mul3A_73 = arith.constant 2 : i32
    %mul3A_74 = arith.muli %add3A_72, %mul3A_73 : i32
    %add3A_75 = arith.addi %mul3A_74, %arg0 : i32
    %mul3A_76 = arith.constant 16 : i32
    %mul3A_77 = arith.muli %add3A_75, %mul3A_76 : i32
    %dma_start3A_78 = arith.constant 16 : i32
    %dma_start3A_79 = tpu.memref_slice %arg20[%dma_start3A_78] : memref<32xi32, #tpu.memory_space<vmem>> -> memref<16xi32, #tpu.memory_space<vmem>>
    %dma_start3A_80 = tpu.memref_slice %arg6[%mul3A_77] : memref<2048xi32, #tpu.memory_space<hbm>> -> memref<16xi32, #tpu.memory_space<hbm>>
    %dma_start3A_81 = arith.constant 16 : i32
    %dma_start3A_82 = tpu.memref_slice %arg20[%dma_start3A_81] : memref<32xi32, #tpu.memory_space<vmem>> -> memref<16xi32, #tpu.memory_space<vmem>>
    %dma_start3A_83 = tpu.memref_slice %arg6[%mul3A_77] : memref<2048xi32, #tpu.memory_space<hbm>> -> memref<16xi32, #tpu.memory_space<hbm>>
    tpu.enqueue_dma source(%dma_start3A_83 : memref<16xi32, #tpu.memory_space<hbm>>) target(%dma_start3A_82 : memref<16xi32, #tpu.memory_space<vmem>>) target_semaphore(%arg29 : memref<!tpu.dma_semaphore, #tpu.memory_space<semaphore_mem>>)
    %dma_wait3A = arith.constant 0 : i32
    %dma_wait3A_84 = tpu.memref_slice %arg7[%dma_wait3A] : memref<1024xf32, #tpu.memory_space<hbm>> -> memref<16xf32, #tpu.memory_space<hbm>>
    %dma_wait3A_85 = arith.constant 0 : i32
    %dma_wait3A_86 = tpu.memref_slice %arg7[%dma_wait3A_85] : memref<1024xf32, #tpu.memory_space<hbm>> -> memref<16xf32, #tpu.memory_space<hbm>>
    tpu.wait_dma2 semaphore(%arg29 : memref<!tpu.dma_semaphore, #tpu.memory_space<semaphore_mem>>) src(%dma_wait3A_86 : memref<16xf32, #tpu.memory_space<hbm>>) dst(%arg27 : memref<16xf32, #tpu.memory_space<vmem>>)
    %dma_wait3A_87 = arith.constant 0 : i32
    %dma_wait3A_88 = tpu.memref_slice %arg8[%dma_wait3A_87] : memref<2048xi32, #tpu.memory_space<hbm>> -> memref<1024xi32, #tpu.memory_space<hbm>>
    %dma_wait3A_89 = arith.constant 0 : i32
    %dma_wait3A_90 = tpu.memref_slice %arg8[%dma_wait3A_89] : memref<2048xi32, #tpu.memory_space<hbm>> -> memref<1024xi32, #tpu.memory_space<hbm>>
    tpu.wait_dma2 semaphore(%arg29 : memref<!tpu.dma_semaphore, #tpu.memory_space<semaphore_mem>>) src(%dma_wait3A_90 : memref<1024xi32, #tpu.memory_space<hbm>>) dst(%arg13 : memref<1024xi32, #tpu.memory_space<vmem>>)
    %dma_wait3A_91 = arith.constant 0 : i32
    %dma_wait3A_92 = tpu.memref_slice %arg9[%dma_wait3A_91] : memref<10304xi32, #tpu.memory_space<hbm>> -> memref<10304xi32, #tpu.memory_space<hbm>>
    %dma_wait3A_93 = arith.constant 0 : i32
    %dma_wait3A_94 = tpu.memref_slice %arg9[%dma_wait3A_93] : memref<10304xi32, #tpu.memory_space<hbm>> -> memref<10304xi32, #tpu.memory_space<hbm>>
    tpu.wait_dma2 semaphore(%arg29 : memref<!tpu.dma_semaphore, #tpu.memory_space<semaphore_mem>>) src(%dma_wait3A_94 : memref<10304xi32, #tpu.memory_space<hbm>>) dst(%arg21 : memref<10304xi32, #tpu.memory_space<vmem>>)
    %dma_wait3A_95 = arith.constant 0 : i32
    %dma_wait3A_96 = tpu.memref_slice %arg10[%dma_wait3A_95] : memref<10304xi32, #tpu.memory_space<hbm>> -> memref<10304xi32, #tpu.memory_space<hbm>>
    %dma_wait3A_97 = arith.constant 0 : i32
    %dma_wait3A_98 = tpu.memref_slice %arg10[%dma_wait3A_97] : memref<10304xi32, #tpu.memory_space<hbm>> -> memref<10304xi32, #tpu.memory_space<hbm>>
    tpu.wait_dma2 semaphore(%arg29 : memref<!tpu.dma_semaphore, #tpu.memory_space<semaphore_mem>>) src(%dma_wait3A_98 : memref<10304xi32, #tpu.memory_space<hbm>>) dst(%arg22 : memref<10304xi32, #tpu.memory_space<vmem>>)
    %dma_wait3A_99 = tpu.memref_slice %arg4[%mul3A_17] : memref<655360xi32, #tpu.memory_space<hbm>> -> memref<5120xi32, #tpu.memory_space<hbm>>
    %dma_wait3A_100 = tpu.memref_slice %arg4[%mul3A_17] : memref<655360xi32, #tpu.memory_space<hbm>> -> memref<5120xi32, #tpu.memory_space<hbm>>
    tpu.wait_dma2 semaphore(%arg29 : memref<!tpu.dma_semaphore, #tpu.memory_space<semaphore_mem>>) src(%dma_wait3A_100 : memref<5120xi32, #tpu.memory_space<hbm>>) dst(%arg16 : memref<5120xi32, #tpu.memory_space<vmem>>)
    %dma_wait3A_101 = tpu.memref_slice %arg5[%mul3A_17] : memref<655360xf32, #tpu.memory_space<hbm>> -> memref<5120xf32, #tpu.memory_space<hbm>>
    %dma_wait3A_102 = tpu.memref_slice %arg5[%mul3A_17] : memref<655360xf32, #tpu.memory_space<hbm>> -> memref<5120xf32, #tpu.memory_space<hbm>>
    tpu.wait_dma2 semaphore(%arg29 : memref<!tpu.dma_semaphore, #tpu.memory_space<semaphore_mem>>) src(%dma_wait3A_102 : memref<5120xf32, #tpu.memory_space<hbm>>) dst(%arg18 : memref<5120xf32, #tpu.memory_space<vmem>>)
    %dma_wait3A_103 = tpu.memref_slice %arg4[%mul3A_28] : memref<655360xi32, #tpu.memory_space<hbm>> -> memref<5120xi32, #tpu.memory_space<hbm>>
    %dma_wait3A_104 = tpu.memref_slice %arg4[%mul3A_28] : memref<655360xi32, #tpu.memory_space<hbm>> -> memref<5120xi32, #tpu.memory_space<hbm>>
    tpu.wait_dma2 semaphore(%arg29 : memref<!tpu.dma_semaphore, #tpu.memory_space<semaphore_mem>>) src(%dma_wait3A_104 : memref<5120xi32, #tpu.memory_space<hbm>>) dst(%arg17 : memref<5120xi32, #tpu.memory_space<vmem>>)
    %dma_wait3A_105 = tpu.memref_slice %arg5[%mul3A_28] : memref<655360xf32, #tpu.memory_space<hbm>> -> memref<5120xf32, #tpu.memory_space<hbm>>
    %dma_wait3A_106 = tpu.memref_slice %arg5[%mul3A_28] : memref<655360xf32, #tpu.memory_space<hbm>> -> memref<5120xf32, #tpu.memory_space<hbm>>
    tpu.wait_dma2 semaphore(%arg29 : memref<!tpu.dma_semaphore, #tpu.memory_space<semaphore_mem>>) src(%dma_wait3A_106 : memref<5120xf32, #tpu.memory_space<hbm>>) dst(%arg19 : memref<5120xf32, #tpu.memory_space<vmem>>)
    %dma_wait3A_107 = arith.constant 0 : i32
    %dma_wait3A_108 = tpu.memref_slice %arg20[%dma_wait3A_107] : memref<32xi32, #tpu.memory_space<vmem>> -> memref<16xi32, #tpu.memory_space<vmem>>
    %dma_wait3A_109 = tpu.memref_slice %arg6[%mul3A_60] : memref<2048xi32, #tpu.memory_space<hbm>> -> memref<16xi32, #tpu.memory_space<hbm>>
    %dma_wait3A_110 = arith.constant 0 : i32
    %dma_wait3A_111 = tpu.memref_slice %arg20[%dma_wait3A_110] : memref<32xi32, #tpu.memory_space<vmem>> -> memref<16xi32, #tpu.memory_space<vmem>>
    %dma_wait3A_112 = tpu.memref_slice %arg6[%mul3A_60] : memref<2048xi32, #tpu.memory_space<hbm>> -> memref<16xi32, #tpu.memory_space<hbm>>
    tpu.wait_dma2 semaphore(%arg29 : memref<!tpu.dma_semaphore, #tpu.memory_space<semaphore_mem>>) src(%dma_wait3A_112 : memref<16xi32, #tpu.memory_space<hbm>>) dst(%dma_wait3A_111 : memref<16xi32, #tpu.memory_space<vmem>>)
    %dma_wait3A_113 = arith.constant 16 : i32
    %dma_wait3A_114 = tpu.memref_slice %arg20[%dma_wait3A_113] : memref<32xi32, #tpu.memory_space<vmem>> -> memref<16xi32, #tpu.memory_space<vmem>>
    %dma_wait3A_115 = tpu.memref_slice %arg6[%mul3A_77] : memref<2048xi32, #tpu.memory_space<hbm>> -> memref<16xi32, #tpu.memory_space<hbm>>
    %dma_wait3A_116 = arith.constant 16 : i32
    %dma_wait3A_117 = tpu.memref_slice %arg20[%dma_wait3A_116] : memref<32xi32, #tpu.memory_space<vmem>> -> memref<16xi32, #tpu.memory_space<vmem>>
    %dma_wait3A_118 = tpu.memref_slice %arg6[%mul3A_77] : memref<2048xi32, #tpu.memory_space<hbm>> -> memref<16xi32, #tpu.memory_space<hbm>>
    tpu.wait_dma2 semaphore(%arg29 : memref<!tpu.dma_semaphore, #tpu.memory_space<semaphore_mem>>) src(%dma_wait3A_118 : memref<16xi32, #tpu.memory_space<hbm>>) dst(%dma_wait3A_117 : memref<16xi32, #tpu.memory_space<vmem>>)
    %get3A = arith.constant 0 : index
    %get3A_119 = tpu.vector_load %arg27[%get3A] {strides = array<i32>} : memref<16xf32, #tpu.memory_space<vmem>>, vector<16xf32>,
    %scan3A_120 = arith.constant 0 : i32
    %scan3A_121 = arith.constant 0 : i32
    %scan3A_122 = arith.constant 64 : i32
    %scan3A_123 = arith.addi %scan3A_121, %scan3A_122 : i32
    %scan3A_124 = arith.constant 1 : i32
    %scan3A_125 = scf.for %scan3A_684 = %scan3A_121 to %scan3A_123 step %scan3A_124 iter_args(%scan3A_685 = %scan3A_120) -> (i32)  : i32 {
      %mul3A_686 = arith.constant 16 : i32
      %mul3A_687 = arith.muli %scan3A_684, %mul3A_686 : i32
      %get3A_688 = arith.index_cast %mul3A_687 : i32 to index
      %get3A_689 = tpu.vector_load %arg13[%get3A_688] {strides = array<i32>} : memref<1024xi32, #tpu.memory_space<vmem>>, vector<16xi32>,
      %sub3A_690 = vector.broadcast %mul3A_2 : i32 to vector<16xi32>
      %sub3A_691 = arith.subi %get3A_689, %sub3A_690 : vector<16xi32>
      %ge3A = arith.constant 0 : i32
      %ge3A_692 = vector.broadcast %ge3A : i32 to vector<16xi32>
      %ge3A_693 = arith.cmpi sge, %sub3A_691, %ge3A_692 : vector<16xi32>
      %lt3A = arith.constant 5000 : i32
      %lt3A_694 = vector.broadcast %lt3A : i32 to vector<16xi32>
      %lt3A_695 = arith.cmpi slt, %sub3A_691, %lt3A_694 : vector<16xi32>
      %and3A_696 = arith.andi %ge3A_693, %lt3A_695 : vector<16xi1>
      %jit3A_697 = arith.constant 5001 : i32
      %broadcast_in_dim3A = vector.broadcast %jit3A_697 : i32 to vector<16xi32>
      %select_n3A_698 = arith.select %and3A_696, %sub3A_691, %broadcast_in_dim3A : vector<16xi1>, vector<16xi32>
      %jit3A_699 = arith.constant 4 : i32
      %div3A_700 = arith.divsi %scan3A_684, %jit3A_699 : i32
      %sign3A_701 = arith.constant 0 : i32
      %sign3A_702 = arith.cmpi sgt, %scan3A_684, %sign3A_701 : i32
      %sign3A_703 = arith.extui %sign3A_702 : i1 to i32
      %sign3A_704 = arith.constant 0 : i32
      %sign3A_705 = arith.cmpi slt, %scan3A_684, %sign3A_704 : i32
      %sign3A_706 = arith.extui %sign3A_705 : i1 to i32
      %sign3A_707 = arith.subi %sign3A_703, %sign3A_706 : i32
      %sign3A_708 = arith.constant 0 : i32
      %sign3A_709 = arith.cmpi sgt, %jit3A_699, %sign3A_708 : i32
      %sign3A_710 = arith.extui %sign3A_709 : i1 to i32
      %sign3A_711 = arith.constant 0 : i32
      %sign3A_712 = arith.cmpi slt, %jit3A_699, %sign3A_711 : i32
      %sign3A_713 = arith.extui %sign3A_712 : i1 to i32
      %sign3A_714 = arith.subi %sign3A_710, %sign3A_713 : i32
      %ne3A_715 = arith.cmpi ne, %sign3A_707, %sign3A_714 : i32
      %rem3A_716 = arith.remsi %scan3A_684, %jit3A_699 : i32
      %ne3A_717 = arith.constant 0 : i32
      %ne3A_718 = arith.cmpi ne, %rem3A_716, %ne3A_717 : i32
      %and3A_719 = arith.andi %ne3A_715, %ne3A_718 : i1
      %sub3A_720 = arith.constant 1 : i32
      %sub3A_721 = arith.subi %div3A_700, %sub3A_720 : i32
      %select_n3A_722 = arith.select %and3A_719, %sub3A_721, %div3A_700 : i32
      %jit3A_723 = arith.constant 4 : i32
      %eq3A = arith.constant 0 : i32
      %eq3A_724 = arith.cmpi eq, %jit3A_723, %eq3A : i32
      %jit3A_725 = arith.constant 1 : i32
      %select_n3A_726 = arith.select %eq3A_724, %jit3A_725, %jit3A_723 : i32
      %rem3A_727 = arith.remsi %scan3A_684, %select_n3A_726 : i32
      %ne3A_728 = arith.constant 0 : i32
      %ne3A_729 = arith.cmpi ne, %rem3A_727, %ne3A_728 : i32
      %lt3A_730 = arith.constant 0 : i32
      %lt3A_731 = arith.cmpi slt, %rem3A_727, %lt3A_730 : i32
      %lt3A_732 = arith.constant 0 : i32
      %lt3A_733 = arith.cmpi slt, %select_n3A_726, %lt3A_732 : i32
      %ne3A_734 = arith.xori %lt3A_731, %lt3A_733 : i1
      %and3A_735 = arith.andi %ne3A_734, %ne3A_729 : i1
      %add3A_736 = arith.addi %rem3A_727, %select_n3A_726 : i32
      %select_n3A_737 = arith.select %and3A_735, %add3A_736, %rem3A_727 : i32
      %mul3A_738 = arith.constant 16 : i32
      %mul3A_739 = arith.muli %select_n3A_737, %mul3A_738 : i32
      %swap3A = arith.index_cast %select_n3A_722 : i32 to index
      %swap3A_740 = arith.index_cast %mul3A_739 : i32 to index
      %swap3A_741 = tpu.vector_load %arg14[%swap3A, %swap3A_740] {strides = array<i32>} : memref<16x64xi32, #tpu.memory_space<vmem>>, vector<16xi32>,
      tpu.vector_store %arg14[%swap3A, %swap3A_740], %select_n3A_698 {strides = array<i32>} : memref<16x64xi32, #tpu.memory_space<vmem>>, vector<16xi32>,
      %jit3A_742 = arith.constant 2 : i32
      %div3A_743 = arith.divsi %scan3A_684, %jit3A_742 : i32
      %sign3A_744 = arith.constant 0 : i32
      %sign3A_745 = arith.cmpi sgt, %scan3A_684, %sign3A_744 : i32
      %sign3A_746 = arith.extui %sign3A_745 : i1 to i32
      %sign3A_747 = arith.constant 0 : i32
      %sign3A_748 = arith.cmpi slt, %scan3A_684, %sign3A_747 : i32
      %sign3A_749 = arith.extui %sign3A_748 : i1 to i32
      %sign3A_750 = arith.subi %sign3A_746, %sign3A_749 : i32
      %sign3A_751 = arith.constant 0 : i32
      %sign3A_752 = arith.cmpi sgt, %jit3A_742, %sign3A_751 : i32
      %sign3A_753 = arith.extui %sign3A_752 : i1 to i32
      %sign3A_754 = arith.constant 0 : i32
      %sign3A_755 = arith.cmpi slt, %jit3A_742, %sign3A_754 : i32
      %sign3A_756 = arith.extui %sign3A_755 : i1 to i32
      %sign3A_757 = arith.subi %sign3A_753, %sign3A_756 : i32
      %ne3A_758 = arith.cmpi ne, %sign3A_750, %sign3A_757 : i32
      %rem3A_759 = arith.remsi %scan3A_684, %jit3A_742 : i32
      %ne3A_760 = arith.constant 0 : i32
      %ne3A_761 = arith.cmpi ne, %rem3A_759, %ne3A_760 : i32
      %and3A_762 = arith.andi %ne3A_758, %ne3A_761 : i1
      %sub3A_763 = arith.constant 1 : i32
      %sub3A_764 = arith.subi %div3A_743, %sub3A_763 : i32
      %select_n3A_765 = arith.select %and3A_762, %sub3A_764, %div3A_743 : i32
      %jit3A_766 = arith.constant 2 : i32
      %eq3A_767 = arith.constant 0 : i32
      %eq3A_768 = arith.cmpi eq, %jit3A_766, %eq3A_767 : i32
      %jit3A_769 = arith.constant 1 : i32
      %select_n3A_770 = arith.select %eq3A_768, %jit3A_769, %jit3A_766 : i32
      %rem3A_771 = arith.remsi %scan3A_684, %select_n3A_770 : i32
      %ne3A_772 = arith.constant 0 : i32
      %ne3A_773 = arith.cmpi ne, %rem3A_771, %ne3A_772 : i32
      %lt3A_774 = arith.constant 0 : i32
      %lt3A_775 = arith.cmpi slt, %rem3A_771, %lt3A_774 : i32
      %lt3A_776 = arith.constant 0 : i32
      %lt3A_777 = arith.cmpi slt, %select_n3A_770, %lt3A_776 : i32
      %ne3A_778 = arith.xori %lt3A_775, %lt3A_777 : i1
      %and3A_779 = arith.andi %ne3A_778, %ne3A_773 : i1
      %add3A_780 = arith.addi %rem3A_771, %select_n3A_770 : i32
      %select_n3A_781 = arith.select %and3A_779, %add3A_780, %rem3A_771 : i32
      %mul3A_782 = arith.constant 16 : i32
      %mul3A_783 = arith.muli %select_n3A_781, %mul3A_782 : i32
      %swap3A_784 = arith.index_cast %select_n3A_765 : i32 to index
      %swap3A_785 = arith.index_cast %mul3A_783 : i32 to index
      %swap3A_786 = tpu.vector_load %arg15[%swap3A_784, %swap3A_785] {strides = array<i32>} : memref<32x32xi32, #tpu.memory_space<vmem>>, vector<16xi32>,
      tpu.vector_store %arg15[%swap3A_784, %swap3A_785], %get3A_689 {strides = array<i32>} : memref<32x32xi32, #tpu.memory_space<vmem>>, vector<16xi32>,
      %scan3A_787 = arith.constant 0 : i32
      scf.yield %scan3A_787 : i32
    }
    %scan3A_126 = arith.constant 64 : i32
    %barrier3A = arith.constant 0 : index
    tpu.barrier barrier_id(%barrier3A)
    "tpu.region"() ({
      %run_scoped3A_684 = tpu.sem_alloc : memref<!tpu.dma_semaphore, #tpu.memory_space<semaphore_mem>>
      %dma_start3A_685 = arith.constant 0 : i32
      %dma_start3A_686 = tpu.memref_slice %arg14[%arg1, %dma_start3A_685] : memref<16x64xi32, #tpu.memory_space<vmem>> -> memref<1x64xi32, #tpu.memory_space<vmem>>
      %dma_start3A_687 = tpu.memref_squeeze %dma_start3A_686 : memref<1x64xi32, #tpu.memory_space<vmem>> -> memref<64xi32, #tpu.memory_space<vmem>>
      %dma_start3A_688 = arith.constant 0 : i32
      %dma_start3A_689 = arith.constant 0 : i32
      %dma_start3A_690 = tpu.memref_slice %arg28[%dma_start3A_688, %dma_start3A_689] : memref<5008x128xbf16, #tpu.memory_space<vmem_shared>> -> memref<5008x128xbf16, #tpu.memory_space<vmem_shared>>
      tpu.enqueue_indirect_dma source(%arg26 : memref<64x128xbf16, #tpu.memory_space<vmem>>) target(%dma_start3A_690 : memref<5008x128xbf16, #tpu.memory_space<vmem_shared>>) offsets(%dma_start3A_687 : memref<64xi32, #tpu.memory_space<vmem>>) semaphore(%run_scoped3A_684 : memref<!tpu.dma_semaphore, #tpu.memory_space<semaphore_mem>>)
      %dma_wait3A_691 = arith.constant 0 : i32
      %dma_wait3A_692 = tpu.memref_slice %arg14[%arg1, %dma_wait3A_691] : memref<16x64xi32, #tpu.memory_space<vmem>> -> memref<1x64xi32, #tpu.memory_space<vmem>>
      %dma_wait3A_693 = tpu.memref_squeeze %dma_wait3A_692 : memref<1x64xi32, #tpu.memory_space<vmem>> -> memref<64xi32, #tpu.memory_space<vmem>>
      %dma_wait3A_694 = arith.constant 0 : i32
      %dma_wait3A_695 = arith.constant 0 : i32
      %dma_wait3A_696 = tpu.memref_slice %arg28[%dma_wait3A_694, %dma_wait3A_695] : memref<5008x128xbf16, #tpu.memory_space<vmem_shared>> -> memref<5008x128xbf16, #tpu.memory_space<vmem_shared>>
      tpu.wait_indirect_dma semaphore(%run_scoped3A_684 : memref<!tpu.dma_semaphore, #tpu.memory_space<semaphore_mem>>) src(%arg26 : memref<64x128xbf16, #tpu.memory_space<vmem>>) dst(%dma_wait3A_696 : memref<5008x128xbf16, #tpu.memory_space<vmem_shared>>)
      tpu.yield
    }) : () -> ()
    %barrier3A_127 = arith.constant 0 : index
    tpu.barrier barrier_id(%barrier3A_127)
    %get3A_128 = arith.constant 0 : index
    %get3A_129 = tpu.vector_load %arg20[%get3A_128] {strides = array<i32>} : memref<32xi32, #tpu.memory_space<vmem>>, vector<16xi32>,
    %slice3A = vector.extract_strided_slice %get3A_129 {offsets = [0], sizes = [1], strides = [1]} : vector<16xi32> to vector<1xi32>
    %squeeze3A = vector.extract %slice3A[0] : i32 from vector<1xi32>
    %get3A_130 = arith.constant 16 : index
    %get3A_131 = tpu.vector_load %arg20[%get3A_130] {strides = array<i32>} : memref<32xi32, #tpu.memory_space<vmem>>, vector<16xi32>,
    %slice3A_132 = vector.extract_strided_slice %get3A_131 {offsets = [0], sizes = [1], strides = [1]} : vector<16xi32> to vector<1xi32>
    %squeeze3A_133 = vector.extract %slice3A_132[0] : i32 from vector<1xi32>
    %add3A_134 = arith.constant 16 : i32
    %add3A_135 = arith.addi %squeeze3A, %add3A_134 : i32
    %sub3A = arith.constant 1 : i32
    %sub3A_136 = arith.subi %add3A_135, %sub3A : i32
    %jit3A = arith.constant 16 : i32
    %div3A = arith.divsi %sub3A_136, %jit3A : i32
    %sign3A = arith.constant 0 : i32
    %sign3A_137 = arith.cmpi sgt, %sub3A_136, %sign3A : i32
    %sign3A_138 = arith.extui %sign3A_137 : i1 to i32
    %sign3A_139 = arith.constant 0 : i32
    %sign3A_140 = arith.cmpi slt, %sub3A_136, %sign3A_139 : i32
    %sign3A_141 = arith.extui %sign3A_140 : i1 to i32
    %sign3A_142 = arith.subi %sign3A_138, %sign3A_141 : i32
    %sign3A_143 = arith.constant 0 : i32
    %sign3A_144 = arith.cmpi sgt, %jit3A, %sign3A_143 : i32
    %sign3A_145 = arith.extui %sign3A_144 : i1 to i32
    %sign3A_146 = arith.constant 0 : i32
    %sign3A_147 = arith.cmpi slt, %jit3A, %sign3A_146 : i32
    %sign3A_148 = arith.extui %sign3A_147 : i1 to i32
    %sign3A_149 = arith.subi %sign3A_145, %sign3A_148 : i32
    %ne3A = arith.cmpi ne, %sign3A_142, %sign3A_149 : i32
    %rem3A = arith.remsi %sub3A_136, %jit3A : i32
    %ne3A_150 = arith.constant 0 : i32
    %ne3A_151 = arith.cmpi ne, %rem3A, %ne3A_150 : i32
    %and3A = arith.andi %ne3A, %ne3A_151 : i1
    %sub3A_152 = arith.constant 1 : i32
    %sub3A_153 = arith.subi %div3A, %sub3A_152 : i32
    %select_n3A = arith.select %and3A, %sub3A_153, %div3A : i32
    %while3A = arith.constant 0 : i32
    %while3A_154 = arith.constant 0 : i32
    %while3A_155 = arith.subi %select_n3A, %while3A : i32
    %while3A_156 = arith.addi %while3A, %while3A_155 : i32
    %while3A_157 = arith.constant 1 : i32
    %while3A_158 = arith.divsi %while3A_155, %while3A_157 : i32
    %while3A_159 = arith.muli %while3A_158, %while3A_157 : i32
    %while3A_160 = arith.addi %while3A, %while3A_159 : i32
    %while3A_161 = arith.constant 1 : i32
    %while3A_162 = scf.for %while3A_684 = %while3A to %while3A_160 step %while3A_161 iter_args(%while3A_685 = %while3A_154) -> (i32)  : i32 {
      %mul3A_686 = arith.constant 16 : i32
      %mul3A_687 = arith.muli %while3A_684, %mul3A_686 : i32
      %get3A_688 = arith.index_cast %mul3A_687 : i32 to index
      %get3A_689 = tpu.vector_load %arg16[%get3A_688] {strides = array<i32>} : memref<5120xi32, #tpu.memory_space<vmem>>, vector<16xi32>,
      %mul3A_690 = arith.constant 16 : i32
      %mul3A_691 = arith.muli %while3A_684, %mul3A_690 : i32
      %get3A_692 = arith.index_cast %mul3A_691 : i32 to index
      %get3A_693 = tpu.vector_load %arg18[%get3A_692] {strides = array<i32>} : memref<5120xf32, #tpu.memory_space<vmem>>, vector<16xf32>,
      %lt3A = arith.cmpf olt, %get3A_693, %get3A_119 : vector<16xf32>
      %mul3A_694 = arith.constant 16 : i32
      %mul3A_695 = arith.muli %while3A_684, %mul3A_694 : i32
      %add3A_696 = vector.broadcast %mul3A_695 : i32 to vector<16xi32>
      %add3A_697 = arith.addi %add3A_696, %iota3A : vector<16xi32>
      %lt3A_698 = vector.broadcast %squeeze3A : i32 to vector<16xi32>
      %lt3A_699 = arith.cmpi slt, %add3A_697, %lt3A_698 : vector<16xi32>
      %and3A_700 = arith.andi %lt3A, %lt3A_699 : vector<16xi1>
      %and3A_701 = arith.constant 16383 : i32
      %and3A_702 = vector.broadcast %and3A_701 : i32 to vector<16xi32>
      %and3A_703 = arith.andi %get3A_689, %and3A_702 : vector<16xi32>
      %shift_right_logical3A = arith.constant 14 : i32
      %shift_right_logical3A_704 = vector.broadcast %shift_right_logical3A : i32 to vector<16xi32>
      %shift_right_logical3A_705 = arith.shrui %get3A_689, %shift_right_logical3A_704 : vector<16xi32>
      %sub3A_706 = vector.broadcast %mul3A_2 : i32 to vector<16xi32>
      %sub3A_707 = arith.subi %shift_right_logical3A_705, %sub3A_706 : vector<16xi32>
      %swap3A = arith.index_cast %while3A_685 : i32 to index
      %swap3A_708 = tpu.vector_load %arg21[%swap3A] masked %and3A_700 {strides = array<i32>} : memref<10304xi32, #tpu.memory_space<vmem>>, vector<16xi32>, vector<16xi1>
      tpu.vector_store %arg21[%swap3A], %and3A_703 masked %and3A_700 {strides = array<i32>} : memref<10304xi32, #tpu.memory_space<vmem>>, vector<16xi32>, vector<16xi1>
      %swap3A_709 = arith.index_cast %while3A_685 : i32 to index
      %swap3A_710 = tpu.vector_load %arg22[%swap3A_709] masked %and3A_700 {strides = array<i32>} : memref<10304xi32, #tpu.memory_space<vmem>>, vector<16xi32>, vector<16xi1>
      tpu.vector_store %arg22[%swap3A_709], %sub3A_707 masked %and3A_700 {strides = array<i32>} : memref<10304xi32, #tpu.memory_space<vmem>>, vector<16xi32>, vector<16xi1>
      %all_reduce_population_count3A = tpu.all_reduce %and3A_700 {dim = 0 : i64, kind = #tpu.reduction_kind<sum>} : vector<16xi1> -> vector<16xi32>
      %slice3A_711 = vector.extract_strided_slice %all_reduce_population_count3A {offsets = [0], sizes = [1], strides = [1]} : vector<16xi32> to vector<1xi32>
      %squeeze3A_712 = vector.extract %slice3A_711[0] : i32 from vector<1xi32>
      %add3A_713 = arith.addi %while3A_685, %squeeze3A_712 : i32
      scf.yield %add3A_713 : i32
    }
    %while3A_163 = arith.constant 1 : i32
    %while3A_164 = scf.for %while3A_684 = %while3A_160 to %while3A_156 step %while3A_163 iter_args(%while3A_685 = %while3A_162) -> (i32)  : i32 {
      %mul3A_686 = arith.constant 16 : i32
      %mul3A_687 = arith.muli %while3A_684, %mul3A_686 : i32
      %get3A_688 = arith.index_cast %mul3A_687 : i32 to index
      %get3A_689 = tpu.vector_load %arg16[%get3A_688] {strides = array<i32>} : memref<5120xi32, #tpu.memory_space<vmem>>, vector<16xi32>,
      %mul3A_690 = arith.constant 16 : i32
      %mul3A_691 = arith.muli %while3A_684, %mul3A_690 : i32
      %get3A_692 = arith.index_cast %mul3A_691 : i32 to index
      %get3A_693 = tpu.vector_load %arg18[%get3A_692] {strides = array<i32>} : memref<5120xf32, #tpu.memory_space<vmem>>, vector<16xf32>,
      %lt3A = arith.cmpf olt, %get3A_693, %get3A_119 : vector<16xf32>
      %mul3A_694 = arith.constant 16 : i32
      %mul3A_695 = arith.muli %while3A_684, %mul3A_694 : i32
      %add3A_696 = vector.broadcast %mul3A_695 : i32 to vector<16xi32>
      %add3A_697 = arith.addi %add3A_696, %iota3A : vector<16xi32>
      %lt3A_698 = vector.broadcast %squeeze3A : i32 to vector<16xi32>
      %lt3A_699 = arith.cmpi slt, %add3A_697, %lt3A_698 : vector<16xi32>
      %and3A_700 = arith.andi %lt3A, %lt3A_699 : vector<16xi1>
      %and3A_701 = arith.constant 16383 : i32
      %and3A_702 = vector.broadcast %and3A_701 : i32 to vector<16xi32>
      %and3A_703 = arith.andi %get3A_689, %and3A_702 : vector<16xi32>
      %shift_right_logical3A = arith.constant 14 : i32
      %shift_right_logical3A_704 = vector.broadcast %shift_right_logical3A : i32 to vector<16xi32>
      %shift_right_logical3A_705 = arith.shrui %get3A_689, %shift_right_logical3A_704 : vector<16xi32>
      %sub3A_706 = vector.broadcast %mul3A_2 : i32 to vector<16xi32>
      %sub3A_707 = arith.subi %shift_right_logical3A_705, %sub3A_706 : vector<16xi32>
      %swap3A = arith.index_cast %while3A_685 : i32 to index
      %swap3A_708 = tpu.vector_load %arg21[%swap3A] masked %and3A_700 {strides = array<i32>} : memref<10304xi32, #tpu.memory_space<vmem>>, vector<16xi32>, vector<16xi1>
      tpu.vector_store %arg21[%swap3A], %and3A_703 masked %and3A_700 {strides = array<i32>} : memref<10304xi32, #tpu.memory_space<vmem>>, vector<16xi32>, vector<16xi1>
      %swap3A_709 = arith.index_cast %while3A_685 : i32 to index
      %swap3A_710 = tpu.vector_load %arg22[%swap3A_709] masked %and3A_700 {strides = array<i32>} : memref<10304xi32, #tpu.memory_space<vmem>>, vector<16xi32>, vector<16xi1>
      tpu.vector_store %arg22[%swap3A_709], %sub3A_707 masked %and3A_700 {strides = array<i32>} : memref<10304xi32, #tpu.memory_space<vmem>>, vector<16xi32>, vector<16xi1>
      %all_reduce_population_count3A = tpu.all_reduce %and3A_700 {dim = 0 : i64, kind = #tpu.reduction_kind<sum>} : vector<16xi1> -> vector<16xi32>
      %slice3A_711 = vector.extract_strided_slice %all_reduce_population_count3A {offsets = [0], sizes = [1], strides = [1]} : vector<16xi32> to vector<1xi32>
      %squeeze3A_712 = vector.extract %slice3A_711[0] : i32 from vector<1xi32>
      %add3A_713 = arith.addi %while3A_685, %squeeze3A_712 : i32
      scf.yield %add3A_713 : i32
    }
    %add3A_165 = arith.constant 16 : i32
    %add3A_166 = arith.addi %squeeze3A_133, %add3A_165 : i32
    %sub3A_167 = arith.constant 1 : i32
    %sub3A_168 = arith.subi %add3A_166, %sub3A_167 : i32
    %jit3A_169 = arith.constant 16 : i32
    %div3A_170 = arith.divsi %sub3A_168, %jit3A_169 : i32
    %sign3A_171 = arith.constant 0 : i32
    %sign3A_172 = arith.cmpi sgt, %sub3A_168, %sign3A_171 : i32
    %sign3A_173 = arith.extui %sign3A_172 : i1 to i32
    %sign3A_174 = arith.constant 0 : i32
    %sign3A_175 = arith.cmpi slt, %sub3A_168, %sign3A_174 : i32
    %sign3A_176 = arith.extui %sign3A_175 : i1 to i32
    %sign3A_177 = arith.subi %sign3A_173, %sign3A_176 : i32
    %sign3A_178 = arith.constant 0 : i32
    %sign3A_179 = arith.cmpi sgt, %jit3A_169, %sign3A_178 : i32
    %sign3A_180 = arith.extui %sign3A_179 : i1 to i32
    %sign3A_181 = arith.constant 0 : i32
    %sign3A_182 = arith.cmpi slt, %jit3A_169, %sign3A_181 : i32
    %sign3A_183 = arith.extui %sign3A_182 : i1 to i32
    %sign3A_184 = arith.subi %sign3A_180, %sign3A_183 : i32
    %ne3A_185 = arith.cmpi ne, %sign3A_177, %sign3A_184 : i32
    %rem3A_186 = arith.remsi %sub3A_168, %jit3A_169 : i32
    %ne3A_187 = arith.constant 0 : i32
    %ne3A_188 = arith.cmpi ne, %rem3A_186, %ne3A_187 : i32
    %and3A_189 = arith.andi %ne3A_185, %ne3A_188 : i1
    %sub3A_190 = arith.constant 1 : i32
    %sub3A_191 = arith.subi %div3A_170, %sub3A_190 : i32
    %select_n3A_192 = arith.select %and3A_189, %sub3A_191, %div3A_170 : i32
    %while3A_193 = arith.constant 0 : i32
    %while3A_194 = arith.subi %select_n3A_192, %while3A_193 : i32
    %while3A_195 = arith.addi %while3A_193, %while3A_194 : i32
    %while3A_196 = arith.constant 1 : i32
    %while3A_197 = arith.divsi %while3A_194, %while3A_196 : i32
    %while3A_198 = arith.muli %while3A_197, %while3A_196 : i32
    %while3A_199 = arith.addi %while3A_193, %while3A_198 : i32
    %while3A_200 = arith.constant 1 : i32
    %while3A_201 = scf.for %while3A_684 = %while3A_193 to %while3A_199 step %while3A_200 iter_args(%while3A_685 = %while3A_164) -> (i32)  : i32 {
      %mul3A_686 = arith.constant 16 : i32
      %mul3A_687 = arith.muli %while3A_684, %mul3A_686 : i32
      %get3A_688 = arith.index_cast %mul3A_687 : i32 to index
      %get3A_689 = tpu.vector_load %arg17[%get3A_688] {strides = array<i32>} : memref<5120xi32, #tpu.memory_space<vmem>>, vector<16xi32>,
      %mul3A_690 = arith.constant 16 : i32
      %mul3A_691 = arith.muli %while3A_684, %mul3A_690 : i32
      %get3A_692 = arith.index_cast %mul3A_691 : i32 to index
      %get3A_693 = tpu.vector_load %arg19[%get3A_692] {strides = array<i32>} : memref<5120xf32, #tpu.memory_space<vmem>>, vector<16xf32>,
      %lt3A = arith.cmpf olt, %get3A_693, %get3A_119 : vector<16xf32>
      %mul3A_694 = arith.constant 16 : i32
      %mul3A_695 = arith.muli %while3A_684, %mul3A_694 : i32
      %add3A_696 = vector.broadcast %mul3A_695 : i32 to vector<16xi32>
      %add3A_697 = arith.addi %add3A_696, %iota3A : vector<16xi32>
      %lt3A_698 = vector.broadcast %squeeze3A_133 : i32 to vector<16xi32>
      %lt3A_699 = arith.cmpi slt, %add3A_697, %lt3A_698 : vector<16xi32>
      %and3A_700 = arith.andi %lt3A, %lt3A_699 : vector<16xi1>
      %and3A_701 = arith.constant 16383 : i32
      %and3A_702 = vector.broadcast %and3A_701 : i32 to vector<16xi32>
      %and3A_703 = arith.andi %get3A_689, %and3A_702 : vector<16xi32>
      %shift_right_logical3A = arith.constant 14 : i32
      %shift_right_logical3A_704 = vector.broadcast %shift_right_logical3A : i32 to vector<16xi32>
      %shift_right_logical3A_705 = arith.shrui %get3A_689, %shift_right_logical3A_704 : vector<16xi32>
      %sub3A_706 = vector.broadcast %mul3A_2 : i32 to vector<16xi32>
      %sub3A_707 = arith.subi %shift_right_logical3A_705, %sub3A_706 : vector<16xi32>
      %swap3A = arith.index_cast %while3A_685 : i32 to index
      %swap3A_708 = tpu.vector_load %arg21[%swap3A] masked %and3A_700 {strides = array<i32>} : memref<10304xi32, #tpu.memory_space<vmem>>, vector<16xi32>, vector<16xi1>
      tpu.vector_store %arg21[%swap3A], %and3A_703 masked %and3A_700 {strides = array<i32>} : memref<10304xi32, #tpu.memory_space<vmem>>, vector<16xi32>, vector<16xi1>
      %swap3A_709 = arith.index_cast %while3A_685 : i32 to index
      %swap3A_710 = tpu.vector_load %arg22[%swap3A_709] masked %and3A_700 {strides = array<i32>} : memref<10304xi32, #tpu.memory_space<vmem>>, vector<16xi32>, vector<16xi1>
      tpu.vector_store %arg22[%swap3A_709], %sub3A_707 masked %and3A_700 {strides = array<i32>} : memref<10304xi32, #tpu.memory_space<vmem>>, vector<16xi32>, vector<16xi1>
      %all_reduce_population_count3A = tpu.all_reduce %and3A_700 {dim = 0 : i64, kind = #tpu.reduction_kind<sum>} : vector<16xi1> -> vector<16xi32>
      %slice3A_711 = vector.extract_strided_slice %all_reduce_population_count3A {offsets = [0], sizes = [1], strides = [1]} : vector<16xi32> to vector<1xi32>
      %squeeze3A_712 = vector.extract %slice3A_711[0] : i32 from vector<1xi32>
      %add3A_713 = arith.addi %while3A_685, %squeeze3A_712 : i32
      scf.yield %add3A_713 : i32
    }
    %while3A_202 = arith.constant 1 : i32
    %while3A_203 = scf.for %while3A_684 = %while3A_199 to %while3A_195 step %while3A_202 iter_args(%while3A_685 = %while3A_201) -> (i32)  : i32 {
      %mul3A_686 = arith.constant 16 : i32
      %mul3A_687 = arith.muli %while3A_684, %mul3A_686 : i32
      %get3A_688 = arith.index_cast %mul3A_687 : i32 to index
      %get3A_689 = tpu.vector_load %arg17[%get3A_688] {strides = array<i32>} : memref<5120xi32, #tpu.memory_space<vmem>>, vector<16xi32>,
      %mul3A_690 = arith.constant 16 : i32
      %mul3A_691 = arith.muli %while3A_684, %mul3A_690 : i32
      %get3A_692 = arith.index_cast %mul3A_691 : i32 to index
      %get3A_693 = tpu.vector_load %arg19[%get3A_692] {strides = array<i32>} : memref<5120xf32, #tpu.memory_space<vmem>>, vector<16xf32>,
      %lt3A = arith.cmpf olt, %get3A_693, %get3A_119 : vector<16xf32>
      %mul3A_694 = arith.constant 16 : i32
      %mul3A_695 = arith.muli %while3A_684, %mul3A_694 : i32
      %add3A_696 = vector.broadcast %mul3A_695 : i32 to vector<16xi32>
      %add3A_697 = arith.addi %add3A_696, %iota3A : vector<16xi32>
      %lt3A_698 = vector.broadcast %squeeze3A_133 : i32 to vector<16xi32>
      %lt3A_699 = arith.cmpi slt, %add3A_697, %lt3A_698 : vector<16xi32>
      %and3A_700 = arith.andi %lt3A, %lt3A_699 : vector<16xi1>
      %and3A_701 = arith.constant 16383 : i32
      %and3A_702 = vector.broadcast %and3A_701 : i32 to vector<16xi32>
      %and3A_703 = arith.andi %get3A_689, %and3A_702 : vector<16xi32>
      %shift_right_logical3A = arith.constant 14 : i32
      %shift_right_logical3A_704 = vector.broadcast %shift_right_logical3A : i32 to vector<16xi32>
      %shift_right_logical3A_705 = arith.shrui %get3A_689, %shift_right_logical3A_704 : vector<16xi32>
      %sub3A_706 = vector.broadcast %mul3A_2 : i32 to vector<16xi32>
      %sub3A_707 = arith.subi %shift_right_logical3A_705, %sub3A_706 : vector<16xi32>
      %swap3A = arith.index_cast %while3A_685 : i32 to index
      %swap3A_708 = tpu.vector_load %arg21[%swap3A] masked %and3A_700 {strides = array<i32>} : memref<10304xi32, #tpu.memory_space<vmem>>, vector<16xi32>, vector<16xi1>
      tpu.vector_store %arg21[%swap3A], %and3A_703 masked %and3A_700 {strides = array<i32>} : memref<10304xi32, #tpu.memory_space<vmem>>, vector<16xi32>, vector<16xi1>
      %swap3A_709 = arith.index_cast %while3A_685 : i32 to index
      %swap3A_710 = tpu.vector_load %arg22[%swap3A_709] masked %and3A_700 {strides = array<i32>} : memref<10304xi32, #tpu.memory_space<vmem>>, vector<16xi32>, vector<16xi1>
      tpu.vector_store %arg22[%swap3A_709], %sub3A_707 masked %and3A_700 {strides = array<i32>} : memref<10304xi32, #tpu.memory_space<vmem>>, vector<16xi32>, vector<16xi1>
      %all_reduce_population_count3A = tpu.all_reduce %and3A_700 {dim = 0 : i64, kind = #tpu.reduction_kind<sum>} : vector<16xi1> -> vector<16xi32>
      %slice3A_711 = vector.extract_strided_slice %all_reduce_population_count3A {offsets = [0], sizes = [1], strides = [1]} : vector<16xi32> to vector<1xi32>
      %squeeze3A_712 = vector.extract %slice3A_711[0] : i32 from vector<1xi32>
      %add3A_713 = arith.addi %while3A_685, %squeeze3A_712 : i32
      scf.yield %add3A_713 : i32
    }
    %add3A_204 = arith.constant 64 : i32
    %add3A_205 = arith.addi %while3A_203, %add3A_204 : i32
    %sub3A_206 = arith.constant 1 : i32
    %sub3A_207 = arith.subi %add3A_205, %sub3A_206 : i32
    %jit3A_208 = arith.constant 64 : i32
    %div3A_209 = arith.divsi %sub3A_207, %jit3A_208 : i32
    %sign3A_210 = arith.constant 0 : i32
    %sign3A_211 = arith.cmpi sgt, %sub3A_207, %sign3A_210 : i32
    %sign3A_212 = arith.extui %sign3A_211 : i1 to i32
    %sign3A_213 = arith.constant 0 : i32
    %sign3A_214 = arith.cmpi slt, %sub3A_207, %sign3A_213 : i32
    %sign3A_215 = arith.extui %sign3A_214 : i1 to i32
    %sign3A_216 = arith.subi %sign3A_212, %sign3A_215 : i32
    %sign3A_217 = arith.constant 0 : i32
    %sign3A_218 = arith.cmpi sgt, %jit3A_208, %sign3A_217 : i32
    %sign3A_219 = arith.extui %sign3A_218 : i1 to i32
    %sign3A_220 = arith.constant 0 : i32
    %sign3A_221 = arith.cmpi slt, %jit3A_208, %sign3A_220 : i32
    %sign3A_222 = arith.extui %sign3A_221 : i1 to i32
    %sign3A_223 = arith.subi %sign3A_219, %sign3A_222 : i32
    %ne3A_224 = arith.cmpi ne, %sign3A_216, %sign3A_223 : i32
    %rem3A_225 = arith.remsi %sub3A_207, %jit3A_208 : i32
    %ne3A_226 = arith.constant 0 : i32
    %ne3A_227 = arith.cmpi ne, %rem3A_225, %ne3A_226 : i32
    %and3A_228 = arith.andi %ne3A_224, %ne3A_227 : i1
    %sub3A_229 = arith.constant 1 : i32
    %sub3A_230 = arith.subi %div3A_209, %sub3A_229 : i32
    %select_n3A_231 = arith.select %and3A_228, %sub3A_230, %div3A_209 : i32
    %mul3A_232 = arith.constant 4 : i32
    %mul3A_233 = arith.muli %select_n3A_231, %mul3A_232 : i32
    %while3A_234 = arith.constant 0 : i32
    %while3A_235 = arith.constant 0 : i32
    %while3A_236 = arith.subi %mul3A_233, %while3A_234 : i32
    %while3A_237 = arith.addi %while3A_234, %while3A_236 : i32
    %while3A_238 = arith.constant 1 : i32
    %while3A_239 = arith.divsi %while3A_236, %while3A_238 : i32
    %while3A_240 = arith.muli %while3A_239, %while3A_238 : i32
    %while3A_241 = arith.addi %while3A_234, %while3A_240 : i32
    %while3A_242 = arith.constant 1 : i32
    %while3A_243 = scf.for %while3A_684 = %while3A_234 to %while3A_241 step %while3A_242 iter_args(%while3A_685 = %while3A_235) -> (i32)  : i32 {
      %mul3A_686 = arith.constant 16 : i32
      %mul3A_687 = arith.muli %while3A_684, %mul3A_686 : i32
      %get3A_688 = arith.index_cast %mul3A_687 : i32 to index
      %get3A_689 = tpu.vector_load %arg22[%get3A_688] {strides = array<i32>} : memref<10304xi32, #tpu.memory_space<vmem>>, vector<16xi32>,
      %jit3A_690 = arith.constant 4 : i32
      %div3A_691 = arith.divsi %while3A_684, %jit3A_690 : i32
      %sign3A_692 = arith.constant 0 : i32
      %sign3A_693 = arith.cmpi sgt, %while3A_684, %sign3A_692 : i32
      %sign3A_694 = arith.extui %sign3A_693 : i1 to i32
      %sign3A_695 = arith.constant 0 : i32
      %sign3A_696 = arith.cmpi slt, %while3A_684, %sign3A_695 : i32
      %sign3A_697 = arith.extui %sign3A_696 : i1 to i32
      %sign3A_698 = arith.subi %sign3A_694, %sign3A_697 : i32
      %sign3A_699 = arith.constant 0 : i32
      %sign3A_700 = arith.cmpi sgt, %jit3A_690, %sign3A_699 : i32
      %sign3A_701 = arith.extui %sign3A_700 : i1 to i32
      %sign3A_702 = arith.constant 0 : i32
      %sign3A_703 = arith.cmpi slt, %jit3A_690, %sign3A_702 : i32
      %sign3A_704 = arith.extui %sign3A_703 : i1 to i32
      %sign3A_705 = arith.subi %sign3A_701, %sign3A_704 : i32
      %ne3A_706 = arith.cmpi ne, %sign3A_698, %sign3A_705 : i32
      %rem3A_707 = arith.remsi %while3A_684, %jit3A_690 : i32
      %ne3A_708 = arith.constant 0 : i32
      %ne3A_709 = arith.cmpi ne, %rem3A_707, %ne3A_708 : i32
      %and3A_710 = arith.andi %ne3A_706, %ne3A_709 : i1
      %sub3A_711 = arith.constant 1 : i32
      %sub3A_712 = arith.subi %div3A_691, %sub3A_711 : i32
      %select_n3A_713 = arith.select %and3A_710, %sub3A_712, %div3A_691 : i32
      %jit3A_714 = arith.constant 4 : i32
      %eq3A = arith.constant 0 : i32
      %eq3A_715 = arith.cmpi eq, %jit3A_714, %eq3A : i32
      %jit3A_716 = arith.constant 1 : i32
      %select_n3A_717 = arith.select %eq3A_715, %jit3A_716, %jit3A_714 : i32
      %rem3A_718 = arith.remsi %while3A_684, %select_n3A_717 : i32
      %ne3A_719 = arith.constant 0 : i32
      %ne3A_720 = arith.cmpi ne, %rem3A_718, %ne3A_719 : i32
      %lt3A = arith.constant 0 : i32
      %lt3A_721 = arith.cmpi slt, %rem3A_718, %lt3A : i32
      %lt3A_722 = arith.constant 0 : i32
      %lt3A_723 = arith.cmpi slt, %select_n3A_717, %lt3A_722 : i32
      %ne3A_724 = arith.xori %lt3A_721, %lt3A_723 : i1
      %and3A_725 = arith.andi %ne3A_724, %ne3A_720 : i1
      %add3A_726 = arith.addi %rem3A_718, %select_n3A_717 : i32
      %select_n3A_727 = arith.select %and3A_725, %add3A_726, %rem3A_718 : i32
      %mul3A_728 = arith.constant 16 : i32
      %mul3A_729 = arith.muli %select_n3A_727, %mul3A_728 : i32
      %swap3A = arith.index_cast %select_n3A_713 : i32 to index
      %swap3A_730 = arith.index_cast %mul3A_729 : i32 to index
      %swap3A_731 = tpu.vector_load %arg23[%swap3A, %swap3A_730] {strides = array<i32>} : memref<160x64xi32, #tpu.memory_space<vmem>>, vector<16xi32>,
      tpu.vector_store %arg23[%swap3A, %swap3A_730], %get3A_689 {strides = array<i32>} : memref<160x64xi32, #tpu.memory_space<vmem>>, vector<16xi32>,
      %while3A_732 = arith.constant 0 : i32
      scf.yield %while3A_732 : i32
    }
    %while3A_244 = arith.constant 1 : i32
    %while3A_245 = scf.for %while3A_684 = %while3A_241 to %while3A_237 step %while3A_244 iter_args(%while3A_685 = %while3A_243) -> (i32)  : i32 {
      %mul3A_686 = arith.constant 16 : i32
      %mul3A_687 = arith.muli %while3A_684, %mul3A_686 : i32
      %get3A_688 = arith.index_cast %mul3A_687 : i32 to index
      %get3A_689 = tpu.vector_load %arg22[%get3A_688] {strides = array<i32>} : memref<10304xi32, #tpu.memory_space<vmem>>, vector<16xi32>,
      %jit3A_690 = arith.constant 4 : i32
      %div3A_691 = arith.divsi %while3A_684, %jit3A_690 : i32
      %sign3A_692 = arith.constant 0 : i32
      %sign3A_693 = arith.cmpi sgt, %while3A_684, %sign3A_692 : i32
      %sign3A_694 = arith.extui %sign3A_693 : i1 to i32
      %sign3A_695 = arith.constant 0 : i32
      %sign3A_696 = arith.cmpi slt, %while3A_684, %sign3A_695 : i32
      %sign3A_697 = arith.extui %sign3A_696 : i1 to i32
      %sign3A_698 = arith.subi %sign3A_694, %sign3A_697 : i32
      %sign3A_699 = arith.constant 0 : i32
      %sign3A_700 = arith.cmpi sgt, %jit3A_690, %sign3A_699 : i32
      %sign3A_701 = arith.extui %sign3A_700 : i1 to i32
      %sign3A_702 = arith.constant 0 : i32
      %sign3A_703 = arith.cmpi slt, %jit3A_690, %sign3A_702 : i32
      %sign3A_704 = arith.extui %sign3A_703 : i1 to i32
      %sign3A_705 = arith.subi %sign3A_701, %sign3A_704 : i32
      %ne3A_706 = arith.cmpi ne, %sign3A_698, %sign3A_705 : i32
      %rem3A_707 = arith.remsi %while3A_684, %jit3A_690 : i32
      %ne3A_708 = arith.constant 0 : i32
      %ne3A_709 = arith.cmpi ne, %rem3A_707, %ne3A_708 : i32
      %and3A_710 = arith.andi %ne3A_706, %ne3A_709 : i1
      %sub3A_711 = arith.constant 1 : i32
      %sub3A_712 = arith.subi %div3A_691, %sub3A_711 : i32
      %select_n3A_713 = arith.select %and3A_710, %sub3A_712, %div3A_691 : i32
      %jit3A_714 = arith.constant 4 : i32
      %eq3A = arith.constant 0 : i32
      %eq3A_715 = arith.cmpi eq, %jit3A_714, %eq3A : i32
      %jit3A_716 = arith.constant 1 : i32
      %select_n3A_717 = arith.select %eq3A_715, %jit3A_716, %jit3A_714 : i32
      %rem3A_718 = arith.remsi %while3A_684, %select_n3A_717 : i32
      %ne3A_719 = arith.constant 0 : i32
      %ne3A_720 = arith.cmpi ne, %rem3A_718, %ne3A_719 : i32
      %lt3A = arith.constant 0 : i32
      %lt3A_721 = arith.cmpi slt, %rem3A_718, %lt3A : i32
      %lt3A_722 = arith.constant 0 : i32
      %lt3A_723 = arith.cmpi slt, %select_n3A_717, %lt3A_722 : i32
      %ne3A_724 = arith.xori %lt3A_721, %lt3A_723 : i1
      %and3A_725 = arith.andi %ne3A_724, %ne3A_720 : i1
      %add3A_726 = arith.addi %rem3A_718, %select_n3A_717 : i32
      %select_n3A_727 = arith.select %and3A_725, %add3A_726, %rem3A_718 : i32
      %mul3A_728 = arith.constant 16 : i32
      %mul3A_729 = arith.muli %select_n3A_727, %mul3A_728 : i32
      %swap3A = arith.index_cast %select_n3A_713 : i32 to index
      %swap3A_730 = arith.index_cast %mul3A_729 : i32 to index
      %swap3A_731 = tpu.vector_load %arg23[%swap3A, %swap3A_730] {strides = array<i32>} : memref<160x64xi32, #tpu.memory_space<vmem>>, vector<16xi32>,
      tpu.vector_store %arg23[%swap3A, %swap3A_730], %get3A_689 {strides = array<i32>} : memref<160x64xi32, #tpu.memory_space<vmem>>, vector<16xi32>,
      %while3A_732 = arith.constant 0 : i32
      scf.yield %while3A_732 : i32
    }
    %gt3A = arith.constant 0 : i32
    %gt3A_246 = arith.cmpi sgt, %select_n3A_231, %gt3A : i32
    %convert_element_type3A = arith.extui %gt3A_246 : i1 to i32
    %cond3A = arith.constant 0 : i32
    %cond3A_247 = arith.cmpi ne, %convert_element_type3A, %cond3A : i32
    scf.if %cond3A_247 {
      %dma_start3A_684 = arith.constant 0 : i32
      %dma_start3A_685 = arith.constant 0 : i32
      %dma_start3A_686 = arith.constant 0 : i32
      %dma_start3A_687 = tpu.memref_slice %arg24[%dma_start3A_684, %dma_start3A_685, %dma_start3A_686] : memref<2x64x128xbf16, #tpu.memory_space<vmem>> -> memref<1x64x128xbf16, #tpu.memory_space<vmem>>
      %dma_start3A_688 = tpu.memref_squeeze %dma_start3A_687 : memref<1x64x128xbf16, #tpu.memory_space<vmem>> -> memref<64x128xbf16, #tpu.memory_space<vmem>>
      %dma_start3A_689 = arith.constant 0 : i32
      %dma_start3A_690 = tpu.memref_slice %arg21[%dma_start3A_689] : memref<10304xi32, #tpu.memory_space<vmem>> -> memref<64xi32, #tpu.memory_space<vmem>>
      %dma_start3A_691 = arith.constant 0 : i32
      %dma_start3A_692 = arith.constant 0 : i32
      %dma_start3A_693 = tpu.memref_slice %arg3[%dma_start3A_691, %dma_start3A_692] : memref<10000x128xbf16, #tpu.memory_space<hbm>> -> memref<10000x128xbf16, #tpu.memory_space<hbm>>
      tpu.enqueue_indirect_dma source(%dma_start3A_693 : memref<10000x128xbf16, #tpu.memory_space<hbm>>) target(%dma_start3A_688 : memref<64x128xbf16, #tpu.memory_space<vmem>>) offsets(%dma_start3A_690 : memref<64xi32, #tpu.memory_space<vmem>>) semaphore(%arg30 : memref<!tpu.dma_semaphore, #tpu.memory_space<semaphore_mem>>)
    } else {
    }
    %add3A_248 = arith.constant 1 : i32
    %add3A_249 = arith.addi %select_n3A_231, %add3A_248 : i32
    %jit3A_250 = arith.constant 2 : i32
    %div3A_251 = arith.divsi %add3A_249, %jit3A_250 : i32
    %sign3A_252 = arith.constant 0 : i32
    %sign3A_253 = arith.cmpi sgt, %add3A_249, %sign3A_252 : i32
    %sign3A_254 = arith.extui %sign3A_253 : i1 to i32
    %sign3A_255 = arith.constant 0 : i32
    %sign3A_256 = arith.cmpi slt, %add3A_249, %sign3A_255 : i32
    %sign3A_257 = arith.extui %sign3A_256 : i1 to i32
    %sign3A_258 = arith.subi %sign3A_254, %sign3A_257 : i32
    %sign3A_259 = arith.constant 0 : i32
    %sign3A_260 = arith.cmpi sgt, %jit3A_250, %sign3A_259 : i32
    %sign3A_261 = arith.extui %sign3A_260 : i1 to i32
    %sign3A_262 = arith.constant 0 : i32
    %sign3A_263 = arith.cmpi slt, %jit3A_250, %sign3A_262 : i32
    %sign3A_264 = arith.extui %sign3A_263 : i1 to i32
    %sign3A_265 = arith.subi %sign3A_261, %sign3A_264 : i32
    %ne3A_266 = arith.cmpi ne, %sign3A_258, %sign3A_265 : i32
    %rem3A_267 = arith.remsi %add3A_249, %jit3A_250 : i32
    %ne3A_268 = arith.constant 0 : i32
    %ne3A_269 = arith.cmpi ne, %rem3A_267, %ne3A_268 : i32
    %and3A_270 = arith.andi %ne3A_266, %ne3A_269 : i1
    %sub3A_271 = arith.constant 1 : i32
    %sub3A_272 = arith.subi %div3A_251, %sub3A_271 : i32
    %select_n3A_273 = arith.select %and3A_270, %sub3A_272, %div3A_251 : i32
    %while3A_274 = arith.constant 0 : i32
    %while3A_275 = arith.constant 0 : i32
    %while3A_276 = arith.subi %select_n3A_273, %while3A_274 : i32
    %while3A_277 = arith.addi %while3A_274, %while3A_276 : i32
    %while3A_278 = arith.constant 1 : i32
    %while3A_279 = arith.divsi %while3A_276, %while3A_278 : i32
    %while3A_280 = arith.muli %while3A_279, %while3A_278 : i32
    %while3A_281 = arith.addi %while3A_274, %while3A_280 : i32
    %while3A_282 = arith.constant 1 : i32
    %while3A_283 = scf.for %while3A_684 = %while3A_274 to %while3A_281 step %while3A_282 iter_args(%while3A_685 = %while3A_275) -> (i32)  : i32 {
      %mul3A_686 = arith.constant 2 : i32
      %mul3A_687 = arith.muli %while3A_684, %mul3A_686 : i32
      %mul3A_688 = arith.constant 64 : i32
      %mul3A_689 = arith.muli %mul3A_687, %mul3A_688 : i32
      %dma_wait3A_690 = arith.constant 0 : i32
      %dma_wait3A_691 = arith.constant 0 : i32
      %dma_wait3A_692 = arith.constant 0 : i32
      %dma_wait3A_693 = tpu.memref_slice %arg24[%dma_wait3A_690, %dma_wait3A_691, %dma_wait3A_692] : memref<2x64x128xbf16, #tpu.memory_space<vmem>> -> memref<1x64x128xbf16, #tpu.memory_space<vmem>>
      %dma_wait3A_694 = tpu.memref_squeeze %dma_wait3A_693 : memref<1x64x128xbf16, #tpu.memory_space<vmem>> -> memref<64x128xbf16, #tpu.memory_space<vmem>>
      %dma_wait3A_695 = tpu.memref_slice %arg21[%mul3A_689] : memref<10304xi32, #tpu.memory_space<vmem>> -> memref<64xi32, #tpu.memory_space<vmem>>
      %dma_wait3A_696 = arith.constant 0 : i32
      %dma_wait3A_697 = arith.constant 0 : i32
      %dma_wait3A_698 = tpu.memref_slice %arg3[%dma_wait3A_696, %dma_wait3A_697] : memref<10000x128xbf16, #tpu.memory_space<hbm>> -> memref<10000x128xbf16, #tpu.memory_space<hbm>>
      tpu.wait_indirect_dma semaphore(%arg30 : memref<!tpu.dma_semaphore, #tpu.memory_space<semaphore_mem>>) src(%dma_wait3A_698 : memref<10000x128xbf16, #tpu.memory_space<hbm>>) dst(%dma_wait3A_694 : memref<64x128xbf16, #tpu.memory_space<vmem>>)
      %add3A_699 = arith.constant 1 : i32
      %add3A_700 = arith.addi %mul3A_687, %add3A_699 : i32
      %lt3A = arith.cmpi slt, %add3A_700, %select_n3A_231 : i32
      %convert_element_type3A_701 = arith.extui %lt3A : i1 to i32
      %cond3A_702 = arith.constant 0 : i32
      %cond3A_703 = arith.cmpi ne, %convert_element_type3A_701, %cond3A_702 : i32
      scf.if %cond3A_703 {
        %add3A_712 = arith.constant 1 : i32
        %add3A_713 = arith.addi %mul3A_687, %add3A_712 : i32
        %mul3A_714 = arith.constant 64 : i32
        %mul3A_715 = arith.muli %add3A_713, %mul3A_714 : i32
        %dma_start3A_716 = arith.constant 1 : i32
        %dma_start3A_717 = arith.constant 0 : i32
        %dma_start3A_718 = arith.constant 0 : i32
        %dma_start3A_719 = tpu.memref_slice %arg24[%dma_start3A_716, %dma_start3A_717, %dma_start3A_718] : memref<2x64x128xbf16, #tpu.memory_space<vmem>> -> memref<1x64x128xbf16, #tpu.memory_space<vmem>>
        %dma_start3A_720 = tpu.memref_squeeze %dma_start3A_719 : memref<1x64x128xbf16, #tpu.memory_space<vmem>> -> memref<64x128xbf16, #tpu.memory_space<vmem>>
        %dma_start3A_721 = tpu.memref_slice %arg21[%mul3A_715] : memref<10304xi32, #tpu.memory_space<vmem>> -> memref<64xi32, #tpu.memory_space<vmem>>
        %dma_start3A_722 = arith.constant 0 : i32
        %dma_start3A_723 = arith.constant 0 : i32
        %dma_start3A_724 = tpu.memref_slice %arg3[%dma_start3A_722, %dma_start3A_723] : memref<10000x128xbf16, #tpu.memory_space<hbm>> -> memref<10000x128xbf16, #tpu.memory_space<hbm>>
        tpu.enqueue_indirect_dma source(%dma_start3A_724 : memref<10000x128xbf16, #tpu.memory_space<hbm>>) target(%dma_start3A_720 : memref<64x128xbf16, #tpu.memory_space<vmem>>) offsets(%dma_start3A_721 : memref<64xi32, #tpu.memory_space<vmem>>) semaphore(%arg31 : memref<!tpu.dma_semaphore, #tpu.memory_space<semaphore_mem>>)
      } else {
      }
      %run_scoped3A_704 = arith.constant 0 : i32
      "tpu.region"() ({
        %run_scoped3A_712 = tpu.sem_alloc : memref<!tpu.dma_semaphore, #tpu.memory_space<semaphore_mem>>
        %dma_start3A_713 = arith.constant 0 : i32
        %dma_start3A_714 = arith.constant 0 : i32
        %dma_start3A_715 = tpu.memref_slice %arg24[%run_scoped3A_704, %dma_start3A_713, %dma_start3A_714] : memref<2x64x128xbf16, #tpu.memory_space<vmem>> -> memref<1x64x128xbf16, #tpu.memory_space<vmem>>
        %dma_start3A_716 = tpu.memref_squeeze %dma_start3A_715 : memref<1x64x128xbf16, #tpu.memory_space<vmem>> -> memref<64x128xbf16, #tpu.memory_space<vmem>>
        %dma_start3A_717 = arith.constant 0 : i32
        %dma_start3A_718 = tpu.memref_slice %arg23[%mul3A_687, %dma_start3A_717] : memref<160x64xi32, #tpu.memory_space<vmem>> -> memref<1x64xi32, #tpu.memory_space<vmem>>
        %dma_start3A_719 = tpu.memref_squeeze %dma_start3A_718 : memref<1x64xi32, #tpu.memory_space<vmem>> -> memref<64xi32, #tpu.memory_space<vmem>>
        %dma_start3A_720 = arith.constant 0 : i32
        %dma_start3A_721 = arith.constant 0 : i32
        %dma_start3A_722 = tpu.memref_slice %arg28[%dma_start3A_720, %dma_start3A_721] : memref<5008x128xbf16, #tpu.memory_space<vmem_shared>> -> memref<5008x128xbf16, #tpu.memory_space<vmem_shared>>
        tpu.enqueue_indirect_dma source(%dma_start3A_716 : memref<64x128xbf16, #tpu.memory_space<vmem>>) target(%dma_start3A_722 : memref<5008x128xbf16, #tpu.memory_space<vmem_shared>>) offsets(%dma_start3A_719 : memref<64xi32, #tpu.memory_space<vmem>>) semaphore(%run_scoped3A_712 : memref<!tpu.dma_semaphore, #tpu.memory_space<semaphore_mem>>) {add = true}
        %dma_wait3A_723 = arith.constant 0 : i32
        %dma_wait3A_724 = arith.constant 0 : i32
        %dma_wait3A_725 = tpu.memref_slice %arg24[%run_scoped3A_704, %dma_wait3A_723, %dma_wait3A_724] : memref<2x64x128xbf16, #tpu.memory_space<vmem>> -> memref<1x64x128xbf16, #tpu.memory_space<vmem>>
        %dma_wait3A_726 = tpu.memref_squeeze %dma_wait3A_725 : memref<1x64x128xbf16, #tpu.memory_space<vmem>> -> memref<64x128xbf16, #tpu.memory_space<vmem>>
        %dma_wait3A_727 = arith.constant 0 : i32
        %dma_wait3A_728 = tpu.memref_slice %arg23[%mul3A_687, %dma_wait3A_727] : memref<160x64xi32, #tpu.memory_space<vmem>> -> memref<1x64xi32, #tpu.memory_space<vmem>>
        %dma_wait3A_729 = tpu.memref_squeeze %dma_wait3A_728 : memref<1x64xi32, #tpu.memory_space<vmem>> -> memref<64xi32, #tpu.memory_space<vmem>>
        %dma_wait3A_730 = arith.constant 0 : i32
        %dma_wait3A_731 = arith.constant 0 : i32
        %dma_wait3A_732 = tpu.memref_slice %arg28[%dma_wait3A_730, %dma_wait3A_731] : memref<5008x128xbf16, #tpu.memory_space<vmem_shared>> -> memref<5008x128xbf16, #tpu.memory_space<vmem_shared>>
        tpu.wait_indirect_dma semaphore(%run_scoped3A_712 : memref<!tpu.dma_semaphore, #tpu.memory_space<semaphore_mem>>) src(%dma_wait3A_726 : memref<64x128xbf16, #tpu.memory_space<vmem>>) dst(%dma_wait3A_732 : memref<5008x128xbf16, #tpu.memory_space<vmem_shared>>)
        tpu.yield
      }) : () -> ()
      %add3A_705 = arith.constant 1 : i32
      %add3A_706 = arith.addi %mul3A_687, %add3A_705 : i32
      %lt3A_707 = arith.cmpi slt, %add3A_706, %select_n3A_231 : i32
      %convert_element_type3A_708 = arith.extui %lt3A_707 : i1 to i32
      %cond3A_709 = arith.constant 0 : i32
      %cond3A_710 = arith.cmpi ne, %convert_element_type3A_708, %cond3A_709 : i32
      scf.if %cond3A_710 {
        %add3A_712 = arith.constant 1 : i32
        %add3A_713 = arith.addi %mul3A_687, %add3A_712 : i32
        %mul3A_714 = arith.constant 64 : i32
        %mul3A_715 = arith.muli %add3A_713, %mul3A_714 : i32
        %dma_wait3A_716 = arith.constant 1 : i32
        %dma_wait3A_717 = arith.constant 0 : i32
        %dma_wait3A_718 = arith.constant 0 : i32
        %dma_wait3A_719 = tpu.memref_slice %arg24[%dma_wait3A_716, %dma_wait3A_717, %dma_wait3A_718] : memref<2x64x128xbf16, #tpu.memory_space<vmem>> -> memref<1x64x128xbf16, #tpu.memory_space<vmem>>
        %dma_wait3A_720 = tpu.memref_squeeze %dma_wait3A_719 : memref<1x64x128xbf16, #tpu.memory_space<vmem>> -> memref<64x128xbf16, #tpu.memory_space<vmem>>
        %dma_wait3A_721 = tpu.memref_slice %arg21[%mul3A_715] : memref<10304xi32, #tpu.memory_space<vmem>> -> memref<64xi32, #tpu.memory_space<vmem>>
        %dma_wait3A_722 = arith.constant 0 : i32
        %dma_wait3A_723 = arith.constant 0 : i32
        %dma_wait3A_724 = tpu.memref_slice %arg3[%dma_wait3A_722, %dma_wait3A_723] : memref<10000x128xbf16, #tpu.memory_space<hbm>> -> memref<10000x128xbf16, #tpu.memory_space<hbm>>
        tpu.wait_indirect_dma semaphore(%arg31 : memref<!tpu.dma_semaphore, #tpu.memory_space<semaphore_mem>>) src(%dma_wait3A_724 : memref<10000x128xbf16, #tpu.memory_space<hbm>>) dst(%dma_wait3A_720 : memref<64x128xbf16, #tpu.memory_space<vmem>>)
        %add3A_725 = arith.constant 2 : i32
        %add3A_726 = arith.addi %mul3A_687, %add3A_725 : i32
        %lt3A_727 = arith.cmpi slt, %add3A_726, %select_n3A_231 : i32
        %convert_element_type3A_728 = arith.extui %lt3A_727 : i1 to i32
        %cond3A_729 = arith.constant 0 : i32
        %cond3A_730 = arith.cmpi ne, %convert_element_type3A_728, %cond3A_729 : i32
        scf.if %cond3A_730 {
          %add3A_734 = arith.constant 2 : i32
          %add3A_735 = arith.addi %mul3A_687, %add3A_734 : i32
          %mul3A_736 = arith.constant 64 : i32
          %mul3A_737 = arith.muli %add3A_735, %mul3A_736 : i32
          %dma_start3A_738 = arith.constant 0 : i32
          %dma_start3A_739 = arith.constant 0 : i32
          %dma_start3A_740 = arith.constant 0 : i32
          %dma_start3A_741 = tpu.memref_slice %arg24[%dma_start3A_738, %dma_start3A_739, %dma_start3A_740] : memref<2x64x128xbf16, #tpu.memory_space<vmem>> -> memref<1x64x128xbf16, #tpu.memory_space<vmem>>
          %dma_start3A_742 = tpu.memref_squeeze %dma_start3A_741 : memref<1x64x128xbf16, #tpu.memory_space<vmem>> -> memref<64x128xbf16, #tpu.memory_space<vmem>>
          %dma_start3A_743 = tpu.memref_slice %arg21[%mul3A_737] : memref<10304xi32, #tpu.memory_space<vmem>> -> memref<64xi32, #tpu.memory_space<vmem>>
          %dma_start3A_744 = arith.constant 0 : i32
          %dma_start3A_745 = arith.constant 0 : i32
          %dma_start3A_746 = tpu.memref_slice %arg3[%dma_start3A_744, %dma_start3A_745] : memref<10000x128xbf16, #tpu.memory_space<hbm>> -> memref<10000x128xbf16, #tpu.memory_space<hbm>>
          tpu.enqueue_indirect_dma source(%dma_start3A_746 : memref<10000x128xbf16, #tpu.memory_space<hbm>>) target(%dma_start3A_742 : memref<64x128xbf16, #tpu.memory_space<vmem>>) offsets(%dma_start3A_743 : memref<64xi32, #tpu.memory_space<vmem>>) semaphore(%arg30 : memref<!tpu.dma_semaphore, #tpu.memory_space<semaphore_mem>>)
        } else {
        }
        %add3A_731 = arith.constant 1 : i32
        %add3A_732 = arith.addi %mul3A_687, %add3A_731 : i32
        %run_scoped3A_733 = arith.constant 1 : i32
        "tpu.region"() ({
          %run_scoped3A_734 = tpu.sem_alloc : memref<!tpu.dma_semaphore, #tpu.memory_space<semaphore_mem>>
          %dma_start3A_735 = arith.constant 0 : i32
          %dma_start3A_736 = arith.constant 0 : i32
          %dma_start3A_737 = tpu.memref_slice %arg24[%run_scoped3A_733, %dma_start3A_735, %dma_start3A_736] : memref<2x64x128xbf16, #tpu.memory_space<vmem>> -> memref<1x64x128xbf16, #tpu.memory_space<vmem>>
          %dma_start3A_738 = tpu.memref_squeeze %dma_start3A_737 : memref<1x64x128xbf16, #tpu.memory_space<vmem>> -> memref<64x128xbf16, #tpu.memory_space<vmem>>
          %dma_start3A_739 = arith.constant 0 : i32
          %dma_start3A_740 = tpu.memref_slice %arg23[%add3A_732, %dma_start3A_739] : memref<160x64xi32, #tpu.memory_space<vmem>> -> memref<1x64xi32, #tpu.memory_space<vmem>>
          %dma_start3A_741 = tpu.memref_squeeze %dma_start3A_740 : memref<1x64xi32, #tpu.memory_space<vmem>> -> memref<64xi32, #tpu.memory_space<vmem>>
          %dma_start3A_742 = arith.constant 0 : i32
          %dma_start3A_743 = arith.constant 0 : i32
          %dma_start3A_744 = tpu.memref_slice %arg28[%dma_start3A_742, %dma_start3A_743] : memref<5008x128xbf16, #tpu.memory_space<vmem_shared>> -> memref<5008x128xbf16, #tpu.memory_space<vmem_shared>>
          tpu.enqueue_indirect_dma source(%dma_start3A_738 : memref<64x128xbf16, #tpu.memory_space<vmem>>) target(%dma_start3A_744 : memref<5008x128xbf16, #tpu.memory_space<vmem_shared>>) offsets(%dma_start3A_741 : memref<64xi32, #tpu.memory_space<vmem>>) semaphore(%run_scoped3A_734 : memref<!tpu.dma_semaphore, #tpu.memory_space<semaphore_mem>>) {add = true}
          %dma_wait3A_745 = arith.constant 0 : i32
          %dma_wait3A_746 = arith.constant 0 : i32
          %dma_wait3A_747 = tpu.memref_slice %arg24[%run_scoped3A_733, %dma_wait3A_745, %dma_wait3A_746] : memref<2x64x128xbf16, #tpu.memory_space<vmem>> -> memref<1x64x128xbf16, #tpu.memory_space<vmem>>
          %dma_wait3A_748 = tpu.memref_squeeze %dma_wait3A_747 : memref<1x64x128xbf16, #tpu.memory_space<vmem>> -> memref<64x128xbf16, #tpu.memory_space<vmem>>
          %dma_wait3A_749 = arith.constant 0 : i32
          %dma_wait3A_750 = tpu.memref_slice %arg23[%add3A_732, %dma_wait3A_749] : memref<160x64xi32, #tpu.memory_space<vmem>> -> memref<1x64xi32, #tpu.memory_space<vmem>>
          %dma_wait3A_751 = tpu.memref_squeeze %dma_wait3A_750 : memref<1x64xi32, #tpu.memory_space<vmem>> -> memref<64xi32, #tpu.memory_space<vmem>>
          %dma_wait3A_752 = arith.constant 0 : i32
          %dma_wait3A_753 = arith.constant 0 : i32
          %dma_wait3A_754 = tpu.memref_slice %arg28[%dma_wait3A_752, %dma_wait3A_753] : memref<5008x128xbf16, #tpu.memory_space<vmem_shared>> -> memref<5008x128xbf16, #tpu.memory_space<vmem_shared>>
          tpu.wait_indirect_dma semaphore(%run_scoped3A_734 : memref<!tpu.dma_semaphore, #tpu.memory_space<semaphore_mem>>) src(%dma_wait3A_748 : memref<64x128xbf16, #tpu.memory_space<vmem>>) dst(%dma_wait3A_754 : memref<5008x128xbf16, #tpu.memory_space<vmem_shared>>)
          tpu.yield
        }) : () -> ()
      } else {
      }
      %while3A_711 = arith.constant 0 : i32
      scf.yield %while3A_711 : i32
    }
    %while3A_284 = arith.constant 1 : i32
    %while3A_285 = scf.for %while3A_684 = %while3A_281 to %while3A_277 step %while3A_284 iter_args(%while3A_685 = %while3A_283) -> (i32)  : i32 {
      %mul3A_686 = arith.constant 2 : i32
      %mul3A_687 = arith.muli %while3A_684, %mul3A_686 : i32
      %mul3A_688 = arith.constant 64 : i32
      %mul3A_689 = arith.muli %mul3A_687, %mul3A_688 : i32
      %dma_wait3A_690 = arith.constant 0 : i32
      %dma_wait3A_691 = arith.constant 0 : i32
      %dma_wait3A_692 = arith.constant 0 : i32
      %dma_wait3A_693 = tpu.memref_slice %arg24[%dma_wait3A_690, %dma_wait3A_691, %dma_wait3A_692] : memref<2x64x128xbf16, #tpu.memory_space<vmem>> -> memref<1x64x128xbf16, #tpu.memory_space<vmem>>
      %dma_wait3A_694 = tpu.memref_squeeze %dma_wait3A_693 : memref<1x64x128xbf16, #tpu.memory_space<vmem>> -> memref<64x128xbf16, #tpu.memory_space<vmem>>
      %dma_wait3A_695 = tpu.memref_slice %arg21[%mul3A_689] : memref<10304xi32, #tpu.memory_space<vmem>> -> memref<64xi32, #tpu.memory_space<vmem>>
      %dma_wait3A_696 = arith.constant 0 : i32
      %dma_wait3A_697 = arith.constant 0 : i32
      %dma_wait3A_698 = tpu.memref_slice %arg3[%dma_wait3A_696, %dma_wait3A_697] : memref<10000x128xbf16, #tpu.memory_space<hbm>> -> memref<10000x128xbf16, #tpu.memory_space<hbm>>
      tpu.wait_indirect_dma semaphore(%arg30 : memref<!tpu.dma_semaphore, #tpu.memory_space<semaphore_mem>>) src(%dma_wait3A_698 : memref<10000x128xbf16, #tpu.memory_space<hbm>>) dst(%dma_wait3A_694 : memref<64x128xbf16, #tpu.memory_space<vmem>>)
      %add3A_699 = arith.constant 1 : i32
      %add3A_700 = arith.addi %mul3A_687, %add3A_699 : i32
      %lt3A = arith.cmpi slt, %add3A_700, %select_n3A_231 : i32
      %convert_element_type3A_701 = arith.extui %lt3A : i1 to i32
      %cond3A_702 = arith.constant 0 : i32
      %cond3A_703 = arith.cmpi ne, %convert_element_type3A_701, %cond3A_702 : i32
      scf.if %cond3A_703 {
        %add3A_712 = arith.constant 1 : i32
        %add3A_713 = arith.addi %mul3A_687, %add3A_712 : i32
        %mul3A_714 = arith.constant 64 : i32
        %mul3A_715 = arith.muli %add3A_713, %mul3A_714 : i32
        %dma_start3A_716 = arith.constant 1 : i32
        %dma_start3A_717 = arith.constant 0 : i32
        %dma_start3A_718 = arith.constant 0 : i32
        %dma_start3A_719 = tpu.memref_slice %arg24[%dma_start3A_716, %dma_start3A_717, %dma_start3A_718] : memref<2x64x128xbf16, #tpu.memory_space<vmem>> -> memref<1x64x128xbf16, #tpu.memory_space<vmem>>
        %dma_start3A_720 = tpu.memref_squeeze %dma_start3A_719 : memref<1x64x128xbf16, #tpu.memory_space<vmem>> -> memref<64x128xbf16, #tpu.memory_space<vmem>>
        %dma_start3A_721 = tpu.memref_slice %arg21[%mul3A_715] : memref<10304xi32, #tpu.memory_space<vmem>> -> memref<64xi32, #tpu.memory_space<vmem>>
        %dma_start3A_722 = arith.constant 0 : i32
        %dma_start3A_723 = arith.constant 0 : i32
        %dma_start3A_724 = tpu.memref_slice %arg3[%dma_start3A_722, %dma_start3A_723] : memref<10000x128xbf16, #tpu.memory_space<hbm>> -> memref<10000x128xbf16, #tpu.memory_space<hbm>>
        tpu.enqueue_indirect_dma source(%dma_start3A_724 : memref<10000x128xbf16, #tpu.memory_space<hbm>>) target(%dma_start3A_720 : memref<64x128xbf16, #tpu.memory_space<vmem>>) offsets(%dma_start3A_721 : memref<64xi32, #tpu.memory_space<vmem>>) semaphore(%arg31 : memref<!tpu.dma_semaphore, #tpu.memory_space<semaphore_mem>>)
      } else {
      }
      %run_scoped3A_704 = arith.constant 0 : i32
      "tpu.region"() ({
        %run_scoped3A_712 = tpu.sem_alloc : memref<!tpu.dma_semaphore, #tpu.memory_space<semaphore_mem>>
        %dma_start3A_713 = arith.constant 0 : i32
        %dma_start3A_714 = arith.constant 0 : i32
        %dma_start3A_715 = tpu.memref_slice %arg24[%run_scoped3A_704, %dma_start3A_713, %dma_start3A_714] : memref<2x64x128xbf16, #tpu.memory_space<vmem>> -> memref<1x64x128xbf16, #tpu.memory_space<vmem>>
        %dma_start3A_716 = tpu.memref_squeeze %dma_start3A_715 : memref<1x64x128xbf16, #tpu.memory_space<vmem>> -> memref<64x128xbf16, #tpu.memory_space<vmem>>
        %dma_start3A_717 = arith.constant 0 : i32
        %dma_start3A_718 = tpu.memref_slice %arg23[%mul3A_687, %dma_start3A_717] : memref<160x64xi32, #tpu.memory_space<vmem>> -> memref<1x64xi32, #tpu.memory_space<vmem>>
        %dma_start3A_719 = tpu.memref_squeeze %dma_start3A_718 : memref<1x64xi32, #tpu.memory_space<vmem>> -> memref<64xi32, #tpu.memory_space<vmem>>
        %dma_start3A_720 = arith.constant 0 : i32
        %dma_start3A_721 = arith.constant 0 : i32
        %dma_start3A_722 = tpu.memref_slice %arg28[%dma_start3A_720, %dma_start3A_721] : memref<5008x128xbf16, #tpu.memory_space<vmem_shared>> -> memref<5008x128xbf16, #tpu.memory_space<vmem_shared>>
        tpu.enqueue_indirect_dma source(%dma_start3A_716 : memref<64x128xbf16, #tpu.memory_space<vmem>>) target(%dma_start3A_722 : memref<5008x128xbf16, #tpu.memory_space<vmem_shared>>) offsets(%dma_start3A_719 : memref<64xi32, #tpu.memory_space<vmem>>) semaphore(%run_scoped3A_712 : memref<!tpu.dma_semaphore, #tpu.memory_space<semaphore_mem>>) {add = true}
        %dma_wait3A_723 = arith.constant 0 : i32
        %dma_wait3A_724 = arith.constant 0 : i32
        %dma_wait3A_725 = tpu.memref_slice %arg24[%run_scoped3A_704, %dma_wait3A_723, %dma_wait3A_724] : memref<2x64x128xbf16, #tpu.memory_space<vmem>> -> memref<1x64x128xbf16, #tpu.memory_space<vmem>>
        %dma_wait3A_726 = tpu.memref_squeeze %dma_wait3A_725 : memref<1x64x128xbf16, #tpu.memory_space<vmem>> -> memref<64x128xbf16, #tpu.memory_space<vmem>>
        %dma_wait3A_727 = arith.constant 0 : i32
        %dma_wait3A_728 = tpu.memref_slice %arg23[%mul3A_687, %dma_wait3A_727] : memref<160x64xi32, #tpu.memory_space<vmem>> -> memref<1x64xi32, #tpu.memory_space<vmem>>
        %dma_wait3A_729 = tpu.memref_squeeze %dma_wait3A_728 : memref<1x64xi32, #tpu.memory_space<vmem>> -> memref<64xi32, #tpu.memory_space<vmem>>
        %dma_wait3A_730 = arith.constant 0 : i32
        %dma_wait3A_731 = arith.constant 0 : i32
        %dma_wait3A_732 = tpu.memref_slice %arg28[%dma_wait3A_730, %dma_wait3A_731] : memref<5008x128xbf16, #tpu.memory_space<vmem_shared>> -> memref<5008x128xbf16, #tpu.memory_space<vmem_shared>>
        tpu.wait_indirect_dma semaphore(%run_scoped3A_712 : memref<!tpu.dma_semaphore, #tpu.memory_space<semaphore_mem>>) src(%dma_wait3A_726 : memref<64x128xbf16, #tpu.memory_space<vmem>>) dst(%dma_wait3A_732 : memref<5008x128xbf16, #tpu.memory_space<vmem_shared>>)
        tpu.yield
      }) : () -> ()
      %add3A_705 = arith.constant 1 : i32
      %add3A_706 = arith.addi %mul3A_687, %add3A_705 : i32
      %lt3A_707 = arith.cmpi slt, %add3A_706, %select_n3A_231 : i32
      %convert_element_type3A_708 = arith.extui %lt3A_707 : i1 to i32
      %cond3A_709 = arith.constant 0 : i32
      %cond3A_710 = arith.cmpi ne, %convert_element_type3A_708, %cond3A_709 : i32
      scf.if %cond3A_710 {
        %add3A_712 = arith.constant 1 : i32
        %add3A_713 = arith.addi %mul3A_687, %add3A_712 : i32
        %mul3A_714 = arith.constant 64 : i32
        %mul3A_715 = arith.muli %add3A_713, %mul3A_714 : i32
        %dma_wait3A_716 = arith.constant 1 : i32
        %dma_wait3A_717 = arith.constant 0 : i32
        %dma_wait3A_718 = arith.constant 0 : i32
        %dma_wait3A_719 = tpu.memref_slice %arg24[%dma_wait3A_716, %dma_wait3A_717, %dma_wait3A_718] : memref<2x64x128xbf16, #tpu.memory_space<vmem>> -> memref<1x64x128xbf16, #tpu.memory_space<vmem>>
        %dma_wait3A_720 = tpu.memref_squeeze %dma_wait3A_719 : memref<1x64x128xbf16, #tpu.memory_space<vmem>> -> memref<64x128xbf16, #tpu.memory_space<vmem>>
        %dma_wait3A_721 = tpu.memref_slice %arg21[%mul3A_715] : memref<10304xi32, #tpu.memory_space<vmem>> -> memref<64xi32, #tpu.memory_space<vmem>>
        %dma_wait3A_722 = arith.constant 0 : i32
        %dma_wait3A_723 = arith.constant 0 : i32
        %dma_wait3A_724 = tpu.memref_slice %arg3[%dma_wait3A_722, %dma_wait3A_723] : memref<10000x128xbf16, #tpu.memory_space<hbm>> -> memref<10000x128xbf16, #tpu.memory_space<hbm>>
        tpu.wait_indirect_dma semaphore(%arg31 : memref<!tpu.dma_semaphore, #tpu.memory_space<semaphore_mem>>) src(%dma_wait3A_724 : memref<10000x128xbf16, #tpu.memory_space<hbm>>) dst(%dma_wait3A_720 : memref<64x128xbf16, #tpu.memory_space<vmem>>)
        %add3A_725 = arith.constant 2 : i32
        %add3A_726 = arith.addi %mul3A_687, %add3A_725 : i32
        %lt3A_727 = arith.cmpi slt, %add3A_726, %select_n3A_231 : i32
        %convert_element_type3A_728 = arith.extui %lt3A_727 : i1 to i32
        %cond3A_729 = arith.constant 0 : i32
        %cond3A_730 = arith.cmpi ne, %convert_element_type3A_728, %cond3A_729 : i32
        scf.if %cond3A_730 {
          %add3A_734 = arith.constant 2 : i32
          %add3A_735 = arith.addi %mul3A_687, %add3A_734 : i32
          %mul3A_736 = arith.constant 64 : i32
          %mul3A_737 = arith.muli %add3A_735, %mul3A_736 : i32
          %dma_start3A_738 = arith.constant 0 : i32
          %dma_start3A_739 = arith.constant 0 : i32
          %dma_start3A_740 = arith.constant 0 : i32
          %dma_start3A_741 = tpu.memref_slice %arg24[%dma_start3A_738, %dma_start3A_739, %dma_start3A_740] : memref<2x64x128xbf16, #tpu.memory_space<vmem>> -> memref<1x64x128xbf16, #tpu.memory_space<vmem>>
          %dma_start3A_742 = tpu.memref_squeeze %dma_start3A_741 : memref<1x64x128xbf16, #tpu.memory_space<vmem>> -> memref<64x128xbf16, #tpu.memory_space<vmem>>
          %dma_start3A_743 = tpu.memref_slice %arg21[%mul3A_737] : memref<10304xi32, #tpu.memory_space<vmem>> -> memref<64xi32, #tpu.memory_space<vmem>>
          %dma_start3A_744 = arith.constant 0 : i32
          %dma_start3A_745 = arith.constant 0 : i32
          %dma_start3A_746 = tpu.memref_slice %arg3[%dma_start3A_744, %dma_start3A_745] : memref<10000x128xbf16, #tpu.memory_space<hbm>> -> memref<10000x128xbf16, #tpu.memory_space<hbm>>
          tpu.enqueue_indirect_dma source(%dma_start3A_746 : memref<10000x128xbf16, #tpu.memory_space<hbm>>) target(%dma_start3A_742 : memref<64x128xbf16, #tpu.memory_space<vmem>>) offsets(%dma_start3A_743 : memref<64xi32, #tpu.memory_space<vmem>>) semaphore(%arg30 : memref<!tpu.dma_semaphore, #tpu.memory_space<semaphore_mem>>)
        } else {
        }
        %add3A_731 = arith.constant 1 : i32
        %add3A_732 = arith.addi %mul3A_687, %add3A_731 : i32
        %run_scoped3A_733 = arith.constant 1 : i32
        "tpu.region"() ({
          %run_scoped3A_734 = tpu.sem_alloc : memref<!tpu.dma_semaphore, #tpu.memory_space<semaphore_mem>>
          %dma_start3A_735 = arith.constant 0 : i32
          %dma_start3A_736 = arith.constant 0 : i32
          %dma_start3A_737 = tpu.memref_slice %arg24[%run_scoped3A_733, %dma_start3A_735, %dma_start3A_736] : memref<2x64x128xbf16, #tpu.memory_space<vmem>> -> memref<1x64x128xbf16, #tpu.memory_space<vmem>>
          %dma_start3A_738 = tpu.memref_squeeze %dma_start3A_737 : memref<1x64x128xbf16, #tpu.memory_space<vmem>> -> memref<64x128xbf16, #tpu.memory_space<vmem>>
          %dma_start3A_739 = arith.constant 0 : i32
          %dma_start3A_740 = tpu.memref_slice %arg23[%add3A_732, %dma_start3A_739] : memref<160x64xi32, #tpu.memory_space<vmem>> -> memref<1x64xi32, #tpu.memory_space<vmem>>
          %dma_start3A_741 = tpu.memref_squeeze %dma_start3A_740 : memref<1x64xi32, #tpu.memory_space<vmem>> -> memref<64xi32, #tpu.memory_space<vmem>>
          %dma_start3A_742 = arith.constant 0 : i32
          %dma_start3A_743 = arith.constant 0 : i32
          %dma_start3A_744 = tpu.memref_slice %arg28[%dma_start3A_742, %dma_start3A_743] : memref<5008x128xbf16, #tpu.memory_space<vmem_shared>> -> memref<5008x128xbf16, #tpu.memory_space<vmem_shared>>
          tpu.enqueue_indirect_dma source(%dma_start3A_738 : memref<64x128xbf16, #tpu.memory_space<vmem>>) target(%dma_start3A_744 : memref<5008x128xbf16, #tpu.memory_space<vmem_shared>>) offsets(%dma_start3A_741 : memref<64xi32, #tpu.memory_space<vmem>>) semaphore(%run_scoped3A_734 : memref<!tpu.dma_semaphore, #tpu.memory_space<semaphore_mem>>) {add = true}
          %dma_wait3A_745 = arith.constant 0 : i32
          %dma_wait3A_746 = arith.constant 0 : i32
          %dma_wait3A_747 = tpu.memref_slice %arg24[%run_scoped3A_733, %dma_wait3A_745, %dma_wait3A_746] : memref<2x64x128xbf16, #tpu.memory_space<vmem>> -> memref<1x64x128xbf16, #tpu.memory_space<vmem>>
          %dma_wait3A_748 = tpu.memref_squeeze %dma_wait3A_747 : memref<1x64x128xbf16, #tpu.memory_space<vmem>> -> memref<64x128xbf16, #tpu.memory_space<vmem>>
          %dma_wait3A_749 = arith.constant 0 : i32
          %dma_wait3A_750 = tpu.memref_slice %arg23[%add3A_732, %dma_wait3A_749] : memref<160x64xi32, #tpu.memory_space<vmem>> -> memref<1x64xi32, #tpu.memory_space<vmem>>
          %dma_wait3A_751 = tpu.memref_squeeze %dma_wait3A_750 : memref<1x64xi32, #tpu.memory_space<vmem>> -> memref<64xi32, #tpu.memory_space<vmem>>
          %dma_wait3A_752 = arith.constant 0 : i32
          %dma_wait3A_753 = arith.constant 0 : i32
          %dma_wait3A_754 = tpu.memref_slice %arg28[%dma_wait3A_752, %dma_wait3A_753] : memref<5008x128xbf16, #tpu.memory_space<vmem_shared>> -> memref<5008x128xbf16, #tpu.memory_space<vmem_shared>>
          tpu.wait_indirect_dma semaphore(%run_scoped3A_734 : memref<!tpu.dma_semaphore, #tpu.memory_space<semaphore_mem>>) src(%dma_wait3A_748 : memref<64x128xbf16, #tpu.memory_space<vmem>>) dst(%dma_wait3A_754 : memref<5008x128xbf16, #tpu.memory_space<vmem_shared>>)
          tpu.yield
        }) : () -> ()
      } else {
      }
      %while3A_711 = arith.constant 0 : i32
      scf.yield %while3A_711 : i32
    }
    %barrier3A_286 = arith.constant 0 : index
    tpu.barrier barrier_id(%barrier3A_286)
    %run_scoped3A = arith.constant 0 : i32
    "tpu.region"() ({
      %run_scoped3A_684 = tpu.sem_alloc : memref<!tpu.dma_semaphore, #tpu.memory_space<semaphore_mem>>
      %dma_start3A_685 = arith.constant 0 : i32
      %dma_start3A_686 = arith.constant 0 : i32
      %dma_start3A_687 = tpu.memref_slice %arg24[%run_scoped3A, %dma_start3A_685, %dma_start3A_686] : memref<2x64x128xbf16, #tpu.memory_space<vmem>> -> memref<1x64x128xbf16, #tpu.memory_space<vmem>>
      %dma_start3A_688 = tpu.memref_squeeze %dma_start3A_687 : memref<1x64x128xbf16, #tpu.memory_space<vmem>> -> memref<64x128xbf16, #tpu.memory_space<vmem>>
      %dma_start3A_689 = arith.constant 0 : i32
      %dma_start3A_690 = tpu.memref_slice %arg14[%arg1, %dma_start3A_689] : memref<16x64xi32, #tpu.memory_space<vmem>> -> memref<1x64xi32, #tpu.memory_space<vmem>>
      %dma_start3A_691 = tpu.memref_squeeze %dma_start3A_690 : memref<1x64xi32, #tpu.memory_space<vmem>> -> memref<64xi32, #tpu.memory_space<vmem>>
      %dma_start3A_692 = arith.constant 0 : i32
      %dma_start3A_693 = arith.constant 0 : i32
      %dma_start3A_694 = tpu.memref_slice %arg28[%dma_start3A_692, %dma_start3A_693] : memref<5008x128xbf16, #tpu.memory_space<vmem_shared>> -> memref<5008x128xbf16, #tpu.memory_space<vmem_shared>>
      tpu.enqueue_indirect_dma source(%dma_start3A_694 : memref<5008x128xbf16, #tpu.memory_space<vmem_shared>>) target(%dma_start3A_688 : memref<64x128xbf16, #tpu.memory_space<vmem>>) offsets(%dma_start3A_691 : memref<64xi32, #tpu.memory_space<vmem>>) semaphore(%run_scoped3A_684 : memref<!tpu.dma_semaphore, #tpu.memory_space<semaphore_mem>>)
      %dma_wait3A_695 = arith.constant 0 : i32
      %dma_wait3A_696 = arith.constant 0 : i32
      %dma_wait3A_697 = tpu.memref_slice %arg24[%run_scoped3A, %dma_wait3A_695, %dma_wait3A_696] : memref<2x64x128xbf16, #tpu.memory_space<vmem>> -> memref<1x64x128xbf16, #tpu.memory_space<vmem>>
      %dma_wait3A_698 = tpu.memref_squeeze %dma_wait3A_697 : memref<1x64x128xbf16, #tpu.memory_space<vmem>> -> memref<64x128xbf16, #tpu.memory_space<vmem>>
      %dma_wait3A_699 = arith.constant 0 : i32
      %dma_wait3A_700 = tpu.memref_slice %arg14[%arg1, %dma_wait3A_699] : memref<16x64xi32, #tpu.memory_space<vmem>> -> memref<1x64xi32, #tpu.memory_space<vmem>>
      %dma_wait3A_701 = tpu.memref_squeeze %dma_wait3A_700 : memref<1x64xi32, #tpu.memory_space<vmem>> -> memref<64xi32, #tpu.memory_space<vmem>>
      %dma_wait3A_702 = arith.constant 0 : i32
      %dma_wait3A_703 = arith.constant 0 : i32
      %dma_wait3A_704 = tpu.memref_slice %arg28[%dma_wait3A_702, %dma_wait3A_703] : memref<5008x128xbf16, #tpu.memory_space<vmem_shared>> -> memref<5008x128xbf16, #tpu.memory_space<vmem_shared>>
      tpu.wait_indirect_dma semaphore(%run_scoped3A_684 : memref<!tpu.dma_semaphore, #tpu.memory_space<semaphore_mem>>) src(%dma_wait3A_704 : memref<5008x128xbf16, #tpu.memory_space<vmem_shared>>) dst(%dma_wait3A_698 : memref<64x128xbf16, #tpu.memory_space<vmem>>)
      tpu.yield
    }) : () -> ()
    %mul3A_287 = arith.constant 64 : i32
    %mul3A_288 = arith.muli %arg1, %mul3A_287 : i32
    %dma_start3A_289 = arith.constant 0 : i32
    %dma_start3A_290 = arith.constant 0 : i32
    %dma_start3A_291 = arith.constant 0 : i32
    %dma_start3A_292 = arith.constant 0 : i32
    %dma_start3A_293 = tpu.memref_slice %arg24[%dma_start3A_289, %dma_start3A_291, %dma_start3A_292] : memref<2x64x128xbf16, #tpu.memory_space<vmem>> -> memref<1x64x128xbf16, #tpu.memory_space<vmem>>
    %dma_start3A_294 = tpu.memref_squeeze %dma_start3A_293 : memref<1x64x128xbf16, #tpu.memory_space<vmem>> -> memref<64x128xbf16, #tpu.memory_space<vmem>>
    %dma_start3A_295 = arith.constant 0 : i32
    %dma_start3A_296 = tpu.memref_slice %arg11[%arg0, %dma_start3A_290, %mul3A_288, %dma_start3A_295] : memref<2x2x1024x128xbf16, #tpu.memory_space<hbm>> -> memref<1x1x64x128xbf16, #tpu.memory_space<hbm>>
    %dma_start3A_297 = tpu.memref_squeeze %dma_start3A_296 : memref<1x1x64x128xbf16, #tpu.memory_space<hbm>> -> memref<64x128xbf16, #tpu.memory_space<hbm>>
    %dma_start3A_298 = arith.constant 0 : i32
    %dma_start3A_299 = tpu.memref_slice %arg11[%arg0, %dma_start3A_290, %mul3A_288, %dma_start3A_298] : memref<2x2x1024x128xbf16, #tpu.memory_space<hbm>> -> memref<1x1x64x128xbf16, #tpu.memory_space<hbm>>
    %dma_start3A_300 = tpu.memref_squeeze %dma_start3A_299 : memref<1x1x64x128xbf16, #tpu.memory_space<hbm>> -> memref<64x128xbf16, #tpu.memory_space<hbm>>
    %dma_start3A_301 = arith.constant 0 : i32
    %dma_start3A_302 = arith.constant 0 : i32
    %dma_start3A_303 = tpu.memref_slice %arg24[%dma_start3A_289, %dma_start3A_301, %dma_start3A_302] : memref<2x64x128xbf16, #tpu.memory_space<vmem>> -> memref<1x64x128xbf16, #tpu.memory_space<vmem>>
    %dma_start3A_304 = tpu.memref_squeeze %dma_start3A_303 : memref<1x64x128xbf16, #tpu.memory_space<vmem>> -> memref<64x128xbf16, #tpu.memory_space<vmem>>
    tpu.enqueue_dma source(%dma_start3A_304 : memref<64x128xbf16, #tpu.memory_space<vmem>>) target(%dma_start3A_300 : memref<64x128xbf16, #tpu.memory_space<hbm>>) target_semaphore(%arg29 : memref<!tpu.dma_semaphore, #tpu.memory_space<semaphore_mem>>)
    %dma_start3A_305 = arith.constant 0 : i32
    %dma_start3A_306 = tpu.memref_slice %arg15[%add3A, %dma_start3A_305] : memref<32x32xi32, #tpu.memory_space<vmem>> -> memref<1x32xi32, #tpu.memory_space<vmem>>
    %dma_start3A_307 = tpu.memref_squeeze %dma_start3A_306 : memref<1x32xi32, #tpu.memory_space<vmem>> -> memref<32xi32, #tpu.memory_space<vmem>>
    %dma_start3A_308 = arith.constant 0 : i32
    %dma_start3A_309 = arith.constant 0 : i32
    %dma_start3A_310 = tpu.memref_slice %arg2[%dma_start3A_308, %dma_start3A_309] : memref<10000x128xf32, #tpu.memory_space<hbm>> -> memref<10000x128xf32, #tpu.memory_space<hbm>>
    tpu.enqueue_indirect_dma source(%dma_start3A_310 : memref<10000x128xf32, #tpu.memory_space<hbm>>) target(%arg25 : memref<32x128xf32, #tpu.memory_space<vmem>>) offsets(%dma_start3A_307 : memref<32xi32, #tpu.memory_space<vmem>>) semaphore(%arg29 : memref<!tpu.dma_semaphore, #tpu.memory_space<semaphore_mem>>)
    %dma_wait3A_311 = arith.constant 0 : i32
    %dma_wait3A_312 = arith.constant 0 : i32
    %dma_wait3A_313 = arith.constant 0 : i32
    %dma_wait3A_314 = arith.constant 0 : i32
    %dma_wait3A_315 = tpu.memref_slice %arg24[%dma_wait3A_311, %dma_wait3A_313, %dma_wait3A_314] : memref<2x64x128xbf16, #tpu.memory_space<vmem>> -> memref<1x64x128xbf16, #tpu.memory_space<vmem>>
    %dma_wait3A_316 = tpu.memref_squeeze %dma_wait3A_315 : memref<1x64x128xbf16, #tpu.memory_space<vmem>> -> memref<64x128xbf16, #tpu.memory_space<vmem>>
    %dma_wait3A_317 = arith.constant 0 : i32
    %dma_wait3A_318 = tpu.memref_slice %arg11[%arg0, %dma_wait3A_312, %mul3A_288, %dma_wait3A_317] : memref<2x2x1024x128xbf16, #tpu.memory_space<hbm>> -> memref<1x1x64x128xbf16, #tpu.memory_space<hbm>>
    %dma_wait3A_319 = tpu.memref_squeeze %dma_wait3A_318 : memref<1x1x64x128xbf16, #tpu.memory_space<hbm>> -> memref<64x128xbf16, #tpu.memory_space<hbm>>
    %dma_wait3A_320 = arith.constant 0 : i32
    %dma_wait3A_321 = tpu.memref_slice %arg11[%arg0, %dma_wait3A_312, %mul3A_288, %dma_wait3A_320] : memref<2x2x1024x128xbf16, #tpu.memory_space<hbm>> -> memref<1x1x64x128xbf16, #tpu.memory_space<hbm>>
    %dma_wait3A_322 = tpu.memref_squeeze %dma_wait3A_321 : memref<1x1x64x128xbf16, #tpu.memory_space<hbm>> -> memref<64x128xbf16, #tpu.memory_space<hbm>>
    %dma_wait3A_323 = arith.constant 0 : i32
    %dma_wait3A_324 = arith.constant 0 : i32
    %dma_wait3A_325 = tpu.memref_slice %arg24[%dma_wait3A_311, %dma_wait3A_323, %dma_wait3A_324] : memref<2x64x128xbf16, #tpu.memory_space<vmem>> -> memref<1x64x128xbf16, #tpu.memory_space<vmem>>
    %dma_wait3A_326 = tpu.memref_squeeze %dma_wait3A_325 : memref<1x64x128xbf16, #tpu.memory_space<vmem>> -> memref<64x128xbf16, #tpu.memory_space<vmem>>
    tpu.wait_dma2 semaphore(%arg29 : memref<!tpu.dma_semaphore, #tpu.memory_space<semaphore_mem>>) src(%dma_wait3A_326 : memref<64x128xbf16, #tpu.memory_space<vmem>>) dst(%dma_wait3A_322 : memref<64x128xbf16, #tpu.memory_space<hbm>>)
    %dma_wait3A_327 = arith.constant 0 : i32
    %dma_wait3A_328 = tpu.memref_slice %arg15[%add3A, %dma_wait3A_327] : memref<32x32xi32, #tpu.memory_space<vmem>> -> memref<1x32xi32, #tpu.memory_space<vmem>>
    %dma_wait3A_329 = tpu.memref_squeeze %dma_wait3A_328 : memref<1x32xi32, #tpu.memory_space<vmem>> -> memref<32xi32, #tpu.memory_space<vmem>>
    %dma_wait3A_330 = arith.constant 0 : i32
    %dma_wait3A_331 = arith.constant 0 : i32
    %dma_wait3A_332 = tpu.memref_slice %arg2[%dma_wait3A_330, %dma_wait3A_331] : memref<10000x128xf32, #tpu.memory_space<hbm>> -> memref<10000x128xf32, #tpu.memory_space<hbm>>
    tpu.wait_indirect_dma semaphore(%arg29 : memref<!tpu.dma_semaphore, #tpu.memory_space<semaphore_mem>>) src(%dma_wait3A_332 : memref<10000x128xf32, #tpu.memory_space<hbm>>) dst(%arg25 : memref<32x128xf32, #tpu.memory_space<vmem>>)
    %mul3A_333 = arith.constant 32 : i32
    %mul3A_334 = arith.muli %add3A, %mul3A_333 : i32
    %run_scoped3A_335 = arith.constant 0 : i32
    "tpu.region"() ({
      %run_scoped3A_684 = tpu.sem_alloc : memref<!tpu.dma_semaphore, #tpu.memory_space<semaphore_mem>>
      %dma_start3A_685 = arith.constant 0 : i32
      %dma_start3A_686 = tpu.memref_slice %arg12[%run_scoped3A_335, %mul3A_334, %dma_start3A_685] : memref<2x1024x128xf32, #tpu.memory_space<hbm>> -> memref<1x32x128xf32, #tpu.memory_space<hbm>>
      %dma_start3A_687 = tpu.memref_squeeze %dma_start3A_686 : memref<1x32x128xf32, #tpu.memory_space<hbm>> -> memref<32x128xf32, #tpu.memory_space<hbm>>
      %dma_start3A_688 = arith.constant 0 : i32
      %dma_start3A_689 = tpu.memref_slice %arg12[%run_scoped3A_335, %mul3A_334, %dma_start3A_688] : memref<2x1024x128xf32, #tpu.memory_space<hbm>> -> memref<1x32x128xf32, #tpu.memory_space<hbm>>
      %dma_start3A_690 = tpu.memref_squeeze %dma_start3A_689 : memref<1x32x128xf32, #tpu.memory_space<hbm>> -> memref<32x128xf32, #tpu.memory_space<hbm>>
      tpu.enqueue_dma source(%arg25 : memref<32x128xf32, #tpu.memory_space<vmem>>) target(%dma_start3A_690 : memref<32x128xf32, #tpu.memory_space<hbm>>) target_semaphore(%run_scoped3A_684 : memref<!tpu.dma_semaphore, #tpu.memory_space<semaphore_mem>>)
      %dma_wait3A_691 = arith.constant 0 : i32
      %dma_wait3A_692 = tpu.memref_slice %arg12[%run_scoped3A_335, %mul3A_334, %dma_wait3A_691] : memref<2x1024x128xf32, #tpu.memory_space<hbm>> -> memref<1x32x128xf32, #tpu.memory_space<hbm>>
      %dma_wait3A_693 = tpu.memref_squeeze %dma_wait3A_692 : memref<1x32x128xf32, #tpu.memory_space<hbm>> -> memref<32x128xf32, #tpu.memory_space<hbm>>
      %dma_wait3A_694 = arith.constant 0 : i32
      %dma_wait3A_695 = tpu.memref_slice %arg12[%run_scoped3A_335, %mul3A_334, %dma_wait3A_694] : memref<2x1024x128xf32, #tpu.memory_space<hbm>> -> memref<1x32x128xf32, #tpu.memory_space<hbm>>
      %dma_wait3A_696 = tpu.memref_squeeze %dma_wait3A_695 : memref<1x32x128xf32, #tpu.memory_space<hbm>> -> memref<32x128xf32, #tpu.memory_space<hbm>>
      tpu.wait_dma2 semaphore(%run_scoped3A_684 : memref<!tpu.dma_semaphore, #tpu.memory_space<semaphore_mem>>) src(%arg25 : memref<32x128xf32, #tpu.memory_space<vmem>>) dst(%dma_wait3A_696 : memref<32x128xf32, #tpu.memory_space<hbm>>)
      tpu.yield
    }) : () -> ()
    %barrier3A_336 = arith.constant 0 : index
    tpu.barrier barrier_id(%barrier3A_336)
    %mul3A_337 = arith.constant 2 : i32
    %mul3A_338 = arith.muli %mul3A_337, %arg1 : i32
    %add3A_339 = arith.constant 32 : i32
    %add3A_340 = arith.addi %add3A_339, %mul3A_338 : i32
    %mul3A_341 = arith.constant 2 : i32
    %mul3A_342 = arith.muli %add3A_340, %mul3A_341 : i32
    %add3A_343 = arith.addi %mul3A_342, %arg0 : i32
    %mul3A_344 = arith.constant 5120 : i32
    %mul3A_345 = arith.muli %add3A_343, %mul3A_344 : i32
    %mul3A_346 = arith.constant 2 : i32
    %mul3A_347 = arith.muli %mul3A_346, %arg1 : i32
    %add3A_348 = arith.constant 32 : i32
    %add3A_349 = arith.addi %add3A_348, %mul3A_347 : i32
    %add3A_350 = arith.constant 1 : i32
    %add3A_351 = arith.addi %add3A_349, %add3A_350 : i32
    %mul3A_352 = arith.constant 2 : i32
    %mul3A_353 = arith.muli %add3A_351, %mul3A_352 : i32
    %add3A_354 = arith.addi %mul3A_353, %arg0 : i32
    %mul3A_355 = arith.constant 5120 : i32
    %mul3A_356 = arith.muli %add3A_354, %mul3A_355 : i32
    %dma_start3A_357 = arith.constant 128 : i32
    %dma_start3A_358 = tpu.memref_slice %arg7[%dma_start3A_357] : memref<1024xf32, #tpu.memory_space<hbm>> -> memref<16xf32, #tpu.memory_space<hbm>>
    %dma_start3A_359 = arith.constant 128 : i32
    %dma_start3A_360 = tpu.memref_slice %arg7[%dma_start3A_359] : memref<1024xf32, #tpu.memory_space<hbm>> -> memref<16xf32, #tpu.memory_space<hbm>>
    tpu.enqueue_dma source(%dma_start3A_360 : memref<16xf32, #tpu.memory_space<hbm>>) target(%arg27 : memref<16xf32, #tpu.memory_space<vmem>>) target_semaphore(%arg29 : memref<!tpu.dma_semaphore, #tpu.memory_space<semaphore_mem>>)
    %dma_start3A_361 = arith.constant 1024 : i32
    %dma_start3A_362 = tpu.memref_slice %arg8[%dma_start3A_361] : memref<2048xi32, #tpu.memory_space<hbm>> -> memref<1024xi32, #tpu.memory_space<hbm>>
    %dma_start3A_363 = arith.constant 1024 : i32
    %dma_start3A_364 = tpu.memref_slice %arg8[%dma_start3A_363] : memref<2048xi32, #tpu.memory_space<hbm>> -> memref<1024xi32, #tpu.memory_space<hbm>>
    tpu.enqueue_dma source(%dma_start3A_364 : memref<1024xi32, #tpu.memory_space<hbm>>) target(%arg13 : memref<1024xi32, #tpu.memory_space<vmem>>) target_semaphore(%arg29 : memref<!tpu.dma_semaphore, #tpu.memory_space<semaphore_mem>>)
    %dma_start3A_365 = arith.constant 0 : i32
    %dma_start3A_366 = tpu.memref_slice %arg9[%dma_start3A_365] : memref<10304xi32, #tpu.memory_space<hbm>> -> memref<10304xi32, #tpu.memory_space<hbm>>
    %dma_start3A_367 = arith.constant 0 : i32
    %dma_start3A_368 = tpu.memref_slice %arg9[%dma_start3A_367] : memref<10304xi32, #tpu.memory_space<hbm>> -> memref<10304xi32, #tpu.memory_space<hbm>>
    tpu.enqueue_dma source(%dma_start3A_368 : memref<10304xi32, #tpu.memory_space<hbm>>) target(%arg21 : memref<10304xi32, #tpu.memory_space<vmem>>) target_semaphore(%arg29 : memref<!tpu.dma_semaphore, #tpu.memory_space<semaphore_mem>>)
    %dma_start3A_369 = arith.constant 0 : i32
    %dma_start3A_370 = tpu.memref_slice %arg10[%dma_start3A_369] : memref<10304xi32, #tpu.memory_space<hbm>> -> memref<10304xi32, #tpu.memory_space<hbm>>
    %dma_start3A_371 = arith.constant 0 : i32
    %dma_start3A_372 = tpu.memref_slice %arg10[%dma_start3A_371] : memref<10304xi32, #tpu.memory_space<hbm>> -> memref<10304xi32, #tpu.memory_space<hbm>>
    tpu.enqueue_dma source(%dma_start3A_372 : memref<10304xi32, #tpu.memory_space<hbm>>) target(%arg22 : memref<10304xi32, #tpu.memory_space<vmem>>) target_semaphore(%arg29 : memref<!tpu.dma_semaphore, #tpu.memory_space<semaphore_mem>>)
    %dma_start3A_373 = tpu.memref_slice %arg4[%mul3A_345] : memref<655360xi32, #tpu.memory_space<hbm>> -> memref<5120xi32, #tpu.memory_space<hbm>>
    %dma_start3A_374 = tpu.memref_slice %arg4[%mul3A_345] : memref<655360xi32, #tpu.memory_space<hbm>> -> memref<5120xi32, #tpu.memory_space<hbm>>
    tpu.enqueue_dma source(%dma_start3A_374 : memref<5120xi32, #tpu.memory_space<hbm>>) target(%arg16 : memref<5120xi32, #tpu.memory_space<vmem>>) target_semaphore(%arg29 : memref<!tpu.dma_semaphore, #tpu.memory_space<semaphore_mem>>)
    %dma_start3A_375 = tpu.memref_slice %arg5[%mul3A_345] : memref<655360xf32, #tpu.memory_space<hbm>> -> memref<5120xf32, #tpu.memory_space<hbm>>
    %dma_start3A_376 = tpu.memref_slice %arg5[%mul3A_345] : memref<655360xf32, #tpu.memory_space<hbm>> -> memref<5120xf32, #tpu.memory_space<hbm>>
    tpu.enqueue_dma source(%dma_start3A_376 : memref<5120xf32, #tpu.memory_space<hbm>>) target(%arg18 : memref<5120xf32, #tpu.memory_space<vmem>>) target_semaphore(%arg29 : memref<!tpu.dma_semaphore, #tpu.memory_space<semaphore_mem>>)
    %dma_start3A_377 = tpu.memref_slice %arg4[%mul3A_356] : memref<655360xi32, #tpu.memory_space<hbm>> -> memref<5120xi32, #tpu.memory_space<hbm>>
    %dma_start3A_378 = tpu.memref_slice %arg4[%mul3A_356] : memref<655360xi32, #tpu.memory_space<hbm>> -> memref<5120xi32, #tpu.memory_space<hbm>>
    tpu.enqueue_dma source(%dma_start3A_378 : memref<5120xi32, #tpu.memory_space<hbm>>) target(%arg17 : memref<5120xi32, #tpu.memory_space<vmem>>) target_semaphore(%arg29 : memref<!tpu.dma_semaphore, #tpu.memory_space<semaphore_mem>>)
    %dma_start3A_379 = tpu.memref_slice %arg5[%mul3A_356] : memref<655360xf32, #tpu.memory_space<hbm>> -> memref<5120xf32, #tpu.memory_space<hbm>>
    %dma_start3A_380 = tpu.memref_slice %arg5[%mul3A_356] : memref<655360xf32, #tpu.memory_space<hbm>> -> memref<5120xf32, #tpu.memory_space<hbm>>
    tpu.enqueue_dma source(%dma_start3A_380 : memref<5120xf32, #tpu.memory_space<hbm>>) target(%arg19 : memref<5120xf32, #tpu.memory_space<vmem>>) target_semaphore(%arg29 : memref<!tpu.dma_semaphore, #tpu.memory_space<semaphore_mem>>)
    %mul3A_381 = arith.constant 2 : i32
    %mul3A_382 = arith.muli %mul3A_381, %arg1 : i32
    %add3A_383 = arith.constant 32 : i32
    %add3A_384 = arith.addi %add3A_383, %mul3A_382 : i32
    %mul3A_385 = arith.constant 2 : i32
    %mul3A_386 = arith.muli %add3A_384, %mul3A_385 : i32
    %add3A_387 = arith.addi %mul3A_386, %arg0 : i32
    %mul3A_388 = arith.constant 16 : i32
    %mul3A_389 = arith.muli %add3A_387, %mul3A_388 : i32
    %dma_start3A_390 = arith.constant 0 : i32
    %dma_start3A_391 = tpu.memref_slice %arg20[%dma_start3A_390] : memref<32xi32, #tpu.memory_space<vmem>> -> memref<16xi32, #tpu.memory_space<vmem>>
    %dma_start3A_392 = tpu.memref_slice %arg6[%mul3A_389] : memref<2048xi32, #tpu.memory_space<hbm>> -> memref<16xi32, #tpu.memory_space<hbm>>
    %dma_start3A_393 = arith.constant 0 : i32
    %dma_start3A_394 = tpu.memref_slice %arg20[%dma_start3A_393] : memref<32xi32, #tpu.memory_space<vmem>> -> memref<16xi32, #tpu.memory_space<vmem>>
    %dma_start3A_395 = tpu.memref_slice %arg6[%mul3A_389] : memref<2048xi32, #tpu.memory_space<hbm>> -> memref<16xi32, #tpu.memory_space<hbm>>
    tpu.enqueue_dma source(%dma_start3A_395 : memref<16xi32, #tpu.memory_space<hbm>>) target(%dma_start3A_394 : memref<16xi32, #tpu.memory_space<vmem>>) target_semaphore(%arg29 : memref<!tpu.dma_semaphore, #tpu.memory_space<semaphore_mem>>)
    %mul3A_396 = arith.constant 2 : i32
    %mul3A_397 = arith.muli %mul3A_396, %arg1 : i32
    %add3A_398 = arith.constant 32 : i32
    %add3A_399 = arith.addi %add3A_398, %mul3A_397 : i32
    %add3A_400 = arith.constant 1 : i32
    %add3A_401 = arith.addi %add3A_399, %add3A_400 : i32
    %mul3A_402 = arith.constant 2 : i32
    %mul3A_403 = arith.muli %add3A_401, %mul3A_402 : i32
    %add3A_404 = arith.addi %mul3A_403, %arg0 : i32
    %mul3A_405 = arith.constant 16 : i32
    %mul3A_406 = arith.muli %add3A_404, %mul3A_405 : i32
    %dma_start3A_407 = arith.constant 16 : i32
    %dma_start3A_408 = tpu.memref_slice %arg20[%dma_start3A_407] : memref<32xi32, #tpu.memory_space<vmem>> -> memref<16xi32, #tpu.memory_space<vmem>>
    %dma_start3A_409 = tpu.memref_slice %arg6[%mul3A_406] : memref<2048xi32, #tpu.memory_space<hbm>> -> memref<16xi32, #tpu.memory_space<hbm>>
    %dma_start3A_410 = arith.constant 16 : i32
    %dma_start3A_411 = tpu.memref_slice %arg20[%dma_start3A_410] : memref<32xi32, #tpu.memory_space<vmem>> -> memref<16xi32, #tpu.memory_space<vmem>>
    %dma_start3A_412 = tpu.memref_slice %arg6[%mul3A_406] : memref<2048xi32, #tpu.memory_space<hbm>> -> memref<16xi32, #tpu.memory_space<hbm>>
    tpu.enqueue_dma source(%dma_start3A_412 : memref<16xi32, #tpu.memory_space<hbm>>) target(%dma_start3A_411 : memref<16xi32, #tpu.memory_space<vmem>>) target_semaphore(%arg29 : memref<!tpu.dma_semaphore, #tpu.memory_space<semaphore_mem>>)
    %dma_wait3A_413 = arith.constant 128 : i32
    %dma_wait3A_414 = tpu.memref_slice %arg7[%dma_wait3A_413] : memref<1024xf32, #tpu.memory_space<hbm>> -> memref<16xf32, #tpu.memory_space<hbm>>
    %dma_wait3A_415 = arith.constant 128 : i32
    %dma_wait3A_416 = tpu.memref_slice %arg7[%dma_wait3A_415] : memref<1024xf32, #tpu.memory_space<hbm>> -> memref<16xf32, #tpu.memory_space<hbm>>
    tpu.wait_dma2 semaphore(%arg29 : memref<!tpu.dma_semaphore, #tpu.memory_space<semaphore_mem>>) src(%dma_wait3A_416 : memref<16xf32, #tpu.memory_space<hbm>>) dst(%arg27 : memref<16xf32, #tpu.memory_space<vmem>>)
    %dma_wait3A_417 = arith.constant 1024 : i32
    %dma_wait3A_418 = tpu.memref_slice %arg8[%dma_wait3A_417] : memref<2048xi32, #tpu.memory_space<hbm>> -> memref<1024xi32, #tpu.memory_space<hbm>>
    %dma_wait3A_419 = arith.constant 1024 : i32
    %dma_wait3A_420 = tpu.memref_slice %arg8[%dma_wait3A_419] : memref<2048xi32, #tpu.memory_space<hbm>> -> memref<1024xi32, #tpu.memory_space<hbm>>
    tpu.wait_dma2 semaphore(%arg29 : memref<!tpu.dma_semaphore, #tpu.memory_space<semaphore_mem>>) src(%dma_wait3A_420 : memref<1024xi32, #tpu.memory_space<hbm>>) dst(%arg13 : memref<1024xi32, #tpu.memory_space<vmem>>)
    %dma_wait3A_421 = arith.constant 0 : i32
    %dma_wait3A_422 = tpu.memref_slice %arg9[%dma_wait3A_421] : memref<10304xi32, #tpu.memory_space<hbm>> -> memref<10304xi32, #tpu.memory_space<hbm>>
    %dma_wait3A_423 = arith.constant 0 : i32
    %dma_wait3A_424 = tpu.memref_slice %arg9[%dma_wait3A_423] : memref<10304xi32, #tpu.memory_space<hbm>> -> memref<10304xi32, #tpu.memory_space<hbm>>
    tpu.wait_dma2 semaphore(%arg29 : memref<!tpu.dma_semaphore, #tpu.memory_space<semaphore_mem>>) src(%dma_wait3A_424 : memref<10304xi32, #tpu.memory_space<hbm>>) dst(%arg21 : memref<10304xi32, #tpu.memory_space<vmem>>)
    %dma_wait3A_425 = arith.constant 0 : i32
    %dma_wait3A_426 = tpu.memref_slice %arg10[%dma_wait3A_425] : memref<10304xi32, #tpu.memory_space<hbm>> -> memref<10304xi32, #tpu.memory_space<hbm>>
    %dma_wait3A_427 = arith.constant 0 : i32
    %dma_wait3A_428 = tpu.memref_slice %arg10[%dma_wait3A_427] : memref<10304xi32, #tpu.memory_space<hbm>> -> memref<10304xi32, #tpu.memory_space<hbm>>
    tpu.wait_dma2 semaphore(%arg29 : memref<!tpu.dma_semaphore, #tpu.memory_space<semaphore_mem>>) src(%dma_wait3A_428 : memref<10304xi32, #tpu.memory_space<hbm>>) dst(%arg22 : memref<10304xi32, #tpu.memory_space<vmem>>)
    %dma_wait3A_429 = tpu.memref_slice %arg4[%mul3A_345] : memref<655360xi32, #tpu.memory_space<hbm>> -> memref<5120xi32, #tpu.memory_space<hbm>>
    %dma_wait3A_430 = tpu.memref_slice %arg4[%mul3A_345] : memref<655360xi32, #tpu.memory_space<hbm>> -> memref<5120xi32, #tpu.memory_space<hbm>>
    tpu.wait_dma2 semaphore(%arg29 : memref<!tpu.dma_semaphore, #tpu.memory_space<semaphore_mem>>) src(%dma_wait3A_430 : memref<5120xi32, #tpu.memory_space<hbm>>) dst(%arg16 : memref<5120xi32, #tpu.memory_space<vmem>>)
    %dma_wait3A_431 = tpu.memref_slice %arg5[%mul3A_345] : memref<655360xf32, #tpu.memory_space<hbm>> -> memref<5120xf32, #tpu.memory_space<hbm>>
    %dma_wait3A_432 = tpu.memref_slice %arg5[%mul3A_345] : memref<655360xf32, #tpu.memory_space<hbm>> -> memref<5120xf32, #tpu.memory_space<hbm>>
    tpu.wait_dma2 semaphore(%arg29 : memref<!tpu.dma_semaphore, #tpu.memory_space<semaphore_mem>>) src(%dma_wait3A_432 : memref<5120xf32, #tpu.memory_space<hbm>>) dst(%arg18 : memref<5120xf32, #tpu.memory_space<vmem>>)
    %dma_wait3A_433 = tpu.memref_slice %arg4[%mul3A_356] : memref<655360xi32, #tpu.memory_space<hbm>> -> memref<5120xi32, #tpu.memory_space<hbm>>
    %dma_wait3A_434 = tpu.memref_slice %arg4[%mul3A_356] : memref<655360xi32, #tpu.memory_space<hbm>> -> memref<5120xi32, #tpu.memory_space<hbm>>
    tpu.wait_dma2 semaphore(%arg29 : memref<!tpu.dma_semaphore, #tpu.memory_space<semaphore_mem>>) src(%dma_wait3A_434 : memref<5120xi32, #tpu.memory_space<hbm>>) dst(%arg17 : memref<5120xi32, #tpu.memory_space<vmem>>)
    %dma_wait3A_435 = tpu.memref_slice %arg5[%mul3A_356] : memref<655360xf32, #tpu.memory_space<hbm>> -> memref<5120xf32, #tpu.memory_space<hbm>>
    %dma_wait3A_436 = tpu.memref_slice %arg5[%mul3A_356] : memref<655360xf32, #tpu.memory_space<hbm>> -> memref<5120xf32, #tpu.memory_space<hbm>>
    tpu.wait_dma2 semaphore(%arg29 : memref<!tpu.dma_semaphore, #tpu.memory_space<semaphore_mem>>) src(%dma_wait3A_436 : memref<5120xf32, #tpu.memory_space<hbm>>) dst(%arg19 : memref<5120xf32, #tpu.memory_space<vmem>>)
    %dma_wait3A_437 = arith.constant 0 : i32
    %dma_wait3A_438 = tpu.memref_slice %arg20[%dma_wait3A_437] : memref<32xi32, #tpu.memory_space<vmem>> -> memref<16xi32, #tpu.memory_space<vmem>>
    %dma_wait3A_439 = tpu.memref_slice %arg6[%mul3A_389] : memref<2048xi32, #tpu.memory_space<hbm>> -> memref<16xi32, #tpu.memory_space<hbm>>
    %dma_wait3A_440 = arith.constant 0 : i32
    %dma_wait3A_441 = tpu.memref_slice %arg20[%dma_wait3A_440] : memref<32xi32, #tpu.memory_space<vmem>> -> memref<16xi32, #tpu.memory_space<vmem>>
    %dma_wait3A_442 = tpu.memref_slice %arg6[%mul3A_389] : memref<2048xi32, #tpu.memory_space<hbm>> -> memref<16xi32, #tpu.memory_space<hbm>>
    tpu.wait_dma2 semaphore(%arg29 : memref<!tpu.dma_semaphore, #tpu.memory_space<semaphore_mem>>) src(%dma_wait3A_442 : memref<16xi32, #tpu.memory_space<hbm>>) dst(%dma_wait3A_441 : memref<16xi32, #tpu.memory_space<vmem>>)
    %dma_wait3A_443 = arith.constant 16 : i32
    %dma_wait3A_444 = tpu.memref_slice %arg20[%dma_wait3A_443] : memref<32xi32, #tpu.memory_space<vmem>> -> memref<16xi32, #tpu.memory_space<vmem>>
    %dma_wait3A_445 = tpu.memref_slice %arg6[%mul3A_406] : memref<2048xi32, #tpu.memory_space<hbm>> -> memref<16xi32, #tpu.memory_space<hbm>>
    %dma_wait3A_446 = arith.constant 16 : i32
    %dma_wait3A_447 = tpu.memref_slice %arg20[%dma_wait3A_446] : memref<32xi32, #tpu.memory_space<vmem>> -> memref<16xi32, #tpu.memory_space<vmem>>
    %dma_wait3A_448 = tpu.memref_slice %arg6[%mul3A_406] : memref<2048xi32, #tpu.memory_space<hbm>> -> memref<16xi32, #tpu.memory_space<hbm>>
    tpu.wait_dma2 semaphore(%arg29 : memref<!tpu.dma_semaphore, #tpu.memory_space<semaphore_mem>>) src(%dma_wait3A_448 : memref<16xi32, #tpu.memory_space<hbm>>) dst(%dma_wait3A_447 : memref<16xi32, #tpu.memory_space<vmem>>)
    %get3A_449 = arith.constant 0 : index
    %get3A_450 = tpu.vector_load %arg27[%get3A_449] {strides = array<i32>} : memref<16xf32, #tpu.memory_space<vmem>>, vector<16xf32>,
    %scan3A_451 = arith.constant 0 : i32
    %scan3A_452 = arith.constant 0 : i32
    %scan3A_453 = arith.constant 64 : i32
    %scan3A_454 = arith.addi %scan3A_452, %scan3A_453 : i32
    %scan3A_455 = arith.constant 1 : i32
    %scan3A_456 = scf.for %scan3A_684 = %scan3A_452 to %scan3A_454 step %scan3A_455 iter_args(%scan3A_685 = %scan3A_451) -> (i32)  : i32 {
      %mul3A_686 = arith.constant 16 : i32
      %mul3A_687 = arith.muli %scan3A_684, %mul3A_686 : i32
      %get3A_688 = arith.index_cast %mul3A_687 : i32 to index
      %get3A_689 = tpu.vector_load %arg13[%get3A_688] {strides = array<i32>} : memref<1024xi32, #tpu.memory_space<vmem>>, vector<16xi32>,
      %sub3A_690 = vector.broadcast %mul3A_2 : i32 to vector<16xi32>
      %sub3A_691 = arith.subi %get3A_689, %sub3A_690 : vector<16xi32>
      %ge3A = arith.constant 0 : i32
      %ge3A_692 = vector.broadcast %ge3A : i32 to vector<16xi32>
      %ge3A_693 = arith.cmpi sge, %sub3A_691, %ge3A_692 : vector<16xi32>
      %lt3A = arith.constant 5000 : i32
      %lt3A_694 = vector.broadcast %lt3A : i32 to vector<16xi32>
      %lt3A_695 = arith.cmpi slt, %sub3A_691, %lt3A_694 : vector<16xi32>
      %and3A_696 = arith.andi %ge3A_693, %lt3A_695 : vector<16xi1>
      %jit3A_697 = arith.constant 5001 : i32
      %broadcast_in_dim3A = vector.broadcast %jit3A_697 : i32 to vector<16xi32>
      %select_n3A_698 = arith.select %and3A_696, %sub3A_691, %broadcast_in_dim3A : vector<16xi1>, vector<16xi32>
      %jit3A_699 = arith.constant 4 : i32
      %div3A_700 = arith.divsi %scan3A_684, %jit3A_699 : i32
      %sign3A_701 = arith.constant 0 : i32
      %sign3A_702 = arith.cmpi sgt, %scan3A_684, %sign3A_701 : i32
      %sign3A_703 = arith.extui %sign3A_702 : i1 to i32
      %sign3A_704 = arith.constant 0 : i32
      %sign3A_705 = arith.cmpi slt, %scan3A_684, %sign3A_704 : i32
      %sign3A_706 = arith.extui %sign3A_705 : i1 to i32
      %sign3A_707 = arith.subi %sign3A_703, %sign3A_706 : i32
      %sign3A_708 = arith.constant 0 : i32
      %sign3A_709 = arith.cmpi sgt, %jit3A_699, %sign3A_708 : i32
      %sign3A_710 = arith.extui %sign3A_709 : i1 to i32
      %sign3A_711 = arith.constant 0 : i32
      %sign3A_712 = arith.cmpi slt, %jit3A_699, %sign3A_711 : i32
      %sign3A_713 = arith.extui %sign3A_712 : i1 to i32
      %sign3A_714 = arith.subi %sign3A_710, %sign3A_713 : i32
      %ne3A_715 = arith.cmpi ne, %sign3A_707, %sign3A_714 : i32
      %rem3A_716 = arith.remsi %scan3A_684, %jit3A_699 : i32
      %ne3A_717 = arith.constant 0 : i32
      %ne3A_718 = arith.cmpi ne, %rem3A_716, %ne3A_717 : i32
      %and3A_719 = arith.andi %ne3A_715, %ne3A_718 : i1
      %sub3A_720 = arith.constant 1 : i32
      %sub3A_721 = arith.subi %div3A_700, %sub3A_720 : i32
      %select_n3A_722 = arith.select %and3A_719, %sub3A_721, %div3A_700 : i32
      %jit3A_723 = arith.constant 4 : i32
      %eq3A = arith.constant 0 : i32
      %eq3A_724 = arith.cmpi eq, %jit3A_723, %eq3A : i32
      %jit3A_725 = arith.constant 1 : i32
      %select_n3A_726 = arith.select %eq3A_724, %jit3A_725, %jit3A_723 : i32
      %rem3A_727 = arith.remsi %scan3A_684, %select_n3A_726 : i32
      %ne3A_728 = arith.constant 0 : i32
      %ne3A_729 = arith.cmpi ne, %rem3A_727, %ne3A_728 : i32
      %lt3A_730 = arith.constant 0 : i32
      %lt3A_731 = arith.cmpi slt, %rem3A_727, %lt3A_730 : i32
      %lt3A_732 = arith.constant 0 : i32
      %lt3A_733 = arith.cmpi slt, %select_n3A_726, %lt3A_732 : i32
      %ne3A_734 = arith.xori %lt3A_731, %lt3A_733 : i1
      %and3A_735 = arith.andi %ne3A_734, %ne3A_729 : i1
      %add3A_736 = arith.addi %rem3A_727, %select_n3A_726 : i32
      %select_n3A_737 = arith.select %and3A_735, %add3A_736, %rem3A_727 : i32
      %mul3A_738 = arith.constant 16 : i32
      %mul3A_739 = arith.muli %select_n3A_737, %mul3A_738 : i32
      %swap3A = arith.index_cast %select_n3A_722 : i32 to index
      %swap3A_740 = arith.index_cast %mul3A_739 : i32 to index
      %swap3A_741 = tpu.vector_load %arg14[%swap3A, %swap3A_740] {strides = array<i32>} : memref<16x64xi32, #tpu.memory_space<vmem>>, vector<16xi32>,
      tpu.vector_store %arg14[%swap3A, %swap3A_740], %select_n3A_698 {strides = array<i32>} : memref<16x64xi32, #tpu.memory_space<vmem>>, vector<16xi32>,
      %jit3A_742 = arith.constant 2 : i32
      %div3A_743 = arith.divsi %scan3A_684, %jit3A_742 : i32
      %sign3A_744 = arith.constant 0 : i32
      %sign3A_745 = arith.cmpi sgt, %scan3A_684, %sign3A_744 : i32
      %sign3A_746 = arith.extui %sign3A_745 : i1 to i32
      %sign3A_747 = arith.constant 0 : i32
      %sign3A_748 = arith.cmpi slt, %scan3A_684, %sign3A_747 : i32
      %sign3A_749 = arith.extui %sign3A_748 : i1 to i32
      %sign3A_750 = arith.subi %sign3A_746, %sign3A_749 : i32
      %sign3A_751 = arith.constant 0 : i32
      %sign3A_752 = arith.cmpi sgt, %jit3A_742, %sign3A_751 : i32
      %sign3A_753 = arith.extui %sign3A_752 : i1 to i32
      %sign3A_754 = arith.constant 0 : i32
      %sign3A_755 = arith.cmpi slt, %jit3A_742, %sign3A_754 : i32
      %sign3A_756 = arith.extui %sign3A_755 : i1 to i32
      %sign3A_757 = arith.subi %sign3A_753, %sign3A_756 : i32
      %ne3A_758 = arith.cmpi ne, %sign3A_750, %sign3A_757 : i32
      %rem3A_759 = arith.remsi %scan3A_684, %jit3A_742 : i32
      %ne3A_760 = arith.constant 0 : i32
      %ne3A_761 = arith.cmpi ne, %rem3A_759, %ne3A_760 : i32
      %and3A_762 = arith.andi %ne3A_758, %ne3A_761 : i1
      %sub3A_763 = arith.constant 1 : i32
      %sub3A_764 = arith.subi %div3A_743, %sub3A_763 : i32
      %select_n3A_765 = arith.select %and3A_762, %sub3A_764, %div3A_743 : i32
      %jit3A_766 = arith.constant 2 : i32
      %eq3A_767 = arith.constant 0 : i32
      %eq3A_768 = arith.cmpi eq, %jit3A_766, %eq3A_767 : i32
      %jit3A_769 = arith.constant 1 : i32
      %select_n3A_770 = arith.select %eq3A_768, %jit3A_769, %jit3A_766 : i32
      %rem3A_771 = arith.remsi %scan3A_684, %select_n3A_770 : i32
      %ne3A_772 = arith.constant 0 : i32
      %ne3A_773 = arith.cmpi ne, %rem3A_771, %ne3A_772 : i32
      %lt3A_774 = arith.constant 0 : i32
      %lt3A_775 = arith.cmpi slt, %rem3A_771, %lt3A_774 : i32
      %lt3A_776 = arith.constant 0 : i32
      %lt3A_777 = arith.cmpi slt, %select_n3A_770, %lt3A_776 : i32
      %ne3A_778 = arith.xori %lt3A_775, %lt3A_777 : i1
      %and3A_779 = arith.andi %ne3A_778, %ne3A_773 : i1
      %add3A_780 = arith.addi %rem3A_771, %select_n3A_770 : i32
      %select_n3A_781 = arith.select %and3A_779, %add3A_780, %rem3A_771 : i32
      %mul3A_782 = arith.constant 16 : i32
      %mul3A_783 = arith.muli %select_n3A_781, %mul3A_782 : i32
      %swap3A_784 = arith.index_cast %select_n3A_765 : i32 to index
      %swap3A_785 = arith.index_cast %mul3A_783 : i32 to index
      %swap3A_786 = tpu.vector_load %arg15[%swap3A_784, %swap3A_785] {strides = array<i32>} : memref<32x32xi32, #tpu.memory_space<vmem>>, vector<16xi32>,
      tpu.vector_store %arg15[%swap3A_784, %swap3A_785], %get3A_689 {strides = array<i32>} : memref<32x32xi32, #tpu.memory_space<vmem>>, vector<16xi32>,
      %scan3A_787 = arith.constant 0 : i32
      scf.yield %scan3A_787 : i32
    }
    %scan3A_457 = arith.constant 64 : i32
    %barrier3A_458 = arith.constant 0 : index
    tpu.barrier barrier_id(%barrier3A_458)
    "tpu.region"() ({
      %run_scoped3A_684 = tpu.sem_alloc : memref<!tpu.dma_semaphore, #tpu.memory_space<semaphore_mem>>
      %dma_start3A_685 = arith.constant 0 : i32
      %dma_start3A_686 = tpu.memref_slice %arg14[%arg1, %dma_start3A_685] : memref<16x64xi32, #tpu.memory_space<vmem>> -> memref<1x64xi32, #tpu.memory_space<vmem>>
      %dma_start3A_687 = tpu.memref_squeeze %dma_start3A_686 : memref<1x64xi32, #tpu.memory_space<vmem>> -> memref<64xi32, #tpu.memory_space<vmem>>
      %dma_start3A_688 = arith.constant 0 : i32
      %dma_start3A_689 = arith.constant 0 : i32
      %dma_start3A_690 = tpu.memref_slice %arg28[%dma_start3A_688, %dma_start3A_689] : memref<5008x128xbf16, #tpu.memory_space<vmem_shared>> -> memref<5008x128xbf16, #tpu.memory_space<vmem_shared>>
      tpu.enqueue_indirect_dma source(%arg26 : memref<64x128xbf16, #tpu.memory_space<vmem>>) target(%dma_start3A_690 : memref<5008x128xbf16, #tpu.memory_space<vmem_shared>>) offsets(%dma_start3A_687 : memref<64xi32, #tpu.memory_space<vmem>>) semaphore(%run_scoped3A_684 : memref<!tpu.dma_semaphore, #tpu.memory_space<semaphore_mem>>)
      %dma_wait3A_691 = arith.constant 0 : i32
      %dma_wait3A_692 = tpu.memref_slice %arg14[%arg1, %dma_wait3A_691] : memref<16x64xi32, #tpu.memory_space<vmem>> -> memref<1x64xi32, #tpu.memory_space<vmem>>
      %dma_wait3A_693 = tpu.memref_squeeze %dma_wait3A_692 : memref<1x64xi32, #tpu.memory_space<vmem>> -> memref<64xi32, #tpu.memory_space<vmem>>
      %dma_wait3A_694 = arith.constant 0 : i32
      %dma_wait3A_695 = arith.constant 0 : i32
      %dma_wait3A_696 = tpu.memref_slice %arg28[%dma_wait3A_694, %dma_wait3A_695] : memref<5008x128xbf16, #tpu.memory_space<vmem_shared>> -> memref<5008x128xbf16, #tpu.memory_space<vmem_shared>>
      tpu.wait_indirect_dma semaphore(%run_scoped3A_684 : memref<!tpu.dma_semaphore, #tpu.memory_space<semaphore_mem>>) src(%arg26 : memref<64x128xbf16, #tpu.memory_space<vmem>>) dst(%dma_wait3A_696 : memref<5008x128xbf16, #tpu.memory_space<vmem_shared>>)
      tpu.yield
    }) : () -> ()
    %barrier3A_459 = arith.constant 0 : index
    tpu.barrier barrier_id(%barrier3A_459)
    %get3A_460 = arith.constant 0 : index
    %get3A_461 = tpu.vector_load %arg20[%get3A_460] {strides = array<i32>} : memref<32xi32, #tpu.memory_space<vmem>>, vector<16xi32>,
    %slice3A_462 = vector.extract_strided_slice %get3A_461 {offsets = [0], sizes = [1], strides = [1]} : vector<16xi32> to vector<1xi32>
    %squeeze3A_463 = vector.extract %slice3A_462[0] : i32 from vector<1xi32>
    %get3A_464 = arith.constant 16 : index
    %get3A_465 = tpu.vector_load %arg20[%get3A_464] {strides = array<i32>} : memref<32xi32, #tpu.memory_space<vmem>>, vector<16xi32>,
    %slice3A_466 = vector.extract_strided_slice %get3A_465 {offsets = [0], sizes = [1], strides = [1]} : vector<16xi32> to vector<1xi32>
    %squeeze3A_467 = vector.extract %slice3A_466[0] : i32 from vector<1xi32>
    %add3A_468 = arith.constant 16 : i32
    %add3A_469 = arith.addi %squeeze3A_463, %add3A_468 : i32
    %sub3A_470 = arith.constant 1 : i32
    %sub3A_471 = arith.subi %add3A_469, %sub3A_470 : i32
    %jit3A_472 = arith.constant 16 : i32
    %div3A_473 = arith.divsi %sub3A_471, %jit3A_472 : i32
    %sign3A_474 = arith.constant 0 : i32
    %sign3A_475 = arith.cmpi sgt, %sub3A_471, %sign3A_474 : i32
    %sign3A_476 = arith.extui %sign3A_475 : i1 to i32
    %sign3A_477 = arith.constant 0 : i32
    %sign3A_478 = arith.cmpi slt, %sub3A_471, %sign3A_477 : i32
    %sign3A_479 = arith.extui %sign3A_478 : i1 to i32
    %sign3A_480 = arith.subi %sign3A_476, %sign3A_479 : i32
    %sign3A_481 = arith.constant 0 : i32
    %sign3A_482 = arith.cmpi sgt, %jit3A_472, %sign3A_481 : i32
    %sign3A_483 = arith.extui %sign3A_482 : i1 to i32
    %sign3A_484 = arith.constant 0 : i32
    %sign3A_485 = arith.cmpi slt, %jit3A_472, %sign3A_484 : i32
    %sign3A_486 = arith.extui %sign3A_485 : i1 to i32
    %sign3A_487 = arith.subi %sign3A_483, %sign3A_486 : i32
    %ne3A_488 = arith.cmpi ne, %sign3A_480, %sign3A_487 : i32
    %rem3A_489 = arith.remsi %sub3A_471, %jit3A_472 : i32
    %ne3A_490 = arith.constant 0 : i32
    %ne3A_491 = arith.cmpi ne, %rem3A_489, %ne3A_490 : i32
    %and3A_492 = arith.andi %ne3A_488, %ne3A_491 : i1
    %sub3A_493 = arith.constant 1 : i32
    %sub3A_494 = arith.subi %div3A_473, %sub3A_493 : i32
    %select_n3A_495 = arith.select %and3A_492, %sub3A_494, %div3A_473 : i32
    %while3A_496 = arith.constant 0 : i32
    %while3A_497 = arith.constant 0 : i32
    %while3A_498 = arith.subi %select_n3A_495, %while3A_496 : i32
    %while3A_499 = arith.addi %while3A_496, %while3A_498 : i32
    %while3A_500 = arith.constant 1 : i32
    %while3A_501 = arith.divsi %while3A_498, %while3A_500 : i32
    %while3A_502 = arith.muli %while3A_501, %while3A_500 : i32
    %while3A_503 = arith.addi %while3A_496, %while3A_502 : i32
    %while3A_504 = arith.constant 1 : i32
    %while3A_505 = scf.for %while3A_684 = %while3A_496 to %while3A_503 step %while3A_504 iter_args(%while3A_685 = %while3A_497) -> (i32)  : i32 {
      %mul3A_686 = arith.constant 16 : i32
      %mul3A_687 = arith.muli %while3A_684, %mul3A_686 : i32
      %get3A_688 = arith.index_cast %mul3A_687 : i32 to index
      %get3A_689 = tpu.vector_load %arg16[%get3A_688] {strides = array<i32>} : memref<5120xi32, #tpu.memory_space<vmem>>, vector<16xi32>,
      %mul3A_690 = arith.constant 16 : i32
      %mul3A_691 = arith.muli %while3A_684, %mul3A_690 : i32
      %get3A_692 = arith.index_cast %mul3A_691 : i32 to index
      %get3A_693 = tpu.vector_load %arg18[%get3A_692] {strides = array<i32>} : memref<5120xf32, #tpu.memory_space<vmem>>, vector<16xf32>,
      %lt3A = arith.cmpf olt, %get3A_693, %get3A_450 : vector<16xf32>
      %mul3A_694 = arith.constant 16 : i32
      %mul3A_695 = arith.muli %while3A_684, %mul3A_694 : i32
      %add3A_696 = vector.broadcast %mul3A_695 : i32 to vector<16xi32>
      %add3A_697 = arith.addi %add3A_696, %iota3A : vector<16xi32>
      %lt3A_698 = vector.broadcast %squeeze3A_463 : i32 to vector<16xi32>
      %lt3A_699 = arith.cmpi slt, %add3A_697, %lt3A_698 : vector<16xi32>
      %and3A_700 = arith.andi %lt3A, %lt3A_699 : vector<16xi1>
      %and3A_701 = arith.constant 16383 : i32
      %and3A_702 = vector.broadcast %and3A_701 : i32 to vector<16xi32>
      %and3A_703 = arith.andi %get3A_689, %and3A_702 : vector<16xi32>
      %shift_right_logical3A = arith.constant 14 : i32
      %shift_right_logical3A_704 = vector.broadcast %shift_right_logical3A : i32 to vector<16xi32>
      %shift_right_logical3A_705 = arith.shrui %get3A_689, %shift_right_logical3A_704 : vector<16xi32>
      %sub3A_706 = vector.broadcast %mul3A_2 : i32 to vector<16xi32>
      %sub3A_707 = arith.subi %shift_right_logical3A_705, %sub3A_706 : vector<16xi32>
      %swap3A = arith.index_cast %while3A_685 : i32 to index
      %swap3A_708 = tpu.vector_load %arg21[%swap3A] masked %and3A_700 {strides = array<i32>} : memref<10304xi32, #tpu.memory_space<vmem>>, vector<16xi32>, vector<16xi1>
      tpu.vector_store %arg21[%swap3A], %and3A_703 masked %and3A_700 {strides = array<i32>} : memref<10304xi32, #tpu.memory_space<vmem>>, vector<16xi32>, vector<16xi1>
      %swap3A_709 = arith.index_cast %while3A_685 : i32 to index
      %swap3A_710 = tpu.vector_load %arg22[%swap3A_709] masked %and3A_700 {strides = array<i32>} : memref<10304xi32, #tpu.memory_space<vmem>>, vector<16xi32>, vector<16xi1>
      tpu.vector_store %arg22[%swap3A_709], %sub3A_707 masked %and3A_700 {strides = array<i32>} : memref<10304xi32, #tpu.memory_space<vmem>>, vector<16xi32>, vector<16xi1>
      %all_reduce_population_count3A = tpu.all_reduce %and3A_700 {dim = 0 : i64, kind = #tpu.reduction_kind<sum>} : vector<16xi1> -> vector<16xi32>
      %slice3A_711 = vector.extract_strided_slice %all_reduce_population_count3A {offsets = [0], sizes = [1], strides = [1]} : vector<16xi32> to vector<1xi32>
      %squeeze3A_712 = vector.extract %slice3A_711[0] : i32 from vector<1xi32>
      %add3A_713 = arith.addi %while3A_685, %squeeze3A_712 : i32
      scf.yield %add3A_713 : i32
    }
    %while3A_506 = arith.constant 1 : i32
    %while3A_507 = scf.for %while3A_684 = %while3A_503 to %while3A_499 step %while3A_506 iter_args(%while3A_685 = %while3A_505) -> (i32)  : i32 {
      %mul3A_686 = arith.constant 16 : i32
      %mul3A_687 = arith.muli %while3A_684, %mul3A_686 : i32
      %get3A_688 = arith.index_cast %mul3A_687 : i32 to index
      %get3A_689 = tpu.vector_load %arg16[%get3A_688] {strides = array<i32>} : memref<5120xi32, #tpu.memory_space<vmem>>, vector<16xi32>,
      %mul3A_690 = arith.constant 16 : i32
      %mul3A_691 = arith.muli %while3A_684, %mul3A_690 : i32
      %get3A_692 = arith.index_cast %mul3A_691 : i32 to index
      %get3A_693 = tpu.vector_load %arg18[%get3A_692] {strides = array<i32>} : memref<5120xf32, #tpu.memory_space<vmem>>, vector<16xf32>,
      %lt3A = arith.cmpf olt, %get3A_693, %get3A_450 : vector<16xf32>
      %mul3A_694 = arith.constant 16 : i32
      %mul3A_695 = arith.muli %while3A_684, %mul3A_694 : i32
      %add3A_696 = vector.broadcast %mul3A_695 : i32 to vector<16xi32>
      %add3A_697 = arith.addi %add3A_696, %iota3A : vector<16xi32>
      %lt3A_698 = vector.broadcast %squeeze3A_463 : i32 to vector<16xi32>
      %lt3A_699 = arith.cmpi slt, %add3A_697, %lt3A_698 : vector<16xi32>
      %and3A_700 = arith.andi %lt3A, %lt3A_699 : vector<16xi1>
      %and3A_701 = arith.constant 16383 : i32
      %and3A_702 = vector.broadcast %and3A_701 : i32 to vector<16xi32>
      %and3A_703 = arith.andi %get3A_689, %and3A_702 : vector<16xi32>
      %shift_right_logical3A = arith.constant 14 : i32
      %shift_right_logical3A_704 = vector.broadcast %shift_right_logical3A : i32 to vector<16xi32>
      %shift_right_logical3A_705 = arith.shrui %get3A_689, %shift_right_logical3A_704 : vector<16xi32>
      %sub3A_706 = vector.broadcast %mul3A_2 : i32 to vector<16xi32>
      %sub3A_707 = arith.subi %shift_right_logical3A_705, %sub3A_706 : vector<16xi32>
      %swap3A = arith.index_cast %while3A_685 : i32 to index
      %swap3A_708 = tpu.vector_load %arg21[%swap3A] masked %and3A_700 {strides = array<i32>} : memref<10304xi32, #tpu.memory_space<vmem>>, vector<16xi32>, vector<16xi1>
      tpu.vector_store %arg21[%swap3A], %and3A_703 masked %and3A_700 {strides = array<i32>} : memref<10304xi32, #tpu.memory_space<vmem>>, vector<16xi32>, vector<16xi1>
      %swap3A_709 = arith.index_cast %while3A_685 : i32 to index
      %swap3A_710 = tpu.vector_load %arg22[%swap3A_709] masked %and3A_700 {strides = array<i32>} : memref<10304xi32, #tpu.memory_space<vmem>>, vector<16xi32>, vector<16xi1>
      tpu.vector_store %arg22[%swap3A_709], %sub3A_707 masked %and3A_700 {strides = array<i32>} : memref<10304xi32, #tpu.memory_space<vmem>>, vector<16xi32>, vector<16xi1>
      %all_reduce_population_count3A = tpu.all_reduce %and3A_700 {dim = 0 : i64, kind = #tpu.reduction_kind<sum>} : vector<16xi1> -> vector<16xi32>
      %slice3A_711 = vector.extract_strided_slice %all_reduce_population_count3A {offsets = [0], sizes = [1], strides = [1]} : vector<16xi32> to vector<1xi32>
      %squeeze3A_712 = vector.extract %slice3A_711[0] : i32 from vector<1xi32>
      %add3A_713 = arith.addi %while3A_685, %squeeze3A_712 : i32
      scf.yield %add3A_713 : i32
    }
    %add3A_508 = arith.constant 16 : i32
    %add3A_509 = arith.addi %squeeze3A_467, %add3A_508 : i32
    %sub3A_510 = arith.constant 1 : i32
    %sub3A_511 = arith.subi %add3A_509, %sub3A_510 : i32
    %jit3A_512 = arith.constant 16 : i32
    %div3A_513 = arith.divsi %sub3A_511, %jit3A_512 : i32
    %sign3A_514 = arith.constant 0 : i32
    %sign3A_515 = arith.cmpi sgt, %sub3A_511, %sign3A_514 : i32
    %sign3A_516 = arith.extui %sign3A_515 : i1 to i32
    %sign3A_517 = arith.constant 0 : i32
    %sign3A_518 = arith.cmpi slt, %sub3A_511, %sign3A_517 : i32
    %sign3A_519 = arith.extui %sign3A_518 : i1 to i32
    %sign3A_520 = arith.subi %sign3A_516, %sign3A_519 : i32
    %sign3A_521 = arith.constant 0 : i32
    %sign3A_522 = arith.cmpi sgt, %jit3A_512, %sign3A_521 : i32
    %sign3A_523 = arith.extui %sign3A_522 : i1 to i32
    %sign3A_524 = arith.constant 0 : i32
    %sign3A_525 = arith.cmpi slt, %jit3A_512, %sign3A_524 : i32
    %sign3A_526 = arith.extui %sign3A_525 : i1 to i32
    %sign3A_527 = arith.subi %sign3A_523, %sign3A_526 : i32
    %ne3A_528 = arith.cmpi ne, %sign3A_520, %sign3A_527 : i32
    %rem3A_529 = arith.remsi %sub3A_511, %jit3A_512 : i32
    %ne3A_530 = arith.constant 0 : i32
    %ne3A_531 = arith.cmpi ne, %rem3A_529, %ne3A_530 : i32
    %and3A_532 = arith.andi %ne3A_528, %ne3A_531 : i1
    %sub3A_533 = arith.constant 1 : i32
    %sub3A_534 = arith.subi %div3A_513, %sub3A_533 : i32
    %select_n3A_535 = arith.select %and3A_532, %sub3A_534, %div3A_513 : i32
    %while3A_536 = arith.constant 0 : i32
    %while3A_537 = arith.subi %select_n3A_535, %while3A_536 : i32
    %while3A_538 = arith.addi %while3A_536, %while3A_537 : i32
    %while3A_539 = arith.constant 1 : i32
    %while3A_540 = arith.divsi %while3A_537, %while3A_539 : i32
    %while3A_541 = arith.muli %while3A_540, %while3A_539 : i32
    %while3A_542 = arith.addi %while3A_536, %while3A_541 : i32
    %while3A_543 = arith.constant 1 : i32
    %while3A_544 = scf.for %while3A_684 = %while3A_536 to %while3A_542 step %while3A_543 iter_args(%while3A_685 = %while3A_507) -> (i32)  : i32 {
      %mul3A_686 = arith.constant 16 : i32
      %mul3A_687 = arith.muli %while3A_684, %mul3A_686 : i32
      %get3A_688 = arith.index_cast %mul3A_687 : i32 to index
      %get3A_689 = tpu.vector_load %arg17[%get3A_688] {strides = array<i32>} : memref<5120xi32, #tpu.memory_space<vmem>>, vector<16xi32>,
      %mul3A_690 = arith.constant 16 : i32
      %mul3A_691 = arith.muli %while3A_684, %mul3A_690 : i32
      %get3A_692 = arith.index_cast %mul3A_691 : i32 to index
      %get3A_693 = tpu.vector_load %arg19[%get3A_692] {strides = array<i32>} : memref<5120xf32, #tpu.memory_space<vmem>>, vector<16xf32>,
      %lt3A = arith.cmpf olt, %get3A_693, %get3A_450 : vector<16xf32>
      %mul3A_694 = arith.constant 16 : i32
      %mul3A_695 = arith.muli %while3A_684, %mul3A_694 : i32
      %add3A_696 = vector.broadcast %mul3A_695 : i32 to vector<16xi32>
      %add3A_697 = arith.addi %add3A_696, %iota3A : vector<16xi32>
      %lt3A_698 = vector.broadcast %squeeze3A_467 : i32 to vector<16xi32>
      %lt3A_699 = arith.cmpi slt, %add3A_697, %lt3A_698 : vector<16xi32>
      %and3A_700 = arith.andi %lt3A, %lt3A_699 : vector<16xi1>
      %and3A_701 = arith.constant 16383 : i32
      %and3A_702 = vector.broadcast %and3A_701 : i32 to vector<16xi32>
      %and3A_703 = arith.andi %get3A_689, %and3A_702 : vector<16xi32>
      %shift_right_logical3A = arith.constant 14 : i32
      %shift_right_logical3A_704 = vector.broadcast %shift_right_logical3A : i32 to vector<16xi32>
      %shift_right_logical3A_705 = arith.shrui %get3A_689, %shift_right_logical3A_704 : vector<16xi32>
      %sub3A_706 = vector.broadcast %mul3A_2 : i32 to vector<16xi32>
      %sub3A_707 = arith.subi %shift_right_logical3A_705, %sub3A_706 : vector<16xi32>
      %swap3A = arith.index_cast %while3A_685 : i32 to index
      %swap3A_708 = tpu.vector_load %arg21[%swap3A] masked %and3A_700 {strides = array<i32>} : memref<10304xi32, #tpu.memory_space<vmem>>, vector<16xi32>, vector<16xi1>
      tpu.vector_store %arg21[%swap3A], %and3A_703 masked %and3A_700 {strides = array<i32>} : memref<10304xi32, #tpu.memory_space<vmem>>, vector<16xi32>, vector<16xi1>
      %swap3A_709 = arith.index_cast %while3A_685 : i32 to index
      %swap3A_710 = tpu.vector_load %arg22[%swap3A_709] masked %and3A_700 {strides = array<i32>} : memref<10304xi32, #tpu.memory_space<vmem>>, vector<16xi32>, vector<16xi1>
      tpu.vector_store %arg22[%swap3A_709], %sub3A_707 masked %and3A_700 {strides = array<i32>} : memref<10304xi32, #tpu.memory_space<vmem>>, vector<16xi32>, vector<16xi1>
      %all_reduce_population_count3A = tpu.all_reduce %and3A_700 {dim = 0 : i64, kind = #tpu.reduction_kind<sum>} : vector<16xi1> -> vector<16xi32>
      %slice3A_711 = vector.extract_strided_slice %all_reduce_population_count3A {offsets = [0], sizes = [1], strides = [1]} : vector<16xi32> to vector<1xi32>
      %squeeze3A_712 = vector.extract %slice3A_711[0] : i32 from vector<1xi32>
      %add3A_713 = arith.addi %while3A_685, %squeeze3A_712 : i32
      scf.yield %add3A_713 : i32
    }
    %while3A_545 = arith.constant 1 : i32
    %while3A_546 = scf.for %while3A_684 = %while3A_542 to %while3A_538 step %while3A_545 iter_args(%while3A_685 = %while3A_544) -> (i32)  : i32 {
      %mul3A_686 = arith.constant 16 : i32
      %mul3A_687 = arith.muli %while3A_684, %mul3A_686 : i32
      %get3A_688 = arith.index_cast %mul3A_687 : i32 to index
      %get3A_689 = tpu.vector_load %arg17[%get3A_688] {strides = array<i32>} : memref<5120xi32, #tpu.memory_space<vmem>>, vector<16xi32>,
      %mul3A_690 = arith.constant 16 : i32
      %mul3A_691 = arith.muli %while3A_684, %mul3A_690 : i32
      %get3A_692 = arith.index_cast %mul3A_691 : i32 to index
      %get3A_693 = tpu.vector_load %arg19[%get3A_692] {strides = array<i32>} : memref<5120xf32, #tpu.memory_space<vmem>>, vector<16xf32>,
      %lt3A = arith.cmpf olt, %get3A_693, %get3A_450 : vector<16xf32>
      %mul3A_694 = arith.constant 16 : i32
      %mul3A_695 = arith.muli %while3A_684, %mul3A_694 : i32
      %add3A_696 = vector.broadcast %mul3A_695 : i32 to vector<16xi32>
      %add3A_697 = arith.addi %add3A_696, %iota3A : vector<16xi32>
      %lt3A_698 = vector.broadcast %squeeze3A_467 : i32 to vector<16xi32>
      %lt3A_699 = arith.cmpi slt, %add3A_697, %lt3A_698 : vector<16xi32>
      %and3A_700 = arith.andi %lt3A, %lt3A_699 : vector<16xi1>
      %and3A_701 = arith.constant 16383 : i32
      %and3A_702 = vector.broadcast %and3A_701 : i32 to vector<16xi32>
      %and3A_703 = arith.andi %get3A_689, %and3A_702 : vector<16xi32>
      %shift_right_logical3A = arith.constant 14 : i32
      %shift_right_logical3A_704 = vector.broadcast %shift_right_logical3A : i32 to vector<16xi32>
      %shift_right_logical3A_705 = arith.shrui %get3A_689, %shift_right_logical3A_704 : vector<16xi32>
      %sub3A_706 = vector.broadcast %mul3A_2 : i32 to vector<16xi32>
      %sub3A_707 = arith.subi %shift_right_logical3A_705, %sub3A_706 : vector<16xi32>
      %swap3A = arith.index_cast %while3A_685 : i32 to index
      %swap3A_708 = tpu.vector_load %arg21[%swap3A] masked %and3A_700 {strides = array<i32>} : memref<10304xi32, #tpu.memory_space<vmem>>, vector<16xi32>, vector<16xi1>
      tpu.vector_store %arg21[%swap3A], %and3A_703 masked %and3A_700 {strides = array<i32>} : memref<10304xi32, #tpu.memory_space<vmem>>, vector<16xi32>, vector<16xi1>
      %swap3A_709 = arith.index_cast %while3A_685 : i32 to index
      %swap3A_710 = tpu.vector_load %arg22[%swap3A_709] masked %and3A_700 {strides = array<i32>} : memref<10304xi32, #tpu.memory_space<vmem>>, vector<16xi32>, vector<16xi1>
      tpu.vector_store %arg22[%swap3A_709], %sub3A_707 masked %and3A_700 {strides = array<i32>} : memref<10304xi32, #tpu.memory_space<vmem>>, vector<16xi32>, vector<16xi1>
      %all_reduce_population_count3A = tpu.all_reduce %and3A_700 {dim = 0 : i64, kind = #tpu.reduction_kind<sum>} : vector<16xi1> -> vector<16xi32>
      %slice3A_711 = vector.extract_strided_slice %all_reduce_population_count3A {offsets = [0], sizes = [1], strides = [1]} : vector<16xi32> to vector<1xi32>
      %squeeze3A_712 = vector.extract %slice3A_711[0] : i32 from vector<1xi32>
      %add3A_713 = arith.addi %while3A_685, %squeeze3A_712 : i32
      scf.yield %add3A_713 : i32
    }
    %add3A_547 = arith.constant 64 : i32
    %add3A_548 = arith.addi %while3A_546, %add3A_547 : i32
    %sub3A_549 = arith.constant 1 : i32
    %sub3A_550 = arith.subi %add3A_548, %sub3A_549 : i32
    %jit3A_551 = arith.constant 64 : i32
    %div3A_552 = arith.divsi %sub3A_550, %jit3A_551 : i32
    %sign3A_553 = arith.constant 0 : i32
    %sign3A_554 = arith.cmpi sgt, %sub3A_550, %sign3A_553 : i32
    %sign3A_555 = arith.extui %sign3A_554 : i1 to i32
    %sign3A_556 = arith.constant 0 : i32
    %sign3A_557 = arith.cmpi slt, %sub3A_550, %sign3A_556 : i32
    %sign3A_558 = arith.extui %sign3A_557 : i1 to i32
    %sign3A_559 = arith.subi %sign3A_555, %sign3A_558 : i32
    %sign3A_560 = arith.constant 0 : i32
    %sign3A_561 = arith.cmpi sgt, %jit3A_551, %sign3A_560 : i32
    %sign3A_562 = arith.extui %sign3A_561 : i1 to i32
    %sign3A_563 = arith.constant 0 : i32
    %sign3A_564 = arith.cmpi slt, %jit3A_551, %sign3A_563 : i32
    %sign3A_565 = arith.extui %sign3A_564 : i1 to i32
    %sign3A_566 = arith.subi %sign3A_562, %sign3A_565 : i32
    %ne3A_567 = arith.cmpi ne, %sign3A_559, %sign3A_566 : i32
    %rem3A_568 = arith.remsi %sub3A_550, %jit3A_551 : i32
    %ne3A_569 = arith.constant 0 : i32
    %ne3A_570 = arith.cmpi ne, %rem3A_568, %ne3A_569 : i32
    %and3A_571 = arith.andi %ne3A_567, %ne3A_570 : i1
    %sub3A_572 = arith.constant 1 : i32
    %sub3A_573 = arith.subi %div3A_552, %sub3A_572 : i32
    %select_n3A_574 = arith.select %and3A_571, %sub3A_573, %div3A_552 : i32
    %mul3A_575 = arith.constant 4 : i32
    %mul3A_576 = arith.muli %select_n3A_574, %mul3A_575 : i32
    %while3A_577 = arith.constant 0 : i32
    %while3A_578 = arith.constant 0 : i32
    %while3A_579 = arith.subi %mul3A_576, %while3A_577 : i32
    %while3A_580 = arith.addi %while3A_577, %while3A_579 : i32
    %while3A_581 = arith.constant 1 : i32
    %while3A_582 = arith.divsi %while3A_579, %while3A_581 : i32
    %while3A_583 = arith.muli %while3A_582, %while3A_581 : i32
    %while3A_584 = arith.addi %while3A_577, %while3A_583 : i32
    %while3A_585 = arith.constant 1 : i32
    %while3A_586 = scf.for %while3A_684 = %while3A_577 to %while3A_584 step %while3A_585 iter_args(%while3A_685 = %while3A_578) -> (i32)  : i32 {
      %mul3A_686 = arith.constant 16 : i32
      %mul3A_687 = arith.muli %while3A_684, %mul3A_686 : i32
      %get3A_688 = arith.index_cast %mul3A_687 : i32 to index
      %get3A_689 = tpu.vector_load %arg22[%get3A_688] {strides = array<i32>} : memref<10304xi32, #tpu.memory_space<vmem>>, vector<16xi32>,
      %jit3A_690 = arith.constant 4 : i32
      %div3A_691 = arith.divsi %while3A_684, %jit3A_690 : i32
      %sign3A_692 = arith.constant 0 : i32
      %sign3A_693 = arith.cmpi sgt, %while3A_684, %sign3A_692 : i32
      %sign3A_694 = arith.extui %sign3A_693 : i1 to i32
      %sign3A_695 = arith.constant 0 : i32
      %sign3A_696 = arith.cmpi slt, %while3A_684, %sign3A_695 : i32
      %sign3A_697 = arith.extui %sign3A_696 : i1 to i32
      %sign3A_698 = arith.subi %sign3A_694, %sign3A_697 : i32
      %sign3A_699 = arith.constant 0 : i32
      %sign3A_700 = arith.cmpi sgt, %jit3A_690, %sign3A_699 : i32
      %sign3A_701 = arith.extui %sign3A_700 : i1 to i32
      %sign3A_702 = arith.constant 0 : i32
      %sign3A_703 = arith.cmpi slt, %jit3A_690, %sign3A_702 : i32
      %sign3A_704 = arith.extui %sign3A_703 : i1 to i32
      %sign3A_705 = arith.subi %sign3A_701, %sign3A_704 : i32
      %ne3A_706 = arith.cmpi ne, %sign3A_698, %sign3A_705 : i32
      %rem3A_707 = arith.remsi %while3A_684, %jit3A_690 : i32
      %ne3A_708 = arith.constant 0 : i32
      %ne3A_709 = arith.cmpi ne, %rem3A_707, %ne3A_708 : i32
      %and3A_710 = arith.andi %ne3A_706, %ne3A_709 : i1
      %sub3A_711 = arith.constant 1 : i32
      %sub3A_712 = arith.subi %div3A_691, %sub3A_711 : i32
      %select_n3A_713 = arith.select %and3A_710, %sub3A_712, %div3A_691 : i32
      %jit3A_714 = arith.constant 4 : i32
      %eq3A = arith.constant 0 : i32
      %eq3A_715 = arith.cmpi eq, %jit3A_714, %eq3A : i32
      %jit3A_716 = arith.constant 1 : i32
      %select_n3A_717 = arith.select %eq3A_715, %jit3A_716, %jit3A_714 : i32
      %rem3A_718 = arith.remsi %while3A_684, %select_n3A_717 : i32
      %ne3A_719 = arith.constant 0 : i32
      %ne3A_720 = arith.cmpi ne, %rem3A_718, %ne3A_719 : i32
      %lt3A = arith.constant 0 : i32
      %lt3A_721 = arith.cmpi slt, %rem3A_718, %lt3A : i32
      %lt3A_722 = arith.constant 0 : i32
      %lt3A_723 = arith.cmpi slt, %select_n3A_717, %lt3A_722 : i32
      %ne3A_724 = arith.xori %lt3A_721, %lt3A_723 : i1
      %and3A_725 = arith.andi %ne3A_724, %ne3A_720 : i1
      %add3A_726 = arith.addi %rem3A_718, %select_n3A_717 : i32
      %select_n3A_727 = arith.select %and3A_725, %add3A_726, %rem3A_718 : i32
      %mul3A_728 = arith.constant 16 : i32
      %mul3A_729 = arith.muli %select_n3A_727, %mul3A_728 : i32
      %swap3A = arith.index_cast %select_n3A_713 : i32 to index
      %swap3A_730 = arith.index_cast %mul3A_729 : i32 to index
      %swap3A_731 = tpu.vector_load %arg23[%swap3A, %swap3A_730] {strides = array<i32>} : memref<160x64xi32, #tpu.memory_space<vmem>>, vector<16xi32>,
      tpu.vector_store %arg23[%swap3A, %swap3A_730], %get3A_689 {strides = array<i32>} : memref<160x64xi32, #tpu.memory_space<vmem>>, vector<16xi32>,
      %while3A_732 = arith.constant 0 : i32
      scf.yield %while3A_732 : i32
    }
    %while3A_587 = arith.constant 1 : i32
    %while3A_588 = scf.for %while3A_684 = %while3A_584 to %while3A_580 step %while3A_587 iter_args(%while3A_685 = %while3A_586) -> (i32)  : i32 {
      %mul3A_686 = arith.constant 16 : i32
      %mul3A_687 = arith.muli %while3A_684, %mul3A_686 : i32
      %get3A_688 = arith.index_cast %mul3A_687 : i32 to index
      %get3A_689 = tpu.vector_load %arg22[%get3A_688] {strides = array<i32>} : memref<10304xi32, #tpu.memory_space<vmem>>, vector<16xi32>,
      %jit3A_690 = arith.constant 4 : i32
      %div3A_691 = arith.divsi %while3A_684, %jit3A_690 : i32
      %sign3A_692 = arith.constant 0 : i32
      %sign3A_693 = arith.cmpi sgt, %while3A_684, %sign3A_692 : i32
      %sign3A_694 = arith.extui %sign3A_693 : i1 to i32
      %sign3A_695 = arith.constant 0 : i32
      %sign3A_696 = arith.cmpi slt, %while3A_684, %sign3A_695 : i32
      %sign3A_697 = arith.extui %sign3A_696 : i1 to i32
      %sign3A_698 = arith.subi %sign3A_694, %sign3A_697 : i32
      %sign3A_699 = arith.constant 0 : i32
      %sign3A_700 = arith.cmpi sgt, %jit3A_690, %sign3A_699 : i32
      %sign3A_701 = arith.extui %sign3A_700 : i1 to i32
      %sign3A_702 = arith.constant 0 : i32
      %sign3A_703 = arith.cmpi slt, %jit3A_690, %sign3A_702 : i32
      %sign3A_704 = arith.extui %sign3A_703 : i1 to i32
      %sign3A_705 = arith.subi %sign3A_701, %sign3A_704 : i32
      %ne3A_706 = arith.cmpi ne, %sign3A_698, %sign3A_705 : i32
      %rem3A_707 = arith.remsi %while3A_684, %jit3A_690 : i32
      %ne3A_708 = arith.constant 0 : i32
      %ne3A_709 = arith.cmpi ne, %rem3A_707, %ne3A_708 : i32
      %and3A_710 = arith.andi %ne3A_706, %ne3A_709 : i1
      %sub3A_711 = arith.constant 1 : i32
      %sub3A_712 = arith.subi %div3A_691, %sub3A_711 : i32
      %select_n3A_713 = arith.select %and3A_710, %sub3A_712, %div3A_691 : i32
      %jit3A_714 = arith.constant 4 : i32
      %eq3A = arith.constant 0 : i32
      %eq3A_715 = arith.cmpi eq, %jit3A_714, %eq3A : i32
      %jit3A_716 = arith.constant 1 : i32
      %select_n3A_717 = arith.select %eq3A_715, %jit3A_716, %jit3A_714 : i32
      %rem3A_718 = arith.remsi %while3A_684, %select_n3A_717 : i32
      %ne3A_719 = arith.constant 0 : i32
      %ne3A_720 = arith.cmpi ne, %rem3A_718, %ne3A_719 : i32
      %lt3A = arith.constant 0 : i32
      %lt3A_721 = arith.cmpi slt, %rem3A_718, %lt3A : i32
      %lt3A_722 = arith.constant 0 : i32
      %lt3A_723 = arith.cmpi slt, %select_n3A_717, %lt3A_722 : i32
      %ne3A_724 = arith.xori %lt3A_721, %lt3A_723 : i1
      %and3A_725 = arith.andi %ne3A_724, %ne3A_720 : i1
      %add3A_726 = arith.addi %rem3A_718, %select_n3A_717 : i32
      %select_n3A_727 = arith.select %and3A_725, %add3A_726, %rem3A_718 : i32
      %mul3A_728 = arith.constant 16 : i32
      %mul3A_729 = arith.muli %select_n3A_727, %mul3A_728 : i32
      %swap3A = arith.index_cast %select_n3A_713 : i32 to index
      %swap3A_730 = arith.index_cast %mul3A_729 : i32 to index
      %swap3A_731 = tpu.vector_load %arg23[%swap3A, %swap3A_730] {strides = array<i32>} : memref<160x64xi32, #tpu.memory_space<vmem>>, vector<16xi32>,
      tpu.vector_store %arg23[%swap3A, %swap3A_730], %get3A_689 {strides = array<i32>} : memref<160x64xi32, #tpu.memory_space<vmem>>, vector<16xi32>,
      %while3A_732 = arith.constant 0 : i32
      scf.yield %while3A_732 : i32
    }
    %gt3A_589 = arith.constant 0 : i32
    %gt3A_590 = arith.cmpi sgt, %select_n3A_574, %gt3A_589 : i32
    %convert_element_type3A_591 = arith.extui %gt3A_590 : i1 to i32
    %cond3A_592 = arith.constant 0 : i32
    %cond3A_593 = arith.cmpi ne, %convert_element_type3A_591, %cond3A_592 : i32
    scf.if %cond3A_593 {
      %dma_start3A_684 = arith.constant 0 : i32
      %dma_start3A_685 = arith.constant 0 : i32
      %dma_start3A_686 = arith.constant 0 : i32
      %dma_start3A_687 = tpu.memref_slice %arg24[%dma_start3A_684, %dma_start3A_685, %dma_start3A_686] : memref<2x64x128xbf16, #tpu.memory_space<vmem>> -> memref<1x64x128xbf16, #tpu.memory_space<vmem>>
      %dma_start3A_688 = tpu.memref_squeeze %dma_start3A_687 : memref<1x64x128xbf16, #tpu.memory_space<vmem>> -> memref<64x128xbf16, #tpu.memory_space<vmem>>
      %dma_start3A_689 = arith.constant 0 : i32
      %dma_start3A_690 = tpu.memref_slice %arg21[%dma_start3A_689] : memref<10304xi32, #tpu.memory_space<vmem>> -> memref<64xi32, #tpu.memory_space<vmem>>
      %dma_start3A_691 = arith.constant 0 : i32
      %dma_start3A_692 = arith.constant 0 : i32
      %dma_start3A_693 = tpu.memref_slice %arg3[%dma_start3A_691, %dma_start3A_692] : memref<10000x128xbf16, #tpu.memory_space<hbm>> -> memref<10000x128xbf16, #tpu.memory_space<hbm>>
      tpu.enqueue_indirect_dma source(%dma_start3A_693 : memref<10000x128xbf16, #tpu.memory_space<hbm>>) target(%dma_start3A_688 : memref<64x128xbf16, #tpu.memory_space<vmem>>) offsets(%dma_start3A_690 : memref<64xi32, #tpu.memory_space<vmem>>) semaphore(%arg30 : memref<!tpu.dma_semaphore, #tpu.memory_space<semaphore_mem>>)
    } else {
    }
    %add3A_594 = arith.constant 1 : i32
    %add3A_595 = arith.addi %select_n3A_574, %add3A_594 : i32
    %jit3A_596 = arith.constant 2 : i32
    %div3A_597 = arith.divsi %add3A_595, %jit3A_596 : i32
    %sign3A_598 = arith.constant 0 : i32
    %sign3A_599 = arith.cmpi sgt, %add3A_595, %sign3A_598 : i32
    %sign3A_600 = arith.extui %sign3A_599 : i1 to i32
    %sign3A_601 = arith.constant 0 : i32
    %sign3A_602 = arith.cmpi slt, %add3A_595, %sign3A_601 : i32
    %sign3A_603 = arith.extui %sign3A_602 : i1 to i32
    %sign3A_604 = arith.subi %sign3A_600, %sign3A_603 : i32
    %sign3A_605 = arith.constant 0 : i32
    %sign3A_606 = arith.cmpi sgt, %jit3A_596, %sign3A_605 : i32
    %sign3A_607 = arith.extui %sign3A_606 : i1 to i32
    %sign3A_608 = arith.constant 0 : i32
    %sign3A_609 = arith.cmpi slt, %jit3A_596, %sign3A_608 : i32
    %sign3A_610 = arith.extui %sign3A_609 : i1 to i32
    %sign3A_611 = arith.subi %sign3A_607, %sign3A_610 : i32
    %ne3A_612 = arith.cmpi ne, %sign3A_604, %sign3A_611 : i32
    %rem3A_613 = arith.remsi %add3A_595, %jit3A_596 : i32
    %ne3A_614 = arith.constant 0 : i32
    %ne3A_615 = arith.cmpi ne, %rem3A_613, %ne3A_614 : i32
    %and3A_616 = arith.andi %ne3A_612, %ne3A_615 : i1
    %sub3A_617 = arith.constant 1 : i32
    %sub3A_618 = arith.subi %div3A_597, %sub3A_617 : i32
    %select_n3A_619 = arith.select %and3A_616, %sub3A_618, %div3A_597 : i32
    %while3A_620 = arith.constant 0 : i32
    %while3A_621 = arith.constant 0 : i32
    %while3A_622 = arith.subi %select_n3A_619, %while3A_620 : i32
    %while3A_623 = arith.addi %while3A_620, %while3A_622 : i32
    %while3A_624 = arith.constant 1 : i32
    %while3A_625 = arith.divsi %while3A_622, %while3A_624 : i32
    %while3A_626 = arith.muli %while3A_625, %while3A_624 : i32
    %while3A_627 = arith.addi %while3A_620, %while3A_626 : i32
    %while3A_628 = arith.constant 1 : i32
    %while3A_629 = scf.for %while3A_684 = %while3A_620 to %while3A_627 step %while3A_628 iter_args(%while3A_685 = %while3A_621) -> (i32)  : i32 {
      %mul3A_686 = arith.constant 2 : i32
      %mul3A_687 = arith.muli %while3A_684, %mul3A_686 : i32
      %mul3A_688 = arith.constant 64 : i32
      %mul3A_689 = arith.muli %mul3A_687, %mul3A_688 : i32
      %dma_wait3A_690 = arith.constant 0 : i32
      %dma_wait3A_691 = arith.constant 0 : i32
      %dma_wait3A_692 = arith.constant 0 : i32
      %dma_wait3A_693 = tpu.memref_slice %arg24[%dma_wait3A_690, %dma_wait3A_691, %dma_wait3A_692] : memref<2x64x128xbf16, #tpu.memory_space<vmem>> -> memref<1x64x128xbf16, #tpu.memory_space<vmem>>
      %dma_wait3A_694 = tpu.memref_squeeze %dma_wait3A_693 : memref<1x64x128xbf16, #tpu.memory_space<vmem>> -> memref<64x128xbf16, #tpu.memory_space<vmem>>
      %dma_wait3A_695 = tpu.memref_slice %arg21[%mul3A_689] : memref<10304xi32, #tpu.memory_space<vmem>> -> memref<64xi32, #tpu.memory_space<vmem>>
      %dma_wait3A_696 = arith.constant 0 : i32
      %dma_wait3A_697 = arith.constant 0 : i32
      %dma_wait3A_698 = tpu.memref_slice %arg3[%dma_wait3A_696, %dma_wait3A_697] : memref<10000x128xbf16, #tpu.memory_space<hbm>> -> memref<10000x128xbf16, #tpu.memory_space<hbm>>
      tpu.wait_indirect_dma semaphore(%arg30 : memref<!tpu.dma_semaphore, #tpu.memory_space<semaphore_mem>>) src(%dma_wait3A_698 : memref<10000x128xbf16, #tpu.memory_space<hbm>>) dst(%dma_wait3A_694 : memref<64x128xbf16, #tpu.memory_space<vmem>>)
      %add3A_699 = arith.constant 1 : i32
      %add3A_700 = arith.addi %mul3A_687, %add3A_699 : i32
      %lt3A = arith.cmpi slt, %add3A_700, %select_n3A_574 : i32
      %convert_element_type3A_701 = arith.extui %lt3A : i1 to i32
      %cond3A_702 = arith.constant 0 : i32
      %cond3A_703 = arith.cmpi ne, %convert_element_type3A_701, %cond3A_702 : i32
      scf.if %cond3A_703 {
        %add3A_712 = arith.constant 1 : i32
        %add3A_713 = arith.addi %mul3A_687, %add3A_712 : i32
        %mul3A_714 = arith.constant 64 : i32
        %mul3A_715 = arith.muli %add3A_713, %mul3A_714 : i32
        %dma_start3A_716 = arith.constant 1 : i32
        %dma_start3A_717 = arith.constant 0 : i32
        %dma_start3A_718 = arith.constant 0 : i32
        %dma_start3A_719 = tpu.memref_slice %arg24[%dma_start3A_716, %dma_start3A_717, %dma_start3A_718] : memref<2x64x128xbf16, #tpu.memory_space<vmem>> -> memref<1x64x128xbf16, #tpu.memory_space<vmem>>
        %dma_start3A_720 = tpu.memref_squeeze %dma_start3A_719 : memref<1x64x128xbf16, #tpu.memory_space<vmem>> -> memref<64x128xbf16, #tpu.memory_space<vmem>>
        %dma_start3A_721 = tpu.memref_slice %arg21[%mul3A_715] : memref<10304xi32, #tpu.memory_space<vmem>> -> memref<64xi32, #tpu.memory_space<vmem>>
        %dma_start3A_722 = arith.constant 0 : i32
        %dma_start3A_723 = arith.constant 0 : i32
        %dma_start3A_724 = tpu.memref_slice %arg3[%dma_start3A_722, %dma_start3A_723] : memref<10000x128xbf16, #tpu.memory_space<hbm>> -> memref<10000x128xbf16, #tpu.memory_space<hbm>>
        tpu.enqueue_indirect_dma source(%dma_start3A_724 : memref<10000x128xbf16, #tpu.memory_space<hbm>>) target(%dma_start3A_720 : memref<64x128xbf16, #tpu.memory_space<vmem>>) offsets(%dma_start3A_721 : memref<64xi32, #tpu.memory_space<vmem>>) semaphore(%arg31 : memref<!tpu.dma_semaphore, #tpu.memory_space<semaphore_mem>>)
      } else {
      }
      %run_scoped3A_704 = arith.constant 0 : i32
      "tpu.region"() ({
        %run_scoped3A_712 = tpu.sem_alloc : memref<!tpu.dma_semaphore, #tpu.memory_space<semaphore_mem>>
        %dma_start3A_713 = arith.constant 0 : i32
        %dma_start3A_714 = arith.constant 0 : i32
        %dma_start3A_715 = tpu.memref_slice %arg24[%run_scoped3A_704, %dma_start3A_713, %dma_start3A_714] : memref<2x64x128xbf16, #tpu.memory_space<vmem>> -> memref<1x64x128xbf16, #tpu.memory_space<vmem>>
        %dma_start3A_716 = tpu.memref_squeeze %dma_start3A_715 : memref<1x64x128xbf16, #tpu.memory_space<vmem>> -> memref<64x128xbf16, #tpu.memory_space<vmem>>
        %dma_start3A_717 = arith.constant 0 : i32
        %dma_start3A_718 = tpu.memref_slice %arg23[%mul3A_687, %dma_start3A_717] : memref<160x64xi32, #tpu.memory_space<vmem>> -> memref<1x64xi32, #tpu.memory_space<vmem>>
        %dma_start3A_719 = tpu.memref_squeeze %dma_start3A_718 : memref<1x64xi32, #tpu.memory_space<vmem>> -> memref<64xi32, #tpu.memory_space<vmem>>
        %dma_start3A_720 = arith.constant 0 : i32
        %dma_start3A_721 = arith.constant 0 : i32
        %dma_start3A_722 = tpu.memref_slice %arg28[%dma_start3A_720, %dma_start3A_721] : memref<5008x128xbf16, #tpu.memory_space<vmem_shared>> -> memref<5008x128xbf16, #tpu.memory_space<vmem_shared>>
        tpu.enqueue_indirect_dma source(%dma_start3A_716 : memref<64x128xbf16, #tpu.memory_space<vmem>>) target(%dma_start3A_722 : memref<5008x128xbf16, #tpu.memory_space<vmem_shared>>) offsets(%dma_start3A_719 : memref<64xi32, #tpu.memory_space<vmem>>) semaphore(%run_scoped3A_712 : memref<!tpu.dma_semaphore, #tpu.memory_space<semaphore_mem>>) {add = true}
        %dma_wait3A_723 = arith.constant 0 : i32
        %dma_wait3A_724 = arith.constant 0 : i32
        %dma_wait3A_725 = tpu.memref_slice %arg24[%run_scoped3A_704, %dma_wait3A_723, %dma_wait3A_724] : memref<2x64x128xbf16, #tpu.memory_space<vmem>> -> memref<1x64x128xbf16, #tpu.memory_space<vmem>>
        %dma_wait3A_726 = tpu.memref_squeeze %dma_wait3A_725 : memref<1x64x128xbf16, #tpu.memory_space<vmem>> -> memref<64x128xbf16, #tpu.memory_space<vmem>>
        %dma_wait3A_727 = arith.constant 0 : i32
        %dma_wait3A_728 = tpu.memref_slice %arg23[%mul3A_687, %dma_wait3A_727] : memref<160x64xi32, #tpu.memory_space<vmem>> -> memref<1x64xi32, #tpu.memory_space<vmem>>
        %dma_wait3A_729 = tpu.memref_squeeze %dma_wait3A_728 : memref<1x64xi32, #tpu.memory_space<vmem>> -> memref<64xi32, #tpu.memory_space<vmem>>
        %dma_wait3A_730 = arith.constant 0 : i32
        %dma_wait3A_731 = arith.constant 0 : i32
        %dma_wait3A_732 = tpu.memref_slice %arg28[%dma_wait3A_730, %dma_wait3A_731] : memref<5008x128xbf16, #tpu.memory_space<vmem_shared>> -> memref<5008x128xbf16, #tpu.memory_space<vmem_shared>>
        tpu.wait_indirect_dma semaphore(%run_scoped3A_712 : memref<!tpu.dma_semaphore, #tpu.memory_space<semaphore_mem>>) src(%dma_wait3A_726 : memref<64x128xbf16, #tpu.memory_space<vmem>>) dst(%dma_wait3A_732 : memref<5008x128xbf16, #tpu.memory_space<vmem_shared>>)
        tpu.yield
      }) : () -> ()
      %add3A_705 = arith.constant 1 : i32
      %add3A_706 = arith.addi %mul3A_687, %add3A_705 : i32
      %lt3A_707 = arith.cmpi slt, %add3A_706, %select_n3A_574 : i32
      %convert_element_type3A_708 = arith.extui %lt3A_707 : i1 to i32
      %cond3A_709 = arith.constant 0 : i32
      %cond3A_710 = arith.cmpi ne, %convert_element_type3A_708, %cond3A_709 : i32
      scf.if %cond3A_710 {
        %add3A_712 = arith.constant 1 : i32
        %add3A_713 = arith.addi %mul3A_687, %add3A_712 : i32
        %mul3A_714 = arith.constant 64 : i32
        %mul3A_715 = arith.muli %add3A_713, %mul3A_714 : i32
        %dma_wait3A_716 = arith.constant 1 : i32
        %dma_wait3A_717 = arith.constant 0 : i32
        %dma_wait3A_718 = arith.constant 0 : i32
        %dma_wait3A_719 = tpu.memref_slice %arg24[%dma_wait3A_716, %dma_wait3A_717, %dma_wait3A_718] : memref<2x64x128xbf16, #tpu.memory_space<vmem>> -> memref<1x64x128xbf16, #tpu.memory_space<vmem>>
        %dma_wait3A_720 = tpu.memref_squeeze %dma_wait3A_719 : memref<1x64x128xbf16, #tpu.memory_space<vmem>> -> memref<64x128xbf16, #tpu.memory_space<vmem>>
        %dma_wait3A_721 = tpu.memref_slice %arg21[%mul3A_715] : memref<10304xi32, #tpu.memory_space<vmem>> -> memref<64xi32, #tpu.memory_space<vmem>>
        %dma_wait3A_722 = arith.constant 0 : i32
        %dma_wait3A_723 = arith.constant 0 : i32
        %dma_wait3A_724 = tpu.memref_slice %arg3[%dma_wait3A_722, %dma_wait3A_723] : memref<10000x128xbf16, #tpu.memory_space<hbm>> -> memref<10000x128xbf16, #tpu.memory_space<hbm>>
        tpu.wait_indirect_dma semaphore(%arg31 : memref<!tpu.dma_semaphore, #tpu.memory_space<semaphore_mem>>) src(%dma_wait3A_724 : memref<10000x128xbf16, #tpu.memory_space<hbm>>) dst(%dma_wait3A_720 : memref<64x128xbf16, #tpu.memory_space<vmem>>)
        %add3A_725 = arith.constant 2 : i32
        %add3A_726 = arith.addi %mul3A_687, %add3A_725 : i32
        %lt3A_727 = arith.cmpi slt, %add3A_726, %select_n3A_574 : i32
        %convert_element_type3A_728 = arith.extui %lt3A_727 : i1 to i32
        %cond3A_729 = arith.constant 0 : i32
        %cond3A_730 = arith.cmpi ne, %convert_element_type3A_728, %cond3A_729 : i32
        scf.if %cond3A_730 {
          %add3A_734 = arith.constant 2 : i32
          %add3A_735 = arith.addi %mul3A_687, %add3A_734 : i32
          %mul3A_736 = arith.constant 64 : i32
          %mul3A_737 = arith.muli %add3A_735, %mul3A_736 : i32
          %dma_start3A_738 = arith.constant 0 : i32
          %dma_start3A_739 = arith.constant 0 : i32
          %dma_start3A_740 = arith.constant 0 : i32
          %dma_start3A_741 = tpu.memref_slice %arg24[%dma_start3A_738, %dma_start3A_739, %dma_start3A_740] : memref<2x64x128xbf16, #tpu.memory_space<vmem>> -> memref<1x64x128xbf16, #tpu.memory_space<vmem>>
          %dma_start3A_742 = tpu.memref_squeeze %dma_start3A_741 : memref<1x64x128xbf16, #tpu.memory_space<vmem>> -> memref<64x128xbf16, #tpu.memory_space<vmem>>
          %dma_start3A_743 = tpu.memref_slice %arg21[%mul3A_737] : memref<10304xi32, #tpu.memory_space<vmem>> -> memref<64xi32, #tpu.memory_space<vmem>>
          %dma_start3A_744 = arith.constant 0 : i32
          %dma_start3A_745 = arith.constant 0 : i32
          %dma_start3A_746 = tpu.memref_slice %arg3[%dma_start3A_744, %dma_start3A_745] : memref<10000x128xbf16, #tpu.memory_space<hbm>> -> memref<10000x128xbf16, #tpu.memory_space<hbm>>
          tpu.enqueue_indirect_dma source(%dma_start3A_746 : memref<10000x128xbf16, #tpu.memory_space<hbm>>) target(%dma_start3A_742 : memref<64x128xbf16, #tpu.memory_space<vmem>>) offsets(%dma_start3A_743 : memref<64xi32, #tpu.memory_space<vmem>>) semaphore(%arg30 : memref<!tpu.dma_semaphore, #tpu.memory_space<semaphore_mem>>)
        } else {
        }
        %add3A_731 = arith.constant 1 : i32
        %add3A_732 = arith.addi %mul3A_687, %add3A_731 : i32
        %run_scoped3A_733 = arith.constant 1 : i32
        "tpu.region"() ({
          %run_scoped3A_734 = tpu.sem_alloc : memref<!tpu.dma_semaphore, #tpu.memory_space<semaphore_mem>>
          %dma_start3A_735 = arith.constant 0 : i32
          %dma_start3A_736 = arith.constant 0 : i32
          %dma_start3A_737 = tpu.memref_slice %arg24[%run_scoped3A_733, %dma_start3A_735, %dma_start3A_736] : memref<2x64x128xbf16, #tpu.memory_space<vmem>> -> memref<1x64x128xbf16, #tpu.memory_space<vmem>>
          %dma_start3A_738 = tpu.memref_squeeze %dma_start3A_737 : memref<1x64x128xbf16, #tpu.memory_space<vmem>> -> memref<64x128xbf16, #tpu.memory_space<vmem>>
          %dma_start3A_739 = arith.constant 0 : i32
          %dma_start3A_740 = tpu.memref_slice %arg23[%add3A_732, %dma_start3A_739] : memref<160x64xi32, #tpu.memory_space<vmem>> -> memref<1x64xi32, #tpu.memory_space<vmem>>
          %dma_start3A_741 = tpu.memref_squeeze %dma_start3A_740 : memref<1x64xi32, #tpu.memory_space<vmem>> -> memref<64xi32, #tpu.memory_space<vmem>>
          %dma_start3A_742 = arith.constant 0 : i32
          %dma_start3A_743 = arith.constant 0 : i32
          %dma_start3A_744 = tpu.memref_slice %arg28[%dma_start3A_742, %dma_start3A_743] : memref<5008x128xbf16, #tpu.memory_space<vmem_shared>> -> memref<5008x128xbf16, #tpu.memory_space<vmem_shared>>
          tpu.enqueue_indirect_dma source(%dma_start3A_738 : memref<64x128xbf16, #tpu.memory_space<vmem>>) target(%dma_start3A_744 : memref<5008x128xbf16, #tpu.memory_space<vmem_shared>>) offsets(%dma_start3A_741 : memref<64xi32, #tpu.memory_space<vmem>>) semaphore(%run_scoped3A_734 : memref<!tpu.dma_semaphore, #tpu.memory_space<semaphore_mem>>) {add = true}
          %dma_wait3A_745 = arith.constant 0 : i32
          %dma_wait3A_746 = arith.constant 0 : i32
          %dma_wait3A_747 = tpu.memref_slice %arg24[%run_scoped3A_733, %dma_wait3A_745, %dma_wait3A_746] : memref<2x64x128xbf16, #tpu.memory_space<vmem>> -> memref<1x64x128xbf16, #tpu.memory_space<vmem>>
          %dma_wait3A_748 = tpu.memref_squeeze %dma_wait3A_747 : memref<1x64x128xbf16, #tpu.memory_space<vmem>> -> memref<64x128xbf16, #tpu.memory_space<vmem>>
          %dma_wait3A_749 = arith.constant 0 : i32
          %dma_wait3A_750 = tpu.memref_slice %arg23[%add3A_732, %dma_wait3A_749] : memref<160x64xi32, #tpu.memory_space<vmem>> -> memref<1x64xi32, #tpu.memory_space<vmem>>
          %dma_wait3A_751 = tpu.memref_squeeze %dma_wait3A_750 : memref<1x64xi32, #tpu.memory_space<vmem>> -> memref<64xi32, #tpu.memory_space<vmem>>
          %dma_wait3A_752 = arith.constant 0 : i32
          %dma_wait3A_753 = arith.constant 0 : i32
          %dma_wait3A_754 = tpu.memref_slice %arg28[%dma_wait3A_752, %dma_wait3A_753] : memref<5008x128xbf16, #tpu.memory_space<vmem_shared>> -> memref<5008x128xbf16, #tpu.memory_space<vmem_shared>>
          tpu.wait_indirect_dma semaphore(%run_scoped3A_734 : memref<!tpu.dma_semaphore, #tpu.memory_space<semaphore_mem>>) src(%dma_wait3A_748 : memref<64x128xbf16, #tpu.memory_space<vmem>>) dst(%dma_wait3A_754 : memref<5008x128xbf16, #tpu.memory_space<vmem_shared>>)
          tpu.yield
        }) : () -> ()
      } else {
      }
      %while3A_711 = arith.constant 0 : i32
      scf.yield %while3A_711 : i32
    }
    %while3A_630 = arith.constant 1 : i32
    %while3A_631 = scf.for %while3A_684 = %while3A_627 to %while3A_623 step %while3A_630 iter_args(%while3A_685 = %while3A_629) -> (i32)  : i32 {
      %mul3A_686 = arith.constant 2 : i32
      %mul3A_687 = arith.muli %while3A_684, %mul3A_686 : i32
      %mul3A_688 = arith.constant 64 : i32
      %mul3A_689 = arith.muli %mul3A_687, %mul3A_688 : i32
      %dma_wait3A_690 = arith.constant 0 : i32
      %dma_wait3A_691 = arith.constant 0 : i32
      %dma_wait3A_692 = arith.constant 0 : i32
      %dma_wait3A_693 = tpu.memref_slice %arg24[%dma_wait3A_690, %dma_wait3A_691, %dma_wait3A_692] : memref<2x64x128xbf16, #tpu.memory_space<vmem>> -> memref<1x64x128xbf16, #tpu.memory_space<vmem>>
      %dma_wait3A_694 = tpu.memref_squeeze %dma_wait3A_693 : memref<1x64x128xbf16, #tpu.memory_space<vmem>> -> memref<64x128xbf16, #tpu.memory_space<vmem>>
      %dma_wait3A_695 = tpu.memref_slice %arg21[%mul3A_689] : memref<10304xi32, #tpu.memory_space<vmem>> -> memref<64xi32, #tpu.memory_space<vmem>>
      %dma_wait3A_696 = arith.constant 0 : i32
      %dma_wait3A_697 = arith.constant 0 : i32
      %dma_wait3A_698 = tpu.memref_slice %arg3[%dma_wait3A_696, %dma_wait3A_697] : memref<10000x128xbf16, #tpu.memory_space<hbm>> -> memref<10000x128xbf16, #tpu.memory_space<hbm>>
      tpu.wait_indirect_dma semaphore(%arg30 : memref<!tpu.dma_semaphore, #tpu.memory_space<semaphore_mem>>) src(%dma_wait3A_698 : memref<10000x128xbf16, #tpu.memory_space<hbm>>) dst(%dma_wait3A_694 : memref<64x128xbf16, #tpu.memory_space<vmem>>)
      %add3A_699 = arith.constant 1 : i32
      %add3A_700 = arith.addi %mul3A_687, %add3A_699 : i32
      %lt3A = arith.cmpi slt, %add3A_700, %select_n3A_574 : i32
      %convert_element_type3A_701 = arith.extui %lt3A : i1 to i32
      %cond3A_702 = arith.constant 0 : i32
      %cond3A_703 = arith.cmpi ne, %convert_element_type3A_701, %cond3A_702 : i32
      scf.if %cond3A_703 {
        %add3A_712 = arith.constant 1 : i32
        %add3A_713 = arith.addi %mul3A_687, %add3A_712 : i32
        %mul3A_714 = arith.constant 64 : i32
        %mul3A_715 = arith.muli %add3A_713, %mul3A_714 : i32
        %dma_start3A_716 = arith.constant 1 : i32
        %dma_start3A_717 = arith.constant 0 : i32
        %dma_start3A_718 = arith.constant 0 : i32
        %dma_start3A_719 = tpu.memref_slice %arg24[%dma_start3A_716, %dma_start3A_717, %dma_start3A_718] : memref<2x64x128xbf16, #tpu.memory_space<vmem>> -> memref<1x64x128xbf16, #tpu.memory_space<vmem>>
        %dma_start3A_720 = tpu.memref_squeeze %dma_start3A_719 : memref<1x64x128xbf16, #tpu.memory_space<vmem>> -> memref<64x128xbf16, #tpu.memory_space<vmem>>
        %dma_start3A_721 = tpu.memref_slice %arg21[%mul3A_715] : memref<10304xi32, #tpu.memory_space<vmem>> -> memref<64xi32, #tpu.memory_space<vmem>>
        %dma_start3A_722 = arith.constant 0 : i32
        %dma_start3A_723 = arith.constant 0 : i32
        %dma_start3A_724 = tpu.memref_slice %arg3[%dma_start3A_722, %dma_start3A_723] : memref<10000x128xbf16, #tpu.memory_space<hbm>> -> memref<10000x128xbf16, #tpu.memory_space<hbm>>
        tpu.enqueue_indirect_dma source(%dma_start3A_724 : memref<10000x128xbf16, #tpu.memory_space<hbm>>) target(%dma_start3A_720 : memref<64x128xbf16, #tpu.memory_space<vmem>>) offsets(%dma_start3A_721 : memref<64xi32, #tpu.memory_space<vmem>>) semaphore(%arg31 : memref<!tpu.dma_semaphore, #tpu.memory_space<semaphore_mem>>)
      } else {
      }
      %run_scoped3A_704 = arith.constant 0 : i32
      "tpu.region"() ({
        %run_scoped3A_712 = tpu.sem_alloc : memref<!tpu.dma_semaphore, #tpu.memory_space<semaphore_mem>>
        %dma_start3A_713 = arith.constant 0 : i32
        %dma_start3A_714 = arith.constant 0 : i32
        %dma_start3A_715 = tpu.memref_slice %arg24[%run_scoped3A_704, %dma_start3A_713, %dma_start3A_714] : memref<2x64x128xbf16, #tpu.memory_space<vmem>> -> memref<1x64x128xbf16, #tpu.memory_space<vmem>>
        %dma_start3A_716 = tpu.memref_squeeze %dma_start3A_715 : memref<1x64x128xbf16, #tpu.memory_space<vmem>> -> memref<64x128xbf16, #tpu.memory_space<vmem>>
        %dma_start3A_717 = arith.constant 0 : i32
        %dma_start3A_718 = tpu.memref_slice %arg23[%mul3A_687, %dma_start3A_717] : memref<160x64xi32, #tpu.memory_space<vmem>> -> memref<1x64xi32, #tpu.memory_space<vmem>>
        %dma_start3A_719 = tpu.memref_squeeze %dma_start3A_718 : memref<1x64xi32, #tpu.memory_space<vmem>> -> memref<64xi32, #tpu.memory_space<vmem>>
        %dma_start3A_720 = arith.constant 0 : i32
        %dma_start3A_721 = arith.constant 0 : i32
        %dma_start3A_722 = tpu.memref_slice %arg28[%dma_start3A_720, %dma_start3A_721] : memref<5008x128xbf16, #tpu.memory_space<vmem_shared>> -> memref<5008x128xbf16, #tpu.memory_space<vmem_shared>>
        tpu.enqueue_indirect_dma source(%dma_start3A_716 : memref<64x128xbf16, #tpu.memory_space<vmem>>) target(%dma_start3A_722 : memref<5008x128xbf16, #tpu.memory_space<vmem_shared>>) offsets(%dma_start3A_719 : memref<64xi32, #tpu.memory_space<vmem>>) semaphore(%run_scoped3A_712 : memref<!tpu.dma_semaphore, #tpu.memory_space<semaphore_mem>>) {add = true}
        %dma_wait3A_723 = arith.constant 0 : i32
        %dma_wait3A_724 = arith.constant 0 : i32
        %dma_wait3A_725 = tpu.memref_slice %arg24[%run_scoped3A_704, %dma_wait3A_723, %dma_wait3A_724] : memref<2x64x128xbf16, #tpu.memory_space<vmem>> -> memref<1x64x128xbf16, #tpu.memory_space<vmem>>
        %dma_wait3A_726 = tpu.memref_squeeze %dma_wait3A_725 : memref<1x64x128xbf16, #tpu.memory_space<vmem>> -> memref<64x128xbf16, #tpu.memory_space<vmem>>
        %dma_wait3A_727 = arith.constant 0 : i32
        %dma_wait3A_728 = tpu.memref_slice %arg23[%mul3A_687, %dma_wait3A_727] : memref<160x64xi32, #tpu.memory_space<vmem>> -> memref<1x64xi32, #tpu.memory_space<vmem>>
        %dma_wait3A_729 = tpu.memref_squeeze %dma_wait3A_728 : memref<1x64xi32, #tpu.memory_space<vmem>> -> memref<64xi32, #tpu.memory_space<vmem>>
        %dma_wait3A_730 = arith.constant 0 : i32
        %dma_wait3A_731 = arith.constant 0 : i32
        %dma_wait3A_732 = tpu.memref_slice %arg28[%dma_wait3A_730, %dma_wait3A_731] : memref<5008x128xbf16, #tpu.memory_space<vmem_shared>> -> memref<5008x128xbf16, #tpu.memory_space<vmem_shared>>
        tpu.wait_indirect_dma semaphore(%run_scoped3A_712 : memref<!tpu.dma_semaphore, #tpu.memory_space<semaphore_mem>>) src(%dma_wait3A_726 : memref<64x128xbf16, #tpu.memory_space<vmem>>) dst(%dma_wait3A_732 : memref<5008x128xbf16, #tpu.memory_space<vmem_shared>>)
        tpu.yield
      }) : () -> ()
      %add3A_705 = arith.constant 1 : i32
      %add3A_706 = arith.addi %mul3A_687, %add3A_705 : i32
      %lt3A_707 = arith.cmpi slt, %add3A_706, %select_n3A_574 : i32
      %convert_element_type3A_708 = arith.extui %lt3A_707 : i1 to i32
      %cond3A_709 = arith.constant 0 : i32
      %cond3A_710 = arith.cmpi ne, %convert_element_type3A_708, %cond3A_709 : i32
      scf.if %cond3A_710 {
        %add3A_712 = arith.constant 1 : i32
        %add3A_713 = arith.addi %mul3A_687, %add3A_712 : i32
        %mul3A_714 = arith.constant 64 : i32
        %mul3A_715 = arith.muli %add3A_713, %mul3A_714 : i32
        %dma_wait3A_716 = arith.constant 1 : i32
        %dma_wait3A_717 = arith.constant 0 : i32
        %dma_wait3A_718 = arith.constant 0 : i32
        %dma_wait3A_719 = tpu.memref_slice %arg24[%dma_wait3A_716, %dma_wait3A_717, %dma_wait3A_718] : memref<2x64x128xbf16, #tpu.memory_space<vmem>> -> memref<1x64x128xbf16, #tpu.memory_space<vmem>>
        %dma_wait3A_720 = tpu.memref_squeeze %dma_wait3A_719 : memref<1x64x128xbf16, #tpu.memory_space<vmem>> -> memref<64x128xbf16, #tpu.memory_space<vmem>>
        %dma_wait3A_721 = tpu.memref_slice %arg21[%mul3A_715] : memref<10304xi32, #tpu.memory_space<vmem>> -> memref<64xi32, #tpu.memory_space<vmem>>
        %dma_wait3A_722 = arith.constant 0 : i32
        %dma_wait3A_723 = arith.constant 0 : i32
        %dma_wait3A_724 = tpu.memref_slice %arg3[%dma_wait3A_722, %dma_wait3A_723] : memref<10000x128xbf16, #tpu.memory_space<hbm>> -> memref<10000x128xbf16, #tpu.memory_space<hbm>>
        tpu.wait_indirect_dma semaphore(%arg31 : memref<!tpu.dma_semaphore, #tpu.memory_space<semaphore_mem>>) src(%dma_wait3A_724 : memref<10000x128xbf16, #tpu.memory_space<hbm>>) dst(%dma_wait3A_720 : memref<64x128xbf16, #tpu.memory_space<vmem>>)
        %add3A_725 = arith.constant 2 : i32
        %add3A_726 = arith.addi %mul3A_687, %add3A_725 : i32
        %lt3A_727 = arith.cmpi slt, %add3A_726, %select_n3A_574 : i32
        %convert_element_type3A_728 = arith.extui %lt3A_727 : i1 to i32
        %cond3A_729 = arith.constant 0 : i32
        %cond3A_730 = arith.cmpi ne, %convert_element_type3A_728, %cond3A_729 : i32
        scf.if %cond3A_730 {
          %add3A_734 = arith.constant 2 : i32
          %add3A_735 = arith.addi %mul3A_687, %add3A_734 : i32
          %mul3A_736 = arith.constant 64 : i32
          %mul3A_737 = arith.muli %add3A_735, %mul3A_736 : i32
          %dma_start3A_738 = arith.constant 0 : i32
          %dma_start3A_739 = arith.constant 0 : i32
          %dma_start3A_740 = arith.constant 0 : i32
          %dma_start3A_741 = tpu.memref_slice %arg24[%dma_start3A_738, %dma_start3A_739, %dma_start3A_740] : memref<2x64x128xbf16, #tpu.memory_space<vmem>> -> memref<1x64x128xbf16, #tpu.memory_space<vmem>>
          %dma_start3A_742 = tpu.memref_squeeze %dma_start3A_741 : memref<1x64x128xbf16, #tpu.memory_space<vmem>> -> memref<64x128xbf16, #tpu.memory_space<vmem>>
          %dma_start3A_743 = tpu.memref_slice %arg21[%mul3A_737] : memref<10304xi32, #tpu.memory_space<vmem>> -> memref<64xi32, #tpu.memory_space<vmem>>
          %dma_start3A_744 = arith.constant 0 : i32
          %dma_start3A_745 = arith.constant 0 : i32
          %dma_start3A_746 = tpu.memref_slice %arg3[%dma_start3A_744, %dma_start3A_745] : memref<10000x128xbf16, #tpu.memory_space<hbm>> -> memref<10000x128xbf16, #tpu.memory_space<hbm>>
          tpu.enqueue_indirect_dma source(%dma_start3A_746 : memref<10000x128xbf16, #tpu.memory_space<hbm>>) target(%dma_start3A_742 : memref<64x128xbf16, #tpu.memory_space<vmem>>) offsets(%dma_start3A_743 : memref<64xi32, #tpu.memory_space<vmem>>) semaphore(%arg30 : memref<!tpu.dma_semaphore, #tpu.memory_space<semaphore_mem>>)
        } else {
        }
        %add3A_731 = arith.constant 1 : i32
        %add3A_732 = arith.addi %mul3A_687, %add3A_731 : i32
        %run_scoped3A_733 = arith.constant 1 : i32
        "tpu.region"() ({
          %run_scoped3A_734 = tpu.sem_alloc : memref<!tpu.dma_semaphore, #tpu.memory_space<semaphore_mem>>
          %dma_start3A_735 = arith.constant 0 : i32
          %dma_start3A_736 = arith.constant 0 : i32
          %dma_start3A_737 = tpu.memref_slice %arg24[%run_scoped3A_733, %dma_start3A_735, %dma_start3A_736] : memref<2x64x128xbf16, #tpu.memory_space<vmem>> -> memref<1x64x128xbf16, #tpu.memory_space<vmem>>
          %dma_start3A_738 = tpu.memref_squeeze %dma_start3A_737 : memref<1x64x128xbf16, #tpu.memory_space<vmem>> -> memref<64x128xbf16, #tpu.memory_space<vmem>>
          %dma_start3A_739 = arith.constant 0 : i32
          %dma_start3A_740 = tpu.memref_slice %arg23[%add3A_732, %dma_start3A_739] : memref<160x64xi32, #tpu.memory_space<vmem>> -> memref<1x64xi32, #tpu.memory_space<vmem>>
          %dma_start3A_741 = tpu.memref_squeeze %dma_start3A_740 : memref<1x64xi32, #tpu.memory_space<vmem>> -> memref<64xi32, #tpu.memory_space<vmem>>
          %dma_start3A_742 = arith.constant 0 : i32
          %dma_start3A_743 = arith.constant 0 : i32
          %dma_start3A_744 = tpu.memref_slice %arg28[%dma_start3A_742, %dma_start3A_743] : memref<5008x128xbf16, #tpu.memory_space<vmem_shared>> -> memref<5008x128xbf16, #tpu.memory_space<vmem_shared>>
          tpu.enqueue_indirect_dma source(%dma_start3A_738 : memref<64x128xbf16, #tpu.memory_space<vmem>>) target(%dma_start3A_744 : memref<5008x128xbf16, #tpu.memory_space<vmem_shared>>) offsets(%dma_start3A_741 : memref<64xi32, #tpu.memory_space<vmem>>) semaphore(%run_scoped3A_734 : memref<!tpu.dma_semaphore, #tpu.memory_space<semaphore_mem>>) {add = true}
          %dma_wait3A_745 = arith.constant 0 : i32
          %dma_wait3A_746 = arith.constant 0 : i32
          %dma_wait3A_747 = tpu.memref_slice %arg24[%run_scoped3A_733, %dma_wait3A_745, %dma_wait3A_746] : memref<2x64x128xbf16, #tpu.memory_space<vmem>> -> memref<1x64x128xbf16, #tpu.memory_space<vmem>>
          %dma_wait3A_748 = tpu.memref_squeeze %dma_wait3A_747 : memref<1x64x128xbf16, #tpu.memory_space<vmem>> -> memref<64x128xbf16, #tpu.memory_space<vmem>>
          %dma_wait3A_749 = arith.constant 0 : i32
          %dma_wait3A_750 = tpu.memref_slice %arg23[%add3A_732, %dma_wait3A_749] : memref<160x64xi32, #tpu.memory_space<vmem>> -> memref<1x64xi32, #tpu.memory_space<vmem>>
          %dma_wait3A_751 = tpu.memref_squeeze %dma_wait3A_750 : memref<1x64xi32, #tpu.memory_space<vmem>> -> memref<64xi32, #tpu.memory_space<vmem>>
          %dma_wait3A_752 = arith.constant 0 : i32
          %dma_wait3A_753 = arith.constant 0 : i32
          %dma_wait3A_754 = tpu.memref_slice %arg28[%dma_wait3A_752, %dma_wait3A_753] : memref<5008x128xbf16, #tpu.memory_space<vmem_shared>> -> memref<5008x128xbf16, #tpu.memory_space<vmem_shared>>
          tpu.wait_indirect_dma semaphore(%run_scoped3A_734 : memref<!tpu.dma_semaphore, #tpu.memory_space<semaphore_mem>>) src(%dma_wait3A_748 : memref<64x128xbf16, #tpu.memory_space<vmem>>) dst(%dma_wait3A_754 : memref<5008x128xbf16, #tpu.memory_space<vmem_shared>>)
          tpu.yield
        }) : () -> ()
      } else {
      }
      %while3A_711 = arith.constant 0 : i32
      scf.yield %while3A_711 : i32
    }
    %barrier3A_632 = arith.constant 0 : index
    tpu.barrier barrier_id(%barrier3A_632)
    %run_scoped3A_633 = arith.constant 0 : i32
    "tpu.region"() ({
      %run_scoped3A_684 = tpu.sem_alloc : memref<!tpu.dma_semaphore, #tpu.memory_space<semaphore_mem>>
      %dma_start3A_685 = arith.constant 0 : i32
      %dma_start3A_686 = arith.constant 0 : i32
      %dma_start3A_687 = tpu.memref_slice %arg24[%run_scoped3A_633, %dma_start3A_685, %dma_start3A_686] : memref<2x64x128xbf16, #tpu.memory_space<vmem>> -> memref<1x64x128xbf16, #tpu.memory_space<vmem>>
      %dma_start3A_688 = tpu.memref_squeeze %dma_start3A_687 : memref<1x64x128xbf16, #tpu.memory_space<vmem>> -> memref<64x128xbf16, #tpu.memory_space<vmem>>
      %dma_start3A_689 = arith.constant 0 : i32
      %dma_start3A_690 = tpu.memref_slice %arg14[%arg1, %dma_start3A_689] : memref<16x64xi32, #tpu.memory_space<vmem>> -> memref<1x64xi32, #tpu.memory_space<vmem>>
      %dma_start3A_691 = tpu.memref_squeeze %dma_start3A_690 : memref<1x64xi32, #tpu.memory_space<vmem>> -> memref<64xi32, #tpu.memory_space<vmem>>
      %dma_start3A_692 = arith.constant 0 : i32
      %dma_start3A_693 = arith.constant 0 : i32
      %dma_start3A_694 = tpu.memref_slice %arg28[%dma_start3A_692, %dma_start3A_693] : memref<5008x128xbf16, #tpu.memory_space<vmem_shared>> -> memref<5008x128xbf16, #tpu.memory_space<vmem_shared>>
      tpu.enqueue_indirect_dma source(%dma_start3A_694 : memref<5008x128xbf16, #tpu.memory_space<vmem_shared>>) target(%dma_start3A_688 : memref<64x128xbf16, #tpu.memory_space<vmem>>) offsets(%dma_start3A_691 : memref<64xi32, #tpu.memory_space<vmem>>) semaphore(%run_scoped3A_684 : memref<!tpu.dma_semaphore, #tpu.memory_space<semaphore_mem>>)
      %dma_wait3A_695 = arith.constant 0 : i32
      %dma_wait3A_696 = arith.constant 0 : i32
      %dma_wait3A_697 = tpu.memref_slice %arg24[%run_scoped3A_633, %dma_wait3A_695, %dma_wait3A_696] : memref<2x64x128xbf16, #tpu.memory_space<vmem>> -> memref<1x64x128xbf16, #tpu.memory_space<vmem>>
      %dma_wait3A_698 = tpu.memref_squeeze %dma_wait3A_697 : memref<1x64x128xbf16, #tpu.memory_space<vmem>> -> memref<64x128xbf16, #tpu.memory_space<vmem>>
      %dma_wait3A_699 = arith.constant 0 : i32
      %dma_wait3A_700 = tpu.memref_slice %arg14[%arg1, %dma_wait3A_699] : memref<16x64xi32, #tpu.memory_space<vmem>> -> memref<1x64xi32, #tpu.memory_space<vmem>>
      %dma_wait3A_701 = tpu.memref_squeeze %dma_wait3A_700 : memref<1x64xi32, #tpu.memory_space<vmem>> -> memref<64xi32, #tpu.memory_space<vmem>>
      %dma_wait3A_702 = arith.constant 0 : i32
      %dma_wait3A_703 = arith.constant 0 : i32
      %dma_wait3A_704 = tpu.memref_slice %arg28[%dma_wait3A_702, %dma_wait3A_703] : memref<5008x128xbf16, #tpu.memory_space<vmem_shared>> -> memref<5008x128xbf16, #tpu.memory_space<vmem_shared>>
      tpu.wait_indirect_dma semaphore(%run_scoped3A_684 : memref<!tpu.dma_semaphore, #tpu.memory_space<semaphore_mem>>) src(%dma_wait3A_704 : memref<5008x128xbf16, #tpu.memory_space<vmem_shared>>) dst(%dma_wait3A_698 : memref<64x128xbf16, #tpu.memory_space<vmem>>)
      tpu.yield
    }) : () -> ()
    %mul3A_634 = arith.constant 64 : i32
    %mul3A_635 = arith.muli %arg1, %mul3A_634 : i32
    %dma_start3A_636 = arith.constant 0 : i32
    %dma_start3A_637 = arith.constant 1 : i32
    %dma_start3A_638 = arith.constant 0 : i32
    %dma_start3A_639 = arith.constant 0 : i32
    %dma_start3A_640 = tpu.memref_slice %arg24[%dma_start3A_636, %dma_start3A_638, %dma_start3A_639] : memref<2x64x128xbf16, #tpu.memory_space<vmem>> -> memref<1x64x128xbf16, #tpu.memory_space<vmem>>
    %dma_start3A_641 = tpu.memref_squeeze %dma_start3A_640 : memref<1x64x128xbf16, #tpu.memory_space<vmem>> -> memref<64x128xbf16, #tpu.memory_space<vmem>>
    %dma_start3A_642 = arith.constant 0 : i32
    %dma_start3A_643 = tpu.memref_slice %arg11[%arg0, %dma_start3A_637, %mul3A_635, %dma_start3A_642] : memref<2x2x1024x128xbf16, #tpu.memory_space<hbm>> -> memref<1x1x64x128xbf16, #tpu.memory_space<hbm>>
    %dma_start3A_644 = tpu.memref_squeeze %dma_start3A_643 : memref<1x1x64x128xbf16, #tpu.memory_space<hbm>> -> memref<64x128xbf16, #tpu.memory_space<hbm>>
    %dma_start3A_645 = arith.constant 0 : i32
    %dma_start3A_646 = tpu.memref_slice %arg11[%arg0, %dma_start3A_637, %mul3A_635, %dma_start3A_645] : memref<2x2x1024x128xbf16, #tpu.memory_space<hbm>> -> memref<1x1x64x128xbf16, #tpu.memory_space<hbm>>
    %dma_start3A_647 = tpu.memref_squeeze %dma_start3A_646 : memref<1x1x64x128xbf16, #tpu.memory_space<hbm>> -> memref<64x128xbf16, #tpu.memory_space<hbm>>
    %dma_start3A_648 = arith.constant 0 : i32
    %dma_start3A_649 = arith.constant 0 : i32
    %dma_start3A_650 = tpu.memref_slice %arg24[%dma_start3A_636, %dma_start3A_648, %dma_start3A_649] : memref<2x64x128xbf16, #tpu.memory_space<vmem>> -> memref<1x64x128xbf16, #tpu.memory_space<vmem>>
    %dma_start3A_651 = tpu.memref_squeeze %dma_start3A_650 : memref<1x64x128xbf16, #tpu.memory_space<vmem>> -> memref<64x128xbf16, #tpu.memory_space<vmem>>
    tpu.enqueue_dma source(%dma_start3A_651 : memref<64x128xbf16, #tpu.memory_space<vmem>>) target(%dma_start3A_647 : memref<64x128xbf16, #tpu.memory_space<hbm>>) target_semaphore(%arg29 : memref<!tpu.dma_semaphore, #tpu.memory_space<semaphore_mem>>)
    %dma_start3A_652 = arith.constant 0 : i32
    %dma_start3A_653 = tpu.memref_slice %arg15[%add3A, %dma_start3A_652] : memref<32x32xi32, #tpu.memory_space<vmem>> -> memref<1x32xi32, #tpu.memory_space<vmem>>
    %dma_start3A_654 = tpu.memref_squeeze %dma_start3A_653 : memref<1x32xi32, #tpu.memory_space<vmem>> -> memref<32xi32, #tpu.memory_space<vmem>>
    %dma_start3A_655 = arith.constant 0 : i32
    %dma_start3A_656 = arith.constant 0 : i32
    %dma_start3A_657 = tpu.memref_slice %arg2[%dma_start3A_655, %dma_start3A_656] : memref<10000x128xf32, #tpu.memory_space<hbm>> -> memref<10000x128xf32, #tpu.memory_space<hbm>>
    tpu.enqueue_indirect_dma source(%dma_start3A_657 : memref<10000x128xf32, #tpu.memory_space<hbm>>) target(%arg25 : memref<32x128xf32, #tpu.memory_space<vmem>>) offsets(%dma_start3A_654 : memref<32xi32, #tpu.memory_space<vmem>>) semaphore(%arg29 : memref<!tpu.dma_semaphore, #tpu.memory_space<semaphore_mem>>)
    %dma_wait3A_658 = arith.constant 0 : i32
    %dma_wait3A_659 = arith.constant 1 : i32
    %dma_wait3A_660 = arith.constant 0 : i32
    %dma_wait3A_661 = arith.constant 0 : i32
    %dma_wait3A_662 = tpu.memref_slice %arg24[%dma_wait3A_658, %dma_wait3A_660, %dma_wait3A_661] : memref<2x64x128xbf16, #tpu.memory_space<vmem>> -> memref<1x64x128xbf16, #tpu.memory_space<vmem>>
    %dma_wait3A_663 = tpu.memref_squeeze %dma_wait3A_662 : memref<1x64x128xbf16, #tpu.memory_space<vmem>> -> memref<64x128xbf16, #tpu.memory_space<vmem>>
    %dma_wait3A_664 = arith.constant 0 : i32
    %dma_wait3A_665 = tpu.memref_slice %arg11[%arg0, %dma_wait3A_659, %mul3A_635, %dma_wait3A_664] : memref<2x2x1024x128xbf16, #tpu.memory_space<hbm>> -> memref<1x1x64x128xbf16, #tpu.memory_space<hbm>>
    %dma_wait3A_666 = tpu.memref_squeeze %dma_wait3A_665 : memref<1x1x64x128xbf16, #tpu.memory_space<hbm>> -> memref<64x128xbf16, #tpu.memory_space<hbm>>
    %dma_wait3A_667 = arith.constant 0 : i32
    %dma_wait3A_668 = tpu.memref_slice %arg11[%arg0, %dma_wait3A_659, %mul3A_635, %dma_wait3A_667] : memref<2x2x1024x128xbf16, #tpu.memory_space<hbm>> -> memref<1x1x64x128xbf16, #tpu.memory_space<hbm>>
    %dma_wait3A_669 = tpu.memref_squeeze %dma_wait3A_668 : memref<1x1x64x128xbf16, #tpu.memory_space<hbm>> -> memref<64x128xbf16, #tpu.memory_space<hbm>>
    %dma_wait3A_670 = arith.constant 0 : i32
    %dma_wait3A_671 = arith.constant 0 : i32
    %dma_wait3A_672 = tpu.memref_slice %arg24[%dma_wait3A_658, %dma_wait3A_670, %dma_wait3A_671] : memref<2x64x128xbf16, #tpu.memory_space<vmem>> -> memref<1x64x128xbf16, #tpu.memory_space<vmem>>
    %dma_wait3A_673 = tpu.memref_squeeze %dma_wait3A_672 : memref<1x64x128xbf16, #tpu.memory_space<vmem>> -> memref<64x128xbf16, #tpu.memory_space<vmem>>
    tpu.wait_dma2 semaphore(%arg29 : memref<!tpu.dma_semaphore, #tpu.memory_space<semaphore_mem>>) src(%dma_wait3A_673 : memref<64x128xbf16, #tpu.memory_space<vmem>>) dst(%dma_wait3A_669 : memref<64x128xbf16, #tpu.memory_space<hbm>>)
    %dma_wait3A_674 = arith.constant 0 : i32
    %dma_wait3A_675 = tpu.memref_slice %arg15[%add3A, %dma_wait3A_674] : memref<32x32xi32, #tpu.memory_space<vmem>> -> memref<1x32xi32, #tpu.memory_space<vmem>>
    %dma_wait3A_676 = tpu.memref_squeeze %dma_wait3A_675 : memref<1x32xi32, #tpu.memory_space<vmem>> -> memref<32xi32, #tpu.memory_space<vmem>>
    %dma_wait3A_677 = arith.constant 0 : i32
    %dma_wait3A_678 = arith.constant 0 : i32
    %dma_wait3A_679 = tpu.memref_slice %arg2[%dma_wait3A_677, %dma_wait3A_678] : memref<10000x128xf32, #tpu.memory_space<hbm>> -> memref<10000x128xf32, #tpu.memory_space<hbm>>
    tpu.wait_indirect_dma semaphore(%arg29 : memref<!tpu.dma_semaphore, #tpu.memory_space<semaphore_mem>>) src(%dma_wait3A_679 : memref<10000x128xf32, #tpu.memory_space<hbm>>) dst(%arg25 : memref<32x128xf32, #tpu.memory_space<vmem>>)
    %mul3A_680 = arith.constant 32 : i32
    %mul3A_681 = arith.muli %add3A, %mul3A_680 : i32
    %run_scoped3A_682 = arith.constant 1 : i32
    "tpu.region"() ({
      %run_scoped3A_684 = tpu.sem_alloc : memref<!tpu.dma_semaphore, #tpu.memory_space<semaphore_mem>>
      %dma_start3A_685 = arith.constant 0 : i32
      %dma_start3A_686 = tpu.memref_slice %arg12[%run_scoped3A_682, %mul3A_681, %dma_start3A_685] : memref<2x1024x128xf32, #tpu.memory_space<hbm>> -> memref<1x32x128xf32, #tpu.memory_space<hbm>>
      %dma_start3A_687 = tpu.memref_squeeze %dma_start3A_686 : memref<1x32x128xf32, #tpu.memory_space<hbm>> -> memref<32x128xf32, #tpu.memory_space<hbm>>
      %dma_start3A_688 = arith.constant 0 : i32
      %dma_start3A_689 = tpu.memref_slice %arg12[%run_scoped3A_682, %mul3A_681, %dma_start3A_688] : memref<2x1024x128xf32, #tpu.memory_space<hbm>> -> memref<1x32x128xf32, #tpu.memory_space<hbm>>
      %dma_start3A_690 = tpu.memref_squeeze %dma_start3A_689 : memref<1x32x128xf32, #tpu.memory_space<hbm>> -> memref<32x128xf32, #tpu.memory_space<hbm>>
      tpu.enqueue_dma source(%arg25 : memref<32x128xf32, #tpu.memory_space<vmem>>) target(%dma_start3A_690 : memref<32x128xf32, #tpu.memory_space<hbm>>) target_semaphore(%run_scoped3A_684 : memref<!tpu.dma_semaphore, #tpu.memory_space<semaphore_mem>>)
      %dma_wait3A_691 = arith.constant 0 : i32
      %dma_wait3A_692 = tpu.memref_slice %arg12[%run_scoped3A_682, %mul3A_681, %dma_wait3A_691] : memref<2x1024x128xf32, #tpu.memory_space<hbm>> -> memref<1x32x128xf32, #tpu.memory_space<hbm>>
      %dma_wait3A_693 = tpu.memref_squeeze %dma_wait3A_692 : memref<1x32x128xf32, #tpu.memory_space<hbm>> -> memref<32x128xf32, #tpu.memory_space<hbm>>
      %dma_wait3A_694 = arith.constant 0 : i32
      %dma_wait3A_695 = tpu.memref_slice %arg12[%run_scoped3A_682, %mul3A_681, %dma_wait3A_694] : memref<2x1024x128xf32, #tpu.memory_space<hbm>> -> memref<1x32x128xf32, #tpu.memory_space<hbm>>
      %dma_wait3A_696 = tpu.memref_squeeze %dma_wait3A_695 : memref<1x32x128xf32, #tpu.memory_space<hbm>> -> memref<32x128xf32, #tpu.memory_space<hbm>>
      tpu.wait_dma2 semaphore(%run_scoped3A_684 : memref<!tpu.dma_semaphore, #tpu.memory_space<semaphore_mem>>) src(%arg25 : memref<32x128xf32, #tpu.memory_space<vmem>>) dst(%dma_wait3A_696 : memref<32x128xf32, #tpu.memory_space<hbm>>)
      tpu.yield
    }) : () -> ()
    %barrier3A_683 = arith.constant 0 : index
    tpu.barrier barrier_id(%barrier3A_683)
    return
  }
}

module attributes {stable_mosaic.version = 14 : i64} {
  func.func @_dense_body(%arg0: memref<10000x128xf32, #tpu.memory_space<vmem>>, %arg1: memref<128x128xf32, #tpu.memory_space<vmem>>, %arg2: memref<2x128x16xf32, #tpu.memory_space<vmem>>, %arg3: memref<2x16xf32, #tpu.memory_space<vmem>>, %arg4: memref<2x16x2xf32, #tpu.memory_space<vmem>>, %arg5: memref<2x2xf32, #tpu.memory_space<vmem>>, %arg6: memref<10000x128xf32, #tpu.memory_space<vmem>>, %arg7: memref<10000x128xbf16, #tpu.memory_space<vmem>>, %arg8: memref<2x10000xf32, #tpu.memory_space<vmem>>) attributes {dimension_semantics = [], scalar_prefetch = 0 : i64, scratch_operands = 0 : i64, tpu.core_type = #tpu.core_type<tc>} {
    %get3A = arith.constant 0 : index
    %get3A_0 = arith.constant 0 : index
    %get3A_1 = vector.load %arg0[%get3A, %get3A_0] : memref<10000x128xf32, #tpu.memory_space<vmem>>, vector<10000x128xf32>
    %get3A_2 = arith.constant 0 : index
    %get3A_3 = arith.constant 0 : index
    %get3A_4 = vector.load %arg1[%get3A_2, %get3A_3] : memref<128x128xf32, #tpu.memory_space<vmem>>, vector<128x128xf32>
    %dot_general3A = arith.constant dense<0.000000e+00> : vector<10000x128xf32>
    %dot_general3A_5 = tpu.matmul %get3A_1, %get3A_4, %dot_general3A {dimension_numbers = #tpu.dot_dimension_numbers<[1], [1], [0], [0], [0, 0, 1, 0], [], []>, transpose_lhs_hint = false} : vector<10000x128xf32>, vector<128x128xf32>, vector<10000x128xf32> -> vector<10000x128xf32>
    %swap3A = arith.constant 0 : index
    %swap3A_6 = arith.constant 0 : index
    %swap3A_7 = vector.load %arg6[%swap3A, %swap3A_6] : memref<10000x128xf32, #tpu.memory_space<vmem>>, vector<10000x128xf32>
    tpu.vector_store %arg6[%swap3A, %swap3A_6], %dot_general3A_5 {strides = array<i32>} : memref<10000x128xf32, #tpu.memory_space<vmem>>, vector<10000x128xf32>,
    %convert_element_type3A = arith.truncf %dot_general3A_5 : vector<10000x128xf32> to vector<10000x128xbf16>
    %swap3A_8 = arith.constant 0 : index
    %swap3A_9 = arith.constant 0 : index
    %swap3A_10 = vector.load %arg7[%swap3A_8, %swap3A_9] : memref<10000x128xbf16, #tpu.memory_space<vmem>>, vector<10000x128xbf16>
    tpu.vector_store %arg7[%swap3A_8, %swap3A_9], %convert_element_type3A {strides = array<i32>} : memref<10000x128xbf16, #tpu.memory_space<vmem>>, vector<10000x128xbf16>,
    %get3A_11 = arith.constant 0 : index
    %get3A_12 = arith.constant 0 : index
    %get3A_13 = arith.constant 0 : index
    %get3A_14 = vector.load %arg2[%get3A_11, %get3A_12, %get3A_13] : memref<2x128x16xf32, #tpu.memory_space<vmem>>, vector<1x128x16xf32>
    %get3A_15 = vector.shape_cast %get3A_14 : vector<1x128x16xf32> to vector<128x16xf32>
    %dot_general3A_16 = arith.constant dense<0.000000e+00> : vector<10000x16xf32>
    %dot_general3A_17 = tpu.matmul %get3A_1, %get3A_15, %dot_general3A_16 {dimension_numbers = #tpu.dot_dimension_numbers<[1], [0], [0], [1], [0, 0, 1, 1], [], []>, transpose_lhs_hint = false} : vector<10000x128xf32>, vector<128x16xf32>, vector<10000x16xf32> -> vector<10000x16xf32>
    %get3A_18 = arith.constant 0 : index
    %get3A_19 = arith.constant 0 : index
    %get3A_20 = vector.load %arg3[%get3A_18, %get3A_19] : memref<2x16xf32, #tpu.memory_space<vmem>>, vector<1x16xf32>
    %get3A_21 = vector.shape_cast %get3A_20 : vector<1x16xf32> to vector<16xf32>
    %broadcast_in_dim3A = vector.shape_cast %get3A_21 : vector<16xf32> to vector<1x16xf32>
    %add3A = vector.broadcast %broadcast_in_dim3A : vector<1x16xf32> to vector<10000x16xf32>
    %add3A_22 = arith.addf %dot_general3A_17, %add3A : vector<10000x16xf32>
    %max3A = arith.constant 0.000000e+00 : f32
    %max3A_23 = vector.broadcast %max3A : f32 to vector<10000x16xf32>
    %max3A_24 = arith.maximumf %add3A_22, %max3A_23 : vector<10000x16xf32>
    %get3A_25 = arith.constant 0 : index
    %get3A_26 = arith.constant 0 : index
    %get3A_27 = arith.constant 0 : index
    %get3A_28 = vector.load %arg4[%get3A_25, %get3A_26, %get3A_27] : memref<2x16x2xf32, #tpu.memory_space<vmem>>, vector<1x16x2xf32>
    %get3A_29 = vector.shape_cast %get3A_28 : vector<1x16x2xf32> to vector<16x2xf32>
    %dot_general3A_30 = arith.constant dense<0.000000e+00> : vector<10000x2xf32>
    %dot_general3A_31 = tpu.matmul %max3A_24, %get3A_29, %dot_general3A_30 {dimension_numbers = #tpu.dot_dimension_numbers<[1], [0], [0], [1], [0, 0, 1, 1], [], []>, transpose_lhs_hint = false} : vector<10000x16xf32>, vector<16x2xf32>, vector<10000x2xf32> -> vector<10000x2xf32>
    %get3A_32 = arith.constant 0 : index
    %get3A_33 = arith.constant 0 : index
    %get3A_34 = vector.load %arg5[%get3A_32, %get3A_33] : memref<2x2xf32, #tpu.memory_space<vmem>>, vector<1x2xf32>
    %get3A_35 = vector.shape_cast %get3A_34 : vector<1x2xf32> to vector<2xf32>
    %broadcast_in_dim3A_36 = vector.shape_cast %get3A_35 : vector<2xf32> to vector<1x2xf32>
    %add3A_37 = vector.broadcast %broadcast_in_dim3A_36 : vector<1x2xf32> to vector<10000x2xf32>
    %add3A_38 = arith.addf %dot_general3A_31, %add3A_37 : vector<10000x2xf32>
    %slice3A = vector.extract_strided_slice %add3A_38 {offsets = [0, 1], sizes = [10000, 1], strides = [1, 1]} : vector<10000x2xf32> to vector<10000x1xf32>
    %squeeze3A = vector.shape_cast %slice3A : vector<10000x1xf32> to vector<10000xf32>
    %neg3A = arith.constant 0.000000e+00 : f32
    %neg3A_39 = vector.broadcast %neg3A : f32 to vector<10000xf32>
    %neg3A_40 = arith.subf %neg3A_39, %squeeze3A : vector<10000xf32>
    %exp3A = math.exp %neg3A_40 : vector<10000xf32>
    %add3A_41 = arith.constant 1.000000e+00 : f32
    %add3A_42 = vector.broadcast %add3A_41 : f32 to vector<10000xf32>
    %add3A_43 = arith.addf %add3A_42, %exp3A : vector<10000xf32>
    %div3A = arith.constant 1.000000e+00 : f32
    %div3A_44 = vector.broadcast %div3A : f32 to vector<10000xf32>
    %div3A_45 = arith.divf %div3A_44, %add3A_43 : vector<10000xf32>
    %swap3A_46 = arith.constant 0 : index
    %swap3A_47 = arith.constant 0 : index
    %swap3A_48 = vector.load %arg8[%swap3A_46, %swap3A_47] : memref<2x10000xf32, #tpu.memory_space<vmem>>, vector<1x10000xf32>
    %swap3A_49 = vector.shape_cast %swap3A_48 : vector<1x10000xf32> to vector<10000xf32>
    %swap3A_50 = vector.shape_cast %div3A_45 : vector<10000xf32> to vector<1x10000xf32>
    tpu.vector_store %arg8[%swap3A_46, %swap3A_47], %swap3A_50 {strides = array<i32>} : memref<2x10000xf32, #tpu.memory_space<vmem>>, vector<1x10000xf32>,
    %get3A_51 = arith.constant 1 : index
    %get3A_52 = arith.constant 0 : index
    %get3A_53 = arith.constant 0 : index
    %get3A_54 = vector.load %arg2[%get3A_51, %get3A_52, %get3A_53] : memref<2x128x16xf32, #tpu.memory_space<vmem>>, vector<1x128x16xf32>
    %get3A_55 = vector.shape_cast %get3A_54 : vector<1x128x16xf32> to vector<128x16xf32>
    %dot_general3A_56 = arith.constant dense<0.000000e+00> : vector<10000x16xf32>
    %dot_general3A_57 = tpu.matmul %get3A_1, %get3A_55, %dot_general3A_56 {dimension_numbers = #tpu.dot_dimension_numbers<[1], [0], [0], [1], [0, 0, 1, 1], [], []>, transpose_lhs_hint = false} : vector<10000x128xf32>, vector<128x16xf32>, vector<10000x16xf32> -> vector<10000x16xf32>
    %get3A_58 = arith.constant 1 : index
    %get3A_59 = arith.constant 0 : index
    %get3A_60 = vector.load %arg3[%get3A_58, %get3A_59] : memref<2x16xf32, #tpu.memory_space<vmem>>, vector<1x16xf32>
    %get3A_61 = vector.shape_cast %get3A_60 : vector<1x16xf32> to vector<16xf32>
    %broadcast_in_dim3A_62 = vector.shape_cast %get3A_61 : vector<16xf32> to vector<1x16xf32>
    %add3A_63 = vector.broadcast %broadcast_in_dim3A_62 : vector<1x16xf32> to vector<10000x16xf32>
    %add3A_64 = arith.addf %dot_general3A_57, %add3A_63 : vector<10000x16xf32>
    %max3A_65 = arith.constant 0.000000e+00 : f32
    %max3A_66 = vector.broadcast %max3A_65 : f32 to vector<10000x16xf32>
    %max3A_67 = arith.maximumf %add3A_64, %max3A_66 : vector<10000x16xf32>
    %get3A_68 = arith.constant 1 : index
    %get3A_69 = arith.constant 0 : index
    %get3A_70 = arith.constant 0 : index
    %get3A_71 = vector.load %arg4[%get3A_68, %get3A_69, %get3A_70] : memref<2x16x2xf32, #tpu.memory_space<vmem>>, vector<1x16x2xf32>
    %get3A_72 = vector.shape_cast %get3A_71 : vector<1x16x2xf32> to vector<16x2xf32>
    %dot_general3A_73 = arith.constant dense<0.000000e+00> : vector<10000x2xf32>
    %dot_general3A_74 = tpu.matmul %max3A_67, %get3A_72, %dot_general3A_73 {dimension_numbers = #tpu.dot_dimension_numbers<[1], [0], [0], [1], [0, 0, 1, 1], [], []>, transpose_lhs_hint = false} : vector<10000x16xf32>, vector<16x2xf32>, vector<10000x2xf32> -> vector<10000x2xf32>
    %get3A_75 = arith.constant 1 : index
    %get3A_76 = arith.constant 0 : index
    %get3A_77 = vector.load %arg5[%get3A_75, %get3A_76] : memref<2x2xf32, #tpu.memory_space<vmem>>, vector<1x2xf32>
    %get3A_78 = vector.shape_cast %get3A_77 : vector<1x2xf32> to vector<2xf32>
    %broadcast_in_dim3A_79 = vector.shape_cast %get3A_78 : vector<2xf32> to vector<1x2xf32>
    %add3A_80 = vector.broadcast %broadcast_in_dim3A_79 : vector<1x2xf32> to vector<10000x2xf32>
    %add3A_81 = arith.addf %dot_general3A_74, %add3A_80 : vector<10000x2xf32>
    %slice3A_82 = vector.extract_strided_slice %add3A_81 {offsets = [0, 1], sizes = [10000, 1], strides = [1, 1]} : vector<10000x2xf32> to vector<10000x1xf32>
    %squeeze3A_83 = vector.shape_cast %slice3A_82 : vector<10000x1xf32> to vector<10000xf32>
    %neg3A_84 = arith.constant 0.000000e+00 : f32
    %neg3A_85 = vector.broadcast %neg3A_84 : f32 to vector<10000xf32>
    %neg3A_86 = arith.subf %neg3A_85, %squeeze3A_83 : vector<10000xf32>
    %exp3A_87 = math.exp %neg3A_86 : vector<10000xf32>
    %add3A_88 = arith.constant 1.000000e+00 : f32
    %add3A_89 = vector.broadcast %add3A_88 : f32 to vector<10000xf32>
    %add3A_90 = arith.addf %add3A_89, %exp3A_87 : vector<10000xf32>
    %div3A_91 = arith.constant 1.000000e+00 : f32
    %div3A_92 = vector.broadcast %div3A_91 : f32 to vector<10000xf32>
    %div3A_93 = arith.divf %div3A_92, %add3A_90 : vector<10000xf32>
    %swap3A_94 = arith.constant 1 : index
    %swap3A_95 = arith.constant 0 : index
    %swap3A_96 = vector.load %arg8[%swap3A_94, %swap3A_95] : memref<2x10000xf32, #tpu.memory_space<vmem>>, vector<1x10000xf32>
    %swap3A_97 = vector.shape_cast %swap3A_96 : vector<1x10000xf32> to vector<10000xf32>
    %swap3A_98 = vector.shape_cast %div3A_93 : vector<10000xf32> to vector<1x10000xf32>
    tpu.vector_store %arg8[%swap3A_94, %swap3A_95], %swap3A_98 {strides = array<i32>} : memref<2x10000xf32, #tpu.memory_space<vmem>>, vector<1x10000xf32>,
    return
  }
}

module attributes {stable_mosaic.version = 14 : i64} {
  func.func @_select_body(%arg0: memref<2x1280x128xf32, #tpu.memory_space<vmem>>, %arg1: memref<8x128xf32, #tpu.memory_space<vmem>>) attributes {dimension_semantics = [], scalar_prefetch = 0 : i64, scratch_operands = 0 : i64, tpu.core_type = #tpu.core_type<tc>} {
    %broadcast_in_dim3A = arith.constant 0.000000e+00 : f32
    %broadcast_in_dim3A_0 = vector.broadcast %broadcast_in_dim3A : f32 to vector<8x128xf32>
    %swap3A = arith.constant 0 : index
    %swap3A_1 = arith.constant 0 : index
    %swap3A_2 = vector.load %arg1[%swap3A, %swap3A_1] : memref<8x128xf32, #tpu.memory_space<vmem>>, vector<8x128xf32>
    tpu.vector_store %arg1[%swap3A, %swap3A_1], %broadcast_in_dim3A_0 {strides = array<i32>} : memref<8x128xf32, #tpu.memory_space<vmem>>, vector<8x128xf32>,
    %get3A = arith.constant 0 : index
    %get3A_3 = arith.constant 0 : index
    %get3A_4 = arith.constant 0 : index
    %get3A_5 = vector.load %arg0[%get3A, %get3A_3, %get3A_4] : memref<2x1280x128xf32, #tpu.memory_space<vmem>>, vector<1x1280x128xf32>
    %get3A_6 = vector.shape_cast %get3A_5 : vector<1x1280x128xf32> to vector<1280x128xf32>
    %bitcast_convert_type3A = tpu.bitcast %get3A_6 : vector<1280x128xf32> -> vector<1280x128xi32>
    %iota3A = tpu.iota {dimensions = array<i32: 0>} : vector<1280x128xi32>
    %iota3A_7 = tpu.iota {dimensions = array<i32: 1>} : vector<1280x128xi32>
    %mul3A = arith.constant 128 : i32
    %mul3A_8 = vector.broadcast %mul3A : i32 to vector<1280x128xi32>
    %mul3A_9 = arith.muli %iota3A, %mul3A_8 : vector<1280x128xi32>
    %add3A = arith.addi %mul3A_9, %iota3A_7 : vector<1280x128xi32>
    %lt3A = arith.constant 160000 : i32
    %lt3A_10 = vector.broadcast %lt3A : i32 to vector<1280x128xi32>
    %lt3A_11 = arith.cmpi slt, %add3A, %lt3A_10 : vector<1280x128xi32>
    %jit3A = arith.constant -1 : i32
    %broadcast_in_dim3A_12 = vector.broadcast %jit3A : i32 to vector<1280x128xi32>
    %select_n3A = arith.select %lt3A_11, %bitcast_convert_type3A, %broadcast_in_dim3A_12 : vector<1280x128xi1>, vector<1280x128xi32>
    %scan3A = arith.constant 0 : i32
    %scan3A_13 = arith.constant 2139095040 : i32
    %scan3A_14 = arith.constant 0 : i32
    %scan3A_15 = arith.constant 31 : i32
    %scan3A_16 = arith.addi %scan3A_14, %scan3A_15 : i32
    %scan3A_17 = arith.constant 1 : i32
    %scan3A_18:2 = scf.for %scan3A_99 = %scan3A_14 to %scan3A_16 step %scan3A_17 iter_args(%scan3A_100 = %scan3A, %scan3A_101 = %scan3A_13) -> (i32, i32)  : i32 {
      %sub3A_102 = arith.subi %scan3A_101, %scan3A_100 : i32
      %jit3A_103 = arith.constant 2 : i32
      %div3A_104 = arith.divsi %sub3A_102, %jit3A_103 : i32
      %sign3A = arith.constant 0 : i32
      %sign3A_105 = arith.cmpi sgt, %sub3A_102, %sign3A : i32
      %sign3A_106 = arith.extui %sign3A_105 : i1 to i32
      %sign3A_107 = arith.constant 0 : i32
      %sign3A_108 = arith.cmpi slt, %sub3A_102, %sign3A_107 : i32
      %sign3A_109 = arith.extui %sign3A_108 : i1 to i32
      %sign3A_110 = arith.subi %sign3A_106, %sign3A_109 : i32
      %sign3A_111 = arith.constant 0 : i32
      %sign3A_112 = arith.cmpi sgt, %jit3A_103, %sign3A_111 : i32
      %sign3A_113 = arith.extui %sign3A_112 : i1 to i32
      %sign3A_114 = arith.constant 0 : i32
      %sign3A_115 = arith.cmpi slt, %jit3A_103, %sign3A_114 : i32
      %sign3A_116 = arith.extui %sign3A_115 : i1 to i32
      %sign3A_117 = arith.subi %sign3A_113, %sign3A_116 : i32
      %ne3A = arith.cmpi ne, %sign3A_110, %sign3A_117 : i32
      %rem3A = arith.remsi %sub3A_102, %jit3A_103 : i32
      %ne3A_118 = arith.constant 0 : i32
      %ne3A_119 = arith.cmpi ne, %rem3A, %ne3A_118 : i32
      %and3A = arith.andi %ne3A, %ne3A_119 : i1
      %sub3A_120 = arith.constant 1 : i32
      %sub3A_121 = arith.subi %div3A_104, %sub3A_120 : i32
      %select_n3A_122 = arith.select %and3A, %sub3A_121, %div3A_104 : i32
      %add3A_123 = arith.addi %scan3A_100, %select_n3A_122 : i32
      %ge3A = vector.broadcast %add3A_123 : i32 to vector<1280x128xi32>
      %ge3A_124 = arith.cmpi sge, %select_n3A, %ge3A : vector<1280x128xi32>
      %convert_element_type3A_125 = arith.extui %ge3A_124 : vector<1280x128xi1> to vector<1280x128xi32>
      %reduce_sum3A_126 = vector.shape_cast %convert_element_type3A_125 : vector<1280x128xi32> to vector<1x1280x128xi32>
      %reduce_sum3A_127 = arith.constant dense<0> : vector<1xi32>
      %reduce_sum3A_128 = vector.multi_reduction <add>, %reduce_sum3A_126, %reduce_sum3A_127 [1, 2] : vector<1x1280x128xi32> to vector<1xi32>
      %reduce_sum3A_129 = vector.shape_cast %reduce_sum3A_128 : vector<1xi32> to vector<1x1x1xi32>
      %reduce_sum3A_130 = vector.extract %reduce_sum3A_129[0, 0, 0] : i32 from vector<1x1x1xi32>
      %ge3A_131 = arith.constant 80000 : i32
      %ge3A_132 = arith.cmpi sge, %reduce_sum3A_130, %ge3A_131 : i32
      %select_n3A_133 = arith.select %ge3A_132, %add3A_123, %scan3A_100 : i32
      %select_n3A_134 = arith.select %ge3A_132, %scan3A_101, %add3A_123 : i32
      scf.yield %select_n3A_133, %select_n3A_134 : i32, i32
    }
    %gt3A = vector.broadcast %scan3A_18#0 : i32 to vector<1280x128xi32>
    %gt3A_19 = arith.cmpi sgt, %select_n3A, %gt3A : vector<1280x128xi32>
    %convert_element_type3A = arith.extui %gt3A_19 : vector<1280x128xi1> to vector<1280x128xi32>
    %reduce_sum3A = vector.shape_cast %convert_element_type3A : vector<1280x128xi32> to vector<1x1280x128xi32>
    %reduce_sum3A_20 = arith.constant dense<0> : vector<1xi32>
    %reduce_sum3A_21 = vector.multi_reduction <add>, %reduce_sum3A, %reduce_sum3A_20 [1, 2] : vector<1x1280x128xi32> to vector<1xi32>
    %reduce_sum3A_22 = vector.shape_cast %reduce_sum3A_21 : vector<1xi32> to vector<1x1x1xi32>
    %reduce_sum3A_23 = vector.extract %reduce_sum3A_22[0, 0, 0] : i32 from vector<1x1x1xi32>
    %jit3A_24 = arith.constant 0.000000e+00 : f32
    %broadcast_in_dim3A_25 = vector.broadcast %jit3A_24 : f32 to vector<1280x128xf32>
    %select_n3A_26 = arith.select %gt3A_19, %get3A_6, %broadcast_in_dim3A_25 : vector<1280x128xi1>, vector<1280x128xf32>
    %reduce_sum3A_27 = vector.shape_cast %select_n3A_26 : vector<1280x128xf32> to vector<1x1280x128xf32>
    %reduce_sum3A_28 = arith.constant dense<0.000000e+00> : vector<1xf32>
    %reduce_sum3A_29 = vector.multi_reduction <add>, %reduce_sum3A_27, %reduce_sum3A_28 [1, 2] : vector<1x1280x128xf32> to vector<1xf32>
    %reduce_sum3A_30 = vector.shape_cast %reduce_sum3A_29 : vector<1xf32> to vector<1x1x1xf32>
    %reduce_sum3A_31 = vector.extract %reduce_sum3A_30[0, 0, 0] : f32 from vector<1x1x1xf32>
    %bitcast_convert_type3A_32 = arith.bitcast %scan3A_18#0 : i32 to f32
    %sub3A = arith.constant 80000 : i32
    %sub3A_33 = arith.subi %sub3A, %reduce_sum3A_23 : i32
    %convert_element_type3A_34 = arith.sitofp %sub3A_33 : i32 to f32
    %mul3A_35 = arith.mulf %convert_element_type3A_34, %bitcast_convert_type3A_32 : f32
    %add3A_36 = arith.addf %reduce_sum3A_31, %mul3A_35 : f32
    %div3A = arith.constant 8.000000e+04 : f32
    %div3A_37 = arith.divf %add3A_36, %div3A : f32
    %broadcast_in_dim3A_38 = vector.broadcast %div3A_37 : f32 to vector<128xf32>
    %swap3A_39 = arith.constant 0 : index
    %swap3A_40 = arith.constant 0 : index
    %swap3A_41 = vector.load %arg1[%swap3A_39, %swap3A_40] : memref<8x128xf32, #tpu.memory_space<vmem>>, vector<1x128xf32>
    %swap3A_42 = vector.shape_cast %swap3A_41 : vector<1x128xf32> to vector<128xf32>
    %swap3A_43 = vector.shape_cast %broadcast_in_dim3A_38 : vector<128xf32> to vector<1x128xf32>
    tpu.vector_store %arg1[%swap3A_39, %swap3A_40], %swap3A_43 {strides = array<i32>} : memref<8x128xf32, #tpu.memory_space<vmem>>, vector<1x128xf32>,
    %get3A_44 = arith.constant 1 : index
    %get3A_45 = arith.constant 0 : index
    %get3A_46 = arith.constant 0 : index
    %get3A_47 = vector.load %arg0[%get3A_44, %get3A_45, %get3A_46] : memref<2x1280x128xf32, #tpu.memory_space<vmem>>, vector<1x1280x128xf32>
    %get3A_48 = vector.shape_cast %get3A_47 : vector<1x1280x128xf32> to vector<1280x128xf32>
    %bitcast_convert_type3A_49 = tpu.bitcast %get3A_48 : vector<1280x128xf32> -> vector<1280x128xi32>
    %iota3A_50 = tpu.iota {dimensions = array<i32: 0>} : vector<1280x128xi32>
    %iota3A_51 = tpu.iota {dimensions = array<i32: 1>} : vector<1280x128xi32>
    %mul3A_52 = arith.constant 128 : i32
    %mul3A_53 = vector.broadcast %mul3A_52 : i32 to vector<1280x128xi32>
    %mul3A_54 = arith.muli %iota3A_50, %mul3A_53 : vector<1280x128xi32>
    %add3A_55 = arith.addi %mul3A_54, %iota3A_51 : vector<1280x128xi32>
    %lt3A_56 = arith.constant 160000 : i32
    %lt3A_57 = vector.broadcast %lt3A_56 : i32 to vector<1280x128xi32>
    %lt3A_58 = arith.cmpi slt, %add3A_55, %lt3A_57 : vector<1280x128xi32>
    %jit3A_59 = arith.constant -1 : i32
    %broadcast_in_dim3A_60 = vector.broadcast %jit3A_59 : i32 to vector<1280x128xi32>
    %select_n3A_61 = arith.select %lt3A_58, %bitcast_convert_type3A_49, %broadcast_in_dim3A_60 : vector<1280x128xi1>, vector<1280x128xi32>
    %scan3A_62 = arith.constant 0 : i32
    %scan3A_63 = arith.constant 2139095040 : i32
    %scan3A_64 = arith.constant 0 : i32
    %scan3A_65 = arith.constant 31 : i32
    %scan3A_66 = arith.addi %scan3A_64, %scan3A_65 : i32
    %scan3A_67 = arith.constant 1 : i32
    %scan3A_68:2 = scf.for %scan3A_99 = %scan3A_64 to %scan3A_66 step %scan3A_67 iter_args(%scan3A_100 = %scan3A_62, %scan3A_101 = %scan3A_63) -> (i32, i32)  : i32 {
      %sub3A_102 = arith.subi %scan3A_101, %scan3A_100 : i32
      %jit3A_103 = arith.constant 2 : i32
      %div3A_104 = arith.divsi %sub3A_102, %jit3A_103 : i32
      %sign3A = arith.constant 0 : i32
      %sign3A_105 = arith.cmpi sgt, %sub3A_102, %sign3A : i32
      %sign3A_106 = arith.extui %sign3A_105 : i1 to i32
      %sign3A_107 = arith.constant 0 : i32
      %sign3A_108 = arith.cmpi slt, %sub3A_102, %sign3A_107 : i32
      %sign3A_109 = arith.extui %sign3A_108 : i1 to i32
      %sign3A_110 = arith.subi %sign3A_106, %sign3A_109 : i32
      %sign3A_111 = arith.constant 0 : i32
      %sign3A_112 = arith.cmpi sgt, %jit3A_103, %sign3A_111 : i32
      %sign3A_113 = arith.extui %sign3A_112 : i1 to i32
      %sign3A_114 = arith.constant 0 : i32
      %sign3A_115 = arith.cmpi slt, %jit3A_103, %sign3A_114 : i32
      %sign3A_116 = arith.extui %sign3A_115 : i1 to i32
      %sign3A_117 = arith.subi %sign3A_113, %sign3A_116 : i32
      %ne3A = arith.cmpi ne, %sign3A_110, %sign3A_117 : i32
      %rem3A = arith.remsi %sub3A_102, %jit3A_103 : i32
      %ne3A_118 = arith.constant 0 : i32
      %ne3A_119 = arith.cmpi ne, %rem3A, %ne3A_118 : i32
      %and3A = arith.andi %ne3A, %ne3A_119 : i1
      %sub3A_120 = arith.constant 1 : i32
      %sub3A_121 = arith.subi %div3A_104, %sub3A_120 : i32
      %select_n3A_122 = arith.select %and3A, %sub3A_121, %div3A_104 : i32
      %add3A_123 = arith.addi %scan3A_100, %select_n3A_122 : i32
      %ge3A = vector.broadcast %add3A_123 : i32 to vector<1280x128xi32>
      %ge3A_124 = arith.cmpi sge, %select_n3A_61, %ge3A : vector<1280x128xi32>
      %convert_element_type3A_125 = arith.extui %ge3A_124 : vector<1280x128xi1> to vector<1280x128xi32>
      %reduce_sum3A_126 = vector.shape_cast %convert_element_type3A_125 : vector<1280x128xi32> to vector<1x1280x128xi32>
      %reduce_sum3A_127 = arith.constant dense<0> : vector<1xi32>
      %reduce_sum3A_128 = vector.multi_reduction <add>, %reduce_sum3A_126, %reduce_sum3A_127 [1, 2] : vector<1x1280x128xi32> to vector<1xi32>
      %reduce_sum3A_129 = vector.shape_cast %reduce_sum3A_128 : vector<1xi32> to vector<1x1x1xi32>
      %reduce_sum3A_130 = vector.extract %reduce_sum3A_129[0, 0, 0] : i32 from vector<1x1x1xi32>
      %ge3A_131 = arith.constant 80000 : i32
      %ge3A_132 = arith.cmpi sge, %reduce_sum3A_130, %ge3A_131 : i32
      %select_n3A_133 = arith.select %ge3A_132, %add3A_123, %scan3A_100 : i32
      %select_n3A_134 = arith.select %ge3A_132, %scan3A_101, %add3A_123 : i32
      scf.yield %select_n3A_133, %select_n3A_134 : i32, i32
    }
    %gt3A_69 = vector.broadcast %scan3A_68#0 : i32 to vector<1280x128xi32>
    %gt3A_70 = arith.cmpi sgt, %select_n3A_61, %gt3A_69 : vector<1280x128xi32>
    %convert_element_type3A_71 = arith.extui %gt3A_70 : vector<1280x128xi1> to vector<1280x128xi32>
    %reduce_sum3A_72 = vector.shape_cast %convert_element_type3A_71 : vector<1280x128xi32> to vector<1x1280x128xi32>
    %reduce_sum3A_73 = arith.constant dense<0> : vector<1xi32>
    %reduce_sum3A_74 = vector.multi_reduction <add>, %reduce_sum3A_72, %reduce_sum3A_73 [1, 2] : vector<1x1280x128xi32> to vector<1xi32>
    %reduce_sum3A_75 = vector.shape_cast %reduce_sum3A_74 : vector<1xi32> to vector<1x1x1xi32>
    %reduce_sum3A_76 = vector.extract %reduce_sum3A_75[0, 0, 0] : i32 from vector<1x1x1xi32>
    %jit3A_77 = arith.constant 0.000000e+00 : f32
    %broadcast_in_dim3A_78 = vector.broadcast %jit3A_77 : f32 to vector<1280x128xf32>
    %select_n3A_79 = arith.select %gt3A_70, %get3A_48, %broadcast_in_dim3A_78 : vector<1280x128xi1>, vector<1280x128xf32>
    %reduce_sum3A_80 = vector.shape_cast %select_n3A_79 : vector<1280x128xf32> to vector<1x1280x128xf32>
    %reduce_sum3A_81 = arith.constant dense<0.000000e+00> : vector<1xf32>
    %reduce_sum3A_82 = vector.multi_reduction <add>, %reduce_sum3A_80, %reduce_sum3A_81 [1, 2] : vector<1x1280x128xf32> to vector<1xf32>
    %reduce_sum3A_83 = vector.shape_cast %reduce_sum3A_82 : vector<1xf32> to vector<1x1x1xf32>
    %reduce_sum3A_84 = vector.extract %reduce_sum3A_83[0, 0, 0] : f32 from vector<1x1x1xf32>
    %bitcast_convert_type3A_85 = arith.bitcast %scan3A_68#0 : i32 to f32
    %sub3A_86 = arith.constant 80000 : i32
    %sub3A_87 = arith.subi %sub3A_86, %reduce_sum3A_76 : i32
    %convert_element_type3A_88 = arith.sitofp %sub3A_87 : i32 to f32
    %mul3A_89 = arith.mulf %convert_element_type3A_88, %bitcast_convert_type3A_85 : f32
    %add3A_90 = arith.addf %reduce_sum3A_84, %mul3A_89 : f32
    %div3A_91 = arith.constant 8.000000e+04 : f32
    %div3A_92 = arith.divf %add3A_90, %div3A_91 : f32
    %broadcast_in_dim3A_93 = vector.broadcast %div3A_92 : f32 to vector<128xf32>
    %swap3A_94 = arith.constant 1 : index
    %swap3A_95 = arith.constant 0 : index
    %swap3A_96 = vector.load %arg1[%swap3A_94, %swap3A_95] : memref<8x128xf32, #tpu.memory_space<vmem>>, vector<1x128xf32>
    %swap3A_97 = vector.shape_cast %swap3A_96 : vector<1x128xf32> to vector<128xf32>
    %swap3A_98 = vector.shape_cast %broadcast_in_dim3A_93 : vector<128xf32> to vector<1x128xf32>
    tpu.vector_store %arg1[%swap3A_94, %swap3A_95], %swap3A_98 {strides = array<i32>} : memref<8x128xf32, #tpu.memory_space<vmem>>, vector<1x128xf32>,
    return
  }
}

module attributes {stable_mosaic.version = 14 : i64} {
  func.func @_combine_body(%arg0: memref<2x2x1024x128xbf16, #tpu.memory_space<vmem>>, %arg1: memref<2x1024x128xf32, #tpu.memory_space<vmem>>, %arg2: memref<1024x128xf32, #tpu.memory_space<vmem>>) attributes {dimension_semantics = [], scalar_prefetch = 0 : i64, scratch_operands = 0 : i64, tpu.core_type = #tpu.core_type<tc>} {
    %get3A = arith.constant 0 : index
    %get3A_0 = arith.constant 0 : index
    %get3A_1 = arith.constant 0 : index
    %get3A_2 = vector.load %arg1[%get3A, %get3A_0, %get3A_1] : memref<2x1024x128xf32, #tpu.memory_space<vmem>>, vector<1x1024x128xf32>
    %get3A_3 = vector.shape_cast %get3A_2 : vector<1x1024x128xf32> to vector<1024x128xf32>
    %get3A_4 = arith.constant 1 : index
    %get3A_5 = arith.constant 0 : index
    %get3A_6 = arith.constant 0 : index
    %get3A_7 = vector.load %arg1[%get3A_4, %get3A_5, %get3A_6] : memref<2x1024x128xf32, #tpu.memory_space<vmem>>, vector<1x1024x128xf32>
    %get3A_8 = vector.shape_cast %get3A_7 : vector<1x1024x128xf32> to vector<1024x128xf32>
    %add3A = arith.addf %get3A_3, %get3A_8 : vector<1024x128xf32>
    %mul3A = arith.constant 5.000000e-01 : f32
    %mul3A_9 = vector.broadcast %mul3A : f32 to vector<1024x128xf32>
    %mul3A_10 = arith.mulf %add3A, %mul3A_9 : vector<1024x128xf32>
    %get3A_11 = arith.constant 0 : index
    %get3A_12 = arith.constant 0 : index
    %get3A_13 = arith.constant 0 : index
    %get3A_14 = arith.constant 0 : index
    %get3A_15 = vector.load %arg0[%get3A_11, %get3A_12, %get3A_13, %get3A_14] : memref<2x2x1024x128xbf16, #tpu.memory_space<vmem>>, vector<1x1x1024x128xbf16>
    %get3A_16 = vector.shape_cast %get3A_15 : vector<1x1x1024x128xbf16> to vector<1024x128xbf16>
    %convert_element_type3A = arith.extf %get3A_16 : vector<1024x128xbf16> to vector<1024x128xf32>
    %add3A_17 = arith.addf %mul3A_10, %convert_element_type3A : vector<1024x128xf32>
    %get3A_18 = arith.constant 0 : index
    %get3A_19 = arith.constant 1 : index
    %get3A_20 = arith.constant 0 : index
    %get3A_21 = arith.constant 0 : index
    %get3A_22 = vector.load %arg0[%get3A_18, %get3A_19, %get3A_20, %get3A_21] : memref<2x2x1024x128xbf16, #tpu.memory_space<vmem>>, vector<1x1x1024x128xbf16>
    %get3A_23 = vector.shape_cast %get3A_22 : vector<1x1x1024x128xbf16> to vector<1024x128xbf16>
    %convert_element_type3A_24 = arith.extf %get3A_23 : vector<1024x128xbf16> to vector<1024x128xf32>
    %add3A_25 = arith.addf %add3A_17, %convert_element_type3A_24 : vector<1024x128xf32>
    %get3A_26 = arith.constant 1 : index
    %get3A_27 = arith.constant 0 : index
    %get3A_28 = arith.constant 0 : index
    %get3A_29 = arith.constant 0 : index
    %get3A_30 = vector.load %arg0[%get3A_26, %get3A_27, %get3A_28, %get3A_29] : memref<2x2x1024x128xbf16, #tpu.memory_space<vmem>>, vector<1x1x1024x128xbf16>
    %get3A_31 = vector.shape_cast %get3A_30 : vector<1x1x1024x128xbf16> to vector<1024x128xbf16>
    %convert_element_type3A_32 = arith.extf %get3A_31 : vector<1024x128xbf16> to vector<1024x128xf32>
    %add3A_33 = arith.addf %add3A_25, %convert_element_type3A_32 : vector<1024x128xf32>
    %get3A_34 = arith.constant 1 : index
    %get3A_35 = arith.constant 1 : index
    %get3A_36 = arith.constant 0 : index
    %get3A_37 = arith.constant 0 : index
    %get3A_38 = vector.load %arg0[%get3A_34, %get3A_35, %get3A_36, %get3A_37] : memref<2x2x1024x128xbf16, #tpu.memory_space<vmem>>, vector<1x1x1024x128xbf16>
    %get3A_39 = vector.shape_cast %get3A_38 : vector<1x1x1024x128xbf16> to vector<1024x128xbf16>
    %convert_element_type3A_40 = arith.extf %get3A_39 : vector<1024x128xbf16> to vector<1024x128xf32>
    %add3A_41 = arith.addf %add3A_33, %convert_element_type3A_40 : vector<1024x128xf32>
    %max3A = arith.constant 0.000000e+00 : f32
    %max3A_42 = vector.broadcast %max3A : f32 to vector<1024x128xf32>
    %max3A_43 = arith.maximumf %add3A_41, %max3A_42 : vector<1024x128xf32>
    %swap3A = arith.constant 0 : index
    %swap3A_44 = arith.constant 0 : index
    %swap3A_45 = vector.load %arg2[%swap3A, %swap3A_44] : memref<1024x128xf32, #tpu.memory_space<vmem>>, vector<1024x128xf32>
    tpu.vector_store %arg2[%swap3A, %swap3A_44], %max3A_43 {strides = array<i32>} : memref<1024x128xf32, #tpu.memory_space<vmem>>, vector<1024x128xf32>,
    return
  }
}

</mosaic_0001>

<sc_bundles>
// kernel: kernel.10.cloned.1.call-start
scs
__scs_entry_jumppad:
0x0: {  	(pc) =	sbr.rel $0x88, $3  }
0x1: {  	(tag) =	ssettag $0x0;
	lr =	simm.s32 $0x1  }
0x2: {  	[smem:$0x3F99] =	sst lr;
	_ =	strace $0xD0000000  }
0x3: {  	_ = 	snop  }
0x4: {  	_ = 	snop  }
0x5: {  	_ = 	snop  }
0x6: {  	_ = 	snop  }
0x7: {  	_ = 	snop  }
__scs_overlays_trampoline_lowered:
0x8: {  	[smem:$0x3FA8] =	sst s0  }
0x9: {  	[smem:$0x3FA9] =	sst s1  }
0xa: {  	[smem:$0x3FAA] =	sst s2  }
0xb: {  	[smem:$0x3FAB] =	sst s3  }
0xc: {  	[smem:$0x3FAC] =	sst s4  }
0xd: {  	[smem:$0x3FAD] =	sst s5  }
0xe: {  	[smem:$0x3FAE] =	sst s6  }
0xf: {  	[smem:$0x3FAF] =	sst s7  }
0x10: {  	[smem:$0x3FB0] =	sst s8  }
0x11: {  	[smem:$0x3FB1] =	sst s9;
	s0 =	simm.s32 @!p0 $0x0  }
0x12: {  	s1 =	sld [smem:$0x3F97];
	s0 =	simm.s32 @p0 $0x1  }
0x13: {  	[smem:$0x3FB2] =	sst s0;
	s0 =	simm.s32 @!p1 $0x0  }
0x14: {  	s2 =	sld [smem:$0x3F96];
	s0 =	simm.s32 @p1 $0x1  }
0x15: {  	[smem:$0x3FB3] =	sst s0;
	s0 =	simm.s32 @!p2 $0x0  }
0x16: {  	s3 =	sld [smem:$0x3FDB];
	s0 =	simm.s32 @p2 $0x1  }
0x17: {  	s4 =	simm.s32 $0x1BF5;
	[smem:$0x3FB5] =	sst s0  }
0x18: {  	s0 =	sld [smem:$0x3F98];
	_ =	swait.ge [sflag:s4], $0x0  }
0x19: {  	s7 =	sld [smem:$0x3F99]  }
0x1a: {  	s8 =	sadd.s32 $0xFFFFE003, lr  }
0x1b: {  	s9 =	sadd.s32 $0xFFFFFEF7, lr;
	s5 =	simm.s32 $0xFFFFFFFF;
	p2 =	slt.u32 s8, $0xFFFFF086  }
0x1c: {  	p1 =	slt.u32 s9, $0xF7A;
	s5 =	simm.s32 @!p2 $0x0  }
0x1d: {  	s5 =	simm.s32 @p1 $0x1;
	p0 =	seq.s32 s7, s2  }
0x1e: {  	s7 =	smul.u32 @!p0 $0xF7A, s2;
	p2 =	seq.s32 @!p0 s5, $0x0  }
0x1f: {  	s9 =	smul.u32 $0xF7A, s1;
	s8 =	simm.s32 @!p0 $0x1BF5;
	p2 =	por !p2, p0  }
0x20: {  	[sflag:s8] =	ssyncset.s32 @!p0 $0xFFFFF086;
	s6 =	sadd.s32 @!p0 s3, s7;
	s7 =	simm.s32 @!p0 $0x108  }
0x21: {  	s3 =	sadd.s32 s3, s9;
	s6 =	sadd.s32 @!p0 $0x88, s6;
	s7 =	simm.s32 @p2 $0x1082  }
0x22: {  	[simem:s7], [sflag:s8] =	dma.local @!p0 [hbm:s6], $0xF7A  }
0x23: {  	s9 =	sor.u32 $0xD0000000, s2;
	s6 =	simm.s32 $0x108;
	_ =	swait.ge @!p0 [sflag:s8], $0x0  }
0x24: {  	s3 =	sadd.s32 $0x88, s3;
	s6 =	simm.s32 @!p1 $0x1082;
	[sflag:s4] =	ssyncset.s32 $0xFFFFF086  }
0x25: {  	[simem:s6], [sflag:s4] =	dma.local [hbm:s3], $0xF7A  }
0x26: {  	[smem:$0x3F99] =	sst s1;
	(tag) =	ssettag s2;
	_ =	strace s9  }
0x27: {  	s1 =	sld [smem:$0x3FA9]  }
0x28: {  	s2 =	sld [smem:$0x3FAA]  }
0x29: {  	s4 =	sld [smem:$0x3FAC]  }
0x2a: {  	p0 =	seq.s32 s5, $0x0;
	s5 =	sld [smem:$0x3FAD]  }
0x2b: {  	s6 =	sld [smem:$0x3FAE]  }
0x2c: {  	s7 =	sld [smem:$0x3FAF]  }
0x2d: {  	s3 =	simm.s32 $0x108;
	s8 =	sld [smem:$0x3FB0]  }
0x2e: {  	s3 =	simm.s32 @!p0 $0x1082;
	s9 =	sld [smem:$0x3FB1]  }
0x2f: {  	lr =	sadd.s32 s0, s3;
	s0 =	sld [smem:$0x3FA8]  }
0x30: {  	s3 =	sld [smem:$0x3FAB]  }
0x31: {  	[smem:$0x3FB4] =	sst s10  }
0x32: {  	s10 =	sld [smem:$0x3FB2];
	_ =	sdelay $0x3  }
0x33: {  	p0 =	seq.s32 s10, $0x1;
	s10 =	sld [smem:$0x3FB4];
	_ =	sdelay $0x3  }
0x34: {  	[smem:$0x3FB4] =	sst s10  }
0x35: {  	s10 =	sld [smem:$0x3FB3];
	_ =	sdelay $0x3  }
0x36: {  	p1 =	seq.s32 s10, $0x1;
	s10 =	sld [smem:$0x3FB4];
	_ =	sdelay $0x3  }
0x37: {  	[smem:$0x3FB4] =	sst s10  }
0x38: {  	s10 =	sld [smem:$0x3FB5]  }
0x39: {  	_ = 	snop;
	(pc) =	sbr.ind lr, $3  }
0x3a: {  	_ = 	snop  }
0x3b: {  	_ = 	snop  }
0x3c: {  	p2 =	seq.s32 s10, $0x1;
	s10 =	sld [smem:$0x3FB4]  }
0x3d: {  	_ =	shalt  }
0x3e: {  	_ =	shalt  }
0x3f: {  	_ =	shalt  }
0x40: {  	_ =	shalt  }
0x41: {  	_ =	shalt  }
0x42: {  	_ =	shalt  }
0x43: {  	_ =	shalt  }
0x44: {  	_ =	shalt  }
0x45: {  	_ =	shalt  }
0x46: {  	_ =	shalt  }
0x47: {  	_ =	shalt  }
0x48: {  	_ =	shalt  }
0x49: {  	_ =	shalt  }
0x4a: {  	_ =	shalt  }
0x4b: {  	_ =	shalt  }
0x4c: {  	_ =	shalt  }
0x4d: {  	_ =	shalt  }
0x4e: {  	_ =	shalt  }
0x4f: {  	_ =	shalt  }
0x50: {  	_ =	shalt  }
0x51: {  	_ =	shalt  }
0x52: {  	_ =	shalt  }
0x53: {  	_ =	shalt  }
0x54: {  	_ =	shalt  }
0x55: {  	_ =	shalt  }
0x56: {  	_ =	shalt  }
0x57: {  	_ =	shalt  }
0x58: {  	_ =	shalt  }
0x59: {  	_ =	shalt  }
0x5a: {  	_ =	shalt  }
0x5b: {  	_ =	shalt  }
0x5c: {  	_ =	shalt  }
0x5d: {  	_ =	shalt  }
0x5e: {  	_ =	shalt  }
0x5f: {  	_ =	shalt  }
0x60: {  	_ =	shalt  }
0x61: {  	_ =	shalt  }
0x62: {  	_ =	shalt  }
0x63: {  	_ =	shalt  }
0x64: {  	_ =	shalt  }
0x65: {  	_ =	shalt  }
0x66: {  	_ =	shalt  }
0x67: {  	_ =	shalt  }
0x68: {  	_ =	shalt  }
0x69: {  	_ =	shalt  }
0x6a: {  	_ =	shalt  }
0x6b: {  	_ =	shalt  }
0x6c: {  	_ =	shalt  }
0x6d: {  	_ =	shalt  }
0x6e: {  	_ =	shalt  }
0x6f: {  	_ =	shalt  }
0x70: {  	_ =	shalt  }
0x71: {  	_ =	shalt  }
0x72: {  	_ =	shalt  }
0x73: {  	_ =	shalt  }
0x74: {  	_ =	shalt  }
0x75: {  	_ =	shalt  }
0x76: {  	_ =	shalt  }
0x77: {  	_ =	shalt  }
0x78: {  	_ =	shalt  }
0x79: {  	_ =	shalt  }
0x7a: {  	_ =	shalt  }
0x7b: {  	_ =	shalt  }
0x7c: {  	_ =	shalt  }
0x7d: {  	_ =	shalt  }
0x7e: {  	_ =	shalt  }
0x7f: {  	_ =	shalt  }
0x80: {  	_ =	shalt  }
0x81: {  	_ =	shalt  }
0x82: {  	_ =	shalt  }
0x83: {  	_ =	shalt  }
0x84: {  	_ =	shalt  }
0x85: {  	_ =	shalt  }
0x86: {  	_ =	shalt  }
0x87: {  	_ =	shalt  }
.Lfunc_end0:
.L_simem_size_0:
called_computation.1_lowered:
.L_overlay_start_0:
0x88: {  	s2 =	sld [smem:$0x3FD9]  }
0x89: {  	s3 =	sld [smem:$0x3FFE];
	_ =	sdelay $0x1  }
0x8a: {  	s1 =	srdreg.scid  }
0x8b: {  	s0 =	sand.u32 $0x1, s1  }
0x8c: {  	s17 =	sshll.u32 s0, $0xA;
	s2 =	sadd.s32 s3, s2  }
0x8d: {  	s2 =	sadd.s32 s2, s17  }
0x8e: {  	[smem:$0x3FC0] =	sst s2  }
0x8f: {  	_ = 	snop  }
0x90: {  	s2 =	sld [smem:$0x3FD0];
	(tm) =	ssettm $0x1  }
0x91: {  	s18 =	sld [smem:$0x3FFB];
	_ =	sdelay $0x3  }
0x92: {  	_ =	strace s18  }
0x93: {  	s3 =	sld [smem:$0x3FFC];
	_ =	sdelay $0x3  }
0x94: {  	_ =	strace s3  }
0x95: {  	s3 =	sld [smem:$0x3FFD];
	_ =	sdelay $0x3  }
0x96: {  	_ =	strace s3  }
0x97: {  	_ =	strace $0x8FFFFFFF  }
0x98: {  	s19 =	sld [smem:$0x3FDB];
	_ =	sdelay $0x1  }
0x99: {  	s4 =	simm.s32 $_scs_section_size  }
0x9a: {  	s5 =	simm.s32 $_size__tile_overlayer_lowered;
	s6 =	simm.s32 $_tile_overlayer_lowered  }
0x9b: {  	s22 =	simm.s32 $0x1BFF;
	s21 =	sshll.u32 s6, $0x1;
	s3 =	sadd.s32 s4, s19  }
0x9c: {  	s7 =	simm.s32 $0x0;
	s20 =	sshll.u32 s5, $0x1;
	s5 =	sadd.s32 s21, s3  }
0x9d: {  	[timem:s7], [sflag:s22] =	dma.local [hbm:s5], s20  }
0x9e: {  	_ =	swait.ge [sflag:s22], s20  }
0x9f: {  	s4 =	ssub.s32 $0x0, s20;
	[sflag:s22] =	ssyncset.done $0x0  }
0xa0: {  	[sflag:s22] =	ssyncadd.s32 s4;
	_ =	sdelay $0x1  }
0xa1: {  	s23 =	simm.s32 $0x1B8B  }
0xa2: {  	_ =	swait.ge [sflag:s23], $0x1  }
0xa3: {  	[sflag:s23] =	ssyncset.done $0x0  }
0xa4: {  	s25 =	simm.s32 $0x1B8E;
	s24 =	sld [smem:$0x3FFE];
	[sflag:s23] =	ssyncadd.s32 $0xFFFFFFFF  }
0xa5: {  	s26 =	simm.s32 $execute0_lowered;
	[smem:$0x3FD2] =	sst s25  }
0xa6: {  	s5 =	sshll.u32 s26, $0x1;
	_ =	strace $0x80000049;
	[dreg:$0x1] =	wrdreg $0xFFFFFFFF  }
0xa7: {  	s28 =	simm.s32 $_size_execute0_lowered;
	s3 =	sadd.s32 s3, s5;
	[dreg:$0x0] =	wrdreg $0x0  }
0xa8: {  	s5 =	sshll.u32 s28, $0x1;
	[dreg:$0x2] =	wrdreg s3  }
0xa9: {  	[dreg:$0x3] =	wrdreg s5  }
0xaa: {  	[dreg:$0x4] =	wrdreg $0xC0  }
0xab: {  	_ =	task [dreg:s7], $0x5FFFF  }
0xac: {  	[dreg:$0x1] =	wrdreg $0xFFFFFFFF  }
0xad: {  	[dreg:$0x0] =	wrdreg $0x60  }
0xae: {  	[dreg:$0x2] =	wrdreg s24  }
0xaf: {  	[dreg:$0x3] =	wrdreg s2  }
0xb0: {  	[dreg:$0x4] =	wrdreg $0x114B00  }
0xb1: {  	[dreg:$0x5] =	wrdreg $0x9  }
0xb2: {  	_ =	task.clear_ibuf [dreg:s7], $0x6FFFF;
	_ =	strace $0x90000049  }
0xb3: {  	s29 =	simm.s32 $0x9;
	_ =	strace $0x8000004B  }
0xb4: {  	_ =	swait.ge [sflag:s29], $0x1  }
0xb5: {  	[sflag:s29] =	ssyncadd.s32 $0xFFFFFFFF  }
0xb6: {  	_ =	strace $0x9000004B  }
0xb7: {  	_ =	sfence  }
0xb8: {  	s30 =	sld [smem:$0x0];
	_ =	sdelay $0x2  }
0xb9: {  	s31 =	sshll.u32 s1, $0xD;
	s1 =	sshrl.u32 s1, $0x2  }
0xba: {  	s3 =	sand.u32 $0x4000, s31;
	s1 =	sadd.s32 s1, s30  }
0xbb: {  	s0 =	sor.u32 s3, s0;
	s1 =	sshll.u32 s1, $0x11  }
0xbc: {  	s0 =	sor.u32 s1, s0  }
0xbd: {  	s0 =	sadd.s32 $0x8F2B, s0  }
0xbe: {  	[sflag:s0] =	ssyncadd.remote.s32 $0x1  }
0xbf: {  	_ =	sfence.sel $0xFFFF  }
0xc0: {  	[dreg:$0x0] =	wrdreg $0xFFFFFFFF;
	(pc) =	sbr.abs _section_cstart, $3  }
0xc1: {  	[dreg:$0x1] =	wrdreg $0xFFFFFFFF  }
0xc2: {  	_ =	task.clear_ibuf [dreg:s7], $0x2FFFF;
	_ =	strace $0x9FFFFFFF  }
0xc3: {  	(tm) =	ssettm $0x7FFFFFFF  }
tec
execute0_lowered:
.L_overlay_start_1:
0x0: {  	(tag) =	ssettag $0x1  }
0x1: {  	s0 =	rddreg [dreg:$0x0]  }
0x2: {  	s2 =	rddreg [dreg:$0x2];
	s3 =	simm.s32 $0x0;
	s1 =	srdreg.scid  }
0x3: {  	s19 =	stileid.u32;
	[smem:$0x7FF] =	sst s3;
	s5 =	sadd.s32 $0x2600, s0  }
0x4: {  	s6 =	sadd.s32 $0x66200, s0;
	s1 =	sand.u32 $0x1, s1;
	s4 =	sadd.s32 $0x3E000, s0  }
0x5: {  	s8 =	sshll.u32 s19, $0x9;
	s9 =	sadd.s32 $0x52000, s0;
	s10 =	sadd.s32 $0x66000, s0  }
0x6: {  	s18 =	sshll.u32 s19, $0x1;
	s11 =	sshll.u32 s19, $0x2;
	_ =	strace $0x8000004A  }
0x7: {  	s7 =	sshll.u32 s1, $0xE;
	s12 =	ssub.s32 $0x2, s1;
	s11 =	sor.u32 s1, s11  }
0x8: {  	s7 =	sor.u32 s8, s7;
	s8 =	sor.u32 s1, s18;
	s15 =	smul.u32 $0x280, s11  }
0x9: {  	s13 =	sshrl.u32 s12, $0x1;
	s14 =	sor.u32 $0x2, s11;
	s1 =	smul.u32 $0x1388, s1  }
0xa: {  	s16 =	sor.u32 $0x40, s11;
	s21 =	sor.u32 $0x42, s11;
	s20 =	smul.u32 $0x280, s14  }
0xb: {  	s7 =	sadd.s32 s7, s0;
	s12 =	ssub.s32 s12, s13;
	s18 =	smul.u32 $0x280, s16  }
0xc: {  	s23 =	smul.u32 $0x280, s21;
	s21 =	sshll.u32 s21, $0x1;
	s17 =	sadd.s32 s4, s15  }
0xd: {  	s15 =	sadd.s32 s9, s15;
	s28 =	sadd.s32 $0x2BA00, s7;
	[dreg:$0x4] =	wrdreg s17  }
0xe: {  	s31 =	smax.u32 s12, $0x1;
	v0 =	vmov s1;
	s1 =	simm.s32 $0x20;
	[dreg:$0x5] =	wrdreg s15  }
0xf: {  	s22 =	sadd.s32 s4, s20;
	s13 =	sadd.s32 s9, s20;
	s24 =	sadd.s32 s4, s18  }
0x10: {  	s25 =	sadd.s32 s9, s18;
	s4 =	sadd.s32 s4, s23;
	[dreg:$0x6] =	wrdreg s22  }
0x11: {  	s26 =	sadd.s32 s9, s23;
	s9 =	sshll.u32 s8, $0x9;
	[dreg:$0x7] =	wrdreg s13  }
0x12: {  	s15 =	sshll.u32 s14, $0x1;
	s18 =	sshll.u32 s16, $0x1;
	[dreg:$0x8] =	wrdreg s24  }
0x13: {  	s8 =	sshll.u32 s8, $0x5;
	s23 =	sadd.s32 $0x29800, s0;
	[dreg:$0x9] =	wrdreg s25  }
0x14: {  	s14 =	simm.s32 $0x40;
	s16 =	simm.s32 $0x4;
	[dreg:$0xa] =	wrdreg s4  }
0x15: {  	s17 =	simm.s32 $0x2;
	[dreg:$0xb] =	wrdreg s26;
	s4 =	sadd.s32 s9, s0  }
0x16: {  	s13 =	sshll.u32 s11, $0x1;
	s20 =	sadd.s32 s10, s18;
	s22 =	sshll.u32 s19, $0x6  }
0x17: {  	[dreg:$0x10] =	wrdreg s23;
	s24 =	sadd.s32 $0x33800, s0;
	s23 =	sadd.s32 $0x33A00, s0  }
0x18: {  	s25 =	sadd.s32 $0x29810, s0;
	s0 =	sadd.s32 $0x33880, s0;
	[dreg:$0xe] =	wrdreg s20  }
0x19: {  	s26 =	sadd.s32 $0x29A00, s7;
	s18 =	simm.s32 $0xF4A0;
	[dreg:$0x11] =	wrdreg s24  }
0x1a: {  	s7 =	simm.s32 $0x0;
	s9 =	sadd.s32 s10, s13;
	[dreg:$0x12] =	wrdreg s25  }
.Ltmp0:
0x1b: {  	s19 =	sor.u32 $0x400, s22;
	[dreg:$0x13] =	wrdreg s0;
	(pc) =	sbr.rel .LBB2_1-.Ltmp0, $4  }
0x1c: {  	s20 =	sor.u32 $0x800, s8;
	[dreg:$0x14] =	wrdreg s26;
	s29 =	sadd.s32 $0x34000, s4  }
0x1d: {  	s30 =	sadd.s32 $0x38000, s4;
	[dreg:$0xc] =	wrdreg s9;
	s9 =	sadd.s32 s10, s15  }
0x1e: {  	s4 =	simm.s32 $0x5C20;
	[dreg:$0xd] =	wrdreg s9;
	s9 =	sadd.s32 s10, s21  }
0x1f: {  	v1 =	vimm.bf16 $0.0e+00;
	v2 =	vlaneseq.u32;
	s13 =	simm.s32 $0x1;
	s0 =	simm.s32 $0xD4A0;
	[dreg:$0xf] =	wrdreg s9  }
.LBB2_52:
0x20: {  	[sflag:s12] =	ssyncadd.s32 $0xFFFFF000  }
.LBB2_53:
0x21: {  	[bflag:$0x0] =	sbarrier.arrive $0xFFFF  }
0x22: {  	[tilespmem:s0], [sflag:$0x4] =	stream.indirect.gather [spmem:s2], $0x40, s19, s14, $0xb8;
	[tilespmem:$0x162F0] =	vst v63  }
0x23: {  	_ =	swait.ge [sflag:s16], $0x1000  }
0x24: {  	[sflag:s16] =	ssyncset.done $0x0  }
0x25: {  	[sflag:s16] =	ssyncadd.s32 $0xFFFFF000  }
0x26: {  	[hbm4b:s28+s3] =	stream.linear.scatter [tilespmem:s0], [sflag:$0x1], $0x1000, $0x38;
	[tilespmem:$0x162F0] =	vst v63  }
0x27: {  	_ = 	snop  }
0x28: {  	[tilespmem:s18], [sflag:$0x1] =	stream.indirect.gather [hbm4b:s5+s1], $0x80, s20, s1, $0xb8;
	[tilespmem:$0x162F0] =	vst v63  }
0x29: {  	_ =	swait.ge [sflag:s13], $0x1000  }
0x2a: {  	[sflag:s13] =	ssyncset.done $0x0  }
0x2b: {  	[sflag:s13] =	ssyncadd.s32 $0xFFFFF000  }
0x2c: {  	_ =	swait.ge [sflag:s13], $0x1000  }
0x2d: {  	s7 =	sadd.s32 $0x1, s7;
	[sflag:s13] =	ssyncset.done $0x0  }
0x2e: {  	p0 =	sne.s32 s7, s31;
	[sflag:s13] =	ssyncadd.s32 $0xFFFFF000  }
0x2f: {  	[hbm4b:s30+s3] =	stream.linear.scatter [tilespmem:s18], [sflag:$0x4], $0x1000, $0x38;
	[tilespmem:$0x162F0] =	vst v63  }
.Ltmp1:
0x30: {  	_ =	swait.ge [sflag:s16], $0x1000;
	(pc) =	sbr.rel @!p0 .LBB2_54-.Ltmp1, $3  }
0x31: {  	[sflag:s16] =	ssyncset.done $0x0  }
0x32: {  	[sflag:s16] =	ssyncadd.s32 $0xFFFFF000  }
0x33: {  	[bflag:$0x0] =	sbarrier.arrive $0xFFFF;
	_ =	sdelay $0x1  }
.LBB2_1:
0x34: {  	s8 =	sand.u32 $0x3F00, s3;
	s9 =	sand.u32 $0x60, s3  }
0x35: {  	s8 =	sshrl.u32 s8, $0x2;
	s9 =	sshrl.u32 s9, $0x1  }
0x36: {  	s9 =	sor.u32 s9, s8  }
0x37: {  	s8 =	simm.s32 $0x40;
	[tilespmem:s9+$0x104A0] =	vst v1;
	s9 =	simm.s32 $0x0  }
.LBB2_2:
0x38: {  	p0 =	sne.s32 s8, $0x3FC0  }
.Ltmp2:
0x39: {  	s10 =	sand.u32 $0x3F00, s8;
	s9 =	sadd.s32 $0x20, s9;
	(pc) =	sbr.rel @p0 .LBB2_2-.Ltmp2, $4  }
0x3a: {  	s8 =	sadd.s32 $0x40, s8;
	s11 =	sand.u32 $0x60, s9  }
0x3b: {  	s10 =	sshrl.u32 s10, $0x2;
	s11 =	sshrl.u32 s11, $0x1  }
0x3c: {  	s10 =	sor.u32 s11, s10  }
0x3d: {  	[tilespmem:s10+$0x104A0] =	vst v1  }
0x3e: {  	s8 =	simm.s32 $0x0;
	s9 =	rddreg [dreg:$0x10];
	s10 =	simm.s32 $0x114A0  }
0x3f: {  	[tilespmem:s10], [sflag:$0x1] =	stream.linear.gather [hbm4b:s9+s8], $0x10, $0x38;
	[tilespmem:$0x162F0] =	vst v63  }
0x40: {  	s12 =	rddreg [dreg:$0x11]  }
0x41: {  	[tilespmem:s8], [sflag:$0x1] =	stream.linear.gather [hbm4b:s12+s8], $0x400, $0x38;
	[tilespmem:$0x162F0] =	vst v63  }
0x42: {  	_ = 	snop  }
0x43: {  	[tilespmem:s4], [sflag:$0x1] =	stream.linear.gather [hbm4b:s23+s8], $0x2840, $0x38;
	[tilespmem:$0x162F0] =	vst v63  }
0x44: {  	s15 =	rddreg [dreg:$0x1];
	s21 =	simm.s32 $0x8460  }
0x45: {  	[tilespmem:s21], [sflag:$0x1] =	stream.linear.gather [hbm4b:s15+s8], $0x2840, $0x38;
	[tilespmem:$0x162F0] =	vst v63  }
0x46: {  	s22 =	rddreg [dreg:$0x4];
	s24 =	simm.s32 $0xC00  }
0x47: {  	[tilespmem:s24], [sflag:$0x1] =	stream.linear.gather [hbm4b:s22+s8], $0x1400, $0x38;
	[tilespmem:$0x162F0] =	vst v63  }
0x48: {  	s25 =	rddreg [dreg:$0x5];
	s26 =	simm.s32 $0x3400  }
0x49: {  	[tilespmem:s26], [sflag:$0x1] =	stream.linear.gather [hbm4b:s25+s8], $0x1400, $0x38;
	[tilespmem:$0x162F0] =	vst v63  }
0x4a: {  	s11 =	simm.s32 $0x2000;
	s10 =	rddreg [dreg:$0x6]  }
0x4b: {  	[tilespmem:s11], [sflag:$0x1] =	stream.linear.gather [hbm4b:s10+s8], $0x1400, $0x38;
	[tilespmem:$0x162F0] =	vst v63  }
0x4c: {  	s12 =	rddreg [dreg:$0x7];
	s15 =	simm.s32 $0x4800  }
0x4d: {  	[tilespmem:s15], [sflag:$0x1] =	stream.linear.gather [hbm4b:s12+s8], $0x1400, $0x38;
	[tilespmem:$0x162F0] =	vst v63  }
0x4e: {  	s21 =	rddreg [dreg:$0xc];
	s22 =	simm.s32 $0x5C00  }
0x4f: {  	[tilespmem:s22], [sflag:$0x1] =	stream.linear.gather [hbm4b:s21+s8], $0x10, $0x38;
	[tilespmem:$0x162F0] =	vst v63  }
0x50: {  	s24 =	rddreg [dreg:$0xd];
	s25 =	simm.s32 $0x5C10  }
0x51: {  	[tilespmem:s25], [sflag:$0x1] =	stream.linear.gather [hbm4b:s24+s8], $0x10, $0x38;
	[tilespmem:$0x162F0] =	vst v63  }
0x52: {  	_ =	swait.ge [sflag:s13], $0x10  }
0x53: {  	[sflag:s13] =	ssyncset.done $0x0  }
0x54: {  	[sflag:s13] =	ssyncadd.s32 $0xFFFFFFF0  }
0x55: {  	_ =	swait.ge [sflag:s13], $0x400  }
0x56: {  	[sflag:s13] =	ssyncset.done $0x0  }
0x57: {  	[sflag:s13] =	ssyncadd.s32 $0xFFFFFC00  }
0x58: {  	_ =	swait.ge [sflag:s13], $0x2840  }
0x59: {  	[sflag:s13] =	ssyncset.done $0x0  }
0x5a: {  	[sflag:s13] =	ssyncadd.s32 $0xFFFFD7C0  }
0x5b: {  	_ =	swait.ge [sflag:s13], $0x2840  }
0x5c: {  	[sflag:s13] =	ssyncset.done $0x0  }
0x5d: {  	[sflag:s13] =	ssyncadd.s32 $0xFFFFD7C0  }
0x5e: {  	_ =	swait.ge [sflag:s13], $0x1400  }
0x5f: {  	[sflag:s13] =	ssyncset.done $0x0  }
0x60: {  	[sflag:s13] =	ssyncadd.s32 $0xFFFFEC00  }
0x61: {  	_ =	swait.ge [sflag:s13], $0x1400  }
0x62: {  	[sflag:s13] =	ssyncset.done $0x0  }
0x63: {  	[sflag:s13] =	ssyncadd.s32 $0xFFFFEC00  }
0x64: {  	_ =	swait.ge [sflag:s13], $0x1400  }
0x65: {  	[sflag:s13] =	ssyncset.done $0x0  }
0x66: {  	[sflag:s13] =	ssyncadd.s32 $0xFFFFEC00  }
0x67: {  	_ =	swait.ge [sflag:s13], $0x1400  }
0x68: {  	[sflag:s13] =	ssyncset.done $0x0  }
0x69: {  	[sflag:s13] =	ssyncadd.s32 $0xFFFFEC00  }
0x6a: {  	_ =	swait.ge [sflag:s13], $0x10  }
0x6b: {  	[sflag:s13] =	ssyncset.done $0x0  }
0x6c: {  	[sflag:s13] =	ssyncadd.s32 $0xFFFFFFF0  }
0x6d: {  	_ =	swait.ge [sflag:s13], $0x10  }
0x6e: {  	[sflag:s13] =	ssyncset.done $0x0  }
0x6f: {  	[sflag:s13] =	ssyncadd.s32 $0xFFFFFFF0  }
0x70: {  	s26 =	simm.s32 $0x0;
	v3 =	vld [tilespmem:$0x114A0]  }
0x71: {  	s9 =	simm.s32 $0x0;
	s10 =	simm.s32 $0x10;
	v4 =	vld [tilespmem:s26+$0x0]  }
.LBB2_4:
0x72: {  	p0 =	sne.s32 s10, $0x3F0;
	_ =	sdelay $0x3  }
0x73: {  	s11 =	sand.u32 $0xF00, s8;
	s12 =	sand.u32 $0x30, s9;
	v5 =	vsub.s32 v4, v0  }
.Ltmp3:
0x74: {  	s21 =	sand.u32 $0xF80, s8;
	s11 =	sshrl.u32 s11, $0x2;
	vm0 =	vlt.u32 v5, $0x1388;
	(pc) =	sbr.rel @p0 .LBB2_4-.Ltmp3, $4  }
0x75: {  	s9 =	sand.u32 $0x10, s9;
	s11 =	sor.u32 s12, s11;
	s12 =	sshrl.u32 s21, $0x2;
	v5 =	vnsel vm0, $0x1389, v5  }
0x76: {  	s8 =	sadd.s32 $0x40, s8;
	[tilespmem:s11+$0x400] =	vst v5;
	s11 =	sor.u32 s9, s12;
	s9 =	smov.u32 s10  }
0x77: {  	s12 =	sshra.s32 s8, $0x2;
	[tilespmem:s11+$0x800] =	vst v4  }
0x78: {  	s10 =	sadd.s32 $0x10, s10;
	v4 =	vld [tilespmem:s12+$0x0]  }
0x79: {  	_ =	sdelay $0x3  }
0x7a: {  	s10 =	sand.u32 $0xF00, s8;
	v5 =	vsub.s32 v4, v0  }
0x7b: {  	s11 =	sand.u32 $0x30, s9;
	s12 =	sand.u32 $0xF80, s8;
	s10 =	sshrl.u32 s10, $0x2;
	vm0 =	vlt.u32 v5, $0x1388  }
0x7c: {  	s15 =	sand.u32 $0x10, s9;
	s8 =	sshrl.u32 s12, $0x2;
	s10 =	sor.u32 s11, s10;
	v5 =	vnsel vm0, $0x1389, v5  }
0x7d: {  	s8 =	sor.u32 s15, s8;
	[tilespmem:s10+$0x400] =	vst v5  }
0x7e: {  	[tilespmem:s8+$0x800] =	vst v4  }
0x7f: {  	s21 =	simm.s32 $0x104A0;
	[bflag:$0x0] =	sbarrier.arrive $0xFFFF  }
0x80: {  	[spmem:s2] =	stream.indirect.scatter [tilespmem:s21], [sflag:$0x4], $0x40, s19, s14, $0xb8;
	[tilespmem:$0x162F0] =	vst v63  }
0x81: {  	_ =	swait.ge [sflag:s16], $0x1000  }
0x82: {  	[sflag:s16] =	ssyncset.done $0x0  }
0x83: {  	[sflag:s16] =	ssyncadd.s32 $0xFFFFF000  }
0x84: {  	[bflag:$0x0] =	sbarrier.arrive $0xFFFF  }
0x85: {  	v5 =	vld [tilespmem:$0x5C00];
	_ =	sdelay $0x4  }
0x86: {  	(v2sf) =	vpush v5, $0x0;
	_ =	sdelay $0x7  }
0x87: {  	v4 =	vld [tilespmem:$0x5C10];
	_ =	sdelay $0x4  }
0x88: {  	(v2sf) =	vpush v4, $0x0;
	_ =	sdelay $0x1  }
0x89: {  	s22 =	spop (v2sf)  }
0x8a: {  	s8 =	sadd.s32 $0xF, s22  }
0x8b: {  	s24 =	sand.u32 $0xF, s8  }
0x8c: {  	s25 =	sshra.s32 s8, $0x1F;
	p0 =	slt.s32 s8, $0x1;
	p1 =	sne.s32 s24, $0x0  }
0x8d: {  	s26 =	sshrl.u32 s25, $0x1C;
	p0 =	por !p0, !p1  }
0x8e: {  	s9 =	simm.s32 $0x1;
	s8 =	sadd.s32 s26, s8;
	p0 =	por !p0, !p0  }
0x8f: {  	s8 =	sshra.s32 s8, $0x4;
	s9 =	simm.s32 @!p0 $0x0  }
0x90: {  	s11 =	ssub.s32 s8, s9  }
0x91: {  	p0 =	slt.s32 s11, $0x1  }
.Ltmp4:
0x92: {  	_ = 	snop;
	(pc) =	sbr.rel @p0 .LBB2_6-.Ltmp4, $2  }
0x93: {  	_ =	sdelay $0x2  }
0x94: {  	s9 =	spop (v2sf)  }
0x95: {  	p1 =	sne.s32 s11, $0x1  }
.Ltmp5:
0x96: {  	_ = 	snop;
	(pc) =	sbr.rel @!p1 .LBB2_8-.Ltmp5, $3  }
0x97: {  	_ =	sdelay $0x1  }
0x98: {  	s10 =	simm.s32 $0xC00;
	s12 =	simm.s32 $0x3400  }
0x99: {  	v5 =	vbroadcast v5, $0x0;
	s8 =	simm.s32 $0x0;
	s11 =	sadd.s32 $0xFFFFFFFF, s11;
	p0 =	por $0x0, $0x0;
	v6 =	vld [tilespmem:s12+$0x0]  }
0x9a: {  	_ =	sdelay $0x2  }
0x9b: {  	v8 =	vor.u32 s8, v2  }
0x9c: {  	vm1 =	vlt.s32 v8, v5;
	vm0 =	vlt.f32 v6, v3  }
0x9d: {  	vm0 =	vmand vm1, vm0  }
0x9e: {  	v8 =	vmpcnt.ones.xlane vm0  }
0x9f: {  	v7 =	vld [tilespmem:s10+$0x0]  }
0xa0: {  	(v2sf) =	vpush v8, $0x0;
	_ =	sdelay $0x1  }
0xa1: {  	p1 =	sne.s32 s11, $0x1  }
.Ltmp6:
0xa2: {  	_ = 	snop;
	(pc) =	sbr.rel @!p1 .LBB2_10-.Ltmp6, $4  }
0xa3: {  	v6 =	vand.u32 $0x3FFF, v7;
	v7 =	vshrl.u32 v7, $0xE  }
0xa4: {  	v7 =	vsub.s32 v7, v0;
	[tilespmem:s8+$0x5C20] =	vst.msk vm0, v6  }
0xa5: {  	s22 =	simm.s32 $0x3410;
	s24 =	sadd.s32 $0xFFFFFFFF, s11;
	p0 =	por $0x1, $0x1;
	[tilespmem:s8+$0x8460] =	vst.msk vm0, v7  }
0xa6: {  	s11 =	simm.s32 $0xC00;
	s12 =	simm.s32 $0x0;
	s21 =	simm.s32 $0x0;
	v6 =	vld [tilespmem:s22+$0x0]  }
.LBB2_11:
0xa7: {  	p1 =	sne.s32 s24, $0x1;
	_ =	sdelay $0x1  }
0xa8: {  	s11 =	sadd.s32 $0x10, s11;
	s12 =	sadd.s32 $0x10, s12  }
0xa9: {  	v8 =	vor.u32 s12, v2;
	v7 =	vld [tilespmem:s11+$0x0]  }
0xaa: {  	vm1 =	vlt.s32 v8, v5;
	vm0 =	vlt.f32 v6, v3  }
0xab: {  	vm0 =	vmand vm1, vm0  }
0xac: {  	v6 =	vmpcnt.ones.xlane vm0  }
0xad: {  	s15 =	spop (v2sf)  }
0xae: {  	v8 =	vand.u32 $0x3FFF, v7;
	v7 =	vshrl.u32 v7, $0xE;
	(v2sf) =	vpush v6, $0x0;
	s21 =	sadd.s32 s21, s15  }
0xaf: {  	v6 =	vsub.s32 v7, v0;
	[tilespmem:s21+$0x5C20] =	vst.msk vm0, v8  }
0xb0: {  	[tilespmem:s21+$0x8460] =	vst.msk vm0, v6  }
.Ltmp7:
0xb1: {  	(pc) =	sbr.rel @p1 .LBB2_11-.Ltmp7, $3  }
0xb2: {  	_ =	sdelay $0x1  }
0xb3: {  	s22 =	sadd.s32 $0x10, s22  }
0xb4: {  	s24 =	sadd.s32 $0xFFFFFFFF, s24;
	v6 =	vld [tilespmem:s22+$0x0]  }
.LBB2_12:
0xb5: {  	_ = 	snop  }
0xb6: {  	s12 =	sadd.s32 @p0 $0x10, s12;
	s15 =	simm.s32 $0x0  }
0xb7: {  	s15 =	smov.u32 @p0 s12  }
0xb8: {  	v7 =	vor.u32 s15, v2  }
0xb9: {  	vm1 =	vlt.s32 v7, v5;
	vm0 =	vlt.f32 v6, v3  }
0xba: {  	vm0 =	vmand vm1, vm0  }
0xbb: {  	v5 =	vmpcnt.ones.xlane vm0;
	_ =	sdelay $0x1  }
0xbc: {  	(v2sf) =	vpush v5, $0x0;
	_ =	sdelay $0x6  }
0xbd: {  	s11 =	sadd.s32 @p0 $0x10, s11  }
0xbe: {  	s10 =	smov.u32 @p0 s11  }
0xbf: {  	v5 =	vld [tilespmem:s10+$0x0];
	_ =	sdelay $0x2  }
.Ltmp8:
0xc0: {  	s10 =	spop @p0 (v2sf);
	(pc) =	sbr.rel .LBB2_13-.Ltmp8, $4  }
0xc1: {  	s10 =	sadd.s32 @p0 s21, s10  }
0xc2: {  	s8 =	smov.u32 @p0 s10;
	v6 =	vand.u32 $0x3FFF, v5;
	v5 =	vshrl.u32 v5, $0xE  }
0xc3: {  	v5 =	vsub.s32 v5, v0;
	[tilespmem:s8+$0x5C20] =	vst.msk vm0, v6;
	s26 =	spop (v2sf)  }
0xc4: {  	[tilespmem:s8+$0x8460] =	vst.msk vm0, v5;
	s8 =	sadd.s32 s8, s26  }
.LBB2_6:
0xc5: {  	s8 =	simm.s32 $0x0  }
.LBB2_13:
0xc6: {  	s9 =	sadd.s32 $0xF, s9  }
0xc7: {  	s10 =	sand.u32 $0xF, s9  }
0xc8: {  	s11 =	sshra.s32 s9, $0x1F;
	p0 =	slt.s32 s9, $0x1;
	p1 =	sne.s32 s10, $0x0  }
0xc9: {  	s26 =	sshrl.u32 s11, $0x1C;
	p0 =	por !p0, !p1  }
0xca: {  	s10 =	simm.s32 $0x1;
	s9 =	sadd.s32 s26, s9;
	p0 =	por !p0, !p0  }
0xcb: {  	s9 =	sshra.s32 s9, $0x4;
	s10 =	simm.s32 @!p0 $0x0  }
0xcc: {  	s11 =	ssub.s32 s9, s10  }
0xcd: {  	p0 =	slt.s32 s11, $0x1  }
.Ltmp9:
0xce: {  	_ = 	snop;
	(pc) =	sbr.rel @p0 .LBB2_20-.Ltmp9, $1  }
0xcf: {  	_ =	sdelay $0x3  }
0xd0: {  	p1 =	sne.s32 s11, $0x1  }
.Ltmp10:
0xd1: {  	_ = 	snop;
	(pc) =	sbr.rel @!p1 .LBB2_15-.Ltmp10, $3  }
0xd2: {  	_ =	sdelay $0x1  }
0xd3: {  	s9 =	simm.s32 $0x2000;
	s12 =	simm.s32 $0x4800  }
0xd4: {  	v4 =	vbroadcast v4, $0x0;
	s10 =	simm.s32 $0x0;
	s11 =	sadd.s32 $0xFFFFFFFF, s11;
	p0 =	por $0x0, $0x0;
	v5 =	vld [tilespmem:s12+$0x0]  }
0xd5: {  	_ =	sdelay $0x2  }
0xd6: {  	v7 =	vor.u32 s10, v2  }
0xd7: {  	vm1 =	vlt.s32 v7, v4;
	vm0 =	vlt.f32 v5, v3  }
0xd8: {  	vm0 =	vmand vm1, vm0  }
0xd9: {  	v7 =	vmpcnt.ones.xlane vm0  }
0xda: {  	v6 =	vld [tilespmem:s9+$0x0]  }
0xdb: {  	(v2sf) =	vpush v7, $0x0;
	_ =	sdelay $0x1  }
0xdc: {  	p1 =	sne.s32 s11, $0x1  }
.Ltmp11:
0xdd: {  	_ = 	snop;
	(pc) =	sbr.rel @!p1 .LBB2_17-.Ltmp11, $4  }
0xde: {  	v5 =	vand.u32 $0x3FFF, v6;
	v6 =	vshrl.u32 v6, $0xE  }
0xdf: {  	v6 =	vsub.s32 v6, v0;
	[tilespmem:s8+$0x5C20] =	vst.msk vm0, v5  }
0xe0: {  	s22 =	simm.s32 $0x4810;
	s24 =	sadd.s32 $0xFFFFFFFF, s11;
	p0 =	por $0x1, $0x1;
	[tilespmem:s8+$0x8460] =	vst.msk vm0, v6  }
0xe1: {  	s11 =	simm.s32 $0x2000;
	s12 =	simm.s32 $0x0;
	s21 =	smov.u32 s8;
	v5 =	vld [tilespmem:s22+$0x0]  }
.LBB2_18:
0xe2: {  	p1 =	sne.s32 s24, $0x1;
	_ =	sdelay $0x1  }
0xe3: {  	s11 =	sadd.s32 $0x10, s11;
	s12 =	sadd.s32 $0x10, s12  }
0xe4: {  	v7 =	vor.u32 s12, v2;
	v6 =	vld [tilespmem:s11+$0x0]  }
0xe5: {  	vm1 =	vlt.s32 v7, v4;
	vm0 =	vlt.f32 v5, v3  }
0xe6: {  	vm0 =	vmand vm1, vm0  }
0xe7: {  	v5 =	vmpcnt.ones.xlane vm0  }
0xe8: {  	s15 =	spop (v2sf)  }
0xe9: {  	v7 =	vand.u32 $0x3FFF, v6;
	v6 =	vshrl.u32 v6, $0xE;
	(v2sf) =	vpush v5, $0x0;
	s21 =	sadd.s32 s21, s15  }
0xea: {  	v5 =	vsub.s32 v6, v0;
	[tilespmem:s21+$0x5C20] =	vst.msk vm0, v7  }
0xeb: {  	[tilespmem:s21+$0x8460] =	vst.msk vm0, v5  }
.Ltmp12:
0xec: {  	(pc) =	sbr.rel @p1 .LBB2_18-.Ltmp12, $3  }
0xed: {  	_ =	sdelay $0x1  }
0xee: {  	s22 =	sadd.s32 $0x10, s22  }
0xef: {  	s24 =	sadd.s32 $0xFFFFFFFF, s24;
	v5 =	vld [tilespmem:s22+$0x0]  }
.LBB2_19:
0xf0: {  	_ = 	snop  }
0xf1: {  	s12 =	sadd.s32 @p0 $0x10, s12  }
0xf2: {  	s10 =	smov.u32 @p0 s12  }
0xf3: {  	v6 =	vor.u32 s10, v2  }
0xf4: {  	vm1 =	vlt.s32 v6, v4;
	vm0 =	vlt.f32 v5, v3  }
0xf5: {  	vm0 =	vmand vm1, vm0  }
0xf6: {  	v3 =	vmpcnt.ones.xlane vm0;
	_ =	sdelay $0x1  }
0xf7: {  	(v2sf) =	vpush v3, $0x0;
	_ =	sdelay $0x6  }
0xf8: {  	s10 =	sadd.s32 @p0 $0x10, s11  }
0xf9: {  	s9 =	smov.u32 @p0 s10  }
0xfa: {  	v3 =	vld [tilespmem:s9+$0x0];
	_ =	sdelay $0x2  }
0xfb: {  	s9 =	spop @p0 (v2sf)  }
0xfc: {  	s9 =	sadd.s32 @p0 s21, s9  }
0xfd: {  	s8 =	smov.u32 @p0 s9;
	v63 =	vand.u32 $0x3FFF, v3;
	v3 =	vshrl.u32 v3, $0xE  }
0xfe: {  	v3 =	vsub.s32 v3, v0;
	[tilespmem:s8+$0x5C20] =	vst.msk vm0, v63;
	s26 =	spop (v2sf)  }
0xff: {  	[tilespmem:s8+$0x8460] =	vst.msk vm0, v3;
	s8 =	sadd.s32 s8, s26  }
.LBB2_20:
0x100: {  	s8 =	sadd.s32 $0x3F, s8  }
0x101: {  	s9 =	sand.u32 $0x3F, s8  }
0x102: {  	s10 =	sshra.s32 s8, $0x1F;
	p0 =	slt.s32 s8, $0x1;
	p1 =	sne.s32 s9, $0x0  }
0x103: {  	s26 =	sshrl.u32 s10, $0x1A;
	p0 =	por !p0, !p1  }
0x104: {  	s9 =	simm.s32 $0x1;
	s8 =	sadd.s32 s26, s8;
	p0 =	por !p0, !p0  }
0x105: {  	s8 =	sshra.s32 s8, $0x6;
	s9 =	simm.s32 @!p0 $0x0  }
0x106: {  	s8 =	ssub.s32 s8, s9  }
0x107: {  	p0 =	slt.s32 s8, $0x1  }
.Ltmp13:
0x108: {  	_ = 	snop;
	(pc) =	sbr.rel @p0 .LBB2_24-.Ltmp13, $1  }
0x109: {  	_ =	sdelay $0x3  }
0x10a: {  	s10 =	sshll.u32 s8, $0x2  }
0x10b: {  	s11 =	simm.s32 $0x0;
	p0 =	sne.s32 s10, $0x1  }
.Ltmp14:
0x10c: {  	v3 =	vld [tilespmem:s11+$0x8460];
	(pc) =	sbr.rel @!p0 .LBB2_23-.Ltmp14, $4  }
0x10d: {  	s9 =	simm.s32 $0x0  }
0x10e: {  	s12 =	sand.u32 $0xFFFFFF00, s9  }
0x10f: {  	s15 =	sand.u32 $0x30, s9;
	s12 =	sshra.s32 s12, $0x2  }
0x110: {  	s10 =	sadd.s32 $0xFFFFFFFF, s10;
	s11 =	simm.s32 $0x40;
	s12 =	sor.u32 s15, s12  }
.LBB2_22:
0x111: {  	s15 =	sshra.s32 s11, $0x2;
	p0 =	sne.s32 s10, $0x1;
	s10 =	sadd.s32 $0xFFFFFFFF, s10;
	[tilespmem:s12+$0xACA0] =	vst v3  }
.Ltmp15:
0x112: {  	v3 =	vld [tilespmem:s15+$0x8460];
	(pc) =	sbr.rel @p0 .LBB2_22-.Ltmp15, $4  }
0x113: {  	_ = 	snop  }
0x114: {  	s12 =	sand.u32 $0xFFFFFF00, s11;
	s9 =	sadd.s32 $0x10, s9  }
0x115: {  	s15 =	sand.u32 $0x30, s9;
	s12 =	sshra.s32 s12, $0x2  }
0x116: {  	s11 =	sadd.s32 $0x40, s11;
	s12 =	sor.u32 s15, s12  }
.LBB2_23:
0x117: {  	[tilespmem:s12+$0xACA0] =	vst v3  }
0x118: {  	[tilespmem:s0], [sflag:$0x2] =	stream.indirect.gather [hbm4b:s6+s14], $0x40, s4, s14, $0xb8;
	[tilespmem:$0x162F0] =	vst v63  }
.LBB2_24:
0x119: {  	s9 =	sadd.s32 $0x1, s8  }
0x11a: {  	s10 =	sand.u32 $0x1, s9  }
0x11b: {  	p0 =	slt.s32 s8, $0x0;
	p1 =	seq.s32 s10, $0x1  }
0x11c: {  	s26 =	sshrl.u32 s9, $0x1F;
	p0 =	por !p0, !p1  }
0x11d: {  	s9 =	sadd.s32 s26, s9;
	s10 =	simm.s32 $0x1;
	p0 =	por !p0, !p0  }
0x11e: {  	s9 =	sshra.s32 s9, $0x1;
	s10 =	simm.s32 @!p0 $0x0  }
0x11f: {  	s10 =	ssub.s32 s9, s10  }
0x120: {  	p0 =	slt.s32 s10, $0x1  }
.Ltmp16:
0x121: {  	_ = 	snop;
	(pc) =	sbr.rel @p0 .LBB2_28-.Ltmp16, $1  }
0x122: {  	_ =	sdelay $0x3  }
0x123: {  	_ =	swait.ge [sflag:s17], $0x1000  }
0x124: {  	s9 =	simm.s32 $0xACA0;
	p0 =	sle.s32 s8, $0x1;
	[sflag:s17] =	ssyncset.done $0x0  }
0x125: {  	s11 =	simm.s32 @p0 $0x40;
	s12 =	simm.s32 @p0 $0xD4A0;
	[sflag:s17] =	ssyncadd.s32 $0xFFFFF000  }
0x126: {  	[spmem:s2] =	stream.indirect.scatter.add.bf16 @p0 [tilespmem:s12], [sflag:$0x5], $0x40, s9, s11, $0xb8;
	[tilespmem:$0x162F0] =	vst v63  }
0x127: {  	s15 =	simm.s32 @!p0 $0x40;
	s21 =	simm.s32 @!p0 $0xE4A0;
	s11 =	simm.s32 $0x5C60  }
0x128: {  	[tilespmem:s21], [sflag:$0x3] =	stream.indirect.gather @!p0 [hbm4b:s6+s15], $0x40, s11, s15, $0xb8;
	[tilespmem:$0x162F0] =	vst v63  }
0x129: {  	s12 =	simm.s32 @!p0 $0x5;
	s11 =	simm.s32 @!p0 $0xD4A0  }
0x12a: {  	[spmem:s2] =	stream.indirect.scatter.add.bf16 @!p0 [tilespmem:s11], [sflag:$0x5], $0x40, s9, s15, $0xb8;
	[tilespmem:$0x162F0] =	vst v63  }
0x12b: {  	_ =	swait.ge @!p0 [sflag:s12], $0x1000  }
0x12c: {  	[sflag:s12] =	ssyncset.done @!p0 $0x0  }
0x12d: {  	p1 =	sle.s32 @!p0 s8, $0x2;
	s11 =	simm.s32 @!p0 $0x3;
	[sflag:s12] =	ssyncadd.s32 @!p0 $0xFFFFF000  }
0x12e: {  	p1 =	por p1, p0;
	_ =	swait.ge @!p0 [sflag:s11], $0x1000  }
0x12f: {  	s22 =	simm.s32 @!p1 $0xD4A0;
	[sflag:s11] =	ssyncset.done @!p0 $0x0  }
0x130: {  	s24 =	simm.s32 @!p1 $0x40;
	[sflag:s11] =	ssyncadd.s32 @!p0 $0xFFFFF000;
	s11 =	simm.s32 @!p1 $0x5CA0  }
0x131: {  	[tilespmem:s22], [sflag:$0x2] =	stream.indirect.gather @!p1 [hbm4b:s6+s24], $0x40, s11, s24, $0xb8;
	[tilespmem:$0x162F0] =	vst v63  }
0x132: {  	s10 =	sadd.s32 $0xFFFFFFFF, s10;
	s12 =	simm.s32 @!p0 $0x4;
	s11 =	simm.s32 @!p0 $0xACE0  }
0x133: {  	[spmem:s2] =	stream.indirect.scatter.add.bf16 @!p0 [tilespmem:s21], [sflag:$0x4], $0x40, s11, s15, $0xb8;
	[tilespmem:$0x162F0] =	vst v63  }
0x134: {  	s12 =	simm.s32 @p0 $0x5;
	p0 =	sne.s32 s10, $0x0  }
.Ltmp17:
0x135: {  	_ = 	snop;
	(pc) =	sbr.rel @!p0 .LBB2_27-.Ltmp17, $3  }
0x136: {  	_ =	sdelay $0x1  }
0x137: {  	_ =	swait.ge [sflag:s12], $0x1000  }
0x138: {  	s11 =	simm.s32 $0x5CE0;
	s21 =	simm.s32 $0x3;
	[sflag:s12] =	ssyncset.done $0x0  }
.LBB2_26:
0x139: {  	s10 =	sadd.s32 $0xFFFFFFFF, s10;
	[sflag:s12] =	ssyncadd.s32 $0xFFFFF000;
	s9 =	sadd.s32 $0x80, s9  }
0x13a: {  	p0 =	sne.s32 s10, $0x0  }
0x13b: {  	_ =	swait.ge [sflag:s17], $0x1000  }
0x13c: {  	p1 =	sge.s32 s21, s8;
	[sflag:s17] =	ssyncset.done $0x0  }
0x13d: {  	s12 =	simm.s32 @p1 $0x40;
	s15 =	simm.s32 @p1 $0xD4A0;
	[sflag:s17] =	ssyncadd.s32 $0xFFFFF000  }
0x13e: {  	[spmem:s2] =	stream.indirect.scatter.add.bf16 @p1 [tilespmem:s15], [sflag:$0x5], $0x40, s9, s12, $0xb8;
	[tilespmem:$0x162F0] =	vst v63  }
0x13f: {  	s22 =	simm.s32 @!p1 $0xE4A0;
	s15 =	simm.s32 @!p1 $0x40;
	s12 =	sadd.s32 @!p1 $0x1, s21  }
0x140: {  	[tilespmem:s22], [sflag:$0x3] =	stream.indirect.gather @!p1 [hbm4b:s6+s15], $0x40, s11, s15, $0xb8;
	[tilespmem:$0x162F0] =	vst v63  }
0x141: {  	s24 =	simm.s32 @!p1 $0xD4A0;
	s25 =	simm.s32 @!p1 $0x5;
	p2 =	sge.s32 @!p1 s12, s8  }
0x142: {  	[spmem:s2] =	stream.indirect.scatter.add.bf16 @!p1 [tilespmem:s24], [sflag:$0x5], $0x40, s9, s15, $0xb8;
	[tilespmem:$0x162F0] =	vst v63  }
0x143: {  	s12 =	simm.s32 @!p1 $0x4;
	p2 =	por p2, p1;
	_ =	swait.ge @!p1 [sflag:s25], $0x1000  }
0x144: {  	[sflag:s25] =	ssyncset.done @!p1 $0x0  }
0x145: {  	s24 =	simm.s32 @!p1 $0x3;
	[sflag:s25] =	ssyncadd.s32 @!p1 $0xFFFFF000  }
0x146: {  	_ =	swait.ge @!p1 [sflag:s24], $0x1000  }
0x147: {  	s25 =	simm.s32 @!p2 $0xD4A0;
	[sflag:s24] =	ssyncset.done @!p1 $0x0  }
0x148: {  	s26 =	simm.s32 @!p2 $0x40;
	[sflag:s24] =	ssyncadd.s32 @!p1 $0xFFFFF000;
	s24 =	sadd.s32 @!p2 $0x40, s11  }
0x149: {  	[tilespmem:s25], [sflag:$0x2] =	stream.indirect.gather @!p2 [hbm4b:s6+s26], $0x40, s24, s26, $0xb8;
	[tilespmem:$0x162F0] =	vst v63  }
.Ltmp18:
0x14a: {  	_ = 	snop;
	(pc) =	sbr.rel @p0 .LBB2_26-.Ltmp18, $4  }
0x14b: {  	s12 =	simm.s32 @p1 $0x5;
	s24 =	sadd.s32 @!p1 $0x40, s9  }
0x14c: {  	[spmem:s2] =	stream.indirect.scatter.add.bf16 @!p1 [tilespmem:s22], [sflag:$0x4], $0x40, s24, s15, $0xb8;
	[tilespmem:$0x162F0] =	vst v63  }
0x14d: {  	_ =	swait.ge [sflag:s12], $0x1000  }
0x14e: {  	s21 =	sadd.s32 $0x2, s21;
	s11 =	sadd.s32 $0x80, s11;
	[sflag:s12] =	ssyncset.done $0x0  }
.LBB2_27:
0x14f: {  	[sflag:s12] =	ssyncadd.s32 $0xFFFFF000  }
.LBB2_28:
0x150: {  	[bflag:$0x0] =	sbarrier.arrive $0xFFFF  }
0x151: {  	[tilespmem:s0], [sflag:$0x4] =	stream.indirect.gather [spmem:s2], $0x40, s19, s14, $0xb8;
	[tilespmem:$0x162F0] =	vst v63  }
0x152: {  	_ =	swait.ge [sflag:s16], $0x1000  }
0x153: {  	[sflag:s16] =	ssyncset.done $0x0  }
0x154: {  	s8 =	simm.s32 $0x0;
	s9 =	rddreg [dreg:$0x14];
	[sflag:s16] =	ssyncadd.s32 $0xFFFFF000  }
0x155: {  	[hbm4b:s9+s8] =	stream.linear.scatter [tilespmem:s0], [sflag:$0x1], $0x1000, $0x38;
	[tilespmem:$0x162F0] =	vst v63  }
0x156: {  	_ = 	snop  }
0x157: {  	[tilespmem:s18], [sflag:$0x1] =	stream.indirect.gather [hbm4b:s5+s1], $0x80, s20, s1, $0xb8;
	[tilespmem:$0x162F0] =	vst v63  }
0x158: {  	_ =	swait.ge [sflag:s13], $0x1000  }
0x159: {  	[sflag:s13] =	ssyncset.done $0x0  }
0x15a: {  	[sflag:s13] =	ssyncadd.s32 $0xFFFFF000  }
0x15b: {  	_ =	swait.ge [sflag:s13], $0x1000  }
0x15c: {  	[sflag:s13] =	ssyncset.done $0x0  }
0x15d: {  	[sflag:s13] =	ssyncadd.s32 $0xFFFFF000  }
0x15e: {  	[hbm4b:s29+s8] =	stream.linear.scatter [tilespmem:s18], [sflag:$0x4], $0x1000, $0x38;
	[tilespmem:$0x162F0] =	vst v63  }
0x15f: {  	_ =	swait.ge [sflag:s16], $0x1000  }
0x160: {  	[sflag:s16] =	ssyncset.done $0x0  }
0x161: {  	[sflag:s16] =	ssyncadd.s32 $0xFFFFF000  }
0x162: {  	[bflag:$0x0] =	sbarrier.arrive $0xFFFF  }
0x163: {  	s10 =	simm.s32 $0x114A0;
	s11 =	rddreg [dreg:$0x12]  }
0x164: {  	[tilespmem:s10], [sflag:$0x1] =	stream.linear.gather [hbm4b:s11+s8], $0x10, $0x38;
	[tilespmem:$0x162F0] =	vst v63  }
0x165: {  	s12 =	rddreg [dreg:$0x13]  }
0x166: {  	[tilespmem:s8], [sflag:$0x1] =	stream.linear.gather [hbm4b:s12+s8], $0x400, $0x38;
	[tilespmem:$0x162F0] =	vst v63  }
0x167: {  	_ = 	snop  }
0x168: {  	[tilespmem:s4], [sflag:$0x1] =	stream.linear.gather [hbm4b:s23+s8], $0x2840, $0x38;
	[tilespmem:$0x162F0] =	vst v63  }
0x169: {  	s21 =	simm.s32 $0x8460;
	s15 =	rddreg [dreg:$0x1]  }
0x16a: {  	[tilespmem:s21], [sflag:$0x1] =	stream.linear.gather [hbm4b:s15+s8], $0x2840, $0x38;
	[tilespmem:$0x162F0] =	vst v63  }
0x16b: {  	s24 =	simm.s32 $0xC00;
	s22 =	rddreg [dreg:$0x8]  }
0x16c: {  	[tilespmem:s24], [sflag:$0x1] =	stream.linear.gather [hbm4b:s22+s8], $0x1400, $0x38;
	[tilespmem:$0x162F0] =	vst v63  }
0x16d: {  	s26 =	simm.s32 $0x3400;
	s25 =	rddreg [dreg:$0x9]  }
0x16e: {  	[tilespmem:s26], [sflag:$0x1] =	stream.linear.gather [hbm4b:s25+s8], $0x1400, $0x38;
	[tilespmem:$0x162F0] =	vst v63  }
0x16f: {  	s10 =	rddreg [dreg:$0xa];
	s11 =	simm.s32 $0x2000  }
0x170: {  	[tilespmem:s11], [sflag:$0x1] =	stream.linear.gather [hbm4b:s10+s8], $0x1400, $0x38;
	[tilespmem:$0x162F0] =	vst v63  }
0x171: {  	s12 =	rddreg [dreg:$0xb];
	s15 =	simm.s32 $0x4800  }
0x172: {  	[tilespmem:s15], [sflag:$0x1] =	stream.linear.gather [hbm4b:s12+s8], $0x1400, $0x38;
	[tilespmem:$0x162F0] =	vst v63  }
0x173: {  	s21 =	rddreg [dreg:$0xe];
	s22 =	simm.s32 $0x5C00  }
0x174: {  	[tilespmem:s22], [sflag:$0x1] =	stream.linear.gather [hbm4b:s21+s8], $0x10, $0x38;
	[tilespmem:$0x162F0] =	vst v63  }
0x175: {  	s24 =	rddreg [dreg:$0xf];
	s25 =	simm.s32 $0x5C10  }
0x176: {  	[tilespmem:s25], [sflag:$0x1] =	stream.linear.gather [hbm4b:s24+s8], $0x10, $0x38;
	[tilespmem:$0x162F0] =	vst v63  }
0x177: {  	_ =	swait.ge [sflag:s13], $0x10  }
0x178: {  	[sflag:s13] =	ssyncset.done $0x0  }
0x179: {  	[sflag:s13] =	ssyncadd.s32 $0xFFFFFFF0  }
0x17a: {  	_ =	swait.ge [sflag:s13], $0x400  }
0x17b: {  	[sflag:s13] =	ssyncset.done $0x0  }
0x17c: {  	[sflag:s13] =	ssyncadd.s32 $0xFFFFFC00  }
0x17d: {  	_ =	swait.ge [sflag:s13], $0x2840  }
0x17e: {  	[sflag:s13] =	ssyncset.done $0x0  }
0x17f: {  	[sflag:s13] =	ssyncadd.s32 $0xFFFFD7C0  }
0x180: {  	_ =	swait.ge [sflag:s13], $0x2840  }
0x181: {  	[sflag:s13] =	ssyncset.done $0x0  }
0x182: {  	[sflag:s13] =	ssyncadd.s32 $0xFFFFD7C0  }
0x183: {  	_ =	swait.ge [sflag:s13], $0x1400  }
0x184: {  	[sflag:s13] =	ssyncset.done $0x0  }
0x185: {  	[sflag:s13] =	ssyncadd.s32 $0xFFFFEC00  }
0x186: {  	_ =	swait.ge [sflag:s13], $0x1400  }
0x187: {  	[sflag:s13] =	ssyncset.done $0x0  }
0x188: {  	[sflag:s13] =	ssyncadd.s32 $0xFFFFEC00  }
0x189: {  	_ =	swait.ge [sflag:s13], $0x1400  }
0x18a: {  	[sflag:s13] =	ssyncset.done $0x0  }
0x18b: {  	[sflag:s13] =	ssyncadd.s32 $0xFFFFEC00  }
0x18c: {  	_ =	swait.ge [sflag:s13], $0x1400  }
0x18d: {  	[sflag:s13] =	ssyncset.done $0x0  }
0x18e: {  	[sflag:s13] =	ssyncadd.s32 $0xFFFFEC00  }
0x18f: {  	_ =	swait.ge [sflag:s13], $0x10  }
0x190: {  	[sflag:s13] =	ssyncset.done $0x0  }
0x191: {  	[sflag:s13] =	ssyncadd.s32 $0xFFFFFFF0  }
0x192: {  	_ =	swait.ge [sflag:s13], $0x10  }
0x193: {  	[sflag:s13] =	ssyncset.done $0x0  }
0x194: {  	[sflag:s13] =	ssyncadd.s32 $0xFFFFFFF0  }
0x195: {  	s26 =	simm.s32 $0x0;
	v3 =	vld [tilespmem:$0x114A0]  }
0x196: {  	s9 =	simm.s32 $0x0;
	s10 =	simm.s32 $0x10;
	v4 =	vld [tilespmem:s26+$0x0]  }
.LBB2_29:
0x197: {  	p0 =	sne.s32 s10, $0x3F0;
	_ =	sdelay $0x3  }
0x198: {  	s11 =	sand.u32 $0xF00, s8;
	s12 =	sand.u32 $0x30, s9;
	v5 =	vsub.s32 v4, v0  }
.Ltmp19:
0x199: {  	s15 =	sand.u32 $0xF80, s8;
	s11 =	sshrl.u32 s11, $0x2;
	vm0 =	vlt.u32 v5, $0x1388;
	(pc) =	sbr.rel @p0 .LBB2_29-.Ltmp19, $4  }
0x19a: {  	s9 =	sand.u32 $0x10, s9;
	s11 =	sor.u32 s12, s11;
	s12 =	sshrl.u32 s15, $0x2;
	v5 =	vnsel vm0, $0x1389, v5  }
0x19b: {  	s8 =	sadd.s32 $0x40, s8;
	[tilespmem:s11+$0x400] =	vst v5;
	s11 =	sor.u32 s9, s12;
	s9 =	smov.u32 s10  }
0x19c: {  	s12 =	sshra.s32 s8, $0x2;
	[tilespmem:s11+$0x800] =	vst v4  }
0x19d: {  	s10 =	sadd.s32 $0x10, s10;
	v4 =	vld [tilespmem:s12+$0x0]  }
0x19e: {  	_ =	sdelay $0x3  }
0x19f: {  	s10 =	sand.u32 $0xF00, s8;
	v5 =	vsub.s32 v4, v0  }
0x1a0: {  	s11 =	sand.u32 $0x30, s9;
	s12 =	sand.u32 $0xF80, s8;
	s10 =	sshrl.u32 s10, $0x2;
	vm0 =	vlt.u32 v5, $0x1388  }
0x1a1: {  	s15 =	sand.u32 $0x10, s9;
	s8 =	sshrl.u32 s12, $0x2;
	s10 =	sor.u32 s11, s10;
	v5 =	vnsel vm0, $0x1389, v5  }
0x1a2: {  	s8 =	sor.u32 s15, s8;
	[tilespmem:s10+$0x400] =	vst v5  }
0x1a3: {  	[tilespmem:s8+$0x800] =	vst v4  }
0x1a4: {  	s21 =	simm.s32 $0x104A0;
	[bflag:$0x0] =	sbarrier.arrive $0xFFFF  }
0x1a5: {  	[spmem:s2] =	stream.indirect.scatter [tilespmem:s21], [sflag:$0x4], $0x40, s19, s14, $0xb8;
	[tilespmem:$0x162F0] =	vst v63  }
0x1a6: {  	_ =	swait.ge [sflag:s16], $0x1000  }
0x1a7: {  	[sflag:s16] =	ssyncset.done $0x0  }
0x1a8: {  	[sflag:s16] =	ssyncadd.s32 $0xFFFFF000  }
0x1a9: {  	[bflag:$0x0] =	sbarrier.arrive $0xFFFF  }
0x1aa: {  	v5 =	vld [tilespmem:$0x5C00];
	_ =	sdelay $0x4  }
0x1ab: {  	(v2sf) =	vpush v5, $0x0;
	_ =	sdelay $0x7  }
0x1ac: {  	v4 =	vld [tilespmem:$0x5C10];
	_ =	sdelay $0x4  }
0x1ad: {  	(v2sf) =	vpush v4, $0x0;
	_ =	sdelay $0x1  }
0x1ae: {  	s22 =	spop (v2sf)  }
0x1af: {  	s8 =	sadd.s32 $0xF, s22  }
0x1b0: {  	s24 =	sand.u32 $0xF, s8  }
0x1b1: {  	s25 =	sshra.s32 s8, $0x1F;
	p0 =	slt.s32 s8, $0x1;
	p1 =	sne.s32 s24, $0x0  }
0x1b2: {  	s26 =	sshrl.u32 s25, $0x1C;
	p0 =	por !p0, !p1  }
0x1b3: {  	s9 =	simm.s32 $0x1;
	s8 =	sadd.s32 s26, s8;
	p0 =	por !p0, !p0  }
0x1b4: {  	s8 =	sshra.s32 s8, $0x4;
	s9 =	simm.s32 @!p0 $0x0  }
0x1b5: {  	s11 =	ssub.s32 s8, s9  }
0x1b6: {  	p0 =	slt.s32 s11, $0x1  }
.Ltmp20:
0x1b7: {  	_ = 	snop;
	(pc) =	sbr.rel @p0 .LBB2_31-.Ltmp20, $2  }
0x1b8: {  	_ =	sdelay $0x2  }
0x1b9: {  	s9 =	spop (v2sf)  }
0x1ba: {  	p1 =	sne.s32 s11, $0x1  }
.Ltmp21:
0x1bb: {  	_ = 	snop;
	(pc) =	sbr.rel @!p1 .LBB2_33-.Ltmp21, $3  }
0x1bc: {  	_ =	sdelay $0x1  }
0x1bd: {  	s10 =	simm.s32 $0xC00;
	s12 =	simm.s32 $0x3400  }
0x1be: {  	v5 =	vbroadcast v5, $0x0;
	s8 =	simm.s32 $0x0;
	s11 =	sadd.s32 $0xFFFFFFFF, s11;
	p0 =	por $0x0, $0x0;
	v6 =	vld [tilespmem:s12+$0x0]  }
0x1bf: {  	_ =	sdelay $0x2  }
0x1c0: {  	v8 =	vor.u32 s8, v2  }
0x1c1: {  	vm1 =	vlt.s32 v8, v5;
	vm0 =	vlt.f32 v6, v3  }
0x1c2: {  	vm0 =	vmand vm1, vm0  }
0x1c3: {  	v8 =	vmpcnt.ones.xlane vm0  }
0x1c4: {  	v7 =	vld [tilespmem:s10+$0x0]  }
0x1c5: {  	(v2sf) =	vpush v8, $0x0;
	_ =	sdelay $0x1  }
0x1c6: {  	p1 =	sne.s32 s11, $0x1  }
.Ltmp22:
0x1c7: {  	_ = 	snop;
	(pc) =	sbr.rel @!p1 .LBB2_35-.Ltmp22, $4  }
0x1c8: {  	v6 =	vand.u32 $0x3FFF, v7;
	v7 =	vshrl.u32 v7, $0xE  }
0x1c9: {  	v7 =	vsub.s32 v7, v0;
	[tilespmem:s8+$0x5C20] =	vst.msk vm0, v6  }
0x1ca: {  	s22 =	simm.s32 $0x3410;
	s24 =	sadd.s32 $0xFFFFFFFF, s11;
	p0 =	por $0x1, $0x1;
	[tilespmem:s8+$0x8460] =	vst.msk vm0, v7  }
0x1cb: {  	s11 =	simm.s32 $0xC00;
	s12 =	simm.s32 $0x0;
	s21 =	simm.s32 $0x0;
	v6 =	vld [tilespmem:s22+$0x0]  }
.LBB2_36:
0x1cc: {  	p1 =	sne.s32 s24, $0x1;
	_ =	sdelay $0x1  }
0x1cd: {  	s11 =	sadd.s32 $0x10, s11;
	s12 =	sadd.s32 $0x10, s12  }
0x1ce: {  	v8 =	vor.u32 s12, v2;
	v7 =	vld [tilespmem:s11+$0x0]  }
0x1cf: {  	vm1 =	vlt.s32 v8, v5;
	vm0 =	vlt.f32 v6, v3  }
0x1d0: {  	vm0 =	vmand vm1, vm0  }
0x1d1: {  	v6 =	vmpcnt.ones.xlane vm0  }
0x1d2: {  	s15 =	spop (v2sf)  }
0x1d3: {  	v8 =	vand.u32 $0x3FFF, v7;
	v7 =	vshrl.u32 v7, $0xE;
	(v2sf) =	vpush v6, $0x0;
	s21 =	sadd.s32 s21, s15  }
0x1d4: {  	v6 =	vsub.s32 v7, v0;
	[tilespmem:s21+$0x5C20] =	vst.msk vm0, v8  }
0x1d5: {  	[tilespmem:s21+$0x8460] =	vst.msk vm0, v6  }
.Ltmp23:
0x1d6: {  	(pc) =	sbr.rel @p1 .LBB2_36-.Ltmp23, $3  }
0x1d7: {  	_ =	sdelay $0x1  }
0x1d8: {  	s22 =	sadd.s32 $0x10, s22  }
0x1d9: {  	s24 =	sadd.s32 $0xFFFFFFFF, s24;
	v6 =	vld [tilespmem:s22+$0x0]  }
.LBB2_37:
0x1da: {  	_ = 	snop  }
0x1db: {  	s12 =	sadd.s32 @p0 $0x10, s12;
	s15 =	simm.s32 $0x0  }
0x1dc: {  	s15 =	smov.u32 @p0 s12  }
0x1dd: {  	v7 =	vor.u32 s15, v2  }
0x1de: {  	vm1 =	vlt.s32 v7, v5;
	vm0 =	vlt.f32 v6, v3  }
0x1df: {  	vm0 =	vmand vm1, vm0  }
0x1e0: {  	v5 =	vmpcnt.ones.xlane vm0;
	_ =	sdelay $0x1  }
0x1e1: {  	(v2sf) =	vpush v5, $0x0;
	_ =	sdelay $0x6  }
0x1e2: {  	s11 =	sadd.s32 @p0 $0x10, s11  }
0x1e3: {  	s10 =	smov.u32 @p0 s11  }
0x1e4: {  	v5 =	vld [tilespmem:s10+$0x0];
	_ =	sdelay $0x2  }
.Ltmp24:
0x1e5: {  	s10 =	spop @p0 (v2sf);
	(pc) =	sbr.rel .LBB2_38-.Ltmp24, $4  }
0x1e6: {  	s10 =	sadd.s32 @p0 s21, s10  }
0x1e7: {  	s8 =	smov.u32 @p0 s10;
	v6 =	vand.u32 $0x3FFF, v5;
	v5 =	vshrl.u32 v5, $0xE  }
0x1e8: {  	v5 =	vsub.s32 v5, v0;
	[tilespmem:s8+$0x5C20] =	vst.msk vm0, v6;
	s26 =	spop (v2sf)  }
0x1e9: {  	[tilespmem:s8+$0x8460] =	vst.msk vm0, v5;
	s8 =	sadd.s32 s8, s26  }
.LBB2_31:
0x1ea: {  	s8 =	simm.s32 $0x0  }
.LBB2_38:
0x1eb: {  	s9 =	sadd.s32 $0xF, s9  }
0x1ec: {  	s10 =	sand.u32 $0xF, s9  }
0x1ed: {  	s11 =	sshra.s32 s9, $0x1F;
	p0 =	slt.s32 s9, $0x1;
	p1 =	sne.s32 s10, $0x0  }
0x1ee: {  	s26 =	sshrl.u32 s11, $0x1C;
	p0 =	por !p0, !p1  }
0x1ef: {  	s10 =	simm.s32 $0x1;
	s9 =	sadd.s32 s26, s9;
	p0 =	por !p0, !p0  }
0x1f0: {  	s9 =	sshra.s32 s9, $0x4;
	s10 =	simm.s32 @!p0 $0x0  }
0x1f1: {  	s11 =	ssub.s32 s9, s10  }
0x1f2: {  	p0 =	slt.s32 s11, $0x1  }
.Ltmp25:
0x1f3: {  	_ = 	snop;
	(pc) =	sbr.rel @p0 .LBB2_45-.Ltmp25, $1  }
0x1f4: {  	_ =	sdelay $0x3  }
0x1f5: {  	p1 =	sne.s32 s11, $0x1  }
.Ltmp26:
0x1f6: {  	_ = 	snop;
	(pc) =	sbr.rel @!p1 .LBB2_40-.Ltmp26, $3  }
0x1f7: {  	_ =	sdelay $0x1  }
0x1f8: {  	s9 =	simm.s32 $0x2000;
	s12 =	simm.s32 $0x4800  }
0x1f9: {  	v4 =	vbroadcast v4, $0x0;
	s10 =	simm.s32 $0x0;
	s11 =	sadd.s32 $0xFFFFFFFF, s11;
	p0 =	por $0x0, $0x0;
	v5 =	vld [tilespmem:s12+$0x0]  }
0x1fa: {  	_ =	sdelay $0x2  }
0x1fb: {  	v7 =	vor.u32 s10, v2  }
0x1fc: {  	vm1 =	vlt.s32 v7, v4;
	vm0 =	vlt.f32 v5, v3  }
0x1fd: {  	vm0 =	vmand vm1, vm0  }
0x1fe: {  	v7 =	vmpcnt.ones.xlane vm0  }
0x1ff: {  	v6 =	vld [tilespmem:s9+$0x0]  }
0x200: {  	(v2sf) =	vpush v7, $0x0;
	_ =	sdelay $0x1  }
0x201: {  	p1 =	sne.s32 s11, $0x1  }
.Ltmp27:
0x202: {  	_ = 	snop;
	(pc) =	sbr.rel @!p1 .LBB2_42-.Ltmp27, $4  }
0x203: {  	v5 =	vand.u32 $0x3FFF, v6;
	v6 =	vshrl.u32 v6, $0xE  }
0x204: {  	v6 =	vsub.s32 v6, v0;
	[tilespmem:s8+$0x5C20] =	vst.msk vm0, v5  }
0x205: {  	s22 =	simm.s32 $0x4810;
	s24 =	sadd.s32 $0xFFFFFFFF, s11;
	p0 =	por $0x1, $0x1;
	[tilespmem:s8+$0x8460] =	vst.msk vm0, v6  }
0x206: {  	s11 =	simm.s32 $0x2000;
	s12 =	simm.s32 $0x0;
	s21 =	smov.u32 s8;
	v5 =	vld [tilespmem:s22+$0x0]  }
.LBB2_43:
0x207: {  	p1 =	sne.s32 s24, $0x1;
	_ =	sdelay $0x1  }
0x208: {  	s11 =	sadd.s32 $0x10, s11;
	s12 =	sadd.s32 $0x10, s12  }
0x209: {  	v7 =	vor.u32 s12, v2;
	v6 =	vld [tilespmem:s11+$0x0]  }
0x20a: {  	vm1 =	vlt.s32 v7, v4;
	vm0 =	vlt.f32 v5, v3  }
0x20b: {  	vm0 =	vmand vm1, vm0  }
0x20c: {  	v5 =	vmpcnt.ones.xlane vm0  }
0x20d: {  	s15 =	spop (v2sf)  }
0x20e: {  	v7 =	vand.u32 $0x3FFF, v6;
	v6 =	vshrl.u32 v6, $0xE;
	(v2sf) =	vpush v5, $0x0;
	s21 =	sadd.s32 s21, s15  }
0x20f: {  	v5 =	vsub.s32 v6, v0;
	[tilespmem:s21+$0x5C20] =	vst.msk vm0, v7  }
0x210: {  	[tilespmem:s21+$0x8460] =	vst.msk vm0, v5  }
.Ltmp28:
0x211: {  	(pc) =	sbr.rel @p1 .LBB2_43-.Ltmp28, $3  }
0x212: {  	_ =	sdelay $0x1  }
0x213: {  	s22 =	sadd.s32 $0x10, s22  }
0x214: {  	s24 =	sadd.s32 $0xFFFFFFFF, s24;
	v5 =	vld [tilespmem:s22+$0x0]  }
.LBB2_44:
0x215: {  	_ = 	snop  }
0x216: {  	s12 =	sadd.s32 @p0 $0x10, s12  }
0x217: {  	s10 =	smov.u32 @p0 s12  }
0x218: {  	v6 =	vor.u32 s10, v2  }
0x219: {  	vm1 =	vlt.s32 v6, v4;
	vm0 =	vlt.f32 v5, v3  }
0x21a: {  	vm0 =	vmand vm1, vm0  }
0x21b: {  	v3 =	vmpcnt.ones.xlane vm0;
	_ =	sdelay $0x1  }
0x21c: {  	(v2sf) =	vpush v3, $0x0;
	_ =	sdelay $0x6  }
0x21d: {  	s10 =	sadd.s32 @p0 $0x10, s11  }
0x21e: {  	s9 =	smov.u32 @p0 s10  }
0x21f: {  	v3 =	vld [tilespmem:s9+$0x0];
	_ =	sdelay $0x2  }
0x220: {  	s9 =	spop @p0 (v2sf)  }
0x221: {  	s9 =	sadd.s32 @p0 s21, s9  }
0x222: {  	s8 =	smov.u32 @p0 s9;
	v63 =	vand.u32 $0x3FFF, v3;
	v3 =	vshrl.u32 v3, $0xE  }
0x223: {  	v3 =	vsub.s32 v3, v0;
	[tilespmem:s8+$0x5C20] =	vst.msk vm0, v63;
	s26 =	spop (v2sf)  }
0x224: {  	[tilespmem:s8+$0x8460] =	vst.msk vm0, v3;
	s8 =	sadd.s32 s8, s26  }
.LBB2_45:
0x225: {  	s8 =	sadd.s32 $0x3F, s8  }
0x226: {  	s9 =	sand.u32 $0x3F, s8  }
0x227: {  	s10 =	sshra.s32 s8, $0x1F;
	p0 =	slt.s32 s8, $0x1;
	p1 =	sne.s32 s9, $0x0  }
0x228: {  	s26 =	sshrl.u32 s10, $0x1A;
	p0 =	por !p0, !p1  }
0x229: {  	s9 =	simm.s32 $0x1;
	s8 =	sadd.s32 s26, s8;
	p0 =	por !p0, !p0  }
0x22a: {  	s8 =	sshra.s32 s8, $0x6;
	s9 =	simm.s32 @!p0 $0x0  }
0x22b: {  	s8 =	ssub.s32 s8, s9  }
0x22c: {  	p0 =	slt.s32 s8, $0x1  }
.Ltmp29:
0x22d: {  	_ = 	snop;
	(pc) =	sbr.rel @p0 .LBB2_49-.Ltmp29, $1  }
0x22e: {  	_ =	sdelay $0x3  }
0x22f: {  	s10 =	sshll.u32 s8, $0x2  }
0x230: {  	s11 =	simm.s32 $0x0;
	p0 =	sne.s32 s10, $0x1  }
.Ltmp30:
0x231: {  	v3 =	vld [tilespmem:s11+$0x8460];
	(pc) =	sbr.rel @!p0 .LBB2_48-.Ltmp30, $4  }
0x232: {  	s9 =	simm.s32 $0x0  }
0x233: {  	s12 =	sand.u32 $0xFFFFFF00, s9  }
0x234: {  	s15 =	sand.u32 $0x30, s9;
	s12 =	sshra.s32 s12, $0x2  }
0x235: {  	s10 =	sadd.s32 $0xFFFFFFFF, s10;
	s11 =	simm.s32 $0x40;
	s12 =	sor.u32 s15, s12  }
.LBB2_47:
0x236: {  	s15 =	sshra.s32 s11, $0x2;
	p0 =	sne.s32 s10, $0x1;
	s10 =	sadd.s32 $0xFFFFFFFF, s10;
	[tilespmem:s12+$0xACA0] =	vst v3  }
.Ltmp31:
0x237: {  	v3 =	vld [tilespmem:s15+$0x8460];
	(pc) =	sbr.rel @p0 .LBB2_47-.Ltmp31, $4  }
0x238: {  	_ = 	snop  }
0x239: {  	s12 =	sand.u32 $0xFFFFFF00, s11;
	s9 =	sadd.s32 $0x10, s9  }
0x23a: {  	s15 =	sand.u32 $0x30, s9;
	s12 =	sshra.s32 s12, $0x2  }
0x23b: {  	s11 =	sadd.s32 $0x40, s11;
	s12 =	sor.u32 s15, s12  }
.LBB2_48:
0x23c: {  	[tilespmem:s12+$0xACA0] =	vst v3  }
0x23d: {  	[tilespmem:s0], [sflag:$0x2] =	stream.indirect.gather [hbm4b:s6+s14], $0x40, s4, s14, $0xb8;
	[tilespmem:$0x162F0] =	vst v63  }
.LBB2_49:
0x23e: {  	s9 =	sadd.s32 $0x1, s8  }
0x23f: {  	s10 =	sand.u32 $0x1, s9  }
0x240: {  	p0 =	slt.s32 s8, $0x0;
	p1 =	seq.s32 s10, $0x1  }
0x241: {  	s26 =	sshrl.u32 s9, $0x1F;
	p0 =	por !p0, !p1  }
0x242: {  	s9 =	sadd.s32 s26, s9;
	s10 =	simm.s32 $0x1;
	p0 =	por !p0, !p0  }
0x243: {  	s9 =	sshra.s32 s9, $0x1;
	s10 =	simm.s32 @!p0 $0x0  }
0x244: {  	s10 =	ssub.s32 s9, s10  }
0x245: {  	p0 =	slt.s32 s10, $0x1  }
.Ltmp32:
0x246: {  	_ = 	snop;
	(pc) =	sbr.rel @p0 .LBB2_53-.Ltmp32, $1  }
0x247: {  	_ =	sdelay $0x3  }
0x248: {  	_ =	swait.ge [sflag:s17], $0x1000  }
0x249: {  	s9 =	simm.s32 $0xACA0;
	p0 =	sle.s32 s8, $0x1;
	[sflag:s17] =	ssyncset.done $0x0  }
0x24a: {  	s11 =	simm.s32 @p0 $0x40;
	s12 =	simm.s32 @p0 $0xD4A0;
	[sflag:s17] =	ssyncadd.s32 $0xFFFFF000  }
0x24b: {  	[spmem:s2] =	stream.indirect.scatter.add.bf16 @p0 [tilespmem:s12], [sflag:$0x5], $0x40, s9, s11, $0xb8;
	[tilespmem:$0x162F0] =	vst v63  }
0x24c: {  	s15 =	simm.s32 @!p0 $0x40;
	s21 =	simm.s32 @!p0 $0xE4A0;
	s11 =	simm.s32 $0x5C60  }
0x24d: {  	[tilespmem:s21], [sflag:$0x3] =	stream.indirect.gather @!p0 [hbm4b:s6+s15], $0x40, s11, s15, $0xb8;
	[tilespmem:$0x162F0] =	vst v63  }
0x24e: {  	s12 =	simm.s32 @!p0 $0x5;
	s11 =	simm.s32 @!p0 $0xD4A0  }
0x24f: {  	[spmem:s2] =	stream.indirect.scatter.add.bf16 @!p0 [tilespmem:s11], [sflag:$0x5], $0x40, s9, s15, $0xb8;
	[tilespmem:$0x162F0] =	vst v63  }
0x250: {  	_ =	swait.ge @!p0 [sflag:s12], $0x1000  }
0x251: {  	[sflag:s12] =	ssyncset.done @!p0 $0x0  }
0x252: {  	p1 =	sle.s32 @!p0 s8, $0x2;
	s11 =	simm.s32 @!p0 $0x3;
	[sflag:s12] =	ssyncadd.s32 @!p0 $0xFFFFF000  }
0x253: {  	p1 =	por p1, p0;
	_ =	swait.ge @!p0 [sflag:s11], $0x1000  }
0x254: {  	s22 =	simm.s32 @!p1 $0xD4A0;
	[sflag:s11] =	ssyncset.done @!p0 $0x0  }
0x255: {  	s24 =	simm.s32 @!p1 $0x40;
	[sflag:s11] =	ssyncadd.s32 @!p0 $0xFFFFF000;
	s11 =	simm.s32 @!p1 $0x5CA0  }
0x256: {  	[tilespmem:s22], [sflag:$0x2] =	stream.indirect.gather @!p1 [hbm4b:s6+s24], $0x40, s11, s24, $0xb8;
	[tilespmem:$0x162F0] =	vst v63  }
0x257: {  	s10 =	sadd.s32 $0xFFFFFFFF, s10;
	s12 =	simm.s32 @!p0 $0x4;
	s11 =	simm.s32 @!p0 $0xACE0  }
0x258: {  	[spmem:s2] =	stream.indirect.scatter.add.bf16 @!p0 [tilespmem:s21], [sflag:$0x4], $0x40, s11, s15, $0xb8;
	[tilespmem:$0x162F0] =	vst v63  }
0x259: {  	s12 =	simm.s32 @p0 $0x5;
	p0 =	sne.s32 s10, $0x0  }
.Ltmp33:
0x25a: {  	_ = 	snop;
	(pc) =	sbr.rel @!p0 .LBB2_52-.Ltmp33, $3  }
0x25b: {  	_ =	sdelay $0x1  }
0x25c: {  	_ =	swait.ge [sflag:s12], $0x1000  }
0x25d: {  	s11 =	simm.s32 $0x5CE0;
	s21 =	simm.s32 $0x3;
	[sflag:s12] =	ssyncset.done $0x0  }
.LBB2_51:
0x25e: {  	s10 =	sadd.s32 $0xFFFFFFFF, s10;
	[sflag:s12] =	ssyncadd.s32 $0xFFFFF000;
	s9 =	sadd.s32 $0x80, s9  }
0x25f: {  	p0 =	sne.s32 s10, $0x0  }
0x260: {  	_ =	swait.ge [sflag:s17], $0x1000  }
0x261: {  	p1 =	sge.s32 s21, s8;
	[sflag:s17] =	ssyncset.done $0x0  }
0x262: {  	s12 =	simm.s32 @p1 $0x40;
	s15 =	simm.s32 @p1 $0xD4A0;
	[sflag:s17] =	ssyncadd.s32 $0xFFFFF000  }
0x263: {  	[spmem:s2] =	stream.indirect.scatter.add.bf16 @p1 [tilespmem:s15], [sflag:$0x5], $0x40, s9, s12, $0xb8;
	[tilespmem:$0x162F0] =	vst v63  }
0x264: {  	s22 =	simm.s32 @!p1 $0xE4A0;
	s15 =	simm.s32 @!p1 $0x40;
	s12 =	sadd.s32 @!p1 $0x1, s21  }
0x265: {  	[tilespmem:s22], [sflag:$0x3] =	stream.indirect.gather @!p1 [hbm4b:s6+s15], $0x40, s11, s15, $0xb8;
	[tilespmem:$0x162F0] =	vst v63  }
0x266: {  	s24 =	simm.s32 @!p1 $0xD4A0;
	s25 =	simm.s32 @!p1 $0x5;
	p2 =	sge.s32 @!p1 s12, s8  }
0x267: {  	[spmem:s2] =	stream.indirect.scatter.add.bf16 @!p1 [tilespmem:s24], [sflag:$0x5], $0x40, s9, s15, $0xb8;
	[tilespmem:$0x162F0] =	vst v63  }
0x268: {  	s12 =	simm.s32 @!p1 $0x4;
	p2 =	por p2, p1;
	_ =	swait.ge @!p1 [sflag:s25], $0x1000  }
0x269: {  	[sflag:s25] =	ssyncset.done @!p1 $0x0  }
0x26a: {  	s24 =	simm.s32 @!p1 $0x3;
	[sflag:s25] =	ssyncadd.s32 @!p1 $0xFFFFF000  }
0x26b: {  	_ =	swait.ge @!p1 [sflag:s24], $0x1000  }
0x26c: {  	s25 =	simm.s32 @!p2 $0xD4A0;
	[sflag:s24] =	ssyncset.done @!p1 $0x0  }
0x26d: {  	s26 =	simm.s32 @!p2 $0x40;
	[sflag:s24] =	ssyncadd.s32 @!p1 $0xFFFFF000;
	s24 =	sadd.s32 @!p2 $0x40, s11  }
0x26e: {  	[tilespmem:s25], [sflag:$0x2] =	stream.indirect.gather @!p2 [hbm4b:s6+s26], $0x40, s24, s26, $0xb8;
	[tilespmem:$0x162F0] =	vst v63  }
.Ltmp34:
0x26f: {  	_ = 	snop;
	(pc) =	sbr.rel @p0 .LBB2_51-.Ltmp34, $4  }
0x270: {  	s12 =	simm.s32 @p1 $0x5;
	s24 =	sadd.s32 @!p1 $0x40, s9  }
0x271: {  	[spmem:s2] =	stream.indirect.scatter.add.bf16 @!p1 [tilespmem:s22], [sflag:$0x4], $0x40, s24, s15, $0xb8;
	[tilespmem:$0x162F0] =	vst v63  }
0x272: {  	_ =	swait.ge [sflag:s12], $0x1000  }
0x273: {  	s21 =	sadd.s32 $0x2, s21;
	s11 =	sadd.s32 $0x80, s11;
	[sflag:s12] =	ssyncset.done $0x0  }
.Ltmp35:
0x274: {  	_ = 	snop;
	(pc) =	sbr.rel .LBB2_52-.Ltmp35, $1  }
0x275: {  	_ =	sdelay $0x3  }
.LBB2_8:
.Ltmp36:
0x276: {  	(pc) =	sbr.rel .LBB2_12-.Ltmp36, $2  }
0x277: {  	_ =	sdelay $0x2  }
0x278: {  	s11 =	simm.s32 $0xC00;
	s12 =	simm.s32 $0x0;
	s21 =	simm.s32 $0x0  }
.LBB2_15:
.Ltmp37:
0x279: {  	(pc) =	sbr.rel .LBB2_19-.Ltmp37, $2  }
0x27a: {  	_ =	sdelay $0x2  }
0x27b: {  	s11 =	simm.s32 $0x2000;
	s12 =	simm.s32 $0x0;
	s21 =	smov.u32 s8  }
.LBB2_33:
.Ltmp38:
0x27c: {  	(pc) =	sbr.rel .LBB2_37-.Ltmp38, $2  }
0x27d: {  	_ =	sdelay $0x2  }
0x27e: {  	s11 =	simm.s32 $0xC00;
	s12 =	simm.s32 $0x0;
	s21 =	simm.s32 $0x0  }
.LBB2_40:
.Ltmp39:
0x27f: {  	(pc) =	sbr.rel .LBB2_44-.Ltmp39, $2  }
0x280: {  	_ =	sdelay $0x2  }
0x281: {  	s11 =	simm.s32 $0x2000;
	s12 =	simm.s32 $0x0;
	s21 =	smov.u32 s8  }
.LBB2_10:
.Ltmp40:
0x282: {  	(pc) =	sbr.rel .LBB2_12-.Ltmp40, $2  }
0x283: {  	_ =	sdelay $0x2  }
0x284: {  	s11 =	simm.s32 $0xC00;
	s12 =	simm.s32 $0x0;
	s21 =	simm.s32 $0x0  }
.LBB2_17:
.Ltmp41:
0x285: {  	(pc) =	sbr.rel .LBB2_19-.Ltmp41, $2  }
0x286: {  	_ =	sdelay $0x2  }
0x287: {  	s11 =	simm.s32 $0x2000;
	s12 =	simm.s32 $0x0;
	s21 =	smov.u32 s8  }
.LBB2_35:
.Ltmp42:
0x288: {  	(pc) =	sbr.rel .LBB2_37-.Ltmp42, $2  }
0x289: {  	_ =	sdelay $0x2  }
0x28a: {  	s11 =	simm.s32 $0xC00;
	s12 =	simm.s32 $0x0;
	s21 =	simm.s32 $0x0  }
.LBB2_42:
.Ltmp43:
0x28b: {  	(pc) =	sbr.rel .LBB2_44-.Ltmp43, $2  }
0x28c: {  	_ =	sdelay $0x2  }
0x28d: {  	s11 =	simm.s32 $0x2000;
	s12 =	simm.s32 $0x0;
	s21 =	smov.u32 s8  }
.LBB2_54:
0x28e: {  	_ =	sfence.sel $0x180000  }
0x28f: {  	[bflag:$0x0] =	sbarrier.arrive $0xFFFF  }
0x290: {  	_ =	strace $0x9000004A  }
0x291: {  	s0 =	stileid.u32;
	[bflag:$0x2] =	sbarrier.arrive $0xFFFF  }
0x292: {  	p0 =	sne.s32 s0, $0x0;
	s0 =	rddreg [dreg:$0x3]  }
0x293: {  	s0 =	sadd.s32 @!p0 $0x100000, s0  }
0x294: {  	[sflag:s0] =	ssyncadd.tile.s32 @!p0 $0x1;
	_ =	shalt  }
.Lfunc_end2:
_tile_overlayer_lowered:
.L_overlay_start_2:
0x295: {  	(tag) =	ssettag $0x2  }
0x296: {  	s0 =	rddreg [dreg:$0x0];
	s2 =	stileid.u32  }
0x297: {  	s1 =	rddreg [dreg:$0x1];
	p0 =	sne.s32 s2, $0x0  }
0x298: {  	s3 =	rddreg [dreg:$0x2];
	[bflag:$0x3] =	sbarrier.arrive $0xFFFF;
	s2 =	simm.s32 @!p0 $0x1C04  }
0x299: {  	[timem:s3], [sflag:s2] =	dma.local @!p0 [hbm:s0], s1  }
0x29a: {  	s0 =	simm.s32 @!p0 $0x4  }
0x29b: {  	_ =	swait.ge @!p0 [sflag:s0], s1  }
0x29c: {  	s1 =	ssub.s32 @!p0 $0x0, s1;
	[sflag:s0] =	ssyncset.done @!p0 $0x0  }
0x29d: {  	[sflag:s0] =	ssyncadd.s32 @!p0 s1  }
0x29e: {  	[bflag:$0x3] =	sbarrier.arrive $0xFFFF  }
0x29f: {  	_ =	shalt  }

// kernel: kernel.7.cloned.1.call-start
scs
__scs_entry_jumppad:
0x0: {  	(pc) =	sbr.rel $0x88, $3  }
0x1: {  	(tag) =	ssettag $0x0;
	lr =	simm.s32 $0x1  }
0x2: {  	[smem:$0x3F99] =	sst lr;
	_ =	strace $0xD0000000  }
0x3: {  	_ = 	snop  }
0x4: {  	_ = 	snop  }
0x5: {  	_ = 	snop  }
0x6: {  	_ = 	snop  }
0x7: {  	_ = 	snop  }
__scs_overlays_trampoline_lowered:
0x8: {  	[smem:$0x3FA8] =	sst s0  }
0x9: {  	[smem:$0x3FA9] =	sst s1  }
0xa: {  	[smem:$0x3FAA] =	sst s2  }
0xb: {  	[smem:$0x3FAB] =	sst s3  }
0xc: {  	[smem:$0x3FAC] =	sst s4  }
0xd: {  	[smem:$0x3FAD] =	sst s5  }
0xe: {  	[smem:$0x3FAE] =	sst s6  }
0xf: {  	[smem:$0x3FAF] =	sst s7  }
0x10: {  	[smem:$0x3FB0] =	sst s8  }
0x11: {  	[smem:$0x3FB1] =	sst s9;
	s0 =	simm.s32 @!p0 $0x0  }
0x12: {  	s1 =	sld [smem:$0x3F97];
	s0 =	simm.s32 @p0 $0x1  }
0x13: {  	[smem:$0x3FB2] =	sst s0;
	s0 =	simm.s32 @!p1 $0x0  }
0x14: {  	s2 =	sld [smem:$0x3F96];
	s0 =	simm.s32 @p1 $0x1  }
0x15: {  	[smem:$0x3FB3] =	sst s0;
	s0 =	simm.s32 @!p2 $0x0  }
0x16: {  	s3 =	sld [smem:$0x3FDB];
	s0 =	simm.s32 @p2 $0x1  }
0x17: {  	s4 =	simm.s32 $0x1BF5;
	[smem:$0x3FB5] =	sst s0  }
0x18: {  	s0 =	sld [smem:$0x3F98];
	_ =	swait.ge [sflag:s4], $0x0  }
0x19: {  	s7 =	sld [smem:$0x3F99]  }
0x1a: {  	s8 =	sadd.s32 $0xFFFFE003, lr  }
0x1b: {  	s9 =	sadd.s32 $0xFFFFFEF7, lr;
	s5 =	simm.s32 $0xFFFFFFFF;
	p2 =	slt.u32 s8, $0xFFFFF086  }
0x1c: {  	p1 =	slt.u32 s9, $0xF7A;
	s5 =	simm.s32 @!p2 $0x0  }
0x1d: {  	s5 =	simm.s32 @p1 $0x1;
	p0 =	seq.s32 s7, s2  }
0x1e: {  	s7 =	smul.u32 @!p0 $0xF7A, s2;
	p2 =	seq.s32 @!p0 s5, $0x0  }
0x1f: {  	s9 =	smul.u32 $0xF7A, s1;
	s8 =	simm.s32 @!p0 $0x1BF5;
	p2 =	por !p2, p0  }
0x20: {  	[sflag:s8] =	ssyncset.s32 @!p0 $0xFFFFF086;
	s6 =	sadd.s32 @!p0 s3, s7;
	s7 =	simm.s32 @!p0 $0x108  }
0x21: {  	s3 =	sadd.s32 s3, s9;
	s6 =	sadd.s32 @!p0 $0x88, s6;
	s7 =	simm.s32 @p2 $0x1082  }
0x22: {  	[simem:s7], [sflag:s8] =	dma.local @!p0 [hbm:s6], $0xF7A  }
0x23: {  	s9 =	sor.u32 $0xD0000000, s2;
	s6 =	simm.s32 $0x108;
	_ =	swait.ge @!p0 [sflag:s8], $0x0  }
0x24: {  	s3 =	sadd.s32 $0x88, s3;
	s6 =	simm.s32 @!p1 $0x1082;
	[sflag:s4] =	ssyncset.s32 $0xFFFFF086  }
0x25: {  	[simem:s6], [sflag:s4] =	dma.local [hbm:s3], $0xF7A  }
0x26: {  	[smem:$0x3F99] =	sst s1;
	(tag) =	ssettag s2;
	_ =	strace s9  }
0x27: {  	s1 =	sld [smem:$0x3FA9]  }
0x28: {  	s2 =	sld [smem:$0x3FAA]  }
0x29: {  	s4 =	sld [smem:$0x3FAC]  }
0x2a: {  	p0 =	seq.s32 s5, $0x0;
	s5 =	sld [smem:$0x3FAD]  }
0x2b: {  	s6 =	sld [smem:$0x3FAE]  }
0x2c: {  	s7 =	sld [smem:$0x3FAF]  }
0x2d: {  	s3 =	simm.s32 $0x108;
	s8 =	sld [smem:$0x3FB0]  }
0x2e: {  	s3 =	simm.s32 @!p0 $0x1082;
	s9 =	sld [smem:$0x3FB1]  }
0x2f: {  	lr =	sadd.s32 s0, s3;
	s0 =	sld [smem:$0x3FA8]  }
0x30: {  	s3 =	sld [smem:$0x3FAB]  }
0x31: {  	[smem:$0x3FB4] =	sst s10  }
0x32: {  	s10 =	sld [smem:$0x3FB2];
	_ =	sdelay $0x3  }
0x33: {  	p0 =	seq.s32 s10, $0x1;
	s10 =	sld [smem:$0x3FB4];
	_ =	sdelay $0x3  }
0x34: {  	[smem:$0x3FB4] =	sst s10  }
0x35: {  	s10 =	sld [smem:$0x3FB3];
	_ =	sdelay $0x3  }
0x36: {  	p1 =	seq.s32 s10, $0x1;
	s10 =	sld [smem:$0x3FB4];
	_ =	sdelay $0x3  }
0x37: {  	[smem:$0x3FB4] =	sst s10  }
0x38: {  	s10 =	sld [smem:$0x3FB5]  }
0x39: {  	_ = 	snop;
	(pc) =	sbr.ind lr, $3  }
0x3a: {  	_ = 	snop  }
0x3b: {  	_ = 	snop  }
0x3c: {  	p2 =	seq.s32 s10, $0x1;
	s10 =	sld [smem:$0x3FB4]  }
0x3d: {  	_ =	shalt  }
0x3e: {  	_ =	shalt  }
0x3f: {  	_ =	shalt  }
0x40: {  	_ =	shalt  }
0x41: {  	_ =	shalt  }
0x42: {  	_ =	shalt  }
0x43: {  	_ =	shalt  }
0x44: {  	_ =	shalt  }
0x45: {  	_ =	shalt  }
0x46: {  	_ =	shalt  }
0x47: {  	_ =	shalt  }
0x48: {  	_ =	shalt  }
0x49: {  	_ =	shalt  }
0x4a: {  	_ =	shalt  }
0x4b: {  	_ =	shalt  }
0x4c: {  	_ =	shalt  }
0x4d: {  	_ =	shalt  }
0x4e: {  	_ =	shalt  }
0x4f: {  	_ =	shalt  }
0x50: {  	_ =	shalt  }
0x51: {  	_ =	shalt  }
0x52: {  	_ =	shalt  }
0x53: {  	_ =	shalt  }
0x54: {  	_ =	shalt  }
0x55: {  	_ =	shalt  }
0x56: {  	_ =	shalt  }
0x57: {  	_ =	shalt  }
0x58: {  	_ =	shalt  }
0x59: {  	_ =	shalt  }
0x5a: {  	_ =	shalt  }
0x5b: {  	_ =	shalt  }
0x5c: {  	_ =	shalt  }
0x5d: {  	_ =	shalt  }
0x5e: {  	_ =	shalt  }
0x5f: {  	_ =	shalt  }
0x60: {  	_ =	shalt  }
0x61: {  	_ =	shalt  }
0x62: {  	_ =	shalt  }
0x63: {  	_ =	shalt  }
0x64: {  	_ =	shalt  }
0x65: {  	_ =	shalt  }
0x66: {  	_ =	shalt  }
0x67: {  	_ =	shalt  }
0x68: {  	_ =	shalt  }
0x69: {  	_ =	shalt  }
0x6a: {  	_ =	shalt  }
0x6b: {  	_ =	shalt  }
0x6c: {  	_ =	shalt  }
0x6d: {  	_ =	shalt  }
0x6e: {  	_ =	shalt  }
0x6f: {  	_ =	shalt  }
0x70: {  	_ =	shalt  }
0x71: {  	_ =	shalt  }
0x72: {  	_ =	shalt  }
0x73: {  	_ =	shalt  }
0x74: {  	_ =	shalt  }
0x75: {  	_ =	shalt  }
0x76: {  	_ =	shalt  }
0x77: {  	_ =	shalt  }
0x78: {  	_ =	shalt  }
0x79: {  	_ =	shalt  }
0x7a: {  	_ =	shalt  }
0x7b: {  	_ =	shalt  }
0x7c: {  	_ =	shalt  }
0x7d: {  	_ =	shalt  }
0x7e: {  	_ =	shalt  }
0x7f: {  	_ =	shalt  }
0x80: {  	_ =	shalt  }
0x81: {  	_ =	shalt  }
0x82: {  	_ =	shalt  }
0x83: {  	_ =	shalt  }
0x84: {  	_ =	shalt  }
0x85: {  	_ =	shalt  }
0x86: {  	_ =	shalt  }
0x87: {  	_ =	shalt  }
.Lfunc_end0:
.L_simem_size_0:
called_computation_lowered:
.L_overlay_start_0:
0x88: {  	s2 =	sld [smem:$0x3FD9]  }
0x89: {  	s3 =	sld [smem:$0x3FFE];
	_ =	sdelay $0x1  }
0x8a: {  	s1 =	srdreg.scid  }
0x8b: {  	s0 =	sand.u32 $0x1, s1  }
0x8c: {  	s17 =	sshll.u32 s0, $0xA;
	s2 =	sadd.s32 s3, s2  }
0x8d: {  	s2 =	sadd.s32 s2, s17  }
0x8e: {  	[smem:$0x3FC0] =	sst s2  }
0x8f: {  	_ = 	snop  }
0x90: {  	s2 =	sld [smem:$0x3FD0];
	(tm) =	ssettm $0x1  }
0x91: {  	s18 =	sld [smem:$0x3FFB];
	_ =	sdelay $0x3  }
0x92: {  	_ =	strace s18  }
0x93: {  	s3 =	sld [smem:$0x3FFC];
	_ =	sdelay $0x3  }
0x94: {  	_ =	strace s3  }
0x95: {  	s3 =	sld [smem:$0x3FFD];
	_ =	sdelay $0x3  }
0x96: {  	_ =	strace s3  }
0x97: {  	_ =	strace $0x8FFFFFFF  }
0x98: {  	s19 =	sld [smem:$0x3FDB];
	_ =	sdelay $0x1  }
0x99: {  	s4 =	simm.s32 $_scs_section_size  }
0x9a: {  	s5 =	simm.s32 $_size__tile_overlayer_lowered;
	s6 =	simm.s32 $_tile_overlayer_lowered  }
0x9b: {  	s22 =	simm.s32 $0x1BFF;
	s21 =	sshll.u32 s6, $0x1;
	s3 =	sadd.s32 s4, s19  }
0x9c: {  	s7 =	simm.s32 $0x0;
	s20 =	sshll.u32 s5, $0x1;
	s5 =	sadd.s32 s21, s3  }
0x9d: {  	[timem:s7], [sflag:s22] =	dma.local [hbm:s5], s20  }
0x9e: {  	_ =	swait.ge [sflag:s22], s20  }
0x9f: {  	s4 =	ssub.s32 $0x0, s20;
	[sflag:s22] =	ssyncset.done $0x0  }
0xa0: {  	[sflag:s22] =	ssyncadd.s32 s4;
	_ =	sdelay $0x1  }
0xa1: {  	s23 =	simm.s32 $0x1B8B  }
0xa2: {  	_ =	swait.ge [sflag:s23], $0x1  }
0xa3: {  	[sflag:s23] =	ssyncset.done $0x0  }
0xa4: {  	s25 =	simm.s32 $0x1B8E;
	s24 =	sld [smem:$0x3FFE];
	[sflag:s23] =	ssyncadd.s32 $0xFFFFFFFF  }
0xa5: {  	s26 =	simm.s32 $execute0_lowered;
	[smem:$0x3FD2] =	sst s25  }
0xa6: {  	s5 =	sshll.u32 s26, $0x1;
	_ =	strace $0x80000046;
	[dreg:$0x1] =	wrdreg $0xFFFFFFFF  }
0xa7: {  	s28 =	simm.s32 $_size_execute0_lowered;
	s3 =	sadd.s32 s3, s5;
	[dreg:$0x0] =	wrdreg $0x0  }
0xa8: {  	s5 =	sshll.u32 s28, $0x1;
	[dreg:$0x2] =	wrdreg s3  }
0xa9: {  	[dreg:$0x3] =	wrdreg s5  }
0xaa: {  	[dreg:$0x4] =	wrdreg $0xC0  }
0xab: {  	_ =	task [dreg:s7], $0x5FFFF  }
0xac: {  	[dreg:$0x1] =	wrdreg $0xFFFFFFFF  }
0xad: {  	[dreg:$0x0] =	wrdreg $0x60  }
0xae: {  	[dreg:$0x2] =	wrdreg s2  }
0xaf: {  	[dreg:$0x3] =	wrdreg s24  }
0xb0: {  	[dreg:$0x4] =	wrdreg $0x9  }
0xb1: {  	_ =	task.clear_ibuf [dreg:s7], $0x5FFFF;
	_ =	strace $0x90000046  }
0xb2: {  	s29 =	simm.s32 $0x9;
	_ =	strace $0x80000048  }
0xb3: {  	_ =	swait.ge [sflag:s29], $0x1  }
0xb4: {  	[sflag:s29] =	ssyncadd.s32 $0xFFFFFFFF  }
0xb5: {  	_ =	strace $0x90000048  }
0xb6: {  	_ =	sfence  }
0xb7: {  	s30 =	sld [smem:$0x0];
	_ =	sdelay $0x2  }
0xb8: {  	s31 =	sshll.u32 s1, $0xD;
	s1 =	sshrl.u32 s1, $0x2  }
0xb9: {  	s3 =	sand.u32 $0x4000, s31;
	s1 =	sadd.s32 s1, s30  }
0xba: {  	s0 =	sor.u32 s3, s0;
	s1 =	sshll.u32 s1, $0x11  }
0xbb: {  	s0 =	sor.u32 s1, s0  }
0xbc: {  	s0 =	sadd.s32 $0x8F2B, s0  }
0xbd: {  	[sflag:s0] =	ssyncadd.remote.s32 $0x1  }
0xbe: {  	_ =	sfence.sel $0xFFFF  }
0xbf: {  	[dreg:$0x0] =	wrdreg $0xFFFFFFFF;
	(pc) =	sbr.abs _section_cstart, $3  }
0xc0: {  	[dreg:$0x1] =	wrdreg $0xFFFFFFFF  }
0xc1: {  	_ =	task.clear_ibuf [dreg:s7], $0x2FFFF;
	_ =	strace $0x9FFFFFFF  }
0xc2: {  	(tm) =	ssettm $0x7FFFFFFF  }
0xc3: {  	_ =	shalt  }
tec
execute0_lowered:
.L_overlay_start_1:
0x0: {  	(tag) =	ssettag $0x1  }
0x1: {  	s8 =	rddreg [dreg:$0x0]  }
0x2: {  	s0 =	rddreg [dreg:$0x1]  }
0x3: {  	s3 =	simm.s32 $0x0;
	s1 =	srdreg.scid;
	s4 =	stileid.u32  }
0x4: {  	s28 =	simm.s32 $0x1;
	s29 =	simm.s32 $0x2710;
	s30 =	simm.s32 $0x2  }
0x5: {  	s31 =	simm.s32 $0x0;
	[smem:$0x7FF] =	sst s3;
	s2 =	sadd.s32 $0x29800, s0  }
0x6: {  	s1 =	sand.u32 $0x1, s1;
	s4 =	sshll.u32 s4, $0x1;
	s5 =	sadd.s32 $0x33800, s0  }
0x7: {  	s17 =	sadd.s32 $0x33A00, s0;
	s18 =	sadd.s32 $0x34000, s0;
	s19 =	sadd.s32 $0x3E000, s0  }
0x8: {  	s20 =	sadd.s32 $0x52000, s0;
	s21 =	sadd.s32 $0x66000, s0;
	s26 =	sadd.s32 $0x4E2, s8  }
0x9: {  	s9 =	sadd.s32 $0x33880, s0;
	_ =	strace $0x80000047;
	[dreg:$0x3] =	wrdreg s5  }
0xa: {  	[dreg:$0x4] =	wrdreg s17;
	s4 =	sor.u32 s1, s4;
	s1 =	ssub.s32 $0x2, s1  }
0xb: {  	[dreg:$0x6] =	wrdreg s26;
	s6 =	smul.u32 $0x1400, s4;
	s7 =	sshrl.u32 s1, $0x1  }
0xc: {  	s10 =	smul.u32 $0x2800, s4;
	s8 =	sor.u32 $0x20, s4;
	s1 =	ssub.s32 s1, s7  }
0xd: {  	s22 =	smul.u32 $0x2800, s8;
	s26 =	sshll.u32 s8, $0x2;
	s23 =	ssub.s32 $0x27100, s6  }
0xe: {  	s6 =	sshrl.u32 s6, $0x3;
	s7 =	sshrl.u32 s10, $0x3;
	s25 =	smin.u32 s23, $0x1400  }
0xf: {  	s24 =	sadd.s32 s2, s6;
	s16 =	sadd.s32 $0x5000, s6;
	s10 =	sadd.s32 s18, s6  }
0x10: {  	s11 =	sadd.s32 s19, s7;
	s12 =	sadd.s32 s20, s7;
	s0 =	sadd.s32 $0x280, s7  }
0x11: {  	s23 =	sshll.u32 s4, $0x2;
	[dreg:$0x5] =	wrdreg s24;
	s2 =	sadd.s32 s2, s16  }
0x12: {  	s13 =	sadd.s32 s19, s0;
	s14 =	sadd.s32 s20, s0;
	s15 =	sadd.s32 s21, s23  }
0x13: {  	s16 =	sadd.s32 s18, s16;
	s24 =	sshrl.u32 s22, $0x3;
	s21 =	sadd.s32 s21, s26  }
0x14: {  	s22 =	smax.u32 s1, $0x1;
	s23 =	simm.s32 $0x4E20;
	[dreg:$0x7] =	wrdreg s2  }
0x15: {  	v1 =	vimm.s32 $0x1;
	s17 =	sadd.s32 s19, s24;
	s18 =	sadd.s32 s20, s24;
	s0 =	sadd.s32 $0x280, s24  }
0x16: {  	v2 =	vlaneseq.u32;
	v3 =	vimm.s32 $0x2;
	v0 =	vmov s25;
	s24 =	simm.s32 $0x3;
	s19 =	sadd.s32 s19, s0;
	s20 =	sadd.s32 s20, s0  }
.LBB2_1:
0x17: {  	s0 =	rddreg [dreg:$0x4]  }
0x18: {  	[tilespmem:s23], [sflag:$0x3] =	stream.linear.gather [hbm4b:s0+s3], $0x2710, $0x38;
	[tilespmem:$0x16DF0] =	vst v63  }
0x19: {  	_ =	swait.ge [sflag:s24], $0x2710  }
0x1a: {  	[sflag:s24] =	ssyncset.done $0x0  }
0x1b: {  	[sflag:s24] =	ssyncadd.s32 $0xFFFFD8F0  }
0x1c: {  	s2 =	rddreg [dreg:$0x0]  }
0x1d: {  	[tilespmem:s3], [sflag:$0x1] =	stream.linear.gather [hbm4b:s2+s3], $0x2710, $0x38;
	[tilespmem:$0x16DF0] =	vst v63  }
0x1e: {  	s1 =	simm.s32 $0x7D30;
	s4 =	rddreg [dreg:$0x5]  }
0x1f: {  	[tilespmem:s1], [sflag:$0x1] =	stream.linear.gather [hbm4b:s4+s3], $0x1400, $0x38;
	[tilespmem:$0x16DF0] =	vst v63  }
0x20: {  	s6 =	simm.s32 $0x7530;
	s5 =	rddreg [dreg:$0x3]  }
0x21: {  	[tilespmem:s6], [sflag:$0x1] =	stream.linear.gather [hbm4b:s5+s3], $0x400, $0x38;
	[tilespmem:$0x16DF0] =	vst v63  }
0x22: {  	_ =	swait.ge [sflag:s28], $0x2710  }
0x23: {  	[sflag:s28] =	ssyncset.done $0x0  }
0x24: {  	[sflag:s28] =	ssyncadd.s32 $0xFFFFD8F0  }
0x25: {  	_ =	swait.ge [sflag:s28], $0x1400  }
0x26: {  	[sflag:s28] =	ssyncset.done $0x0  }
0x27: {  	[sflag:s28] =	ssyncadd.s32 $0xFFFFEC00  }
0x28: {  	_ =	swait.ge [sflag:s28], $0x400  }
0x29: {  	[sflag:s28] =	ssyncset.done $0x0  }
0x2a: {  	s7 =	rddreg [dreg:$0x6];
	[sflag:s28] =	ssyncadd.s32 $0xFFFFFC00  }
0x2b: {  	[tilespmem:s29], [sflag:$0x1] =	stream.linear.gather [hbm4b:s7+s3], $0x2710, $0x38;
	[tilespmem:$0x16DF0] =	vst v63  }
0x2c: {  	s25 =	simm.s32 $0x9130;
	s8 =	rddreg [dreg:$0x7]  }
0x2d: {  	[tilespmem:s25], [sflag:$0x1] =	stream.linear.gather [hbm4b:s8+s3], $0x1400, $0x38;
	[tilespmem:$0x16DF0] =	vst v63  }
0x2e: {  	s26 =	simm.s32 $0x7930;
	s0 =	simm.s32 $0x0  }
0x2f: {  	[tilespmem:s26], [sflag:$0x1] =	stream.linear.gather [hbm4b:s9+s3], $0x400, $0x38;
	[tilespmem:$0x16DF0] =	vst v63  }
.LBB2_2:
0x30: {  	s1 =	sshra.s32 s0, $0x2  }
0x31: {  	v4 =	vld [tilespmem:s1+$0x7530];
	_ =	sdelay $0x2  }
0x32: {  	p0 =	sne.s32 s0, $0xFC0  }
.Ltmp0:
0x33: {  	_ = 	snop;
	(pc) =	sbr.rel @p0 .LBB2_2-.Ltmp0, $2  }
0x34: {  	_ =	sdelay $0x2  }
0x35: {  	s0 =	sadd.s32 $0x40, s0;
	[tilespmem:v4+s23+$0x0] =	vst.idx.msk $0xffff, v1  }
0x36: {  	s1 =	simm.s32 $0x7D50  }
0x37: {  	v4 =	vld [tilespmem:s1+$0xFFFFFFE0];
	_ =	sdelay $0x4  }
0x38: {  	v5 =	vand.u32 $0x3FFF, v4  }
0x39: {  	v6 =	vshrl.u32 v4, $0xE;
	_ =	sdelay $0x3  }
0x3a: {  	v5 =	vld.idx.msk [tilespmem:v5+s3+$0x0], $0xffff  }
0x3b: {  	v7 =	vld.idx.msk [tilespmem:v6+s3+$0x0], $0xffff;
	_ =	sdelay $0x4  }
0x3c: {  	v5 =	vsub.f32 v7, v5;
	_ =	sdelay $0x1  }
0x3d: {  	s0 =	simm.s32 $0xA550;
	v5 =	vand.u32 $0x7FFFFFFF, v5  }
0x3e: {  	[tilespmem:s0+$0xFFFFFFE0] =	vst v5  }
0x3f: {  	v6 =	vld.idx.msk [tilespmem:v6+s23+$0x0], $0xffff;
	_ =	sdelay $0x2  }
0x40: {  	s2 =	simm.s32 $0x0  }
0x41: {  	v7 =	vor.u32 s2, v2  }
0x42: {  	vm0 =	vlt.u32 v7, v0;
	vm1 =	veq.s32 v6, $0x1  }
0x43: {  	vm2 =	vle.u32 v4, $0x4E1FFFF;
	vm0 =	vmand vm0, vm1  }
0x44: {  	s26 =	simm.s32 $0x0;
	vm1 =	vmand vm0, vm2  }
0x45: {  	vm15 =	vgt.u32 v4, $0x4E1FFFF;
	[tilespmem:s26+$0xCD30] =	vst.msk vm1, v4  }
0x46: {  	vm0 =	vmand vm15, vm0;
	[tilespmem:s26+$0x11D70] =	vst.msk vm1, v5  }
0x47: {  	[tilespmem:s26+$0xF550] =	vst.msk vm0, v4  }
0x48: {  	[tilespmem:s26+$0x14590] =	vst.msk vm0, v5  }
0x49: {  	v4 =	vld [tilespmem:s1+$0xFFFFFFF0];
	_ =	sdelay $0x4  }
0x4a: {  	v5 =	vand.u32 $0x3FFF, v4  }
0x4b: {  	v6 =	vshrl.u32 v4, $0xE;
	_ =	sdelay $0x2  }
0x4c: {  	v7 =	vmpcnt.ones.xlane vm1  }
0x4d: {  	v5 =	vld.idx.msk [tilespmem:v5+s3+$0x0], $0xffff  }
0x4e: {  	v8 =	vmpcnt.ones.xlane vm0;
	(v2sf) =	vpush v7, $0x0;
	v7 =	vld.idx.msk [tilespmem:v6+s3+$0x0], $0xffff;
	_ =	sdelay $0x1  }
0x4f: {  	(v2sf) =	vpush v8, $0x0;
	_ =	sdelay $0x2  }
0x50: {  	v5 =	vsub.f32 v7, v5;
	_ =	sdelay $0x1  }
0x51: {  	v5 =	vand.u32 $0x7FFFFFFF, v5  }
0x52: {  	[tilespmem:s0+$0xFFFFFFF0] =	vst v5  }
0x53: {  	v6 =	vld.idx.msk [tilespmem:v6+s23+$0x0], $0xffff;
	_ =	sdelay $0x2  }
0x54: {  	s4 =	simm.s32 $0x10  }
0x55: {  	v7 =	vor.u32 s4, v2  }
0x56: {  	vm4 =	vlt.u32 v7, v0;
	vm5 =	veq.s32 v6, $0x1  }
0x57: {  	vm6 =	vle.u32 v4, $0x4E1FFFF;
	s5 =	spop (v2sf);
	vm0 =	vmand vm4, vm5  }
0x58: {  	s2 =	sadd.s32 $0x0, s5;
	vm1 =	vmand vm0, vm6  }
0x59: {  	vm7 =	vgt.u32 v4, $0x4E1FFFF;
	s4 =	spop (v2sf);
	[tilespmem:s2+$0xCD30] =	vst.msk vm1, v4  }
0x5a: {  	s4 =	sadd.s32 $0x0, s4;
	vm0 =	vmand vm7, vm0;
	[tilespmem:s2+$0x11D70] =	vst.msk vm1, v5  }
0x5b: {  	[tilespmem:s4+$0xF550] =	vst.msk vm0, v4  }
0x5c: {  	[tilespmem:s4+$0x14590] =	vst.msk vm0, v5  }
0x5d: {  	v4 =	vld [tilespmem:s1+$0x0];
	_ =	sdelay $0x4  }
0x5e: {  	v5 =	vand.u32 $0x3FFF, v4  }
0x5f: {  	v6 =	vshrl.u32 v4, $0xE;
	_ =	sdelay $0x2  }
0x60: {  	v7 =	vmpcnt.ones.xlane vm1  }
0x61: {  	v5 =	vld.idx.msk [tilespmem:v5+s3+$0x0], $0xffff  }
0x62: {  	v8 =	vmpcnt.ones.xlane vm0;
	(v2sf) =	vpush v7, $0x0;
	v7 =	vld.idx.msk [tilespmem:v6+s3+$0x0], $0xffff;
	_ =	sdelay $0x1  }
0x63: {  	(v2sf) =	vpush v8, $0x0;
	_ =	sdelay $0x2  }
0x64: {  	v5 =	vsub.f32 v7, v5;
	_ =	sdelay $0x1  }
0x65: {  	v5 =	vand.u32 $0x7FFFFFFF, v5  }
0x66: {  	[tilespmem:s0+$0x0] =	vst v5  }
0x67: {  	v6 =	vld.idx.msk [tilespmem:v6+s23+$0x0], $0xffff;
	_ =	sdelay $0x2  }
0x68: {  	s5 =	simm.s32 $0x20  }
0x69: {  	v7 =	vor.u32 s5, v2  }
0x6a: {  	vm8 =	vlt.u32 v7, v0;
	vm9 =	veq.s32 v6, $0x1  }
0x6b: {  	vm10 =	vle.u32 v4, $0x4E1FFFF;
	s6 =	spop (v2sf);
	vm0 =	vmand vm8, vm9  }
0x6c: {  	s2 =	sadd.s32 s2, s6;
	vm1 =	vmand vm0, vm10  }
0x6d: {  	vm11 =	vgt.u32 v4, $0x4E1FFFF;
	s7 =	spop (v2sf);
	[tilespmem:s2+$0xCD30] =	vst.msk vm1, v4  }
0x6e: {  	s5 =	sadd.s32 s4, s7;
	vm0 =	vmand vm11, vm0;
	[tilespmem:s2+$0x11D70] =	vst.msk vm1, v5  }
0x6f: {  	[tilespmem:s5+$0xF550] =	vst.msk vm0, v4  }
0x70: {  	[tilespmem:s5+$0x14590] =	vst.msk vm0, v5  }
0x71: {  	v4 =	vld [tilespmem:s1+$0x10];
	_ =	sdelay $0x4  }
0x72: {  	v5 =	vand.u32 $0x3FFF, v4  }
0x73: {  	v6 =	vshrl.u32 v4, $0xE;
	_ =	sdelay $0x2  }
0x74: {  	v7 =	vmpcnt.ones.xlane vm1  }
0x75: {  	v5 =	vld.idx.msk [tilespmem:v5+s3+$0x0], $0xffff  }
0x76: {  	v8 =	vmpcnt.ones.xlane vm0;
	(v2sf) =	vpush v7, $0x0;
	v7 =	vld.idx.msk [tilespmem:v6+s3+$0x0], $0xffff;
	_ =	sdelay $0x1  }
0x77: {  	(v2sf) =	vpush v8, $0x0;
	_ =	sdelay $0x2  }
0x78: {  	v5 =	vsub.f32 v7, v5;
	_ =	sdelay $0x1  }
0x79: {  	v5 =	vand.u32 $0x7FFFFFFF, v5  }
0x7a: {  	[tilespmem:s0+$0x10] =	vst v5  }
0x7b: {  	v6 =	vld.idx.msk [tilespmem:v6+s23+$0x0], $0xffff;
	_ =	sdelay $0x2  }
0x7c: {  	s8 =	simm.s32 $0x30  }
0x7d: {  	v7 =	vor.u32 s8, v2  }
0x7e: {  	vm12 =	vlt.u32 v7, v0;
	vm13 =	veq.s32 v6, $0x1  }
0x7f: {  	vm14 =	vle.u32 v4, $0x4E1FFFF;
	s25 =	spop (v2sf);
	vm0 =	vmand vm12, vm13  }
0x80: {  	s4 =	sadd.s32 s2, s25;
	vm1 =	vmand vm0, vm14  }
0x81: {  	vm15 =	vgt.u32 v4, $0x4E1FFFF;
	s26 =	spop (v2sf);
	[tilespmem:s4+$0xCD30] =	vst.msk vm1, v4  }
0x82: {  	s6 =	sadd.s32 s5, s26;
	vm0 =	vmand vm15, vm0;
	[tilespmem:s4+$0x11D70] =	vst.msk vm1, v5  }
0x83: {  	[tilespmem:s6+$0xF550] =	vst.msk vm0, v4  }
0x84: {  	[tilespmem:s6+$0x14590] =	vst.msk vm0, v5;
	v5 =	vmpcnt.ones.xlane vm1  }
0x85: {  	v6 =	vmpcnt.ones.xlane vm0  }
0x86: {  	(v2sf) =	vpush v5, $0x0  }
0x87: {  	s1 =	simm.s32 $0x7D90;
	(v2sf) =	vpush v6, $0x0  }
0x88: {  	v4 =	vld [tilespmem:s1+$0xFFFFFFE0];
	_ =	sdelay $0x4  }
0x89: {  	s2 =	simm.s32 $0x70;
	s25 =	simm.s32 $0xB0;
	v5 =	vshrl.u32 v4, $0xE;
	v6 =	vand.u32 $0x3FFF, v4  }
.LBB2_4:
0x8a: {  	_ =	sdelay $0x2  }
0x8b: {  	p0 =	sne.s32 s25, $0x13F0  }
0x8c: {  	v6 =	vld.idx.msk [tilespmem:v6+s3+$0x0], $0xffff;
	s0 =	sadd.s32 $0x40, s0;
	s26 =	smov.u32 s25;
	s25 =	sadd.s32 $0x40, s25  }
0x8d: {  	v7 =	vld.idx.msk [tilespmem:v5+s3+$0x0], $0xffff;
	_ =	sdelay $0x1  }
0x8e: {  	s5 =	spop (v2sf)  }
0x8f: {  	s5 =	sadd.s32 s4, s5;
	s4 =	spop (v2sf)  }
0x90: {  	s4 =	sadd.s32 s6, s4;
	_ =	sdelay $0x1  }
0x91: {  	v6 =	vsub.f32 v7, v6;
	_ =	sdelay $0x1  }
0x92: {  	v6 =	vand.u32 $0x7FFFFFFF, v6  }
0x93: {  	[tilespmem:s0+$0xFFFFFFE0] =	vst v6  }
0x94: {  	v5 =	vld.idx.msk [tilespmem:v5+s23+$0x0], $0xffff;
	_ =	sdelay $0x2  }
0x95: {  	s6 =	sadd.s32 $0xFFFFFFD0, s2  }
0x96: {  	v7 =	vor.u32 s6, v2  }
0x97: {  	vm0 =	vlt.u32 v7, v0  }
0x98: {  	vm2 =	vle.u32 v4, $0x4E1FFFF;
	vm1 =	veq.s32 v5, $0x1  }
0x99: {  	vm0 =	vmand vm0, vm1  }
0x9a: {  	vm1 =	vgt.u32 v4, $0x4E1FFFF;
	vm2 =	vmand vm0, vm2  }
0x9b: {  	vm0 =	vmand vm1, vm0;
	v5 =	vmpcnt.ones.xlane vm2;
	[tilespmem:s5+$0xCD30] =	vst.msk vm2, v4  }
0x9c: {  	v7 =	vmpcnt.ones.xlane vm0;
	[tilespmem:s5+$0x11D70] =	vst.msk vm2, v6  }
0x9d: {  	[tilespmem:s4+$0xF550] =	vst.msk vm0, v4;
	(v2sf) =	vpush v5, $0x0  }
0x9e: {  	[tilespmem:s4+$0x14590] =	vst.msk vm0, v6  }
0x9f: {  	v4 =	vld [tilespmem:s1+$0xFFFFFFF0];
	_ =	sdelay $0x4  }
0xa0: {  	v5 =	vshrl.u32 v4, $0xE;
	v6 =	vand.u32 $0x3FFF, v4;
	_ =	sdelay $0x4  }
0xa1: {  	v6 =	vld.idx.msk [tilespmem:v6+s3+$0x0], $0xffff  }
0xa2: {  	v8 =	vld.idx.msk [tilespmem:v5+s3+$0x0], $0xffff;
	_ =	sdelay $0x1  }
0xa3: {  	s6 =	spop (v2sf);
	(v2sf) =	vpush v7, $0x0;
	_ =	sdelay $0x3  }
0xa4: {  	v6 =	vsub.f32 v8, v6;
	_ =	sdelay $0x1  }
0xa5: {  	v6 =	vand.u32 $0x7FFFFFFF, v6  }
0xa6: {  	[tilespmem:s0+$0xFFFFFFF0] =	vst v6  }
0xa7: {  	v5 =	vld.idx.msk [tilespmem:v5+s23+$0x0], $0xffff;
	_ =	sdelay $0x1  }
0xa8: {  	s7 =	sadd.s32 $0xFFFFFFE0, s2  }
0xa9: {  	v7 =	vor.u32 s7, v2  }
0xaa: {  	vm0 =	vlt.u32 v7, v0  }
0xab: {  	vm1 =	vle.u32 v4, $0x4E1FFFF  }
0xac: {  	s5 =	sadd.s32 s5, s6;
	vm2 =	veq.s32 v5, $0x1  }
0xad: {  	vm0 =	vmand vm0, vm2;
	vm2 =	vgt.u32 v4, $0x4E1FFFF;
	s6 =	spop (v2sf)  }
0xae: {  	vm1 =	vmand vm0, vm1;
	vm0 =	vmand vm2, vm0;
	s6 =	sadd.s32 s4, s6  }
0xaf: {  	v5 =	vmpcnt.ones.xlane vm1;
	v7 =	vmpcnt.ones.xlane vm0;
	[tilespmem:s5+$0xCD30] =	vst.msk vm1, v4  }
0xb0: {  	[tilespmem:s5+$0x11D70] =	vst.msk vm1, v6  }
0xb1: {  	[tilespmem:s6+$0xF550] =	vst.msk vm0, v4;
	(v2sf) =	vpush v5, $0x0  }
0xb2: {  	[tilespmem:s6+$0x14590] =	vst.msk vm0, v6;
	(v2sf) =	vpush v7, $0x0  }
0xb3: {  	v4 =	vld [tilespmem:s1+$0x0];
	_ =	sdelay $0x4  }
0xb4: {  	v5 =	vshrl.u32 v4, $0xE;
	v6 =	vand.u32 $0x3FFF, v4;
	_ =	sdelay $0x4  }
0xb5: {  	v6 =	vld.idx.msk [tilespmem:v6+s3+$0x0], $0xffff  }
0xb6: {  	v7 =	vld.idx.msk [tilespmem:v5+s3+$0x0], $0xffff;
	_ =	sdelay $0x1  }
0xb7: {  	s4 =	spop (v2sf)  }
0xb8: {  	s7 =	spop (v2sf);
	_ =	sdelay $0x2  }
0xb9: {  	v6 =	vsub.f32 v7, v6;
	_ =	sdelay $0x1  }
0xba: {  	v6 =	vand.u32 $0x7FFFFFFF, v6  }
0xbb: {  	[tilespmem:s0+$0x0] =	vst v6  }
0xbc: {  	v5 =	vld.idx.msk [tilespmem:v5+s23+$0x0], $0xffff  }
0xbd: {  	s8 =	sadd.s32 $0xFFFFFFF0, s2  }
0xbe: {  	v7 =	vor.u32 s8, v2  }
0xbf: {  	vm0 =	vlt.u32 v7, v0  }
0xc0: {  	vm1 =	vle.u32 v4, $0x4E1FFFF  }
0xc1: {  	s4 =	sadd.s32 s5, s4  }
0xc2: {  	vm3 =	vgt.u32 v4, $0x4E1FFFF;
	vm2 =	veq.s32 v5, $0x1  }
0xc3: {  	s5 =	sadd.s32 s6, s7;
	vm0 =	vmand vm0, vm2  }
0xc4: {  	vm1 =	vmand vm0, vm1;
	vm0 =	vmand vm3, vm0  }
0xc5: {  	v5 =	vmpcnt.ones.xlane vm1;
	v7 =	vmpcnt.ones.xlane vm0;
	[tilespmem:s4+$0xCD30] =	vst.msk vm1, v4  }
0xc6: {  	[tilespmem:s4+$0x11D70] =	vst.msk vm1, v6  }
0xc7: {  	[tilespmem:s5+$0xF550] =	vst.msk vm0, v4;
	(v2sf) =	vpush v5, $0x0  }
0xc8: {  	[tilespmem:s5+$0x14590] =	vst.msk vm0, v6;
	(v2sf) =	vpush v7, $0x0  }
0xc9: {  	v4 =	vld [tilespmem:s1+$0x10];
	_ =	sdelay $0x4  }
0xca: {  	v5 =	vshrl.u32 v4, $0xE;
	v6 =	vand.u32 $0x3FFF, v4;
	_ =	sdelay $0x4  }
0xcb: {  	v6 =	vld.idx.msk [tilespmem:v6+s3+$0x0], $0xffff  }
0xcc: {  	v7 =	vld.idx.msk [tilespmem:v5+s3+$0x0], $0xffff;
	_ =	sdelay $0x1  }
0xcd: {  	s6 =	spop (v2sf)  }
0xce: {  	s7 =	spop (v2sf);
	_ =	sdelay $0x2  }
0xcf: {  	v6 =	vsub.f32 v7, v6;
	_ =	sdelay $0x1  }
0xd0: {  	v6 =	vand.u32 $0x7FFFFFFF, v6  }
0xd1: {  	[tilespmem:s0+$0x10] =	vst v6  }
0xd2: {  	v5 =	vld.idx.msk [tilespmem:v5+s23+$0x0], $0xffff  }
0xd3: {  	v7 =	vor.u32 s2, v2;
	s2 =	smov.u32 s26  }
0xd4: {  	vm0 =	vlt.u32 v7, v0  }
0xd5: {  	vm1 =	vgt.u32 v4, $0x4E1FFFF;
	vm2 =	vle.u32 v4, $0x4E1FFFF;
	_ =	sdelay $0x2  }
0xd6: {  	vm3 =	veq.s32 v5, $0x1  }
0xd7: {  	vm0 =	vmand vm0, vm3  }
0xd8: {  	s4 =	sadd.s32 s4, s6;
	vm2 =	vmand vm0, vm2;
	vm0 =	vmand vm1, vm0  }
0xd9: {  	v5 =	vmpcnt.ones.xlane vm2;
	v7 =	vmpcnt.ones.xlane vm0;
	[tilespmem:s4+$0xCD30] =	vst.msk vm2, v4  }
0xda: {  	s6 =	sadd.s32 s5, s7;
	[tilespmem:s4+$0x11D70] =	vst.msk vm2, v6  }
0xdb: {  	[tilespmem:s6+$0xF550] =	vst.msk vm0, v4;
	(v2sf) =	vpush v5, $0x0  }
0xdc: {  	s1 =	sadd.s32 $0x40, s1;
	[tilespmem:s6+$0x14590] =	vst.msk vm0, v6;
	(v2sf) =	vpush v7, $0x0  }
0xdd: {  	v4 =	vld [tilespmem:s1+$0xFFFFFFE0]  }
.Ltmp1:
0xde: {  	(pc) =	sbr.rel @p0 .LBB2_4-.Ltmp1, $2  }
0xdf: {  	_ =	sdelay $0x2  }
0xe0: {  	v5 =	vshrl.u32 v4, $0xE;
	v6 =	vand.u32 $0x3FFF, v4  }
0xe1: {  	_ =	sdelay $0x3  }
0xe2: {  	v6 =	vld.idx.msk [tilespmem:v6+s3+$0x0], $0xffff  }
0xe3: {  	v7 =	vld.idx.msk [tilespmem:v5+s3+$0x0], $0xffff;
	_ =	sdelay $0x4  }
0xe4: {  	v6 =	vsub.f32 v7, v6;
	_ =	sdelay $0x1  }
0xe5: {  	s0 =	sadd.s32 $0x40, s0;
	v6 =	vand.u32 $0x7FFFFFFF, v6  }
0xe6: {  	[tilespmem:s0+$0xFFFFFFE0] =	vst v6  }
0xe7: {  	v5 =	vld.idx.msk [tilespmem:v5+s23+$0x0], $0xffff;
	_ =	sdelay $0x2  }
0xe8: {  	s5 =	sadd.s32 $0xFFFFFFD0, s2  }
0xe9: {  	v47 =	vor.u32 s5, v2  }
0xea: {  	vm0 =	vlt.u32 v47, v0;
	vm1 =	veq.s32 v5, $0x1  }
0xeb: {  	vm2 =	vle.u32 v4, $0x4E1FFFF;
	s8 =	spop (v2sf);
	vm0 =	vmand vm0, vm1  }
0xec: {  	s4 =	sadd.s32 s4, s8;
	vm1 =	vmand vm0, vm2  }
0xed: {  	vm14 =	vgt.u32 v4, $0x4E1FFFF;
	s25 =	spop (v2sf);
	[tilespmem:s4+$0xCD30] =	vst.msk vm1, v4  }
0xee: {  	s5 =	sadd.s32 s6, s25;
	vm0 =	vmand vm14, vm0;
	[tilespmem:s4+$0x11D70] =	vst.msk vm1, v6  }
0xef: {  	[tilespmem:s5+$0xF550] =	vst.msk vm0, v4  }
0xf0: {  	[tilespmem:s5+$0x14590] =	vst.msk vm0, v6  }
0xf1: {  	v4 =	vld [tilespmem:s1+$0xFFFFFFF0];
	_ =	sdelay $0x4  }
0xf2: {  	v5 =	vand.u32 $0x3FFF, v4  }
0xf3: {  	v48 =	vshrl.u32 v4, $0xE;
	_ =	sdelay $0x2  }
0xf4: {  	v49 =	vmpcnt.ones.xlane vm1  }
0xf5: {  	v5 =	vld.idx.msk [tilespmem:v5+s3+$0x0], $0xffff  }
0xf6: {  	v8 =	vmpcnt.ones.xlane vm0;
	(v2sf) =	vpush v49, $0x0;
	v50 =	vld.idx.msk [tilespmem:v48+s3+$0x0], $0xffff;
	_ =	sdelay $0x1  }
0xf7: {  	(v2sf) =	vpush v8, $0x0;
	_ =	sdelay $0x2  }
0xf8: {  	v5 =	vsub.f32 v50, v5;
	_ =	sdelay $0x1  }
0xf9: {  	v5 =	vand.u32 $0x7FFFFFFF, v5  }
0xfa: {  	[tilespmem:s0+$0xFFFFFFF0] =	vst v5  }
0xfb: {  	v6 =	vld.idx.msk [tilespmem:v48+s23+$0x0], $0xffff;
	_ =	sdelay $0x2  }
0xfc: {  	s26 =	sadd.s32 $0xFFFFFFE0, s2  }
0xfd: {  	v51 =	vor.u32 s26, v2  }
0xfe: {  	vm15 =	vlt.u32 v51, v0;
	vm4 =	veq.s32 v6, $0x1  }
0xff: {  	vm5 =	vle.u32 v4, $0x4E1FFFF;
	s7 =	spop (v2sf);
	vm0 =	vmand vm15, vm4  }
0x100: {  	s4 =	sadd.s32 s4, s7;
	vm1 =	vmand vm0, vm5  }
0x101: {  	vm6 =	vgt.u32 v4, $0x4E1FFFF;
	s8 =	spop (v2sf);
	[tilespmem:s4+$0xCD30] =	vst.msk vm1, v4  }
0x102: {  	s5 =	sadd.s32 s5, s8;
	vm0 =	vmand vm6, vm0;
	[tilespmem:s4+$0x11D70] =	vst.msk vm1, v5  }
0x103: {  	[tilespmem:s5+$0xF550] =	vst.msk vm0, v4  }
0x104: {  	[tilespmem:s5+$0x14590] =	vst.msk vm0, v5  }
0x105: {  	v4 =	vld [tilespmem:s1+$0x0];
	_ =	sdelay $0x4  }
0x106: {  	v5 =	vand.u32 $0x3FFF, v4  }
0x107: {  	v52 =	vshrl.u32 v4, $0xE;
	_ =	sdelay $0x2  }
0x108: {  	v53 =	vmpcnt.ones.xlane vm1  }
0x109: {  	v5 =	vld.idx.msk [tilespmem:v5+s3+$0x0], $0xffff  }
0x10a: {  	v54 =	vmpcnt.ones.xlane vm0;
	(v2sf) =	vpush v53, $0x0;
	v55 =	vld.idx.msk [tilespmem:v52+s3+$0x0], $0xffff;
	_ =	sdelay $0x1  }
0x10b: {  	(v2sf) =	vpush v54, $0x0;
	_ =	sdelay $0x2  }
0x10c: {  	v5 =	vsub.f32 v55, v5;
	_ =	sdelay $0x1  }
0x10d: {  	v5 =	vand.u32 $0x7FFFFFFF, v5  }
0x10e: {  	[tilespmem:s0+$0x0] =	vst v5  }
0x10f: {  	v6 =	vld.idx.msk [tilespmem:v52+s23+$0x0], $0xffff;
	_ =	sdelay $0x2  }
0x110: {  	s25 =	sadd.s32 $0xFFFFFFF0, s2  }
0x111: {  	v56 =	vor.u32 s25, v2  }
0x112: {  	vm7 =	vlt.u32 v56, v0;
	vm8 =	veq.s32 v6, $0x1  }
0x113: {  	vm9 =	vle.u32 v4, $0x4E1FFFF;
	s26 =	spop (v2sf);
	vm0 =	vmand vm7, vm8  }
0x114: {  	s4 =	sadd.s32 s4, s26;
	vm1 =	vmand vm0, vm9  }
0x115: {  	vm10 =	vgt.u32 v4, $0x4E1FFFF;
	s7 =	spop (v2sf);
	[tilespmem:s4+$0xCD30] =	vst.msk vm1, v4  }
0x116: {  	s5 =	sadd.s32 s5, s7;
	vm0 =	vmand vm10, vm0;
	[tilespmem:s4+$0x11D70] =	vst.msk vm1, v5  }
0x117: {  	[tilespmem:s5+$0xF550] =	vst.msk vm0, v4  }
0x118: {  	[tilespmem:s5+$0x14590] =	vst.msk vm0, v5  }
0x119: {  	v4 =	vld [tilespmem:s1+$0x10];
	_ =	sdelay $0x4  }
0x11a: {  	v5 =	vand.u32 $0x3FFF, v4  }
0x11b: {  	v57 =	vshrl.u32 v4, $0xE;
	_ =	sdelay $0x3  }
0x11c: {  	v5 =	vld.idx.msk [tilespmem:v5+s3+$0x0], $0xffff  }
0x11d: {  	v58 =	vld.idx.msk [tilespmem:v57+s3+$0x0], $0xffff;
	_ =	sdelay $0x4  }
0x11e: {  	v5 =	vsub.f32 v58, v5;
	_ =	sdelay $0x1  }
0x11f: {  	v5 =	vand.u32 $0x7FFFFFFF, v5  }
0x120: {  	[tilespmem:s0+$0x10] =	vst v5  }
0x121: {  	v6 =	vld.idx.msk [tilespmem:v57+s23+$0x0], $0xffff;
	_ =	sdelay $0x3  }
0x122: {  	v59 =	vor.u32 s2, v2  }
0x123: {  	vm11 =	vlt.u32 v59, v0;
	v60 =	vmpcnt.ones.xlane vm1;
	vm12 =	veq.s32 v6, $0x1  }
0x124: {  	v61 =	vmpcnt.ones.xlane vm0;
	vm14 =	vle.u32 v4, $0x4E1FFFF;
	vm13 =	vmand vm11, vm12  }
0x125: {  	(v2sf) =	vpush v60, $0x0;
	vm15 =	vgt.u32 v4, $0x4E1FFFF;
	vm1 =	vmand vm13, vm14  }
0x126: {  	vm0 =	vmand vm15, vm13;
	v62 =	vmpcnt.ones.xlane vm1  }
0x127: {  	(v2sf) =	vpush v61, $0x0;
	v63 =	vmpcnt.ones.xlane vm0  }
0x128: {  	(v2sf) =	vpush v62, $0x0  }
0x129: {  	(v2sf) =	vpush v63, $0x0;
	_ =	sdelay $0xa  }
0x12a: {  	s8 =	spop (v2sf)  }
0x12b: {  	s0 =	sadd.s32 s4, s8  }
0x12c: {  	s25 =	spop (v2sf);
	[tilespmem:s0+$0xCD30] =	vst.msk vm1, v4  }
0x12d: {  	s1 =	sadd.s32 s5, s25;
	[tilespmem:s0+$0x11D70] =	vst.msk vm1, v5;
	s26 =	spop (v2sf)  }
0x12e: {  	[tilespmem:s1+$0xF550] =	vst.msk vm0, v4;
	s0 =	sadd.s32 s0, s26;
	s4 =	spop (v2sf)  }
0x12f: {  	[tilespmem:s1+$0x14590] =	vst.msk vm0, v5;
	s1 =	sadd.s32 s1, s4;
	v4 =	vmov s0  }
0x130: {  	[tilespmem:$0x16DB0] =	vst v4;
	v4 =	vmov s1  }
0x131: {  	s2 =	simm.s32 $0x0;
	s5 =	simm.s32 $0xA530;
	[tilespmem:$0x16DC0] =	vst v4  }
0x132: {  	[hbm4b:s10+s2] =	stream.linear.scatter [tilespmem:s5], [sflag:$0x2], $0x1400, $0x38;
	[tilespmem:$0x16DF0] =	vst v63  }
0x133: {  	s6 =	simm.s32 $0xCD30  }
0x134: {  	[hbm4b:s11+s2] =	stream.linear.scatter [tilespmem:s6], [sflag:$0x2], $0x1400, $0x38;
	[tilespmem:$0x16DF0] =	vst v63  }
0x135: {  	s7 =	simm.s32 $0x11D70  }
0x136: {  	[hbm4b:s12+s2] =	stream.linear.scatter [tilespmem:s7], [sflag:$0x2], $0x1400, $0x38;
	[tilespmem:$0x16DF0] =	vst v63  }
0x137: {  	s8 =	simm.s32 $0xF550  }
0x138: {  	[hbm4b:s13+s2] =	stream.linear.scatter [tilespmem:s8], [sflag:$0x2], $0x1400, $0x38;
	[tilespmem:$0x16DF0] =	vst v63  }
0x139: {  	s25 =	simm.s32 $0x14590  }
0x13a: {  	[hbm4b:s14+s2] =	stream.linear.scatter [tilespmem:s25], [sflag:$0x2], $0x1400, $0x38;
	[tilespmem:$0x16DF0] =	vst v63  }
0x13b: {  	s26 =	simm.s32 $0x16DB0  }
0x13c: {  	[hbm4b:s15+s2] =	stream.linear.scatter [tilespmem:s26], [sflag:$0x2], $0x20, $0x38;
	[tilespmem:$0x16DF0] =	vst v63  }
0x13d: {  	_ =	swait.ge [sflag:s28], $0x2710  }
0x13e: {  	[sflag:s28] =	ssyncset.done $0x0  }
0x13f: {  	[sflag:s28] =	ssyncadd.s32 $0xFFFFD8F0  }
0x140: {  	_ =	swait.ge [sflag:s28], $0x1400  }
0x141: {  	[sflag:s28] =	ssyncset.done $0x0  }
0x142: {  	[sflag:s28] =	ssyncadd.s32 $0xFFFFEC00  }
0x143: {  	_ =	swait.ge [sflag:s28], $0x400  }
0x144: {  	[sflag:s28] =	ssyncset.done $0x0  }
0x145: {  	s0 =	simm.s32 $0x0;
	[sflag:s28] =	ssyncadd.s32 $0xFFFFFC00  }
.LBB2_6:
0x146: {  	s1 =	sshra.s32 s0, $0x2  }
0x147: {  	v4 =	vld [tilespmem:s1+$0x7930];
	_ =	sdelay $0x2  }
0x148: {  	p0 =	sne.s32 s0, $0xFC0  }
.Ltmp2:
0x149: {  	_ = 	snop;
	(pc) =	sbr.rel @p0 .LBB2_6-.Ltmp2, $2  }
0x14a: {  	_ =	sdelay $0x2  }
0x14b: {  	s0 =	sadd.s32 $0x40, s0;
	[tilespmem:v4+s23+$0x0] =	vst.idx.msk $0xffff, v3  }
0x14c: {  	s1 =	simm.s32 $0x9160  }
0x14d: {  	v4 =	vld [tilespmem:s1+$0xFFFFFFD0];
	_ =	sdelay $0x4  }
0x14e: {  	v5 =	vand.u32 $0x3FFF, v4  }
0x14f: {  	v6 =	vshrl.u32 v4, $0xE;
	_ =	sdelay $0x3  }
0x150: {  	v5 =	vld.idx.msk [tilespmem:v5+s29+$0x0], $0xffff  }
0x151: {  	v7 =	vld.idx.msk [tilespmem:v6+s29+$0x0], $0xffff;
	_ =	sdelay $0x4  }
0x152: {  	v5 =	vsub.f32 v7, v5;
	_ =	sdelay $0x1  }
0x153: {  	s0 =	simm.s32 $0xB960;
	v5 =	vand.u32 $0x7FFFFFFF, v5  }
0x154: {  	[tilespmem:s0+$0xFFFFFFD0] =	vst v5  }
0x155: {  	v6 =	vld.idx.msk [tilespmem:v6+s23+$0x0], $0xffff;
	_ =	sdelay $0x3  }
0x156: {  	v7 =	vor.u32 s2, v2  }
0x157: {  	vm0 =	vlt.u32 v7, v0;
	vm1 =	veq.s32 v6, $0x2  }
0x158: {  	vm2 =	vle.u32 v4, $0x4E1FFFF;
	vm0 =	vmand vm0, vm1  }
0x159: {  	vm1 =	vmand vm0, vm2  }
0x15a: {  	vm15 =	vgt.u32 v4, $0x4E1FFFF;
	[tilespmem:s2+$0xE140] =	vst.msk vm1, v4  }
0x15b: {  	vm0 =	vmand vm15, vm0;
	[tilespmem:s2+$0x13180] =	vst.msk vm1, v5  }
0x15c: {  	[tilespmem:s2+$0x10960] =	vst.msk vm0, v4  }
0x15d: {  	[tilespmem:s2+$0x159A0] =	vst.msk vm0, v5  }
0x15e: {  	v4 =	vld [tilespmem:s1+$0xFFFFFFE0];
	_ =	sdelay $0x4  }
0x15f: {  	v5 =	vand.u32 $0x3FFF, v4  }
0x160: {  	v6 =	vshrl.u32 v4, $0xE;
	_ =	sdelay $0x2  }
0x161: {  	v7 =	vmpcnt.ones.xlane vm1  }
0x162: {  	v5 =	vld.idx.msk [tilespmem:v5+s29+$0x0], $0xffff  }
0x163: {  	v8 =	vmpcnt.ones.xlane vm0;
	(v2sf) =	vpush v7, $0x0;
	v7 =	vld.idx.msk [tilespmem:v6+s29+$0x0], $0xffff;
	_ =	sdelay $0x1  }
0x164: {  	(v2sf) =	vpush v8, $0x0;
	_ =	sdelay $0x2  }
0x165: {  	v5 =	vsub.f32 v7, v5;
	_ =	sdelay $0x1  }
0x166: {  	v5 =	vand.u32 $0x7FFFFFFF, v5  }
0x167: {  	[tilespmem:s0+$0xFFFFFFE0] =	vst v5  }
0x168: {  	v6 =	vld.idx.msk [tilespmem:v6+s23+$0x0], $0xffff;
	_ =	sdelay $0x2  }
0x169: {  	s4 =	simm.s32 $0x10  }
0x16a: {  	v7 =	vor.u32 s4, v2  }
0x16b: {  	vm4 =	vlt.u32 v7, v0;
	vm5 =	veq.s32 v6, $0x2  }
0x16c: {  	vm6 =	vle.u32 v4, $0x4E1FFFF;
	s5 =	spop (v2sf);
	vm0 =	vmand vm4, vm5  }
0x16d: {  	s2 =	sadd.s32 $0x0, s5;
	vm1 =	vmand vm0, vm6  }
0x16e: {  	vm7 =	vgt.u32 v4, $0x4E1FFFF;
	s4 =	spop (v2sf);
	[tilespmem:s2+$0xE140] =	vst.msk vm1, v4  }
0x16f: {  	s4 =	sadd.s32 $0x0, s4;
	vm0 =	vmand vm7, vm0;
	[tilespmem:s2+$0x13180] =	vst.msk vm1, v5  }
0x170: {  	[tilespmem:s4+$0x10960] =	vst.msk vm0, v4  }
0x171: {  	[tilespmem:s4+$0x159A0] =	vst.msk vm0, v5  }
0x172: {  	v4 =	vld [tilespmem:s1+$0xFFFFFFF0];
	_ =	sdelay $0x4  }
0x173: {  	v5 =	vand.u32 $0x3FFF, v4  }
0x174: {  	v6 =	vshrl.u32 v4, $0xE;
	_ =	sdelay $0x2  }
0x175: {  	v7 =	vmpcnt.ones.xlane vm1  }
0x176: {  	v5 =	vld.idx.msk [tilespmem:v5+s29+$0x0], $0xffff  }
0x177: {  	v8 =	vmpcnt.ones.xlane vm0;
	(v2sf) =	vpush v7, $0x0;
	v7 =	vld.idx.msk [tilespmem:v6+s29+$0x0], $0xffff;
	_ =	sdelay $0x1  }
0x178: {  	(v2sf) =	vpush v8, $0x0;
	_ =	sdelay $0x2  }
0x179: {  	v5 =	vsub.f32 v7, v5;
	_ =	sdelay $0x1  }
0x17a: {  	v5 =	vand.u32 $0x7FFFFFFF, v5  }
0x17b: {  	[tilespmem:s0+$0xFFFFFFF0] =	vst v5  }
0x17c: {  	v6 =	vld.idx.msk [tilespmem:v6+s23+$0x0], $0xffff;
	_ =	sdelay $0x2  }
0x17d: {  	s5 =	simm.s32 $0x20  }
0x17e: {  	v7 =	vor.u32 s5, v2  }
0x17f: {  	vm8 =	vlt.u32 v7, v0;
	vm9 =	veq.s32 v6, $0x2  }
0x180: {  	vm10 =	vle.u32 v4, $0x4E1FFFF;
	s6 =	spop (v2sf);
	vm0 =	vmand vm8, vm9  }
0x181: {  	s2 =	sadd.s32 s2, s6;
	vm1 =	vmand vm0, vm10  }
0x182: {  	vm11 =	vgt.u32 v4, $0x4E1FFFF;
	s7 =	spop (v2sf);
	[tilespmem:s2+$0xE140] =	vst.msk vm1, v4  }
0x183: {  	s5 =	sadd.s32 s4, s7;
	vm0 =	vmand vm11, vm0;
	[tilespmem:s2+$0x13180] =	vst.msk vm1, v5  }
0x184: {  	[tilespmem:s5+$0x10960] =	vst.msk vm0, v4  }
0x185: {  	[tilespmem:s5+$0x159A0] =	vst.msk vm0, v5  }
0x186: {  	v4 =	vld [tilespmem:s1+$0x0];
	_ =	sdelay $0x4  }
0x187: {  	v5 =	vand.u32 $0x3FFF, v4  }
0x188: {  	v6 =	vshrl.u32 v4, $0xE;
	_ =	sdelay $0x2  }
0x189: {  	v7 =	vmpcnt.ones.xlane vm1  }
0x18a: {  	v5 =	vld.idx.msk [tilespmem:v5+s29+$0x0], $0xffff  }
0x18b: {  	v8 =	vmpcnt.ones.xlane vm0;
	(v2sf) =	vpush v7, $0x0;
	v7 =	vld.idx.msk [tilespmem:v6+s29+$0x0], $0xffff;
	_ =	sdelay $0x1  }
0x18c: {  	(v2sf) =	vpush v8, $0x0;
	_ =	sdelay $0x2  }
0x18d: {  	v5 =	vsub.f32 v7, v5;
	_ =	sdelay $0x1  }
0x18e: {  	v5 =	vand.u32 $0x7FFFFFFF, v5  }
0x18f: {  	[tilespmem:s0+$0x0] =	vst v5  }
0x190: {  	v6 =	vld.idx.msk [tilespmem:v6+s23+$0x0], $0xffff;
	_ =	sdelay $0x2  }
0x191: {  	s8 =	simm.s32 $0x30  }
0x192: {  	v7 =	vor.u32 s8, v2  }
0x193: {  	vm12 =	vlt.u32 v7, v0;
	vm13 =	veq.s32 v6, $0x2  }
0x194: {  	vm14 =	vle.u32 v4, $0x4E1FFFF;
	s25 =	spop (v2sf);
	vm0 =	vmand vm12, vm13  }
0x195: {  	s4 =	sadd.s32 s2, s25;
	vm1 =	vmand vm0, vm14  }
0x196: {  	vm15 =	vgt.u32 v4, $0x4E1FFFF;
	s26 =	spop (v2sf);
	[tilespmem:s4+$0xE140] =	vst.msk vm1, v4  }
0x197: {  	s6 =	sadd.s32 s5, s26;
	vm0 =	vmand vm15, vm0;
	[tilespmem:s4+$0x13180] =	vst.msk vm1, v5  }
0x198: {  	[tilespmem:s6+$0x10960] =	vst.msk vm0, v4  }
0x199: {  	[tilespmem:s6+$0x159A0] =	vst.msk vm0, v5;
	v5 =	vmpcnt.ones.xlane vm1  }
0x19a: {  	v6 =	vmpcnt.ones.xlane vm0  }
0x19b: {  	(v2sf) =	vpush v5, $0x0  }
0x19c: {  	s1 =	simm.s32 $0x91A0;
	(v2sf) =	vpush v6, $0x0  }
0x19d: {  	v4 =	vld [tilespmem:s1+$0xFFFFFFD0];
	_ =	sdelay $0x4  }
0x19e: {  	s2 =	simm.s32 $0x40;
	s25 =	simm.s32 $0x80;
	v5 =	vshrl.u32 v4, $0xE;
	v6 =	vand.u32 $0x3FFF, v4  }
.LBB2_8:
0x19f: {  	_ =	sdelay $0x2  }
0x1a0: {  	p0 =	sne.s32 s25, $0x13C0  }
0x1a1: {  	v6 =	vld.idx.msk [tilespmem:v6+s29+$0x0], $0xffff;
	s0 =	sadd.s32 $0x40, s0;
	s26 =	smov.u32 s25;
	s25 =	sadd.s32 $0x40, s25  }
0x1a2: {  	v7 =	vld.idx.msk [tilespmem:v5+s29+$0x0], $0xffff;
	_ =	sdelay $0x1  }
0x1a3: {  	s5 =	spop (v2sf)  }
0x1a4: {  	s5 =	sadd.s32 s4, s5;
	s4 =	spop (v2sf)  }
0x1a5: {  	s4 =	sadd.s32 s6, s4;
	_ =	sdelay $0x1  }
0x1a6: {  	v6 =	vsub.f32 v7, v6;
	_ =	sdelay $0x1  }
0x1a7: {  	v6 =	vand.u32 $0x7FFFFFFF, v6  }
0x1a8: {  	[tilespmem:s0+$0xFFFFFFD0] =	vst v6  }
0x1a9: {  	v5 =	vld.idx.msk [tilespmem:v5+s23+$0x0], $0xffff;
	_ =	sdelay $0x3  }
0x1aa: {  	v7 =	vor.u32 s2, v2  }
0x1ab: {  	vm0 =	vlt.u32 v7, v0  }
0x1ac: {  	vm2 =	vle.u32 v4, $0x4E1FFFF;
	vm1 =	veq.s32 v5, $0x2  }
0x1ad: {  	vm0 =	vmand vm0, vm1  }
0x1ae: {  	vm1 =	vgt.u32 v4, $0x4E1FFFF;
	vm2 =	vmand vm0, vm2  }
0x1af: {  	vm0 =	vmand vm1, vm0;
	v5 =	vmpcnt.ones.xlane vm2;
	[tilespmem:s5+$0xE140] =	vst.msk vm2, v4  }
0x1b0: {  	v7 =	vmpcnt.ones.xlane vm0;
	[tilespmem:s5+$0x13180] =	vst.msk vm2, v6  }
0x1b1: {  	[tilespmem:s4+$0x10960] =	vst.msk vm0, v4;
	(v2sf) =	vpush v5, $0x0  }
0x1b2: {  	[tilespmem:s4+$0x159A0] =	vst.msk vm0, v6;
	(v2sf) =	vpush v7, $0x0  }
0x1b3: {  	v4 =	vld [tilespmem:s1+$0xFFFFFFE0];
	_ =	sdelay $0x4  }
0x1b4: {  	v5 =	vshrl.u32 v4, $0xE;
	v6 =	vand.u32 $0x3FFF, v4;
	_ =	sdelay $0x4  }
0x1b5: {  	v6 =	vld.idx.msk [tilespmem:v6+s29+$0x0], $0xffff  }
0x1b6: {  	v7 =	vld.idx.msk [tilespmem:v5+s29+$0x0], $0xffff;
	_ =	sdelay $0x1  }
0x1b7: {  	s6 =	spop (v2sf)  }
0x1b8: {  	s7 =	spop (v2sf);
	_ =	sdelay $0x2  }
0x1b9: {  	v6 =	vsub.f32 v7, v6;
	_ =	sdelay $0x1  }
0x1ba: {  	v6 =	vand.u32 $0x7FFFFFFF, v6  }
0x1bb: {  	[tilespmem:s0+$0xFFFFFFE0] =	vst v6  }
0x1bc: {  	v5 =	vld.idx.msk [tilespmem:v5+s23+$0x0], $0xffff;
	_ =	sdelay $0x1  }
0x1bd: {  	s8 =	sadd.s32 $0x10, s2  }
0x1be: {  	v7 =	vor.u32 s8, v2  }
0x1bf: {  	vm0 =	vlt.u32 v7, v0  }
0x1c0: {  	vm1 =	vle.u32 v4, $0x4E1FFFF  }
0x1c1: {  	s5 =	sadd.s32 s5, s6;
	vm2 =	veq.s32 v5, $0x2  }
0x1c2: {  	vm0 =	vmand vm0, vm2;
	vm2 =	vgt.u32 v4, $0x4E1FFFF  }
0x1c3: {  	s6 =	sadd.s32 s4, s7;
	vm1 =	vmand vm0, vm1;
	vm0 =	vmand vm2, vm0  }
0x1c4: {  	v5 =	vmpcnt.ones.xlane vm1;
	v7 =	vmpcnt.ones.xlane vm0;
	[tilespmem:s5+$0xE140] =	vst.msk vm1, v4  }
0x1c5: {  	[tilespmem:s5+$0x13180] =	vst.msk vm1, v6  }
0x1c6: {  	[tilespmem:s6+$0x10960] =	vst.msk vm0, v4;
	(v2sf) =	vpush v5, $0x0  }
0x1c7: {  	[tilespmem:s6+$0x159A0] =	vst.msk vm0, v6;
	(v2sf) =	vpush v7, $0x0  }
0x1c8: {  	v4 =	vld [tilespmem:s1+$0xFFFFFFF0];
	_ =	sdelay $0x4  }
0x1c9: {  	v5 =	vshrl.u32 v4, $0xE;
	v6 =	vand.u32 $0x3FFF, v4;
	_ =	sdelay $0x4  }
0x1ca: {  	v6 =	vld.idx.msk [tilespmem:v6+s29+$0x0], $0xffff  }
0x1cb: {  	v7 =	vld.idx.msk [tilespmem:v5+s29+$0x0], $0xffff;
	_ =	sdelay $0x1  }
0x1cc: {  	s4 =	spop (v2sf)  }
0x1cd: {  	s7 =	spop (v2sf);
	_ =	sdelay $0x2  }
0x1ce: {  	v6 =	vsub.f32 v7, v6;
	_ =	sdelay $0x1  }
0x1cf: {  	v6 =	vand.u32 $0x7FFFFFFF, v6  }
0x1d0: {  	[tilespmem:s0+$0xFFFFFFF0] =	vst v6  }
0x1d1: {  	v5 =	vld.idx.msk [tilespmem:v5+s23+$0x0], $0xffff  }
0x1d2: {  	s8 =	sadd.s32 $0x20, s2  }
0x1d3: {  	v7 =	vor.u32 s8, v2  }
0x1d4: {  	vm0 =	vlt.u32 v7, v0  }
0x1d5: {  	vm1 =	vle.u32 v4, $0x4E1FFFF  }
0x1d6: {  	s4 =	sadd.s32 s5, s4  }
0x1d7: {  	vm3 =	vgt.u32 v4, $0x4E1FFFF;
	vm2 =	veq.s32 v5, $0x2  }
0x1d8: {  	s5 =	sadd.s32 s6, s7;
	vm0 =	vmand vm0, vm2  }
0x1d9: {  	vm1 =	vmand vm0, vm1;
	vm0 =	vmand vm3, vm0  }
0x1da: {  	v5 =	vmpcnt.ones.xlane vm1;
	v7 =	vmpcnt.ones.xlane vm0;
	[tilespmem:s4+$0xE140] =	vst.msk vm1, v4  }
0x1db: {  	[tilespmem:s4+$0x13180] =	vst.msk vm1, v6  }
0x1dc: {  	[tilespmem:s5+$0x10960] =	vst.msk vm0, v4;
	(v2sf) =	vpush v5, $0x0  }
0x1dd: {  	[tilespmem:s5+$0x159A0] =	vst.msk vm0, v6;
	(v2sf) =	vpush v7, $0x0  }
0x1de: {  	v4 =	vld [tilespmem:s1+$0x0];
	_ =	sdelay $0x4  }
0x1df: {  	v5 =	vshrl.u32 v4, $0xE;
	v6 =	vand.u32 $0x3FFF, v4;
	_ =	sdelay $0x4  }
0x1e0: {  	v6 =	vld.idx.msk [tilespmem:v6+s29+$0x0], $0xffff  }
0x1e1: {  	v7 =	vld.idx.msk [tilespmem:v5+s29+$0x0], $0xffff;
	_ =	sdelay $0x1  }
0x1e2: {  	s6 =	spop (v2sf)  }
0x1e3: {  	s7 =	spop (v2sf);
	_ =	sdelay $0x2  }
0x1e4: {  	v6 =	vsub.f32 v7, v6;
	_ =	sdelay $0x1  }
0x1e5: {  	v6 =	vand.u32 $0x7FFFFFFF, v6  }
0x1e6: {  	[tilespmem:s0+$0x0] =	vst v6  }
0x1e7: {  	s8 =	sadd.s32 $0x30, s2;
	s2 =	smov.u32 s26;
	v5 =	vld.idx.msk [tilespmem:v5+s23+$0x0], $0xffff  }
0x1e8: {  	v7 =	vor.u32 s8, v2  }
0x1e9: {  	vm0 =	vlt.u32 v7, v0  }
0x1ea: {  	vm1 =	vgt.u32 v4, $0x4E1FFFF;
	vm2 =	vle.u32 v4, $0x4E1FFFF;
	_ =	sdelay $0x2  }
0x1eb: {  	vm3 =	veq.s32 v5, $0x2  }
0x1ec: {  	vm0 =	vmand vm0, vm3  }
0x1ed: {  	s4 =	sadd.s32 s4, s6;
	vm2 =	vmand vm0, vm2;
	vm0 =	vmand vm1, vm0  }
0x1ee: {  	v5 =	vmpcnt.ones.xlane vm2;
	v7 =	vmpcnt.ones.xlane vm0;
	[tilespmem:s4+$0xE140] =	vst.msk vm2, v4  }
0x1ef: {  	s6 =	sadd.s32 s5, s7;
	[tilespmem:s4+$0x13180] =	vst.msk vm2, v6  }
0x1f0: {  	[tilespmem:s6+$0x10960] =	vst.msk vm0, v4;
	(v2sf) =	vpush v5, $0x0  }
0x1f1: {  	s1 =	sadd.s32 $0x40, s1;
	[tilespmem:s6+$0x159A0] =	vst.msk vm0, v6;
	(v2sf) =	vpush v7, $0x0  }
0x1f2: {  	v4 =	vld [tilespmem:s1+$0xFFFFFFD0]  }
.Ltmp3:
0x1f3: {  	(pc) =	sbr.rel @p0 .LBB2_8-.Ltmp3, $2  }
0x1f4: {  	_ =	sdelay $0x2  }
0x1f5: {  	v5 =	vshrl.u32 v4, $0xE;
	v6 =	vand.u32 $0x3FFF, v4  }
0x1f6: {  	_ =	sdelay $0x3  }
0x1f7: {  	v6 =	vld.idx.msk [tilespmem:v6+s29+$0x0], $0xffff  }
0x1f8: {  	v7 =	vld.idx.msk [tilespmem:v5+s29+$0x0], $0xffff;
	_ =	sdelay $0x4  }
0x1f9: {  	v6 =	vsub.f32 v7, v6;
	_ =	sdelay $0x1  }
0x1fa: {  	s0 =	sadd.s32 $0x40, s0;
	v6 =	vand.u32 $0x7FFFFFFF, v6  }
0x1fb: {  	[tilespmem:s0+$0xFFFFFFD0] =	vst v6  }
0x1fc: {  	v5 =	vld.idx.msk [tilespmem:v5+s23+$0x0], $0xffff;
	_ =	sdelay $0x3  }
0x1fd: {  	v47 =	vor.u32 s2, v2  }
0x1fe: {  	vm0 =	vlt.u32 v47, v0;
	vm1 =	veq.s32 v5, $0x2  }
0x1ff: {  	vm2 =	vle.u32 v4, $0x4E1FFFF;
	s5 =	spop (v2sf);
	vm0 =	vmand vm0, vm1  }
0x200: {  	s4 =	sadd.s32 s4, s5;
	vm1 =	vmand vm0, vm2  }
0x201: {  	vm14 =	vgt.u32 v4, $0x4E1FFFF;
	s8 =	spop (v2sf);
	[tilespmem:s4+$0xE140] =	vst.msk vm1, v4  }
0x202: {  	s5 =	sadd.s32 s6, s8;
	vm0 =	vmand vm14, vm0;
	[tilespmem:s4+$0x13180] =	vst.msk vm1, v6  }
0x203: {  	[tilespmem:s5+$0x10960] =	vst.msk vm0, v4  }
0x204: {  	[tilespmem:s5+$0x159A0] =	vst.msk vm0, v6  }
0x205: {  	v4 =	vld [tilespmem:s1+$0xFFFFFFE0];
	_ =	sdelay $0x4  }
0x206: {  	v5 =	vand.u32 $0x3FFF, v4  }
0x207: {  	v48 =	vshrl.u32 v4, $0xE;
	_ =	sdelay $0x2  }
0x208: {  	v49 =	vmpcnt.ones.xlane vm1  }
0x209: {  	v5 =	vld.idx.msk [tilespmem:v5+s29+$0x0], $0xffff  }
0x20a: {  	v8 =	vmpcnt.ones.xlane vm0;
	(v2sf) =	vpush v49, $0x0;
	v50 =	vld.idx.msk [tilespmem:v48+s29+$0x0], $0xffff;
	_ =	sdelay $0x1  }
0x20b: {  	(v2sf) =	vpush v8, $0x0;
	_ =	sdelay $0x2  }
0x20c: {  	v5 =	vsub.f32 v50, v5;
	_ =	sdelay $0x1  }
0x20d: {  	v5 =	vand.u32 $0x7FFFFFFF, v5  }
0x20e: {  	[tilespmem:s0+$0xFFFFFFE0] =	vst v5  }
0x20f: {  	v6 =	vld.idx.msk [tilespmem:v48+s23+$0x0], $0xffff;
	_ =	sdelay $0x2  }
0x210: {  	s25 =	sadd.s32 $0x10, s2  }
0x211: {  	v51 =	vor.u32 s25, v2  }
0x212: {  	vm15 =	vlt.u32 v51, v0;
	vm4 =	veq.s32 v6, $0x2  }
0x213: {  	vm5 =	vle.u32 v4, $0x4E1FFFF;
	s26 =	spop (v2sf);
	vm0 =	vmand vm15, vm4  }
0x214: {  	s4 =	sadd.s32 s4, s26;
	vm1 =	vmand vm0, vm5  }
0x215: {  	vm6 =	vgt.u32 v4, $0x4E1FFFF;
	s7 =	spop (v2sf);
	[tilespmem:s4+$0xE140] =	vst.msk vm1, v4  }
0x216: {  	s5 =	sadd.s32 s5, s7;
	vm0 =	vmand vm6, vm0;
	[tilespmem:s4+$0x13180] =	vst.msk vm1, v5  }
0x217: {  	[tilespmem:s5+$0x10960] =	vst.msk vm0, v4  }
0x218: {  	[tilespmem:s5+$0x159A0] =	vst.msk vm0, v5  }
0x219: {  	v4 =	vld [tilespmem:s1+$0xFFFFFFF0];
	_ =	sdelay $0x4  }
0x21a: {  	v5 =	vand.u32 $0x3FFF, v4  }
0x21b: {  	v52 =	vshrl.u32 v4, $0xE;
	_ =	sdelay $0x2  }
0x21c: {  	v53 =	vmpcnt.ones.xlane vm1  }
0x21d: {  	v5 =	vld.idx.msk [tilespmem:v5+s29+$0x0], $0xffff  }
0x21e: {  	v54 =	vmpcnt.ones.xlane vm0;
	(v2sf) =	vpush v53, $0x0;
	v55 =	vld.idx.msk [tilespmem:v52+s29+$0x0], $0xffff;
	_ =	sdelay $0x1  }
0x21f: {  	(v2sf) =	vpush v54, $0x0;
	_ =	sdelay $0x2  }
0x220: {  	v5 =	vsub.f32 v55, v5;
	_ =	sdelay $0x1  }
0x221: {  	v5 =	vand.u32 $0x7FFFFFFF, v5  }
0x222: {  	[tilespmem:s0+$0xFFFFFFF0] =	vst v5  }
0x223: {  	v6 =	vld.idx.msk [tilespmem:v52+s23+$0x0], $0xffff;
	_ =	sdelay $0x2  }
0x224: {  	s8 =	sadd.s32 $0x20, s2  }
0x225: {  	v56 =	vor.u32 s8, v2  }
0x226: {  	vm7 =	vlt.u32 v56, v0;
	vm8 =	veq.s32 v6, $0x2  }
0x227: {  	vm9 =	vle.u32 v4, $0x4E1FFFF;
	s25 =	spop (v2sf);
	vm0 =	vmand vm7, vm8  }
0x228: {  	s4 =	sadd.s32 s4, s25;
	vm1 =	vmand vm0, vm9  }
0x229: {  	vm10 =	vgt.u32 v4, $0x4E1FFFF;
	s26 =	spop (v2sf);
	[tilespmem:s4+$0xE140] =	vst.msk vm1, v4  }
0x22a: {  	s5 =	sadd.s32 s5, s26;
	vm0 =	vmand vm10, vm0;
	[tilespmem:s4+$0x13180] =	vst.msk vm1, v5  }
0x22b: {  	[tilespmem:s5+$0x10960] =	vst.msk vm0, v4  }
0x22c: {  	[tilespmem:s5+$0x159A0] =	vst.msk vm0, v5  }
0x22d: {  	v4 =	vld [tilespmem:s1+$0x0];
	_ =	sdelay $0x4  }
0x22e: {  	v5 =	vand.u32 $0x3FFF, v4  }
0x22f: {  	v57 =	vshrl.u32 v4, $0xE;
	_ =	sdelay $0x3  }
0x230: {  	v5 =	vld.idx.msk [tilespmem:v5+s29+$0x0], $0xffff  }
0x231: {  	v58 =	vld.idx.msk [tilespmem:v57+s29+$0x0], $0xffff;
	_ =	sdelay $0x4  }
0x232: {  	v5 =	vsub.f32 v58, v5;
	_ =	sdelay $0x1  }
0x233: {  	v5 =	vand.u32 $0x7FFFFFFF, v5  }
0x234: {  	[tilespmem:s0+$0x0] =	vst v5  }
0x235: {  	v6 =	vld.idx.msk [tilespmem:v57+s23+$0x0], $0xffff;
	_ =	sdelay $0x2  }
0x236: {  	s7 =	sadd.s32 $0x30, s2  }
0x237: {  	v59 =	vor.u32 s7, v2  }
0x238: {  	vm11 =	vlt.u32 v59, v0;
	v60 =	vmpcnt.ones.xlane vm1;
	vm12 =	veq.s32 v6, $0x2  }
0x239: {  	v61 =	vmpcnt.ones.xlane vm0;
	vm14 =	vle.u32 v4, $0x4E1FFFF;
	vm13 =	vmand vm11, vm12  }
0x23a: {  	(v2sf) =	vpush v60, $0x0;
	vm15 =	vgt.u32 v4, $0x4E1FFFF;
	vm1 =	vmand vm13, vm14  }
0x23b: {  	vm0 =	vmand vm15, vm13;
	v62 =	vmpcnt.ones.xlane vm1  }
0x23c: {  	(v2sf) =	vpush v61, $0x0;
	v63 =	vmpcnt.ones.xlane vm0  }
0x23d: {  	(v2sf) =	vpush v62, $0x0  }
0x23e: {  	(v2sf) =	vpush v63, $0x0;
	_ =	sdelay $0xa  }
0x23f: {  	s8 =	spop (v2sf)  }
0x240: {  	s0 =	sadd.s32 s4, s8  }
0x241: {  	s25 =	spop (v2sf);
	[tilespmem:s0+$0xE140] =	vst.msk vm1, v4  }
0x242: {  	s1 =	sadd.s32 s5, s25;
	[tilespmem:s0+$0x13180] =	vst.msk vm1, v5;
	s26 =	spop (v2sf)  }
0x243: {  	[tilespmem:s1+$0x10960] =	vst.msk vm0, v4;
	s0 =	sadd.s32 s0, s26;
	s4 =	spop (v2sf)  }
0x244: {  	[tilespmem:s1+$0x159A0] =	vst.msk vm0, v5;
	s1 =	sadd.s32 s1, s4;
	v4 =	vmov s0  }
0x245: {  	[tilespmem:$0x16DD0] =	vst v4;
	v4 =	vmov s1  }
0x246: {  	s5 =	simm.s32 $0xB930;
	[tilespmem:$0x16DE0] =	vst v4  }
0x247: {  	[hbm4b:s16+s3] =	stream.linear.scatter [tilespmem:s5], [sflag:$0x2], $0x1400, $0x38;
	[tilespmem:$0x16DF0] =	vst v63  }
0x248: {  	s6 =	simm.s32 $0xE140  }
0x249: {  	[hbm4b:s17+s3] =	stream.linear.scatter [tilespmem:s6], [sflag:$0x2], $0x1400, $0x38;
	[tilespmem:$0x16DF0] =	vst v63  }
0x24a: {  	s7 =	simm.s32 $0x13180  }
0x24b: {  	[hbm4b:s18+s3] =	stream.linear.scatter [tilespmem:s7], [sflag:$0x2], $0x1400, $0x38;
	[tilespmem:$0x16DF0] =	vst v63  }
0x24c: {  	s8 =	simm.s32 $0x10960  }
0x24d: {  	[hbm4b:s19+s3] =	stream.linear.scatter [tilespmem:s8], [sflag:$0x2], $0x1400, $0x38;
	[tilespmem:$0x16DF0] =	vst v63  }
0x24e: {  	s25 =	simm.s32 $0x159A0  }
0x24f: {  	[hbm4b:s20+s3] =	stream.linear.scatter [tilespmem:s25], [sflag:$0x2], $0x1400, $0x38;
	[tilespmem:$0x16DF0] =	vst v63  }
0x250: {  	s26 =	simm.s32 $0x16DD0  }
0x251: {  	[hbm4b:s21+s3] =	stream.linear.scatter [tilespmem:s26], [sflag:$0x2], $0x20, $0x38;
	[tilespmem:$0x16DF0] =	vst v63  }
0x252: {  	_ =	swait.ge [sflag:s30], $0x1400  }
0x253: {  	[sflag:s30] =	ssyncset.done $0x0  }
0x254: {  	[sflag:s30] =	ssyncadd.s32 $0xFFFFEC00  }
0x255: {  	_ =	swait.ge [sflag:s30], $0x1400  }
0x256: {  	[sflag:s30] =	ssyncset.done $0x0  }
0x257: {  	[sflag:s30] =	ssyncadd.s32 $0xFFFFEC00  }
0x258: {  	_ =	swait.ge [sflag:s30], $0x1400  }
0x259: {  	[sflag:s30] =	ssyncset.done $0x0  }
0x25a: {  	[sflag:s30] =	ssyncadd.s32 $0xFFFFEC00  }
0x25b: {  	_ =	swait.ge [sflag:s30], $0x1400  }
0x25c: {  	[sflag:s30] =	ssyncset.done $0x0  }
0x25d: {  	[sflag:s30] =	ssyncadd.s32 $0xFFFFEC00  }
0x25e: {  	_ =	swait.ge [sflag:s30], $0x1400  }
0x25f: {  	[sflag:s30] =	ssyncset.done $0x0  }
0x260: {  	[sflag:s30] =	ssyncadd.s32 $0xFFFFEC00  }
0x261: {  	_ =	swait.ge [sflag:s30], $0x20  }
0x262: {  	[sflag:s30] =	ssyncset.done $0x0  }
0x263: {  	[sflag:s30] =	ssyncadd.s32 $0xFFFFFFE0  }
0x264: {  	_ =	swait.ge [sflag:s30], $0x1400  }
0x265: {  	[sflag:s30] =	ssyncset.done $0x0  }
0x266: {  	[sflag:s30] =	ssyncadd.s32 $0xFFFFEC00  }
0x267: {  	_ =	swait.ge [sflag:s30], $0x1400  }
0x268: {  	[sflag:s30] =	ssyncset.done $0x0  }
0x269: {  	[sflag:s30] =	ssyncadd.s32 $0xFFFFEC00  }
0x26a: {  	_ =	swait.ge [sflag:s30], $0x1400  }
0x26b: {  	[sflag:s30] =	ssyncset.done $0x0  }
0x26c: {  	[sflag:s30] =	ssyncadd.s32 $0xFFFFEC00  }
0x26d: {  	_ =	swait.ge [sflag:s30], $0x1400  }
0x26e: {  	[sflag:s30] =	ssyncset.done $0x0  }
0x26f: {  	s31 =	sadd.s32 $0x1, s31;
	[sflag:s30] =	ssyncadd.s32 $0xFFFFEC00  }
0x270: {  	p0 =	sne.s32 s31, s22;
	_ =	swait.ge [sflag:s30], $0x1400  }
.Ltmp4:
0x271: {  	[sflag:s30] =	ssyncset.done $0x0;
	(pc) =	sbr.rel @p0 .LBB2_1-.Ltmp4, $4  }
0x272: {  	[sflag:s30] =	ssyncadd.s32 $0xFFFFEC00  }
0x273: {  	_ =	swait.ge [sflag:s30], $0x20  }
0x274: {  	[sflag:s30] =	ssyncset.done $0x0  }
0x275: {  	[sflag:s30] =	ssyncadd.s32 $0xFFFFFFE0  }
0x276: {  	_ =	sfence.sel $0x180000  }
0x277: {  	[bflag:$0x0] =	sbarrier.arrive $0xFFFF  }
0x278: {  	_ =	strace $0x90000047  }
0x279: {  	s0 =	stileid.u32;
	[bflag:$0x2] =	sbarrier.arrive $0xFFFF  }
0x27a: {  	p0 =	sne.s32 s0, $0x0;
	s0 =	rddreg [dreg:$0x2]  }
0x27b: {  	s0 =	sadd.s32 @!p0 $0x100000, s0  }
0x27c: {  	[sflag:s0] =	ssyncadd.tile.s32 @!p0 $0x1;
	_ =	shalt  }
.Lfunc_end2:
_tile_overlayer_lowered:
.L_overlay_start_2:
0x27d: {  	(tag) =	ssettag $0x2  }
0x27e: {  	s0 =	rddreg [dreg:$0x0];
	s2 =	stileid.u32  }
0x27f: {  	s1 =	rddreg [dreg:$0x1];
	p0 =	sne.s32 s2, $0x0  }
0x280: {  	s3 =	rddreg [dreg:$0x2];
	[bflag:$0x3] =	sbarrier.arrive $0xFFFF;
	s2 =	simm.s32 @!p0 $0x1C03  }
0x281: {  	[timem:s3], [sflag:s2] =	dma.local @!p0 [hbm:s0], s1  }
0x282: {  	s0 =	simm.s32 @!p0 $0x3  }
0x283: {  	_ =	swait.ge @!p0 [sflag:s0], s1  }
0x284: {  	s1 =	ssub.s32 @!p0 $0x0, s1;
	[sflag:s0] =	ssyncset.done @!p0 $0x0  }
0x285: {  	[sflag:s0] =	ssyncadd.s32 @!p0 s1  }
0x286: {  	[bflag:$0x3] =	sbarrier.arrive $0xFFFF  }
0x287: {  	_ =	shalt  }

</sc_bundles>
